<compile_context>
chip_gen: v7x
topology: tpu7x:2x2x1
jax: 0.10.2.dev20260603
libtpu: 0.0.44.dev20260713+nightly
codegen_flags: <defaults>
</compile_context>

<pallas_src>
import jax
import jax.numpy as jnp
from jax import lax
from jax.experimental import pallas as pl
from jax.experimental.pallas import tpu as pltpu
from jax.experimental.pallas import tpu_sc as plsc

B = 1024
D = 512
N_PREFIX = 2
N_MIDDLE = 2
N_ATTR = 16
N_SUFFIX = 56
T = N_PREFIX + 1 + N_MIDDLE + N_ATTR + N_SUFFIX
N_CONST = N_PREFIX + N_MIDDLE + N_SUFFIX
REP = 16

OFF_S = 2
OFF_ATTR = 5
OFF_SUF = 21

_info = plsc.get_sparse_core_info()
_NC = _info.num_cores
_NS = _info.num_subcores
NW = _NC * _NS

QB = 256
NQ = B // QB
M_TOTAL = T * NQ
GR = 64


def _body(s_ref, attr_ref, const_ref, out_ref,
          rep_v, g0, g1, idx0, idx1, shared_v,
          osem, gsem, gsem0, gsem1, ssem, asem0, asem1):
    cid = lax.axis_index("c")
    sid = lax.axis_index("s")
    wid = sid * _NC + cid
    m0 = wid * M_TOTAL // NW
    m1 = (wid + 1) * M_TOTAL // NW
    gbufs = (g0, g1)
    asems = (asem0, asem1)

    def build_row(r):
        for i in range(8):
            pltpu.make_async_copy(const_ref.at[r], rep_v.at[i], gsem).start()
        for i in range(8):
            pltpu.make_async_copy(const_ref.at[r], rep_v.at[i], gsem).wait()
        for k in range(REP // 8):
            pltpu.make_async_copy(
                rep_v.at[pl.ds(0, 8)],
                shared_v.at[pl.ds(r * REP + 8 * k, 8)], gsem).start()
        for k in range(REP // 8):
            pltpu.make_async_copy(
                rep_v.at[pl.ds(0, 8)],
                shared_v.at[pl.ds(r * REP + 8 * k, 8)], gsem).wait()

    for kk in range(4):
        r = sid + _NS * kk
        if kk < 3:
            build_row(r)
        else:
            @pl.when(r < N_CONST)
            def _():
                build_row(r)
    plsc.subcore_barrier()

    def do_const(t, b0):
        r = jnp.where(t < OFF_S, t,
                      jnp.where(t < OFF_ATTR, t - 1,
                                t - OFF_SUF + N_PREFIX + N_MIDDLE))
        dst0 = t * B + b0
        for k in range(QB // REP):
            pltpu.make_async_copy(
                shared_v.at[pl.ds(r * REP, REP)],
                out_ref.at[pl.ds(dst0 + REP * k, REP)], osem).start()
        return QB // REP

    def do_s(b0):
        pltpu.make_async_copy(
            s_ref.at[pl.ds(b0, QB)], out_ref.at[pl.ds(OFF_S * B + b0, QB)],
            ssem).start()

    def do_attr(t, b0):
        j = t - OFF_ATTR
        it = lax.iota(jnp.int32, 16)
        idxs = (idx0, idx1)
        gsems = (gsem0, gsem1)

        def sg(p):
            iv = idxs[p % 2]
            for k in range(GR // 16):
                iv[pl.ds(16 * k, 16)] = (
                    it + (b0 + GR * p + 16 * k)) * N_ATTR + j
            pltpu.make_async_copy(attr_ref.at[iv], gbufs[p % 2],
                                  gsems[p % 2]).start()

        def wg(p):
            pltpu.make_async_copy(
                attr_ref.at[idxs[p % 2]], gbufs[p % 2], gsems[p % 2]).wait()

        def so(p):
            pltpu.make_async_copy(
                gbufs[p % 2], out_ref.at[pl.ds(t * B + b0 + GR * p, GR)],
                asems[p % 2]).start()

        def wo(p):
            pltpu.make_async_copy(
                gbufs[p % 2], out_ref.at[pl.ds(t * B + b0 + GR * p, GR)],
                asems[p % 2]).wait()

        sg(0)
        sg(1)
        wg(0)
        so(0)
        wg(1)
        so(1)
        wo(0)
        sg(2)
        wg(2)
        so(2)
        wo(1)
        sg(3)
        wg(3)
        so(3)
        wo(2)
        wo(3)

    def step(m, carry):
        pending, n_s = carry
        t = m // NQ
        b0 = (m % NQ) * QB

        def s_br():
            do_s(b0)
            return pending, n_s + 1

        def attr_br():
            do_attr(t, b0)
            return pending, n_s

        def const_br():
            return pending + do_const(t, b0), n_s

        return lax.cond(
            t == OFF_S,
            s_br,
            lambda: lax.cond(
                jnp.logical_and(t >= OFF_ATTR, t < OFF_SUF),
                attr_br, const_br),
        )

    pending, n_s = lax.fori_loop(
        m0, m1, step, (jnp.int32(0), jnp.int32(0)))
    lax.fori_loop(
        0, pending,
        lambda _, c: (pltpu.make_async_copy(
            shared_v.at[pl.ds(0, REP)], out_ref.at[pl.ds(0, REP)],
            osem).wait(), c)[1],
        0)
    lax.fori_loop(
        0, n_s,
        lambda _, c: (pltpu.make_async_copy(
            s_ref.at[pl.ds(0, QB)], out_ref.at[pl.ds(0, QB)],
            ssem).wait(), c)[1],
        0)


def kernel(s_star, attr_tokens, token_prefix, token_middle, token_suffix):
    consts = jnp.concatenate(
        [token_prefix.reshape(N_PREFIX, D),
         token_middle.reshape(N_MIDDLE, D),
         token_suffix.reshape(N_SUFFIX, D)], axis=0)
    mesh = plsc.VectorSubcoreMesh(core_axis_name="c", subcore_axis_name="s")
    f = pl.kernel(
        _body,
        out_type=jax.ShapeDtypeStruct((T * B, D), jnp.float32),
        mesh=mesh,
        scratch_types=[
            pltpu.VMEM((8, D), jnp.float32),
            pltpu.VMEM((GR, D), jnp.float32),
            pltpu.VMEM((GR, D), jnp.float32),
            pltpu.VMEM((GR,), jnp.int32),
            pltpu.VMEM((GR,), jnp.int32),
            pltpu.VMEM_SHARED((N_CONST * REP, D), jnp.float32),
            pltpu.SemaphoreType.DMA,
            pltpu.SemaphoreType.DMA,
            pltpu.SemaphoreType.DMA,
            pltpu.SemaphoreType.DMA,
            pltpu.SemaphoreType.DMA,
            pltpu.SemaphoreType.DMA,
            pltpu.SemaphoreType.DMA,
        ],
    )
    flat = f(s_star, attr_tokens.reshape(B * N_ATTR, D), consts)
    return flat.reshape(T, B, D).transpose(1, 0, 2)

# --- scband reference (transcript-rebuilt; emitter-appended) ---
"""Pipeline reference for scband-prompt-learner-11596411699346 (READ-ONLY COPY).

The authoritative reference and input builder live on the scoring server;
editing this copy changes nothing except your own understanding.
"""

import jax, jax.numpy as jnp
import numpy as np

B = 1024
D = 512
NUM_ATTR = 16
N_PREFIX = 2
N_MIDDLE = 2
N_SUFFIX = 56  # 77 - (n_ctx=1 + 4 + num_attr_tokens=16)


def setup_inputs(seed: int = 0) -> dict:
    key = jax.random.key(seed)
    k1, k2, k3, k4, k5 = jax.random.split(key, 5)
    s_star = jax.random.normal(k1, (B, D), dtype=jnp.float32)
    attr_tokens = jax.random.normal(k2, (B, NUM_ATTR, D), dtype=jnp.float32)
    # Frozen buffers sliced from the token_embedding of the tokenized prompt
    # (materialized directly here as fixed float buffers).
    token_prefix = jax.random.normal(k3, (1, N_PREFIX, D), dtype=jnp.float32)
    token_middle = jax.random.normal(k4, (1, N_MIDDLE, D), dtype=jnp.float32)
    token_suffix = jax.random.normal(k5, (1, N_SUFFIX, D), dtype=jnp.float32)
    return {
        "s_star": s_star,
        "attr_tokens": attr_tokens,
        "token_prefix": token_prefix,
        "token_middle": token_middle,
        "token_suffix": token_suffix,
    }


def reference(s_star, attr_tokens, token_prefix, token_middle, token_suffix):
    Bc = s_star.shape[0]
    prefix = jnp.broadcast_to(token_prefix, (Bc, token_prefix.shape[1], token_prefix.shape[2]))
    middle = jnp.broadcast_to(token_middle, (Bc, token_middle.shape[1], token_middle.shape[2]))
    suffix = jnp.broadcast_to(token_suffix, (Bc, token_suffix.shape[1], token_suffix.shape[2]))
    s = s_star[:, None, :]
    prompts = jnp.concatenate([prefix, s, middle, attr_tokens, suffix], axis=1)
    return prompts

if __name__ == "__main__":
    import jax
    _d = setup_inputs()
    print(jax.jit(kernel)(*tuple(_d.values())))

</pallas_src>

<mosaic_0001>
#map = affine_map<(d0, d1) -> (0, 0)>
module attributes {stable_mosaic.version = 14 : i64} {
  func.func @_body(%arg0: i32, %arg1: i32, %arg2: memref<1024x512xf32, #tpu.memory_space<hbm>>, %arg3: memref<16384x512xf32, #tpu.memory_space<hbm>>, %arg4: memref<60x512xf32, #tpu.memory_space<hbm>>, %arg5: memref<78848x512xf32, #tpu.memory_space<hbm>>, %arg6: memref<8x512xf32, #tpu.memory_space<vmem>>, %arg7: memref<64x512xf32, #tpu.memory_space<vmem>>, %arg8: memref<64x512xf32, #tpu.memory_space<vmem>>, %arg9: memref<64xi32, #tpu.memory_space<vmem>>, %arg10: memref<64xi32, #tpu.memory_space<vmem>>, %arg11: memref<960x512xf32, #tpu.memory_space<vmem_shared>>, %arg12: memref<!tpu.dma_semaphore, #tpu.memory_space<semaphore_mem>>, %arg13: memref<!tpu.dma_semaphore, #tpu.memory_space<semaphore_mem>>, %arg14: memref<!tpu.dma_semaphore, #tpu.memory_space<semaphore_mem>>, %arg15: memref<!tpu.dma_semaphore, #tpu.memory_space<semaphore_mem>>, %arg16: memref<!tpu.dma_semaphore, #tpu.memory_space<semaphore_mem>>, %arg17: memref<!tpu.dma_semaphore, #tpu.memory_space<semaphore_mem>>, %arg18: memref<!tpu.dma_semaphore, #tpu.memory_space<semaphore_mem>>) attributes {dimension_semantics = [#tpu.dimension_semantics<core_parallel>, #tpu.dimension_semantics<subcore_parallel>], iteration_bounds = array<i64: 2, 16>, scalar_prefetch = 0 : i64, scratch_operands = 13 : i64, tpu.core_type = #tpu.core_type<sc_vector_subcore>, window_params = [{transform_indices = #map}, {transform_indices = #map}, {transform_indices = #map}, {transform_indices = #map}]} {
    %mul3A = arith.constant 2 : i32
    %mul3A_0 = arith.muli %arg1, %mul3A : i32
    %add3A = arith.addi %mul3A_0, %arg0 : i32
    %mul3A_1 = arith.constant 308 : i32
    %mul3A_2 = arith.muli %add3A, %mul3A_1 : i32
    %jit3A = arith.constant 32 : i32
    %div3A = arith.divsi %mul3A_2, %jit3A : i32
    %sign3A = arith.constant 0 : i32
    %sign3A_3 = arith.cmpi sgt, %mul3A_2, %sign3A : i32
    %sign3A_4 = arith.extui %sign3A_3 : i1 to i32
    %sign3A_5 = arith.constant 0 : i32
    %sign3A_6 = arith.cmpi slt, %mul3A_2, %sign3A_5 : i32
    %sign3A_7 = arith.extui %sign3A_6 : i1 to i32
    %sign3A_8 = arith.subi %sign3A_4, %sign3A_7 : i32
    %sign3A_9 = arith.constant 0 : i32
    %sign3A_10 = arith.cmpi sgt, %jit3A, %sign3A_9 : i32
    %sign3A_11 = arith.extui %sign3A_10 : i1 to i32
    %sign3A_12 = arith.constant 0 : i32
    %sign3A_13 = arith.cmpi slt, %jit3A, %sign3A_12 : i32
    %sign3A_14 = arith.extui %sign3A_13 : i1 to i32
    %sign3A_15 = arith.subi %sign3A_11, %sign3A_14 : i32
    %ne3A = arith.cmpi ne, %sign3A_8, %sign3A_15 : i32
    %rem3A = arith.remsi %mul3A_2, %jit3A : i32
    %ne3A_16 = arith.constant 0 : i32
    %ne3A_17 = arith.cmpi ne, %rem3A, %ne3A_16 : i32
    %and3A = arith.andi %ne3A, %ne3A_17 : i1
    %sub3A = arith.constant 1 : i32
    %sub3A_18 = arith.subi %div3A, %sub3A : i32
    %select_n3A = arith.select %and3A, %sub3A_18, %div3A : i32
    %add3A_19 = arith.constant 1 : i32
    %add3A_20 = arith.addi %add3A, %add3A_19 : i32
    %mul3A_21 = arith.constant 308 : i32
    %mul3A_22 = arith.muli %add3A_20, %mul3A_21 : i32
    %jit3A_23 = arith.constant 32 : i32
    %div3A_24 = arith.divsi %mul3A_22, %jit3A_23 : i32
    %sign3A_25 = arith.constant 0 : i32
    %sign3A_26 = arith.cmpi sgt, %mul3A_22, %sign3A_25 : i32
    %sign3A_27 = arith.extui %sign3A_26 : i1 to i32
    %sign3A_28 = arith.constant 0 : i32
    %sign3A_29 = arith.cmpi slt, %mul3A_22, %sign3A_28 : i32
    %sign3A_30 = arith.extui %sign3A_29 : i1 to i32
    %sign3A_31 = arith.subi %sign3A_27, %sign3A_30 : i32
    %sign3A_32 = arith.constant 0 : i32
    %sign3A_33 = arith.cmpi sgt, %jit3A_23, %sign3A_32 : i32
    %sign3A_34 = arith.extui %sign3A_33 : i1 to i32
    %sign3A_35 = arith.constant 0 : i32
    %sign3A_36 = arith.cmpi slt, %jit3A_23, %sign3A_35 : i32
    %sign3A_37 = arith.extui %sign3A_36 : i1 to i32
    %sign3A_38 = arith.subi %sign3A_34, %sign3A_37 : i32
    %ne3A_39 = arith.cmpi ne, %sign3A_31, %sign3A_38 : i32
    %rem3A_40 = arith.remsi %mul3A_22, %jit3A_23 : i32
    %ne3A_41 = arith.constant 0 : i32
    %ne3A_42 = arith.cmpi ne, %rem3A_40, %ne3A_41 : i32
    %and3A_43 = arith.andi %ne3A_39, %ne3A_42 : i1
    %sub3A_44 = arith.constant 1 : i32
    %sub3A_45 = arith.subi %div3A_24, %sub3A_44 : i32
    %select_n3A_46 = arith.select %and3A_43, %sub3A_45, %div3A_24 : i32
    %add3A_47 = arith.constant 0 : i32
    %add3A_48 = arith.addi %arg1, %add3A_47 : i32
    %dma_start3A = arith.constant 0 : i32
    %dma_start3A_49 = arith.constant 0 : i32
    %dma_start3A_50 = tpu.memref_slice %arg6[%dma_start3A, %dma_start3A_49] : memref<8x512xf32, #tpu.memory_space<vmem>> -> memref<1x512xf32, #tpu.memory_space<vmem>>
    %dma_start3A_51 = tpu.memref_squeeze %dma_start3A_50 : memref<1x512xf32, #tpu.memory_space<vmem>> -> memref<512xf32, #tpu.memory_space<vmem>>
    %dma_start3A_52 = arith.constant 0 : i32
    %dma_start3A_53 = tpu.memref_slice %arg4[%add3A_48, %dma_start3A_52] : memref<60x512xf32, #tpu.memory_space<hbm>> -> memref<1x512xf32, #tpu.memory_space<hbm>>
    %dma_start3A_54 = tpu.memref_squeeze %dma_start3A_53 : memref<1x512xf32, #tpu.memory_space<hbm>> -> memref<512xf32, #tpu.memory_space<hbm>>
    %dma_start3A_55 = arith.constant 0 : i32
    %dma_start3A_56 = tpu.memref_slice %arg6[%dma_start3A, %dma_start3A_55] : memref<8x512xf32, #tpu.memory_space<vmem>> -> memref<1x512xf32, #tpu.memory_space<vmem>>
    %dma_start3A_57 = tpu.memref_squeeze %dma_start3A_56 : memref<1x512xf32, #tpu.memory_space<vmem>> -> memref<512xf32, #tpu.memory_space<vmem>>
    %dma_start3A_58 = arith.constant 0 : i32
    %dma_start3A_59 = tpu.memref_slice %arg4[%add3A_48, %dma_start3A_58] : memref<60x512xf32, #tpu.memory_space<hbm>> -> memref<1x512xf32, #tpu.memory_space<hbm>>
    %dma_start3A_60 = tpu.memref_squeeze %dma_start3A_59 : memref<1x512xf32, #tpu.memory_space<hbm>> -> memref<512xf32, #tpu.memory_space<hbm>>
    tpu.enqueue_dma source(%dma_start3A_60 : memref<512xf32, #tpu.memory_space<hbm>>) target(%dma_start3A_57 : memref<512xf32, #tpu.memory_space<vmem>>) target_semaphore(%arg13 : memref<!tpu.dma_semaphore, #tpu.memory_space<semaphore_mem>>)
    %dma_start3A_61 = arith.constant 1 : i32
    %dma_start3A_62 = arith.constant 0 : i32
    %dma_start3A_63 = tpu.memref_slice %arg6[%dma_start3A_61, %dma_start3A_62] : memref<8x512xf32, #tpu.memory_space<vmem>> -> memref<1x512xf32, #tpu.memory_space<vmem>>
    %dma_start3A_64 = tpu.memref_squeeze %dma_start3A_63 : memref<1x512xf32, #tpu.memory_space<vmem>> -> memref<512xf32, #tpu.memory_space<vmem>>
    %dma_start3A_65 = arith.constant 0 : i32
    %dma_start3A_66 = tpu.memref_slice %arg4[%add3A_48, %dma_start3A_65] : memref<60x512xf32, #tpu.memory_space<hbm>> -> memref<1x512xf32, #tpu.memory_space<hbm>>
    %dma_start3A_67 = tpu.memref_squeeze %dma_start3A_66 : memref<1x512xf32, #tpu.memory_space<hbm>> -> memref<512xf32, #tpu.memory_space<hbm>>
    %dma_start3A_68 = arith.constant 0 : i32
    %dma_start3A_69 = tpu.memref_slice %arg6[%dma_start3A_61, %dma_start3A_68] : memref<8x512xf32, #tpu.memory_space<vmem>> -> memref<1x512xf32, #tpu.memory_space<vmem>>
    %dma_start3A_70 = tpu.memref_squeeze %dma_start3A_69 : memref<1x512xf32, #tpu.memory_space<vmem>> -> memref<512xf32, #tpu.memory_space<vmem>>
    %dma_start3A_71 = arith.constant 0 : i32
    %dma_start3A_72 = tpu.memref_slice %arg4[%add3A_48, %dma_start3A_71] : memref<60x512xf32, #tpu.memory_space<hbm>> -> memref<1x512xf32, #tpu.memory_space<hbm>>
    %dma_start3A_73 = tpu.memref_squeeze %dma_start3A_72 : memref<1x512xf32, #tpu.memory_space<hbm>> -> memref<512xf32, #tpu.memory_space<hbm>>
    tpu.enqueue_dma source(%dma_start3A_73 : memref<512xf32, #tpu.memory_space<hbm>>) target(%dma_start3A_70 : memref<512xf32, #tpu.memory_space<vmem>>) target_semaphore(%arg13 : memref<!tpu.dma_semaphore, #tpu.memory_space<semaphore_mem>>)
    %dma_start3A_74 = arith.constant 2 : i32
    %dma_start3A_75 = arith.constant 0 : i32
    %dma_start3A_76 = tpu.memref_slice %arg6[%dma_start3A_74, %dma_start3A_75] : memref<8x512xf32, #tpu.memory_space<vmem>> -> memref<1x512xf32, #tpu.memory_space<vmem>>
    %dma_start3A_77 = tpu.memref_squeeze %dma_start3A_76 : memref<1x512xf32, #tpu.memory_space<vmem>> -> memref<512xf32, #tpu.memory_space<vmem>>
    %dma_start3A_78 = arith.constant 0 : i32
    %dma_start3A_79 = tpu.memref_slice %arg4[%add3A_48, %dma_start3A_78] : memref<60x512xf32, #tpu.memory_space<hbm>> -> memref<1x512xf32, #tpu.memory_space<hbm>>
    %dma_start3A_80 = tpu.memref_squeeze %dma_start3A_79 : memref<1x512xf32, #tpu.memory_space<hbm>> -> memref<512xf32, #tpu.memory_space<hbm>>
    %dma_start3A_81 = arith.constant 0 : i32
    %dma_start3A_82 = tpu.memref_slice %arg6[%dma_start3A_74, %dma_start3A_81] : memref<8x512xf32, #tpu.memory_space<vmem>> -> memref<1x512xf32, #tpu.memory_space<vmem>>
    %dma_start3A_83 = tpu.memref_squeeze %dma_start3A_82 : memref<1x512xf32, #tpu.memory_space<vmem>> -> memref<512xf32, #tpu.memory_space<vmem>>
    %dma_start3A_84 = arith.constant 0 : i32
    %dma_start3A_85 = tpu.memref_slice %arg4[%add3A_48, %dma_start3A_84] : memref<60x512xf32, #tpu.memory_space<hbm>> -> memref<1x512xf32, #tpu.memory_space<hbm>>
    %dma_start3A_86 = tpu.memref_squeeze %dma_start3A_85 : memref<1x512xf32, #tpu.memory_space<hbm>> -> memref<512xf32, #tpu.memory_space<hbm>>
    tpu.enqueue_dma source(%dma_start3A_86 : memref<512xf32, #tpu.memory_space<hbm>>) target(%dma_start3A_83 : memref<512xf32, #tpu.memory_space<vmem>>) target_semaphore(%arg13 : memref<!tpu.dma_semaphore, #tpu.memory_space<semaphore_mem>>)
    %dma_start3A_87 = arith.constant 3 : i32
    %dma_start3A_88 = arith.constant 0 : i32
    %dma_start3A_89 = tpu.memref_slice %arg6[%dma_start3A_87, %dma_start3A_88] : memref<8x512xf32, #tpu.memory_space<vmem>> -> memref<1x512xf32, #tpu.memory_space<vmem>>
    %dma_start3A_90 = tpu.memref_squeeze %dma_start3A_89 : memref<1x512xf32, #tpu.memory_space<vmem>> -> memref<512xf32, #tpu.memory_space<vmem>>
    %dma_start3A_91 = arith.constant 0 : i32
    %dma_start3A_92 = tpu.memref_slice %arg4[%add3A_48, %dma_start3A_91] : memref<60x512xf32, #tpu.memory_space<hbm>> -> memref<1x512xf32, #tpu.memory_space<hbm>>
    %dma_start3A_93 = tpu.memref_squeeze %dma_start3A_92 : memref<1x512xf32, #tpu.memory_space<hbm>> -> memref<512xf32, #tpu.memory_space<hbm>>
    %dma_start3A_94 = arith.constant 0 : i32
    %dma_start3A_95 = tpu.memref_slice %arg6[%dma_start3A_87, %dma_start3A_94] : memref<8x512xf32, #tpu.memory_space<vmem>> -> memref<1x512xf32, #tpu.memory_space<vmem>>
    %dma_start3A_96 = tpu.memref_squeeze %dma_start3A_95 : memref<1x512xf32, #tpu.memory_space<vmem>> -> memref<512xf32, #tpu.memory_space<vmem>>
    %dma_start3A_97 = arith.constant 0 : i32
    %dma_start3A_98 = tpu.memref_slice %arg4[%add3A_48, %dma_start3A_97] : memref<60x512xf32, #tpu.memory_space<hbm>> -> memref<1x512xf32, #tpu.memory_space<hbm>>
    %dma_start3A_99 = tpu.memref_squeeze %dma_start3A_98 : memref<1x512xf32, #tpu.memory_space<hbm>> -> memref<512xf32, #tpu.memory_space<hbm>>
    tpu.enqueue_dma source(%dma_start3A_99 : memref<512xf32, #tpu.memory_space<hbm>>) target(%dma_start3A_96 : memref<512xf32, #tpu.memory_space<vmem>>) target_semaphore(%arg13 : memref<!tpu.dma_semaphore, #tpu.memory_space<semaphore_mem>>)
    %dma_start3A_100 = arith.constant 4 : i32
    %dma_start3A_101 = arith.constant 0 : i32
    %dma_start3A_102 = tpu.memref_slice %arg6[%dma_start3A_100, %dma_start3A_101] : memref<8x512xf32, #tpu.memory_space<vmem>> -> memref<1x512xf32, #tpu.memory_space<vmem>>
    %dma_start3A_103 = tpu.memref_squeeze %dma_start3A_102 : memref<1x512xf32, #tpu.memory_space<vmem>> -> memref<512xf32, #tpu.memory_space<vmem>>
    %dma_start3A_104 = arith.constant 0 : i32
    %dma_start3A_105 = tpu.memref_slice %arg4[%add3A_48, %dma_start3A_104] : memref<60x512xf32, #tpu.memory_space<hbm>> -> memref<1x512xf32, #tpu.memory_space<hbm>>
    %dma_start3A_106 = tpu.memref_squeeze %dma_start3A_105 : memref<1x512xf32, #tpu.memory_space<hbm>> -> memref<512xf32, #tpu.memory_space<hbm>>
    %dma_start3A_107 = arith.constant 0 : i32
    %dma_start3A_108 = tpu.memref_slice %arg6[%dma_start3A_100, %dma_start3A_107] : memref<8x512xf32, #tpu.memory_space<vmem>> -> memref<1x512xf32, #tpu.memory_space<vmem>>
    %dma_start3A_109 = tpu.memref_squeeze %dma_start3A_108 : memref<1x512xf32, #tpu.memory_space<vmem>> -> memref<512xf32, #tpu.memory_space<vmem>>
    %dma_start3A_110 = arith.constant 0 : i32
    %dma_start3A_111 = tpu.memref_slice %arg4[%add3A_48, %dma_start3A_110] : memref<60x512xf32, #tpu.memory_space<hbm>> -> memref<1x512xf32, #tpu.memory_space<hbm>>
    %dma_start3A_112 = tpu.memref_squeeze %dma_start3A_111 : memref<1x512xf32, #tpu.memory_space<hbm>> -> memref<512xf32, #tpu.memory_space<hbm>>
    tpu.enqueue_dma source(%dma_start3A_112 : memref<512xf32, #tpu.memory_space<hbm>>) target(%dma_start3A_109 : memref<512xf32, #tpu.memory_space<vmem>>) target_semaphore(%arg13 : memref<!tpu.dma_semaphore, #tpu.memory_space<semaphore_mem>>)
    %dma_start3A_113 = arith.constant 5 : i32
    %dma_start3A_114 = arith.constant 0 : i32
    %dma_start3A_115 = tpu.memref_slice %arg6[%dma_start3A_113, %dma_start3A_114] : memref<8x512xf32, #tpu.memory_space<vmem>> -> memref<1x512xf32, #tpu.memory_space<vmem>>
    %dma_start3A_116 = tpu.memref_squeeze %dma_start3A_115 : memref<1x512xf32, #tpu.memory_space<vmem>> -> memref<512xf32, #tpu.memory_space<vmem>>
    %dma_start3A_117 = arith.constant 0 : i32
    %dma_start3A_118 = tpu.memref_slice %arg4[%add3A_48, %dma_start3A_117] : memref<60x512xf32, #tpu.memory_space<hbm>> -> memref<1x512xf32, #tpu.memory_space<hbm>>
    %dma_start3A_119 = tpu.memref_squeeze %dma_start3A_118 : memref<1x512xf32, #tpu.memory_space<hbm>> -> memref<512xf32, #tpu.memory_space<hbm>>
    %dma_start3A_120 = arith.constant 0 : i32
    %dma_start3A_121 = tpu.memref_slice %arg6[%dma_start3A_113, %dma_start3A_120] : memref<8x512xf32, #tpu.memory_space<vmem>> -> memref<1x512xf32, #tpu.memory_space<vmem>>
    %dma_start3A_122 = tpu.memref_squeeze %dma_start3A_121 : memref<1x512xf32, #tpu.memory_space<vmem>> -> memref<512xf32, #tpu.memory_space<vmem>>
    %dma_start3A_123 = arith.constant 0 : i32
    %dma_start3A_124 = tpu.memref_slice %arg4[%add3A_48, %dma_start3A_123] : memref<60x512xf32, #tpu.memory_space<hbm>> -> memref<1x512xf32, #tpu.memory_space<hbm>>
    %dma_start3A_125 = tpu.memref_squeeze %dma_start3A_124 : memref<1x512xf32, #tpu.memory_space<hbm>> -> memref<512xf32, #tpu.memory_space<hbm>>
    tpu.enqueue_dma source(%dma_start3A_125 : memref<512xf32, #tpu.memory_space<hbm>>) target(%dma_start3A_122 : memref<512xf32, #tpu.memory_space<vmem>>) target_semaphore(%arg13 : memref<!tpu.dma_semaphore, #tpu.memory_space<semaphore_mem>>)
    %dma_start3A_126 = arith.constant 6 : i32
    %dma_start3A_127 = arith.constant 0 : i32
    %dma_start3A_128 = tpu.memref_slice %arg6[%dma_start3A_126, %dma_start3A_127] : memref<8x512xf32, #tpu.memory_space<vmem>> -> memref<1x512xf32, #tpu.memory_space<vmem>>
    %dma_start3A_129 = tpu.memref_squeeze %dma_start3A_128 : memref<1x512xf32, #tpu.memory_space<vmem>> -> memref<512xf32, #tpu.memory_space<vmem>>
    %dma_start3A_130 = arith.constant 0 : i32
    %dma_start3A_131 = tpu.memref_slice %arg4[%add3A_48, %dma_start3A_130] : memref<60x512xf32, #tpu.memory_space<hbm>> -> memref<1x512xf32, #tpu.memory_space<hbm>>
    %dma_start3A_132 = tpu.memref_squeeze %dma_start3A_131 : memref<1x512xf32, #tpu.memory_space<hbm>> -> memref<512xf32, #tpu.memory_space<hbm>>
    %dma_start3A_133 = arith.constant 0 : i32
    %dma_start3A_134 = tpu.memref_slice %arg6[%dma_start3A_126, %dma_start3A_133] : memref<8x512xf32, #tpu.memory_space<vmem>> -> memref<1x512xf32, #tpu.memory_space<vmem>>
    %dma_start3A_135 = tpu.memref_squeeze %dma_start3A_134 : memref<1x512xf32, #tpu.memory_space<vmem>> -> memref<512xf32, #tpu.memory_space<vmem>>
    %dma_start3A_136 = arith.constant 0 : i32
    %dma_start3A_137 = tpu.memref_slice %arg4[%add3A_48, %dma_start3A_136] : memref<60x512xf32, #tpu.memory_space<hbm>> -> memref<1x512xf32, #tpu.memory_space<hbm>>
    %dma_start3A_138 = tpu.memref_squeeze %dma_start3A_137 : memref<1x512xf32, #tpu.memory_space<hbm>> -> memref<512xf32, #tpu.memory_space<hbm>>
    tpu.enqueue_dma source(%dma_start3A_138 : memref<512xf32, #tpu.memory_space<hbm>>) target(%dma_start3A_135 : memref<512xf32, #tpu.memory_space<vmem>>) target_semaphore(%arg13 : memref<!tpu.dma_semaphore, #tpu.memory_space<semaphore_mem>>)
    %dma_start3A_139 = arith.constant 7 : i32
    %dma_start3A_140 = arith.constant 0 : i32
    %dma_start3A_141 = tpu.memref_slice %arg6[%dma_start3A_139, %dma_start3A_140] : memref<8x512xf32, #tpu.memory_space<vmem>> -> memref<1x512xf32, #tpu.memory_space<vmem>>
    %dma_start3A_142 = tpu.memref_squeeze %dma_start3A_141 : memref<1x512xf32, #tpu.memory_space<vmem>> -> memref<512xf32, #tpu.memory_space<vmem>>
    %dma_start3A_143 = arith.constant 0 : i32
    %dma_start3A_144 = tpu.memref_slice %arg4[%add3A_48, %dma_start3A_143] : memref<60x512xf32, #tpu.memory_space<hbm>> -> memref<1x512xf32, #tpu.memory_space<hbm>>
    %dma_start3A_145 = tpu.memref_squeeze %dma_start3A_144 : memref<1x512xf32, #tpu.memory_space<hbm>> -> memref<512xf32, #tpu.memory_space<hbm>>
    %dma_start3A_146 = arith.constant 0 : i32
    %dma_start3A_147 = tpu.memref_slice %arg6[%dma_start3A_139, %dma_start3A_146] : memref<8x512xf32, #tpu.memory_space<vmem>> -> memref<1x512xf32, #tpu.memory_space<vmem>>
    %dma_start3A_148 = tpu.memref_squeeze %dma_start3A_147 : memref<1x512xf32, #tpu.memory_space<vmem>> -> memref<512xf32, #tpu.memory_space<vmem>>
    %dma_start3A_149 = arith.constant 0 : i32
    %dma_start3A_150 = tpu.memref_slice %arg4[%add3A_48, %dma_start3A_149] : memref<60x512xf32, #tpu.memory_space<hbm>> -> memref<1x512xf32, #tpu.memory_space<hbm>>
    %dma_start3A_151 = tpu.memref_squeeze %dma_start3A_150 : memref<1x512xf32, #tpu.memory_space<hbm>> -> memref<512xf32, #tpu.memory_space<hbm>>
    tpu.enqueue_dma source(%dma_start3A_151 : memref<512xf32, #tpu.memory_space<hbm>>) target(%dma_start3A_148 : memref<512xf32, #tpu.memory_space<vmem>>) target_semaphore(%arg13 : memref<!tpu.dma_semaphore, #tpu.memory_space<semaphore_mem>>)
    %dma_wait3A = arith.constant 0 : i32
    %dma_wait3A_152 = arith.constant 0 : i32
    %dma_wait3A_153 = tpu.memref_slice %arg6[%dma_wait3A, %dma_wait3A_152] : memref<8x512xf32, #tpu.memory_space<vmem>> -> memref<1x512xf32, #tpu.memory_space<vmem>>
    %dma_wait3A_154 = tpu.memref_squeeze %dma_wait3A_153 : memref<1x512xf32, #tpu.memory_space<vmem>> -> memref<512xf32, #tpu.memory_space<vmem>>
    %dma_wait3A_155 = arith.constant 0 : i32
    %dma_wait3A_156 = tpu.memref_slice %arg4[%add3A_48, %dma_wait3A_155] : memref<60x512xf32, #tpu.memory_space<hbm>> -> memref<1x512xf32, #tpu.memory_space<hbm>>
    %dma_wait3A_157 = tpu.memref_squeeze %dma_wait3A_156 : memref<1x512xf32, #tpu.memory_space<hbm>> -> memref<512xf32, #tpu.memory_space<hbm>>
    %dma_wait3A_158 = arith.constant 0 : i32
    %dma_wait3A_159 = tpu.memref_slice %arg6[%dma_wait3A, %dma_wait3A_158] : memref<8x512xf32, #tpu.memory_space<vmem>> -> memref<1x512xf32, #tpu.memory_space<vmem>>
    %dma_wait3A_160 = tpu.memref_squeeze %dma_wait3A_159 : memref<1x512xf32, #tpu.memory_space<vmem>> -> memref<512xf32, #tpu.memory_space<vmem>>
    %dma_wait3A_161 = arith.constant 0 : i32
    %dma_wait3A_162 = tpu.memref_slice %arg4[%add3A_48, %dma_wait3A_161] : memref<60x512xf32, #tpu.memory_space<hbm>> -> memref<1x512xf32, #tpu.memory_space<hbm>>
    %dma_wait3A_163 = tpu.memref_squeeze %dma_wait3A_162 : memref<1x512xf32, #tpu.memory_space<hbm>> -> memref<512xf32, #tpu.memory_space<hbm>>
    tpu.wait_dma2 semaphore(%arg13 : memref<!tpu.dma_semaphore, #tpu.memory_space<semaphore_mem>>) src(%dma_wait3A_163 : memref<512xf32, #tpu.memory_space<hbm>>) dst(%dma_wait3A_160 : memref<512xf32, #tpu.memory_space<vmem>>)
    %dma_wait3A_164 = arith.constant 1 : i32
    %dma_wait3A_165 = arith.constant 0 : i32
    %dma_wait3A_166 = tpu.memref_slice %arg6[%dma_wait3A_164, %dma_wait3A_165] : memref<8x512xf32, #tpu.memory_space<vmem>> -> memref<1x512xf32, #tpu.memory_space<vmem>>
    %dma_wait3A_167 = tpu.memref_squeeze %dma_wait3A_166 : memref<1x512xf32, #tpu.memory_space<vmem>> -> memref<512xf32, #tpu.memory_space<vmem>>
    %dma_wait3A_168 = arith.constant 0 : i32
    %dma_wait3A_169 = tpu.memref_slice %arg4[%add3A_48, %dma_wait3A_168] : memref<60x512xf32, #tpu.memory_space<hbm>> -> memref<1x512xf32, #tpu.memory_space<hbm>>
    %dma_wait3A_170 = tpu.memref_squeeze %dma_wait3A_169 : memref<1x512xf32, #tpu.memory_space<hbm>> -> memref<512xf32, #tpu.memory_space<hbm>>
    %dma_wait3A_171 = arith.constant 0 : i32
    %dma_wait3A_172 = tpu.memref_slice %arg6[%dma_wait3A_164, %dma_wait3A_171] : memref<8x512xf32, #tpu.memory_space<vmem>> -> memref<1x512xf32, #tpu.memory_space<vmem>>
    %dma_wait3A_173 = tpu.memref_squeeze %dma_wait3A_172 : memref<1x512xf32, #tpu.memory_space<vmem>> -> memref<512xf32, #tpu.memory_space<vmem>>
    %dma_wait3A_174 = arith.constant 0 : i32
    %dma_wait3A_175 = tpu.memref_slice %arg4[%add3A_48, %dma_wait3A_174] : memref<60x512xf32, #tpu.memory_space<hbm>> -> memref<1x512xf32, #tpu.memory_space<hbm>>
    %dma_wait3A_176 = tpu.memref_squeeze %dma_wait3A_175 : memref<1x512xf32, #tpu.memory_space<hbm>> -> memref<512xf32, #tpu.memory_space<hbm>>
    tpu.wait_dma2 semaphore(%arg13 : memref<!tpu.dma_semaphore, #tpu.memory_space<semaphore_mem>>) src(%dma_wait3A_176 : memref<512xf32, #tpu.memory_space<hbm>>) dst(%dma_wait3A_173 : memref<512xf32, #tpu.memory_space<vmem>>)
    %dma_wait3A_177 = arith.constant 2 : i32
    %dma_wait3A_178 = arith.constant 0 : i32
    %dma_wait3A_179 = tpu.memref_slice %arg6[%dma_wait3A_177, %dma_wait3A_178] : memref<8x512xf32, #tpu.memory_space<vmem>> -> memref<1x512xf32, #tpu.memory_space<vmem>>
    %dma_wait3A_180 = tpu.memref_squeeze %dma_wait3A_179 : memref<1x512xf32, #tpu.memory_space<vmem>> -> memref<512xf32, #tpu.memory_space<vmem>>
    %dma_wait3A_181 = arith.constant 0 : i32
    %dma_wait3A_182 = tpu.memref_slice %arg4[%add3A_48, %dma_wait3A_181] : memref<60x512xf32, #tpu.memory_space<hbm>> -> memref<1x512xf32, #tpu.memory_space<hbm>>
    %dma_wait3A_183 = tpu.memref_squeeze %dma_wait3A_182 : memref<1x512xf32, #tpu.memory_space<hbm>> -> memref<512xf32, #tpu.memory_space<hbm>>
    %dma_wait3A_184 = arith.constant 0 : i32
    %dma_wait3A_185 = tpu.memref_slice %arg6[%dma_wait3A_177, %dma_wait3A_184] : memref<8x512xf32, #tpu.memory_space<vmem>> -> memref<1x512xf32, #tpu.memory_space<vmem>>
    %dma_wait3A_186 = tpu.memref_squeeze %dma_wait3A_185 : memref<1x512xf32, #tpu.memory_space<vmem>> -> memref<512xf32, #tpu.memory_space<vmem>>
    %dma_wait3A_187 = arith.constant 0 : i32
    %dma_wait3A_188 = tpu.memref_slice %arg4[%add3A_48, %dma_wait3A_187] : memref<60x512xf32, #tpu.memory_space<hbm>> -> memref<1x512xf32, #tpu.memory_space<hbm>>
    %dma_wait3A_189 = tpu.memref_squeeze %dma_wait3A_188 : memref<1x512xf32, #tpu.memory_space<hbm>> -> memref<512xf32, #tpu.memory_space<hbm>>
    tpu.wait_dma2 semaphore(%arg13 : memref<!tpu.dma_semaphore, #tpu.memory_space<semaphore_mem>>) src(%dma_wait3A_189 : memref<512xf32, #tpu.memory_space<hbm>>) dst(%dma_wait3A_186 : memref<512xf32, #tpu.memory_space<vmem>>)
    %dma_wait3A_190 = arith.constant 3 : i32
    %dma_wait3A_191 = arith.constant 0 : i32
    %dma_wait3A_192 = tpu.memref_slice %arg6[%dma_wait3A_190, %dma_wait3A_191] : memref<8x512xf32, #tpu.memory_space<vmem>> -> memref<1x512xf32, #tpu.memory_space<vmem>>
    %dma_wait3A_193 = tpu.memref_squeeze %dma_wait3A_192 : memref<1x512xf32, #tpu.memory_space<vmem>> -> memref<512xf32, #tpu.memory_space<vmem>>
    %dma_wait3A_194 = arith.constant 0 : i32
    %dma_wait3A_195 = tpu.memref_slice %arg4[%add3A_48, %dma_wait3A_194] : memref<60x512xf32, #tpu.memory_space<hbm>> -> memref<1x512xf32, #tpu.memory_space<hbm>>
    %dma_wait3A_196 = tpu.memref_squeeze %dma_wait3A_195 : memref<1x512xf32, #tpu.memory_space<hbm>> -> memref<512xf32, #tpu.memory_space<hbm>>
    %dma_wait3A_197 = arith.constant 0 : i32
    %dma_wait3A_198 = tpu.memref_slice %arg6[%dma_wait3A_190, %dma_wait3A_197] : memref<8x512xf32, #tpu.memory_space<vmem>> -> memref<1x512xf32, #tpu.memory_space<vmem>>
    %dma_wait3A_199 = tpu.memref_squeeze %dma_wait3A_198 : memref<1x512xf32, #tpu.memory_space<vmem>> -> memref<512xf32, #tpu.memory_space<vmem>>
    %dma_wait3A_200 = arith.constant 0 : i32
    %dma_wait3A_201 = tpu.memref_slice %arg4[%add3A_48, %dma_wait3A_200] : memref<60x512xf32, #tpu.memory_space<hbm>> -> memref<1x512xf32, #tpu.memory_space<hbm>>
    %dma_wait3A_202 = tpu.memref_squeeze %dma_wait3A_201 : memref<1x512xf32, #tpu.memory_space<hbm>> -> memref<512xf32, #tpu.memory_space<hbm>>
    tpu.wait_dma2 semaphore(%arg13 : memref<!tpu.dma_semaphore, #tpu.memory_space<semaphore_mem>>) src(%dma_wait3A_202 : memref<512xf32, #tpu.memory_space<hbm>>) dst(%dma_wait3A_199 : memref<512xf32, #tpu.memory_space<vmem>>)
    %dma_wait3A_203 = arith.constant 4 : i32
    %dma_wait3A_204 = arith.constant 0 : i32
    %dma_wait3A_205 = tpu.memref_slice %arg6[%dma_wait3A_203, %dma_wait3A_204] : memref<8x512xf32, #tpu.memory_space<vmem>> -> memref<1x512xf32, #tpu.memory_space<vmem>>
    %dma_wait3A_206 = tpu.memref_squeeze %dma_wait3A_205 : memref<1x512xf32, #tpu.memory_space<vmem>> -> memref<512xf32, #tpu.memory_space<vmem>>
    %dma_wait3A_207 = arith.constant 0 : i32
    %dma_wait3A_208 = tpu.memref_slice %arg4[%add3A_48, %dma_wait3A_207] : memref<60x512xf32, #tpu.memory_space<hbm>> -> memref<1x512xf32, #tpu.memory_space<hbm>>
    %dma_wait3A_209 = tpu.memref_squeeze %dma_wait3A_208 : memref<1x512xf32, #tpu.memory_space<hbm>> -> memref<512xf32, #tpu.memory_space<hbm>>
    %dma_wait3A_210 = arith.constant 0 : i32
    %dma_wait3A_211 = tpu.memref_slice %arg6[%dma_wait3A_203, %dma_wait3A_210] : memref<8x512xf32, #tpu.memory_space<vmem>> -> memref<1x512xf32, #tpu.memory_space<vmem>>
    %dma_wait3A_212 = tpu.memref_squeeze %dma_wait3A_211 : memref<1x512xf32, #tpu.memory_space<vmem>> -> memref<512xf32, #tpu.memory_space<vmem>>
    %dma_wait3A_213 = arith.constant 0 : i32
    %dma_wait3A_214 = tpu.memref_slice %arg4[%add3A_48, %dma_wait3A_213] : memref<60x512xf32, #tpu.memory_space<hbm>> -> memref<1x512xf32, #tpu.memory_space<hbm>>
    %dma_wait3A_215 = tpu.memref_squeeze %dma_wait3A_214 : memref<1x512xf32, #tpu.memory_space<hbm>> -> memref<512xf32, #tpu.memory_space<hbm>>
    tpu.wait_dma2 semaphore(%arg13 : memref<!tpu.dma_semaphore, #tpu.memory_space<semaphore_mem>>) src(%dma_wait3A_215 : memref<512xf32, #tpu.memory_space<hbm>>) dst(%dma_wait3A_212 : memref<512xf32, #tpu.memory_space<vmem>>)
    %dma_wait3A_216 = arith.constant 5 : i32
    %dma_wait3A_217 = arith.constant 0 : i32
    %dma_wait3A_218 = tpu.memref_slice %arg6[%dma_wait3A_216, %dma_wait3A_217] : memref<8x512xf32, #tpu.memory_space<vmem>> -> memref<1x512xf32, #tpu.memory_space<vmem>>
    %dma_wait3A_219 = tpu.memref_squeeze %dma_wait3A_218 : memref<1x512xf32, #tpu.memory_space<vmem>> -> memref<512xf32, #tpu.memory_space<vmem>>
    %dma_wait3A_220 = arith.constant 0 : i32
    %dma_wait3A_221 = tpu.memref_slice %arg4[%add3A_48, %dma_wait3A_220] : memref<60x512xf32, #tpu.memory_space<hbm>> -> memref<1x512xf32, #tpu.memory_space<hbm>>
    %dma_wait3A_222 = tpu.memref_squeeze %dma_wait3A_221 : memref<1x512xf32, #tpu.memory_space<hbm>> -> memref<512xf32, #tpu.memory_space<hbm>>
    %dma_wait3A_223 = arith.constant 0 : i32
    %dma_wait3A_224 = tpu.memref_slice %arg6[%dma_wait3A_216, %dma_wait3A_223] : memref<8x512xf32, #tpu.memory_space<vmem>> -> memref<1x512xf32, #tpu.memory_space<vmem>>
    %dma_wait3A_225 = tpu.memref_squeeze %dma_wait3A_224 : memref<1x512xf32, #tpu.memory_space<vmem>> -> memref<512xf32, #tpu.memory_space<vmem>>
    %dma_wait3A_226 = arith.constant 0 : i32
    %dma_wait3A_227 = tpu.memref_slice %arg4[%add3A_48, %dma_wait3A_226] : memref<60x512xf32, #tpu.memory_space<hbm>> -> memref<1x512xf32, #tpu.memory_space<hbm>>
    %dma_wait3A_228 = tpu.memref_squeeze %dma_wait3A_227 : memref<1x512xf32, #tpu.memory_space<hbm>> -> memref<512xf32, #tpu.memory_space<hbm>>
    tpu.wait_dma2 semaphore(%arg13 : memref<!tpu.dma_semaphore, #tpu.memory_space<semaphore_mem>>) src(%dma_wait3A_228 : memref<512xf32, #tpu.memory_space<hbm>>) dst(%dma_wait3A_225 : memref<512xf32, #tpu.memory_space<vmem>>)
    %dma_wait3A_229 = arith.constant 6 : i32
    %dma_wait3A_230 = arith.constant 0 : i32
    %dma_wait3A_231 = tpu.memref_slice %arg6[%dma_wait3A_229, %dma_wait3A_230] : memref<8x512xf32, #tpu.memory_space<vmem>> -> memref<1x512xf32, #tpu.memory_space<vmem>>
    %dma_wait3A_232 = tpu.memref_squeeze %dma_wait3A_231 : memref<1x512xf32, #tpu.memory_space<vmem>> -> memref<512xf32, #tpu.memory_space<vmem>>
    %dma_wait3A_233 = arith.constant 0 : i32
    %dma_wait3A_234 = tpu.memref_slice %arg4[%add3A_48, %dma_wait3A_233] : memref<60x512xf32, #tpu.memory_space<hbm>> -> memref<1x512xf32, #tpu.memory_space<hbm>>
    %dma_wait3A_235 = tpu.memref_squeeze %dma_wait3A_234 : memref<1x512xf32, #tpu.memory_space<hbm>> -> memref<512xf32, #tpu.memory_space<hbm>>
    %dma_wait3A_236 = arith.constant 0 : i32
    %dma_wait3A_237 = tpu.memref_slice %arg6[%dma_wait3A_229, %dma_wait3A_236] : memref<8x512xf32, #tpu.memory_space<vmem>> -> memref<1x512xf32, #tpu.memory_space<vmem>>
    %dma_wait3A_238 = tpu.memref_squeeze %dma_wait3A_237 : memref<1x512xf32, #tpu.memory_space<vmem>> -> memref<512xf32, #tpu.memory_space<vmem>>
    %dma_wait3A_239 = arith.constant 0 : i32
    %dma_wait3A_240 = tpu.memref_slice %arg4[%add3A_48, %dma_wait3A_239] : memref<60x512xf32, #tpu.memory_space<hbm>> -> memref<1x512xf32, #tpu.memory_space<hbm>>
    %dma_wait3A_241 = tpu.memref_squeeze %dma_wait3A_240 : memref<1x512xf32, #tpu.memory_space<hbm>> -> memref<512xf32, #tpu.memory_space<hbm>>
    tpu.wait_dma2 semaphore(%arg13 : memref<!tpu.dma_semaphore, #tpu.memory_space<semaphore_mem>>) src(%dma_wait3A_241 : memref<512xf32, #tpu.memory_space<hbm>>) dst(%dma_wait3A_238 : memref<512xf32, #tpu.memory_space<vmem>>)
    %dma_wait3A_242 = arith.constant 7 : i32
    %dma_wait3A_243 = arith.constant 0 : i32
    %dma_wait3A_244 = tpu.memref_slice %arg6[%dma_wait3A_242, %dma_wait3A_243] : memref<8x512xf32, #tpu.memory_space<vmem>> -> memref<1x512xf32, #tpu.memory_space<vmem>>
    %dma_wait3A_245 = tpu.memref_squeeze %dma_wait3A_244 : memref<1x512xf32, #tpu.memory_space<vmem>> -> memref<512xf32, #tpu.memory_space<vmem>>
    %dma_wait3A_246 = arith.constant 0 : i32
    %dma_wait3A_247 = tpu.memref_slice %arg4[%add3A_48, %dma_wait3A_246] : memref<60x512xf32, #tpu.memory_space<hbm>> -> memref<1x512xf32, #tpu.memory_space<hbm>>
    %dma_wait3A_248 = tpu.memref_squeeze %dma_wait3A_247 : memref<1x512xf32, #tpu.memory_space<hbm>> -> memref<512xf32, #tpu.memory_space<hbm>>
    %dma_wait3A_249 = arith.constant 0 : i32
    %dma_wait3A_250 = tpu.memref_slice %arg6[%dma_wait3A_242, %dma_wait3A_249] : memref<8x512xf32, #tpu.memory_space<vmem>> -> memref<1x512xf32, #tpu.memory_space<vmem>>
    %dma_wait3A_251 = tpu.memref_squeeze %dma_wait3A_250 : memref<1x512xf32, #tpu.memory_space<vmem>> -> memref<512xf32, #tpu.memory_space<vmem>>
    %dma_wait3A_252 = arith.constant 0 : i32
    %dma_wait3A_253 = tpu.memref_slice %arg4[%add3A_48, %dma_wait3A_252] : memref<60x512xf32, #tpu.memory_space<hbm>> -> memref<1x512xf32, #tpu.memory_space<hbm>>
    %dma_wait3A_254 = tpu.memref_squeeze %dma_wait3A_253 : memref<1x512xf32, #tpu.memory_space<hbm>> -> memref<512xf32, #tpu.memory_space<hbm>>
    tpu.wait_dma2 semaphore(%arg13 : memref<!tpu.dma_semaphore, #tpu.memory_space<semaphore_mem>>) src(%dma_wait3A_254 : memref<512xf32, #tpu.memory_space<hbm>>) dst(%dma_wait3A_251 : memref<512xf32, #tpu.memory_space<vmem>>)
    %mul3A_255 = arith.constant 16 : i32
    %mul3A_256 = arith.muli %add3A_48, %mul3A_255 : i32
    %add3A_257 = arith.constant 0 : i32
    %add3A_258 = arith.addi %mul3A_256, %add3A_257 : i32
    %dma_start3A_259 = arith.constant 0 : i32
    %dma_start3A_260 = arith.constant 0 : i32
    %dma_start3A_261 = tpu.memref_slice %arg6[%dma_start3A_259, %dma_start3A_260] : memref<8x512xf32, #tpu.memory_space<vmem>> -> memref<8x512xf32, #tpu.memory_space<vmem>>
    %dma_start3A_262 = arith.constant 0 : i32
    %dma_start3A_263 = tpu.memref_slice %arg11[%add3A_258, %dma_start3A_262] : memref<960x512xf32, #tpu.memory_space<vmem_shared>> -> memref<8x512xf32, #tpu.memory_space<vmem_shared>>
    %dma_start3A_264 = arith.constant 0 : i32
    %dma_start3A_265 = tpu.memref_slice %arg11[%add3A_258, %dma_start3A_264] : memref<960x512xf32, #tpu.memory_space<vmem_shared>> -> memref<8x512xf32, #tpu.memory_space<vmem_shared>>
    %dma_start3A_266 = arith.constant 0 : i32
    %dma_start3A_267 = arith.constant 0 : i32
    %dma_start3A_268 = tpu.memref_slice %arg6[%dma_start3A_266, %dma_start3A_267] : memref<8x512xf32, #tpu.memory_space<vmem>> -> memref<8x512xf32, #tpu.memory_space<vmem>>
    tpu.enqueue_dma source(%dma_start3A_268 : memref<8x512xf32, #tpu.memory_space<vmem>>) target(%dma_start3A_265 : memref<8x512xf32, #tpu.memory_space<vmem_shared>>) target_semaphore(%arg13 : memref<!tpu.dma_semaphore, #tpu.memory_space<semaphore_mem>>)
    %mul3A_269 = arith.constant 16 : i32
    %mul3A_270 = arith.muli %add3A_48, %mul3A_269 : i32
    %add3A_271 = arith.constant 8 : i32
    %add3A_272 = arith.addi %mul3A_270, %add3A_271 : i32
    %dma_start3A_273 = arith.constant 0 : i32
    %dma_start3A_274 = arith.constant 0 : i32
    %dma_start3A_275 = tpu.memref_slice %arg6[%dma_start3A_273, %dma_start3A_274] : memref<8x512xf32, #tpu.memory_space<vmem>> -> memref<8x512xf32, #tpu.memory_space<vmem>>
    %dma_start3A_276 = arith.constant 0 : i32
    %dma_start3A_277 = tpu.memref_slice %arg11[%add3A_272, %dma_start3A_276] : memref<960x512xf32, #tpu.memory_space<vmem_shared>> -> memref<8x512xf32, #tpu.memory_space<vmem_shared>>
    %dma_start3A_278 = arith.constant 0 : i32
    %dma_start3A_279 = tpu.memref_slice %arg11[%add3A_272, %dma_start3A_278] : memref<960x512xf32, #tpu.memory_space<vmem_shared>> -> memref<8x512xf32, #tpu.memory_space<vmem_shared>>
    %dma_start3A_280 = arith.constant 0 : i32
    %dma_start3A_281 = arith.constant 0 : i32
    %dma_start3A_282 = tpu.memref_slice %arg6[%dma_start3A_280, %dma_start3A_281] : memref<8x512xf32, #tpu.memory_space<vmem>> -> memref<8x512xf32, #tpu.memory_space<vmem>>
    tpu.enqueue_dma source(%dma_start3A_282 : memref<8x512xf32, #tpu.memory_space<vmem>>) target(%dma_start3A_279 : memref<8x512xf32, #tpu.memory_space<vmem_shared>>) target_semaphore(%arg13 : memref<!tpu.dma_semaphore, #tpu.memory_space<semaphore_mem>>)
    %mul3A_283 = arith.constant 16 : i32
    %mul3A_284 = arith.muli %add3A_48, %mul3A_283 : i32
    %add3A_285 = arith.constant 0 : i32
    %add3A_286 = arith.addi %mul3A_284, %add3A_285 : i32
    %dma_wait3A_287 = arith.constant 0 : i32
    %dma_wait3A_288 = arith.constant 0 : i32
    %dma_wait3A_289 = tpu.memref_slice %arg6[%dma_wait3A_287, %dma_wait3A_288] : memref<8x512xf32, #tpu.memory_space<vmem>> -> memref<8x512xf32, #tpu.memory_space<vmem>>
    %dma_wait3A_290 = arith.constant 0 : i32
    %dma_wait3A_291 = tpu.memref_slice %arg11[%add3A_286, %dma_wait3A_290] : memref<960x512xf32, #tpu.memory_space<vmem_shared>> -> memref<8x512xf32, #tpu.memory_space<vmem_shared>>
    %dma_wait3A_292 = arith.constant 0 : i32
    %dma_wait3A_293 = tpu.memref_slice %arg11[%add3A_286, %dma_wait3A_292] : memref<960x512xf32, #tpu.memory_space<vmem_shared>> -> memref<8x512xf32, #tpu.memory_space<vmem_shared>>
    %dma_wait3A_294 = arith.constant 0 : i32
    %dma_wait3A_295 = arith.constant 0 : i32
    %dma_wait3A_296 = tpu.memref_slice %arg6[%dma_wait3A_294, %dma_wait3A_295] : memref<8x512xf32, #tpu.memory_space<vmem>> -> memref<8x512xf32, #tpu.memory_space<vmem>>
    tpu.wait_dma2 semaphore(%arg13 : memref<!tpu.dma_semaphore, #tpu.memory_space<semaphore_mem>>) src(%dma_wait3A_296 : memref<8x512xf32, #tpu.memory_space<vmem>>) dst(%dma_wait3A_293 : memref<8x512xf32, #tpu.memory_space<vmem_shared>>)
    %mul3A_297 = arith.constant 16 : i32
    %mul3A_298 = arith.muli %add3A_48, %mul3A_297 : i32
    %add3A_299 = arith.constant 8 : i32
    %add3A_300 = arith.addi %mul3A_298, %add3A_299 : i32
    %dma_wait3A_301 = arith.constant 0 : i32
    %dma_wait3A_302 = arith.constant 0 : i32
    %dma_wait3A_303 = tpu.memref_slice %arg6[%dma_wait3A_301, %dma_wait3A_302] : memref<8x512xf32, #tpu.memory_space<vmem>> -> memref<8x512xf32, #tpu.memory_space<vmem>>
    %dma_wait3A_304 = arith.constant 0 : i32
    %dma_wait3A_305 = tpu.memref_slice %arg11[%add3A_300, %dma_wait3A_304] : memref<960x512xf32, #tpu.memory_space<vmem_shared>> -> memref<8x512xf32, #tpu.memory_space<vmem_shared>>
    %dma_wait3A_306 = arith.constant 0 : i32
    %dma_wait3A_307 = tpu.memref_slice %arg11[%add3A_300, %dma_wait3A_306] : memref<960x512xf32, #tpu.memory_space<vmem_shared>> -> memref<8x512xf32, #tpu.memory_space<vmem_shared>>
    %dma_wait3A_308 = arith.constant 0 : i32
    %dma_wait3A_309 = arith.constant 0 : i32
    %dma_wait3A_310 = tpu.memref_slice %arg6[%dma_wait3A_308, %dma_wait3A_309] : memref<8x512xf32, #tpu.memory_space<vmem>> -> memref<8x512xf32, #tpu.memory_space<vmem>>
    tpu.wait_dma2 semaphore(%arg13 : memref<!tpu.dma_semaphore, #tpu.memory_space<semaphore_mem>>) src(%dma_wait3A_310 : memref<8x512xf32, #tpu.memory_space<vmem>>) dst(%dma_wait3A_307 : memref<8x512xf32, #tpu.memory_space<vmem_shared>>)
    %add3A_311 = arith.constant 16 : i32
    %add3A_312 = arith.addi %arg1, %add3A_311 : i32
    %dma_start3A_313 = arith.constant 0 : i32
    %dma_start3A_314 = arith.constant 0 : i32
    %dma_start3A_315 = tpu.memref_slice %arg6[%dma_start3A_313, %dma_start3A_314] : memref<8x512xf32, #tpu.memory_space<vmem>> -> memref<1x512xf32, #tpu.memory_space<vmem>>
    %dma_start3A_316 = tpu.memref_squeeze %dma_start3A_315 : memref<1x512xf32, #tpu.memory_space<vmem>> -> memref<512xf32, #tpu.memory_space<vmem>>
    %dma_start3A_317 = arith.constant 0 : i32
    %dma_start3A_318 = tpu.memref_slice %arg4[%add3A_312, %dma_start3A_317] : memref<60x512xf32, #tpu.memory_space<hbm>> -> memref<1x512xf32, #tpu.memory_space<hbm>>
    %dma_start3A_319 = tpu.memref_squeeze %dma_start3A_318 : memref<1x512xf32, #tpu.memory_space<hbm>> -> memref<512xf32, #tpu.memory_space<hbm>>
    %dma_start3A_320 = arith.constant 0 : i32
    %dma_start3A_321 = tpu.memref_slice %arg6[%dma_start3A_313, %dma_start3A_320] : memref<8x512xf32, #tpu.memory_space<vmem>> -> memref<1x512xf32, #tpu.memory_space<vmem>>
    %dma_start3A_322 = tpu.memref_squeeze %dma_start3A_321 : memref<1x512xf32, #tpu.memory_space<vmem>> -> memref<512xf32, #tpu.memory_space<vmem>>
    %dma_start3A_323 = arith.constant 0 : i32
    %dma_start3A_324 = tpu.memref_slice %arg4[%add3A_312, %dma_start3A_323] : memref<60x512xf32, #tpu.memory_space<hbm>> -> memref<1x512xf32, #tpu.memory_space<hbm>>
    %dma_start3A_325 = tpu.memref_squeeze %dma_start3A_324 : memref<1x512xf32, #tpu.memory_space<hbm>> -> memref<512xf32, #tpu.memory_space<hbm>>
    tpu.enqueue_dma source(%dma_start3A_325 : memref<512xf32, #tpu.memory_space<hbm>>) target(%dma_start3A_322 : memref<512xf32, #tpu.memory_space<vmem>>) target_semaphore(%arg13 : memref<!tpu.dma_semaphore, #tpu.memory_space<semaphore_mem>>)
    %dma_start3A_326 = arith.constant 1 : i32
    %dma_start3A_327 = arith.constant 0 : i32
    %dma_start3A_328 = tpu.memref_slice %arg6[%dma_start3A_326, %dma_start3A_327] : memref<8x512xf32, #tpu.memory_space<vmem>> -> memref<1x512xf32, #tpu.memory_space<vmem>>
    %dma_start3A_329 = tpu.memref_squeeze %dma_start3A_328 : memref<1x512xf32, #tpu.memory_space<vmem>> -> memref<512xf32, #tpu.memory_space<vmem>>
    %dma_start3A_330 = arith.constant 0 : i32
    %dma_start3A_331 = tpu.memref_slice %arg4[%add3A_312, %dma_start3A_330] : memref<60x512xf32, #tpu.memory_space<hbm>> -> memref<1x512xf32, #tpu.memory_space<hbm>>
    %dma_start3A_332 = tpu.memref_squeeze %dma_start3A_331 : memref<1x512xf32, #tpu.memory_space<hbm>> -> memref<512xf32, #tpu.memory_space<hbm>>
    %dma_start3A_333 = arith.constant 0 : i32
    %dma_start3A_334 = tpu.memref_slice %arg6[%dma_start3A_326, %dma_start3A_333] : memref<8x512xf32, #tpu.memory_space<vmem>> -> memref<1x512xf32, #tpu.memory_space<vmem>>
    %dma_start3A_335 = tpu.memref_squeeze %dma_start3A_334 : memref<1x512xf32, #tpu.memory_space<vmem>> -> memref<512xf32, #tpu.memory_space<vmem>>
    %dma_start3A_336 = arith.constant 0 : i32
    %dma_start3A_337 = tpu.memref_slice %arg4[%add3A_312, %dma_start3A_336] : memref<60x512xf32, #tpu.memory_space<hbm>> -> memref<1x512xf32, #tpu.memory_space<hbm>>
    %dma_start3A_338 = tpu.memref_squeeze %dma_start3A_337 : memref<1x512xf32, #tpu.memory_space<hbm>> -> memref<512xf32, #tpu.memory_space<hbm>>
    tpu.enqueue_dma source(%dma_start3A_338 : memref<512xf32, #tpu.memory_space<hbm>>) target(%dma_start3A_335 : memref<512xf32, #tpu.memory_space<vmem>>) target_semaphore(%arg13 : memref<!tpu.dma_semaphore, #tpu.memory_space<semaphore_mem>>)
    %dma_start3A_339 = arith.constant 2 : i32
    %dma_start3A_340 = arith.constant 0 : i32
    %dma_start3A_341 = tpu.memref_slice %arg6[%dma_start3A_339, %dma_start3A_340] : memref<8x512xf32, #tpu.memory_space<vmem>> -> memref<1x512xf32, #tpu.memory_space<vmem>>
    %dma_start3A_342 = tpu.memref_squeeze %dma_start3A_341 : memref<1x512xf32, #tpu.memory_space<vmem>> -> memref<512xf32, #tpu.memory_space<vmem>>
    %dma_start3A_343 = arith.constant 0 : i32
    %dma_start3A_344 = tpu.memref_slice %arg4[%add3A_312, %dma_start3A_343] : memref<60x512xf32, #tpu.memory_space<hbm>> -> memref<1x512xf32, #tpu.memory_space<hbm>>
    %dma_start3A_345 = tpu.memref_squeeze %dma_start3A_344 : memref<1x512xf32, #tpu.memory_space<hbm>> -> memref<512xf32, #tpu.memory_space<hbm>>
    %dma_start3A_346 = arith.constant 0 : i32
    %dma_start3A_347 = tpu.memref_slice %arg6[%dma_start3A_339, %dma_start3A_346] : memref<8x512xf32, #tpu.memory_space<vmem>> -> memref<1x512xf32, #tpu.memory_space<vmem>>
    %dma_start3A_348 = tpu.memref_squeeze %dma_start3A_347 : memref<1x512xf32, #tpu.memory_space<vmem>> -> memref<512xf32, #tpu.memory_space<vmem>>
    %dma_start3A_349 = arith.constant 0 : i32
    %dma_start3A_350 = tpu.memref_slice %arg4[%add3A_312, %dma_start3A_349] : memref<60x512xf32, #tpu.memory_space<hbm>> -> memref<1x512xf32, #tpu.memory_space<hbm>>
    %dma_start3A_351 = tpu.memref_squeeze %dma_start3A_350 : memref<1x512xf32, #tpu.memory_space<hbm>> -> memref<512xf32, #tpu.memory_space<hbm>>
    tpu.enqueue_dma source(%dma_start3A_351 : memref<512xf32, #tpu.memory_space<hbm>>) target(%dma_start3A_348 : memref<512xf32, #tpu.memory_space<vmem>>) target_semaphore(%arg13 : memref<!tpu.dma_semaphore, #tpu.memory_space<semaphore_mem>>)
    %dma_start3A_352 = arith.constant 3 : i32
    %dma_start3A_353 = arith.constant 0 : i32
    %dma_start3A_354 = tpu.memref_slice %arg6[%dma_start3A_352, %dma_start3A_353] : memref<8x512xf32, #tpu.memory_space<vmem>> -> memref<1x512xf32, #tpu.memory_space<vmem>>
    %dma_start3A_355 = tpu.memref_squeeze %dma_start3A_354 : memref<1x512xf32, #tpu.memory_space<vmem>> -> memref<512xf32, #tpu.memory_space<vmem>>
    %dma_start3A_356 = arith.constant 0 : i32
    %dma_start3A_357 = tpu.memref_slice %arg4[%add3A_312, %dma_start3A_356] : memref<60x512xf32, #tpu.memory_space<hbm>> -> memref<1x512xf32, #tpu.memory_space<hbm>>
    %dma_start3A_358 = tpu.memref_squeeze %dma_start3A_357 : memref<1x512xf32, #tpu.memory_space<hbm>> -> memref<512xf32, #tpu.memory_space<hbm>>
    %dma_start3A_359 = arith.constant 0 : i32
    %dma_start3A_360 = tpu.memref_slice %arg6[%dma_start3A_352, %dma_start3A_359] : memref<8x512xf32, #tpu.memory_space<vmem>> -> memref<1x512xf32, #tpu.memory_space<vmem>>
    %dma_start3A_361 = tpu.memref_squeeze %dma_start3A_360 : memref<1x512xf32, #tpu.memory_space<vmem>> -> memref<512xf32, #tpu.memory_space<vmem>>
    %dma_start3A_362 = arith.constant 0 : i32
    %dma_start3A_363 = tpu.memref_slice %arg4[%add3A_312, %dma_start3A_362] : memref<60x512xf32, #tpu.memory_space<hbm>> -> memref<1x512xf32, #tpu.memory_space<hbm>>
    %dma_start3A_364 = tpu.memref_squeeze %dma_start3A_363 : memref<1x512xf32, #tpu.memory_space<hbm>> -> memref<512xf32, #tpu.memory_space<hbm>>
    tpu.enqueue_dma source(%dma_start3A_364 : memref<512xf32, #tpu.memory_space<hbm>>) target(%dma_start3A_361 : memref<512xf32, #tpu.memory_space<vmem>>) target_semaphore(%arg13 : memref<!tpu.dma_semaphore, #tpu.memory_space<semaphore_mem>>)
    %dma_start3A_365 = arith.constant 4 : i32
    %dma_start3A_366 = arith.constant 0 : i32
    %dma_start3A_367 = tpu.memref_slice %arg6[%dma_start3A_365, %dma_start3A_366] : memref<8x512xf32, #tpu.memory_space<vmem>> -> memref<1x512xf32, #tpu.memory_space<vmem>>
    %dma_start3A_368 = tpu.memref_squeeze %dma_start3A_367 : memref<1x512xf32, #tpu.memory_space<vmem>> -> memref<512xf32, #tpu.memory_space<vmem>>
    %dma_start3A_369 = arith.constant 0 : i32
    %dma_start3A_370 = tpu.memref_slice %arg4[%add3A_312, %dma_start3A_369] : memref<60x512xf32, #tpu.memory_space<hbm>> -> memref<1x512xf32, #tpu.memory_space<hbm>>
    %dma_start3A_371 = tpu.memref_squeeze %dma_start3A_370 : memref<1x512xf32, #tpu.memory_space<hbm>> -> memref<512xf32, #tpu.memory_space<hbm>>
    %dma_start3A_372 = arith.constant 0 : i32
    %dma_start3A_373 = tpu.memref_slice %arg6[%dma_start3A_365, %dma_start3A_372] : memref<8x512xf32, #tpu.memory_space<vmem>> -> memref<1x512xf32, #tpu.memory_space<vmem>>
    %dma_start3A_374 = tpu.memref_squeeze %dma_start3A_373 : memref<1x512xf32, #tpu.memory_space<vmem>> -> memref<512xf32, #tpu.memory_space<vmem>>
    %dma_start3A_375 = arith.constant 0 : i32
    %dma_start3A_376 = tpu.memref_slice %arg4[%add3A_312, %dma_start3A_375] : memref<60x512xf32, #tpu.memory_space<hbm>> -> memref<1x512xf32, #tpu.memory_space<hbm>>
    %dma_start3A_377 = tpu.memref_squeeze %dma_start3A_376 : memref<1x512xf32, #tpu.memory_space<hbm>> -> memref<512xf32, #tpu.memory_space<hbm>>
    tpu.enqueue_dma source(%dma_start3A_377 : memref<512xf32, #tpu.memory_space<hbm>>) target(%dma_start3A_374 : memref<512xf32, #tpu.memory_space<vmem>>) target_semaphore(%arg13 : memref<!tpu.dma_semaphore, #tpu.memory_space<semaphore_mem>>)
    %dma_start3A_378 = arith.constant 5 : i32
    %dma_start3A_379 = arith.constant 0 : i32
    %dma_start3A_380 = tpu.memref_slice %arg6[%dma_start3A_378, %dma_start3A_379] : memref<8x512xf32, #tpu.memory_space<vmem>> -> memref<1x512xf32, #tpu.memory_space<vmem>>
    %dma_start3A_381 = tpu.memref_squeeze %dma_start3A_380 : memref<1x512xf32, #tpu.memory_space<vmem>> -> memref<512xf32, #tpu.memory_space<vmem>>
    %dma_start3A_382 = arith.constant 0 : i32
    %dma_start3A_383 = tpu.memref_slice %arg4[%add3A_312, %dma_start3A_382] : memref<60x512xf32, #tpu.memory_space<hbm>> -> memref<1x512xf32, #tpu.memory_space<hbm>>
    %dma_start3A_384 = tpu.memref_squeeze %dma_start3A_383 : memref<1x512xf32, #tpu.memory_space<hbm>> -> memref<512xf32, #tpu.memory_space<hbm>>
    %dma_start3A_385 = arith.constant 0 : i32
    %dma_start3A_386 = tpu.memref_slice %arg6[%dma_start3A_378, %dma_start3A_385] : memref<8x512xf32, #tpu.memory_space<vmem>> -> memref<1x512xf32, #tpu.memory_space<vmem>>
    %dma_start3A_387 = tpu.memref_squeeze %dma_start3A_386 : memref<1x512xf32, #tpu.memory_space<vmem>> -> memref<512xf32, #tpu.memory_space<vmem>>
    %dma_start3A_388 = arith.constant 0 : i32
    %dma_start3A_389 = tpu.memref_slice %arg4[%add3A_312, %dma_start3A_388] : memref<60x512xf32, #tpu.memory_space<hbm>> -> memref<1x512xf32, #tpu.memory_space<hbm>>
    %dma_start3A_390 = tpu.memref_squeeze %dma_start3A_389 : memref<1x512xf32, #tpu.memory_space<hbm>> -> memref<512xf32, #tpu.memory_space<hbm>>
    tpu.enqueue_dma source(%dma_start3A_390 : memref<512xf32, #tpu.memory_space<hbm>>) target(%dma_start3A_387 : memref<512xf32, #tpu.memory_space<vmem>>) target_semaphore(%arg13 : memref<!tpu.dma_semaphore, #tpu.memory_space<semaphore_mem>>)
    %dma_start3A_391 = arith.constant 6 : i32
    %dma_start3A_392 = arith.constant 0 : i32
    %dma_start3A_393 = tpu.memref_slice %arg6[%dma_start3A_391, %dma_start3A_392] : memref<8x512xf32, #tpu.memory_space<vmem>> -> memref<1x512xf32, #tpu.memory_space<vmem>>
    %dma_start3A_394 = tpu.memref_squeeze %dma_start3A_393 : memref<1x512xf32, #tpu.memory_space<vmem>> -> memref<512xf32, #tpu.memory_space<vmem>>
    %dma_start3A_395 = arith.constant 0 : i32
    %dma_start3A_396 = tpu.memref_slice %arg4[%add3A_312, %dma_start3A_395] : memref<60x512xf32, #tpu.memory_space<hbm>> -> memref<1x512xf32, #tpu.memory_space<hbm>>
    %dma_start3A_397 = tpu.memref_squeeze %dma_start3A_396 : memref<1x512xf32, #tpu.memory_space<hbm>> -> memref<512xf32, #tpu.memory_space<hbm>>
    %dma_start3A_398 = arith.constant 0 : i32
    %dma_start3A_399 = tpu.memref_slice %arg6[%dma_start3A_391, %dma_start3A_398] : memref<8x512xf32, #tpu.memory_space<vmem>> -> memref<1x512xf32, #tpu.memory_space<vmem>>
    %dma_start3A_400 = tpu.memref_squeeze %dma_start3A_399 : memref<1x512xf32, #tpu.memory_space<vmem>> -> memref<512xf32, #tpu.memory_space<vmem>>
    %dma_start3A_401 = arith.constant 0 : i32
    %dma_start3A_402 = tpu.memref_slice %arg4[%add3A_312, %dma_start3A_401] : memref<60x512xf32, #tpu.memory_space<hbm>> -> memref<1x512xf32, #tpu.memory_space<hbm>>
    %dma_start3A_403 = tpu.memref_squeeze %dma_start3A_402 : memref<1x512xf32, #tpu.memory_space<hbm>> -> memref<512xf32, #tpu.memory_space<hbm>>
    tpu.enqueue_dma source(%dma_start3A_403 : memref<512xf32, #tpu.memory_space<hbm>>) target(%dma_start3A_400 : memref<512xf32, #tpu.memory_space<vmem>>) target_semaphore(%arg13 : memref<!tpu.dma_semaphore, #tpu.memory_space<semaphore_mem>>)
    %dma_start3A_404 = arith.constant 7 : i32
    %dma_start3A_405 = arith.constant 0 : i32
    %dma_start3A_406 = tpu.memref_slice %arg6[%dma_start3A_404, %dma_start3A_405] : memref<8x512xf32, #tpu.memory_space<vmem>> -> memref<1x512xf32, #tpu.memory_space<vmem>>
    %dma_start3A_407 = tpu.memref_squeeze %dma_start3A_406 : memref<1x512xf32, #tpu.memory_space<vmem>> -> memref<512xf32, #tpu.memory_space<vmem>>
    %dma_start3A_408 = arith.constant 0 : i32
    %dma_start3A_409 = tpu.memref_slice %arg4[%add3A_312, %dma_start3A_408] : memref<60x512xf32, #tpu.memory_space<hbm>> -> memref<1x512xf32, #tpu.memory_space<hbm>>
    %dma_start3A_410 = tpu.memref_squeeze %dma_start3A_409 : memref<1x512xf32, #tpu.memory_space<hbm>> -> memref<512xf32, #tpu.memory_space<hbm>>
    %dma_start3A_411 = arith.constant 0 : i32
    %dma_start3A_412 = tpu.memref_slice %arg6[%dma_start3A_404, %dma_start3A_411] : memref<8x512xf32, #tpu.memory_space<vmem>> -> memref<1x512xf32, #tpu.memory_space<vmem>>
    %dma_start3A_413 = tpu.memref_squeeze %dma_start3A_412 : memref<1x512xf32, #tpu.memory_space<vmem>> -> memref<512xf32, #tpu.memory_space<vmem>>
    %dma_start3A_414 = arith.constant 0 : i32
    %dma_start3A_415 = tpu.memref_slice %arg4[%add3A_312, %dma_start3A_414] : memref<60x512xf32, #tpu.memory_space<hbm>> -> memref<1x512xf32, #tpu.memory_space<hbm>>
    %dma_start3A_416 = tpu.memref_squeeze %dma_start3A_415 : memref<1x512xf32, #tpu.memory_space<hbm>> -> memref<512xf32, #tpu.memory_space<hbm>>
    tpu.enqueue_dma source(%dma_start3A_416 : memref<512xf32, #tpu.memory_space<hbm>>) target(%dma_start3A_413 : memref<512xf32, #tpu.memory_space<vmem>>) target_semaphore(%arg13 : memref<!tpu.dma_semaphore, #tpu.memory_space<semaphore_mem>>)
    %dma_wait3A_417 = arith.constant 0 : i32
    %dma_wait3A_418 = arith.constant 0 : i32
    %dma_wait3A_419 = tpu.memref_slice %arg6[%dma_wait3A_417, %dma_wait3A_418] : memref<8x512xf32, #tpu.memory_space<vmem>> -> memref<1x512xf32, #tpu.memory_space<vmem>>
    %dma_wait3A_420 = tpu.memref_squeeze %dma_wait3A_419 : memref<1x512xf32, #tpu.memory_space<vmem>> -> memref<512xf32, #tpu.memory_space<vmem>>
    %dma_wait3A_421 = arith.constant 0 : i32
    %dma_wait3A_422 = tpu.memref_slice %arg4[%add3A_312, %dma_wait3A_421] : memref<60x512xf32, #tpu.memory_space<hbm>> -> memref<1x512xf32, #tpu.memory_space<hbm>>
    %dma_wait3A_423 = tpu.memref_squeeze %dma_wait3A_422 : memref<1x512xf32, #tpu.memory_space<hbm>> -> memref<512xf32, #tpu.memory_space<hbm>>
    %dma_wait3A_424 = arith.constant 0 : i32
    %dma_wait3A_425 = tpu.memref_slice %arg6[%dma_wait3A_417, %dma_wait3A_424] : memref<8x512xf32, #tpu.memory_space<vmem>> -> memref<1x512xf32, #tpu.memory_space<vmem>>
    %dma_wait3A_426 = tpu.memref_squeeze %dma_wait3A_425 : memref<1x512xf32, #tpu.memory_space<vmem>> -> memref<512xf32, #tpu.memory_space<vmem>>
    %dma_wait3A_427 = arith.constant 0 : i32
    %dma_wait3A_428 = tpu.memref_slice %arg4[%add3A_312, %dma_wait3A_427] : memref<60x512xf32, #tpu.memory_space<hbm>> -> memref<1x512xf32, #tpu.memory_space<hbm>>
    %dma_wait3A_429 = tpu.memref_squeeze %dma_wait3A_428 : memref<1x512xf32, #tpu.memory_space<hbm>> -> memref<512xf32, #tpu.memory_space<hbm>>
    tpu.wait_dma2 semaphore(%arg13 : memref<!tpu.dma_semaphore, #tpu.memory_space<semaphore_mem>>) src(%dma_wait3A_429 : memref<512xf32, #tpu.memory_space<hbm>>) dst(%dma_wait3A_426 : memref<512xf32, #tpu.memory_space<vmem>>)
    %dma_wait3A_430 = arith.constant 1 : i32
    %dma_wait3A_431 = arith.constant 0 : i32
    %dma_wait3A_432 = tpu.memref_slice %arg6[%dma_wait3A_430, %dma_wait3A_431] : memref<8x512xf32, #tpu.memory_space<vmem>> -> memref<1x512xf32, #tpu.memory_space<vmem>>
    %dma_wait3A_433 = tpu.memref_squeeze %dma_wait3A_432 : memref<1x512xf32, #tpu.memory_space<vmem>> -> memref<512xf32, #tpu.memory_space<vmem>>
    %dma_wait3A_434 = arith.constant 0 : i32
    %dma_wait3A_435 = tpu.memref_slice %arg4[%add3A_312, %dma_wait3A_434] : memref<60x512xf32, #tpu.memory_space<hbm>> -> memref<1x512xf32, #tpu.memory_space<hbm>>
    %dma_wait3A_436 = tpu.memref_squeeze %dma_wait3A_435 : memref<1x512xf32, #tpu.memory_space<hbm>> -> memref<512xf32, #tpu.memory_space<hbm>>
    %dma_wait3A_437 = arith.constant 0 : i32
    %dma_wait3A_438 = tpu.memref_slice %arg6[%dma_wait3A_430, %dma_wait3A_437] : memref<8x512xf32, #tpu.memory_space<vmem>> -> memref<1x512xf32, #tpu.memory_space<vmem>>
    %dma_wait3A_439 = tpu.memref_squeeze %dma_wait3A_438 : memref<1x512xf32, #tpu.memory_space<vmem>> -> memref<512xf32, #tpu.memory_space<vmem>>
    %dma_wait3A_440 = arith.constant 0 : i32
    %dma_wait3A_441 = tpu.memref_slice %arg4[%add3A_312, %dma_wait3A_440] : memref<60x512xf32, #tpu.memory_space<hbm>> -> memref<1x512xf32, #tpu.memory_space<hbm>>
    %dma_wait3A_442 = tpu.memref_squeeze %dma_wait3A_441 : memref<1x512xf32, #tpu.memory_space<hbm>> -> memref<512xf32, #tpu.memory_space<hbm>>
    tpu.wait_dma2 semaphore(%arg13 : memref<!tpu.dma_semaphore, #tpu.memory_space<semaphore_mem>>) src(%dma_wait3A_442 : memref<512xf32, #tpu.memory_space<hbm>>) dst(%dma_wait3A_439 : memref<512xf32, #tpu.memory_space<vmem>>)
    %dma_wait3A_443 = arith.constant 2 : i32
    %dma_wait3A_444 = arith.constant 0 : i32
    %dma_wait3A_445 = tpu.memref_slice %arg6[%dma_wait3A_443, %dma_wait3A_444] : memref<8x512xf32, #tpu.memory_space<vmem>> -> memref<1x512xf32, #tpu.memory_space<vmem>>
    %dma_wait3A_446 = tpu.memref_squeeze %dma_wait3A_445 : memref<1x512xf32, #tpu.memory_space<vmem>> -> memref<512xf32, #tpu.memory_space<vmem>>
    %dma_wait3A_447 = arith.constant 0 : i32
    %dma_wait3A_448 = tpu.memref_slice %arg4[%add3A_312, %dma_wait3A_447] : memref<60x512xf32, #tpu.memory_space<hbm>> -> memref<1x512xf32, #tpu.memory_space<hbm>>
    %dma_wait3A_449 = tpu.memref_squeeze %dma_wait3A_448 : memref<1x512xf32, #tpu.memory_space<hbm>> -> memref<512xf32, #tpu.memory_space<hbm>>
    %dma_wait3A_450 = arith.constant 0 : i32
    %dma_wait3A_451 = tpu.memref_slice %arg6[%dma_wait3A_443, %dma_wait3A_450] : memref<8x512xf32, #tpu.memory_space<vmem>> -> memref<1x512xf32, #tpu.memory_space<vmem>>
    %dma_wait3A_452 = tpu.memref_squeeze %dma_wait3A_451 : memref<1x512xf32, #tpu.memory_space<vmem>> -> memref<512xf32, #tpu.memory_space<vmem>>
    %dma_wait3A_453 = arith.constant 0 : i32
    %dma_wait3A_454 = tpu.memref_slice %arg4[%add3A_312, %dma_wait3A_453] : memref<60x512xf32, #tpu.memory_space<hbm>> -> memref<1x512xf32, #tpu.memory_space<hbm>>
    %dma_wait3A_455 = tpu.memref_squeeze %dma_wait3A_454 : memref<1x512xf32, #tpu.memory_space<hbm>> -> memref<512xf32, #tpu.memory_space<hbm>>
    tpu.wait_dma2 semaphore(%arg13 : memref<!tpu.dma_semaphore, #tpu.memory_space<semaphore_mem>>) src(%dma_wait3A_455 : memref<512xf32, #tpu.memory_space<hbm>>) dst(%dma_wait3A_452 : memref<512xf32, #tpu.memory_space<vmem>>)
    %dma_wait3A_456 = arith.constant 3 : i32
    %dma_wait3A_457 = arith.constant 0 : i32
    %dma_wait3A_458 = tpu.memref_slice %arg6[%dma_wait3A_456, %dma_wait3A_457] : memref<8x512xf32, #tpu.memory_space<vmem>> -> memref<1x512xf32, #tpu.memory_space<vmem>>
    %dma_wait3A_459 = tpu.memref_squeeze %dma_wait3A_458 : memref<1x512xf32, #tpu.memory_space<vmem>> -> memref<512xf32, #tpu.memory_space<vmem>>
    %dma_wait3A_460 = arith.constant 0 : i32
    %dma_wait3A_461 = tpu.memref_slice %arg4[%add3A_312, %dma_wait3A_460] : memref<60x512xf32, #tpu.memory_space<hbm>> -> memref<1x512xf32, #tpu.memory_space<hbm>>
    %dma_wait3A_462 = tpu.memref_squeeze %dma_wait3A_461 : memref<1x512xf32, #tpu.memory_space<hbm>> -> memref<512xf32, #tpu.memory_space<hbm>>
    %dma_wait3A_463 = arith.constant 0 : i32
    %dma_wait3A_464 = tpu.memref_slice %arg6[%dma_wait3A_456, %dma_wait3A_463] : memref<8x512xf32, #tpu.memory_space<vmem>> -> memref<1x512xf32, #tpu.memory_space<vmem>>
    %dma_wait3A_465 = tpu.memref_squeeze %dma_wait3A_464 : memref<1x512xf32, #tpu.memory_space<vmem>> -> memref<512xf32, #tpu.memory_space<vmem>>
    %dma_wait3A_466 = arith.constant 0 : i32
    %dma_wait3A_467 = tpu.memref_slice %arg4[%add3A_312, %dma_wait3A_466] : memref<60x512xf32, #tpu.memory_space<hbm>> -> memref<1x512xf32, #tpu.memory_space<hbm>>
    %dma_wait3A_468 = tpu.memref_squeeze %dma_wait3A_467 : memref<1x512xf32, #tpu.memory_space<hbm>> -> memref<512xf32, #tpu.memory_space<hbm>>
    tpu.wait_dma2 semaphore(%arg13 : memref<!tpu.dma_semaphore, #tpu.memory_space<semaphore_mem>>) src(%dma_wait3A_468 : memref<512xf32, #tpu.memory_space<hbm>>) dst(%dma_wait3A_465 : memref<512xf32, #tpu.memory_space<vmem>>)
    %dma_wait3A_469 = arith.constant 4 : i32
    %dma_wait3A_470 = arith.constant 0 : i32
    %dma_wait3A_471 = tpu.memref_slice %arg6[%dma_wait3A_469, %dma_wait3A_470] : memref<8x512xf32, #tpu.memory_space<vmem>> -> memref<1x512xf32, #tpu.memory_space<vmem>>
    %dma_wait3A_472 = tpu.memref_squeeze %dma_wait3A_471 : memref<1x512xf32, #tpu.memory_space<vmem>> -> memref<512xf32, #tpu.memory_space<vmem>>
    %dma_wait3A_473 = arith.constant 0 : i32
    %dma_wait3A_474 = tpu.memref_slice %arg4[%add3A_312, %dma_wait3A_473] : memref<60x512xf32, #tpu.memory_space<hbm>> -> memref<1x512xf32, #tpu.memory_space<hbm>>
    %dma_wait3A_475 = tpu.memref_squeeze %dma_wait3A_474 : memref<1x512xf32, #tpu.memory_space<hbm>> -> memref<512xf32, #tpu.memory_space<hbm>>
    %dma_wait3A_476 = arith.constant 0 : i32
    %dma_wait3A_477 = tpu.memref_slice %arg6[%dma_wait3A_469, %dma_wait3A_476] : memref<8x512xf32, #tpu.memory_space<vmem>> -> memref<1x512xf32, #tpu.memory_space<vmem>>
    %dma_wait3A_478 = tpu.memref_squeeze %dma_wait3A_477 : memref<1x512xf32, #tpu.memory_space<vmem>> -> memref<512xf32, #tpu.memory_space<vmem>>
    %dma_wait3A_479 = arith.constant 0 : i32
    %dma_wait3A_480 = tpu.memref_slice %arg4[%add3A_312, %dma_wait3A_479] : memref<60x512xf32, #tpu.memory_space<hbm>> -> memref<1x512xf32, #tpu.memory_space<hbm>>
    %dma_wait3A_481 = tpu.memref_squeeze %dma_wait3A_480 : memref<1x512xf32, #tpu.memory_space<hbm>> -> memref<512xf32, #tpu.memory_space<hbm>>
    tpu.wait_dma2 semaphore(%arg13 : memref<!tpu.dma_semaphore, #tpu.memory_space<semaphore_mem>>) src(%dma_wait3A_481 : memref<512xf32, #tpu.memory_space<hbm>>) dst(%dma_wait3A_478 : memref<512xf32, #tpu.memory_space<vmem>>)
    %dma_wait3A_482 = arith.constant 5 : i32
    %dma_wait3A_483 = arith.constant 0 : i32
    %dma_wait3A_484 = tpu.memref_slice %arg6[%dma_wait3A_482, %dma_wait3A_483] : memref<8x512xf32, #tpu.memory_space<vmem>> -> memref<1x512xf32, #tpu.memory_space<vmem>>
    %dma_wait3A_485 = tpu.memref_squeeze %dma_wait3A_484 : memref<1x512xf32, #tpu.memory_space<vmem>> -> memref<512xf32, #tpu.memory_space<vmem>>
    %dma_wait3A_486 = arith.constant 0 : i32
    %dma_wait3A_487 = tpu.memref_slice %arg4[%add3A_312, %dma_wait3A_486] : memref<60x512xf32, #tpu.memory_space<hbm>> -> memref<1x512xf32, #tpu.memory_space<hbm>>
    %dma_wait3A_488 = tpu.memref_squeeze %dma_wait3A_487 : memref<1x512xf32, #tpu.memory_space<hbm>> -> memref<512xf32, #tpu.memory_space<hbm>>
    %dma_wait3A_489 = arith.constant 0 : i32
    %dma_wait3A_490 = tpu.memref_slice %arg6[%dma_wait3A_482, %dma_wait3A_489] : memref<8x512xf32, #tpu.memory_space<vmem>> -> memref<1x512xf32, #tpu.memory_space<vmem>>
    %dma_wait3A_491 = tpu.memref_squeeze %dma_wait3A_490 : memref<1x512xf32, #tpu.memory_space<vmem>> -> memref<512xf32, #tpu.memory_space<vmem>>
    %dma_wait3A_492 = arith.constant 0 : i32
    %dma_wait3A_493 = tpu.memref_slice %arg4[%add3A_312, %dma_wait3A_492] : memref<60x512xf32, #tpu.memory_space<hbm>> -> memref<1x512xf32, #tpu.memory_space<hbm>>
    %dma_wait3A_494 = tpu.memref_squeeze %dma_wait3A_493 : memref<1x512xf32, #tpu.memory_space<hbm>> -> memref<512xf32, #tpu.memory_space<hbm>>
    tpu.wait_dma2 semaphore(%arg13 : memref<!tpu.dma_semaphore, #tpu.memory_space<semaphore_mem>>) src(%dma_wait3A_494 : memref<512xf32, #tpu.memory_space<hbm>>) dst(%dma_wait3A_491 : memref<512xf32, #tpu.memory_space<vmem>>)
    %dma_wait3A_495 = arith.constant 6 : i32
    %dma_wait3A_496 = arith.constant 0 : i32
    %dma_wait3A_497 = tpu.memref_slice %arg6[%dma_wait3A_495, %dma_wait3A_496] : memref<8x512xf32, #tpu.memory_space<vmem>> -> memref<1x512xf32, #tpu.memory_space<vmem>>
    %dma_wait3A_498 = tpu.memref_squeeze %dma_wait3A_497 : memref<1x512xf32, #tpu.memory_space<vmem>> -> memref<512xf32, #tpu.memory_space<vmem>>
    %dma_wait3A_499 = arith.constant 0 : i32
    %dma_wait3A_500 = tpu.memref_slice %arg4[%add3A_312, %dma_wait3A_499] : memref<60x512xf32, #tpu.memory_space<hbm>> -> memref<1x512xf32, #tpu.memory_space<hbm>>
    %dma_wait3A_501 = tpu.memref_squeeze %dma_wait3A_500 : memref<1x512xf32, #tpu.memory_space<hbm>> -> memref<512xf32, #tpu.memory_space<hbm>>
    %dma_wait3A_502 = arith.constant 0 : i32
    %dma_wait3A_503 = tpu.memref_slice %arg6[%dma_wait3A_495, %dma_wait3A_502] : memref<8x512xf32, #tpu.memory_space<vmem>> -> memref<1x512xf32, #tpu.memory_space<vmem>>
    %dma_wait3A_504 = tpu.memref_squeeze %dma_wait3A_503 : memref<1x512xf32, #tpu.memory_space<vmem>> -> memref<512xf32, #tpu.memory_space<vmem>>
    %dma_wait3A_505 = arith.constant 0 : i32
    %dma_wait3A_506 = tpu.memref_slice %arg4[%add3A_312, %dma_wait3A_505] : memref<60x512xf32, #tpu.memory_space<hbm>> -> memref<1x512xf32, #tpu.memory_space<hbm>>
    %dma_wait3A_507 = tpu.memref_squeeze %dma_wait3A_506 : memref<1x512xf32, #tpu.memory_space<hbm>> -> memref<512xf32, #tpu.memory_space<hbm>>
    tpu.wait_dma2 semaphore(%arg13 : memref<!tpu.dma_semaphore, #tpu.memory_space<semaphore_mem>>) src(%dma_wait3A_507 : memref<512xf32, #tpu.memory_space<hbm>>) dst(%dma_wait3A_504 : memref<512xf32, #tpu.memory_space<vmem>>)
    %dma_wait3A_508 = arith.constant 7 : i32
    %dma_wait3A_509 = arith.constant 0 : i32
    %dma_wait3A_510 = tpu.memref_slice %arg6[%dma_wait3A_508, %dma_wait3A_509] : memref<8x512xf32, #tpu.memory_space<vmem>> -> memref<1x512xf32, #tpu.memory_space<vmem>>
    %dma_wait3A_511 = tpu.memref_squeeze %dma_wait3A_510 : memref<1x512xf32, #tpu.memory_space<vmem>> -> memref<512xf32, #tpu.memory_space<vmem>>
    %dma_wait3A_512 = arith.constant 0 : i32
    %dma_wait3A_513 = tpu.memref_slice %arg4[%add3A_312, %dma_wait3A_512] : memref<60x512xf32, #tpu.memory_space<hbm>> -> memref<1x512xf32, #tpu.memory_space<hbm>>
    %dma_wait3A_514 = tpu.memref_squeeze %dma_wait3A_513 : memref<1x512xf32, #tpu.memory_space<hbm>> -> memref<512xf32, #tpu.memory_space<hbm>>
    %dma_wait3A_515 = arith.constant 0 : i32
    %dma_wait3A_516 = tpu.memref_slice %arg6[%dma_wait3A_508, %dma_wait3A_515] : memref<8x512xf32, #tpu.memory_space<vmem>> -> memref<1x512xf32, #tpu.memory_space<vmem>>
    %dma_wait3A_517 = tpu.memref_squeeze %dma_wait3A_516 : memref<1x512xf32, #tpu.memory_space<vmem>> -> memref<512xf32, #tpu.memory_space<vmem>>
    %dma_wait3A_518 = arith.constant 0 : i32
    %dma_wait3A_519 = tpu.memref_slice %arg4[%add3A_312, %dma_wait3A_518] : memref<60x512xf32, #tpu.memory_space<hbm>> -> memref<1x512xf32, #tpu.memory_space<hbm>>
    %dma_wait3A_520 = tpu.memref_squeeze %dma_wait3A_519 : memref<1x512xf32, #tpu.memory_space<hbm>> -> memref<512xf32, #tpu.memory_space<hbm>>
    tpu.wait_dma2 semaphore(%arg13 : memref<!tpu.dma_semaphore, #tpu.memory_space<semaphore_mem>>) src(%dma_wait3A_520 : memref<512xf32, #tpu.memory_space<hbm>>) dst(%dma_wait3A_517 : memref<512xf32, #tpu.memory_space<vmem>>)
    %mul3A_521 = arith.constant 16 : i32
    %mul3A_522 = arith.muli %add3A_312, %mul3A_521 : i32
    %add3A_523 = arith.constant 0 : i32
    %add3A_524 = arith.addi %mul3A_522, %add3A_523 : i32
    %dma_start3A_525 = arith.constant 0 : i32
    %dma_start3A_526 = arith.constant 0 : i32
    %dma_start3A_527 = tpu.memref_slice %arg6[%dma_start3A_525, %dma_start3A_526] : memref<8x512xf32, #tpu.memory_space<vmem>> -> memref<8x512xf32, #tpu.memory_space<vmem>>
    %dma_start3A_528 = arith.constant 0 : i32
    %dma_start3A_529 = tpu.memref_slice %arg11[%add3A_524, %dma_start3A_528] : memref<960x512xf32, #tpu.memory_space<vmem_shared>> -> memref<8x512xf32, #tpu.memory_space<vmem_shared>>
    %dma_start3A_530 = arith.constant 0 : i32
    %dma_start3A_531 = tpu.memref_slice %arg11[%add3A_524, %dma_start3A_530] : memref<960x512xf32, #tpu.memory_space<vmem_shared>> -> memref<8x512xf32, #tpu.memory_space<vmem_shared>>
    %dma_start3A_532 = arith.constant 0 : i32
    %dma_start3A_533 = arith.constant 0 : i32
    %dma_start3A_534 = tpu.memref_slice %arg6[%dma_start3A_532, %dma_start3A_533] : memref<8x512xf32, #tpu.memory_space<vmem>> -> memref<8x512xf32, #tpu.memory_space<vmem>>
    tpu.enqueue_dma source(%dma_start3A_534 : memref<8x512xf32, #tpu.memory_space<vmem>>) target(%dma_start3A_531 : memref<8x512xf32, #tpu.memory_space<vmem_shared>>) target_semaphore(%arg13 : memref<!tpu.dma_semaphore, #tpu.memory_space<semaphore_mem>>)
    %mul3A_535 = arith.constant 16 : i32
    %mul3A_536 = arith.muli %add3A_312, %mul3A_535 : i32
    %add3A_537 = arith.constant 8 : i32
    %add3A_538 = arith.addi %mul3A_536, %add3A_537 : i32
    %dma_start3A_539 = arith.constant 0 : i32
    %dma_start3A_540 = arith.constant 0 : i32
    %dma_start3A_541 = tpu.memref_slice %arg6[%dma_start3A_539, %dma_start3A_540] : memref<8x512xf32, #tpu.memory_space<vmem>> -> memref<8x512xf32, #tpu.memory_space<vmem>>
    %dma_start3A_542 = arith.constant 0 : i32
    %dma_start3A_543 = tpu.memref_slice %arg11[%add3A_538, %dma_start3A_542] : memref<960x512xf32, #tpu.memory_space<vmem_shared>> -> memref<8x512xf32, #tpu.memory_space<vmem_shared>>
    %dma_start3A_544 = arith.constant 0 : i32
    %dma_start3A_545 = tpu.memref_slice %arg11[%add3A_538, %dma_start3A_544] : memref<960x512xf32, #tpu.memory_space<vmem_shared>> -> memref<8x512xf32, #tpu.memory_space<vmem_shared>>
    %dma_start3A_546 = arith.constant 0 : i32
    %dma_start3A_547 = arith.constant 0 : i32
    %dma_start3A_548 = tpu.memref_slice %arg6[%dma_start3A_546, %dma_start3A_547] : memref<8x512xf32, #tpu.memory_space<vmem>> -> memref<8x512xf32, #tpu.memory_space<vmem>>
    tpu.enqueue_dma source(%dma_start3A_548 : memref<8x512xf32, #tpu.memory_space<vmem>>) target(%dma_start3A_545 : memref<8x512xf32, #tpu.memory_space<vmem_shared>>) target_semaphore(%arg13 : memref<!tpu.dma_semaphore, #tpu.memory_space<semaphore_mem>>)
    %mul3A_549 = arith.constant 16 : i32
    %mul3A_550 = arith.muli %add3A_312, %mul3A_549 : i32
    %add3A_551 = arith.constant 0 : i32
    %add3A_552 = arith.addi %mul3A_550, %add3A_551 : i32
    %dma_wait3A_553 = arith.constant 0 : i32
    %dma_wait3A_554 = arith.constant 0 : i32
    %dma_wait3A_555 = tpu.memref_slice %arg6[%dma_wait3A_553, %dma_wait3A_554] : memref<8x512xf32, #tpu.memory_space<vmem>> -> memref<8x512xf32, #tpu.memory_space<vmem>>
    %dma_wait3A_556 = arith.constant 0 : i32
    %dma_wait3A_557 = tpu.memref_slice %arg11[%add3A_552, %dma_wait3A_556] : memref<960x512xf32, #tpu.memory_space<vmem_shared>> -> memref<8x512xf32, #tpu.memory_space<vmem_shared>>
    %dma_wait3A_558 = arith.constant 0 : i32
    %dma_wait3A_559 = tpu.memref_slice %arg11[%add3A_552, %dma_wait3A_558] : memref<960x512xf32, #tpu.memory_space<vmem_shared>> -> memref<8x512xf32, #tpu.memory_space<vmem_shared>>
    %dma_wait3A_560 = arith.constant 0 : i32
    %dma_wait3A_561 = arith.constant 0 : i32
    %dma_wait3A_562 = tpu.memref_slice %arg6[%dma_wait3A_560, %dma_wait3A_561] : memref<8x512xf32, #tpu.memory_space<vmem>> -> memref<8x512xf32, #tpu.memory_space<vmem>>
    tpu.wait_dma2 semaphore(%arg13 : memref<!tpu.dma_semaphore, #tpu.memory_space<semaphore_mem>>) src(%dma_wait3A_562 : memref<8x512xf32, #tpu.memory_space<vmem>>) dst(%dma_wait3A_559 : memref<8x512xf32, #tpu.memory_space<vmem_shared>>)
    %mul3A_563 = arith.constant 16 : i32
    %mul3A_564 = arith.muli %add3A_312, %mul3A_563 : i32
    %add3A_565 = arith.constant 8 : i32
    %add3A_566 = arith.addi %mul3A_564, %add3A_565 : i32
    %dma_wait3A_567 = arith.constant 0 : i32
    %dma_wait3A_568 = arith.constant 0 : i32
    %dma_wait3A_569 = tpu.memref_slice %arg6[%dma_wait3A_567, %dma_wait3A_568] : memref<8x512xf32, #tpu.memory_space<vmem>> -> memref<8x512xf32, #tpu.memory_space<vmem>>
    %dma_wait3A_570 = arith.constant 0 : i32
    %dma_wait3A_571 = tpu.memref_slice %arg11[%add3A_566, %dma_wait3A_570] : memref<960x512xf32, #tpu.memory_space<vmem_shared>> -> memref<8x512xf32, #tpu.memory_space<vmem_shared>>
    %dma_wait3A_572 = arith.constant 0 : i32
    %dma_wait3A_573 = tpu.memref_slice %arg11[%add3A_566, %dma_wait3A_572] : memref<960x512xf32, #tpu.memory_space<vmem_shared>> -> memref<8x512xf32, #tpu.memory_space<vmem_shared>>
    %dma_wait3A_574 = arith.constant 0 : i32
    %dma_wait3A_575 = arith.constant 0 : i32
    %dma_wait3A_576 = tpu.memref_slice %arg6[%dma_wait3A_574, %dma_wait3A_575] : memref<8x512xf32, #tpu.memory_space<vmem>> -> memref<8x512xf32, #tpu.memory_space<vmem>>
    tpu.wait_dma2 semaphore(%arg13 : memref<!tpu.dma_semaphore, #tpu.memory_space<semaphore_mem>>) src(%dma_wait3A_576 : memref<8x512xf32, #tpu.memory_space<vmem>>) dst(%dma_wait3A_573 : memref<8x512xf32, #tpu.memory_space<vmem_shared>>)
    %add3A_577 = arith.constant 32 : i32
    %add3A_578 = arith.addi %arg1, %add3A_577 : i32
    %dma_start3A_579 = arith.constant 0 : i32
    %dma_start3A_580 = arith.constant 0 : i32
    %dma_start3A_581 = tpu.memref_slice %arg6[%dma_start3A_579, %dma_start3A_580] : memref<8x512xf32, #tpu.memory_space<vmem>> -> memref<1x512xf32, #tpu.memory_space<vmem>>
    %dma_start3A_582 = tpu.memref_squeeze %dma_start3A_581 : memref<1x512xf32, #tpu.memory_space<vmem>> -> memref<512xf32, #tpu.memory_space<vmem>>
    %dma_start3A_583 = arith.constant 0 : i32
    %dma_start3A_584 = tpu.memref_slice %arg4[%add3A_578, %dma_start3A_583] : memref<60x512xf32, #tpu.memory_space<hbm>> -> memref<1x512xf32, #tpu.memory_space<hbm>>
    %dma_start3A_585 = tpu.memref_squeeze %dma_start3A_584 : memref<1x512xf32, #tpu.memory_space<hbm>> -> memref<512xf32, #tpu.memory_space<hbm>>
    %dma_start3A_586 = arith.constant 0 : i32
    %dma_start3A_587 = tpu.memref_slice %arg6[%dma_start3A_579, %dma_start3A_586] : memref<8x512xf32, #tpu.memory_space<vmem>> -> memref<1x512xf32, #tpu.memory_space<vmem>>
    %dma_start3A_588 = tpu.memref_squeeze %dma_start3A_587 : memref<1x512xf32, #tpu.memory_space<vmem>> -> memref<512xf32, #tpu.memory_space<vmem>>
    %dma_start3A_589 = arith.constant 0 : i32
    %dma_start3A_590 = tpu.memref_slice %arg4[%add3A_578, %dma_start3A_589] : memref<60x512xf32, #tpu.memory_space<hbm>> -> memref<1x512xf32, #tpu.memory_space<hbm>>
    %dma_start3A_591 = tpu.memref_squeeze %dma_start3A_590 : memref<1x512xf32, #tpu.memory_space<hbm>> -> memref<512xf32, #tpu.memory_space<hbm>>
    tpu.enqueue_dma source(%dma_start3A_591 : memref<512xf32, #tpu.memory_space<hbm>>) target(%dma_start3A_588 : memref<512xf32, #tpu.memory_space<vmem>>) target_semaphore(%arg13 : memref<!tpu.dma_semaphore, #tpu.memory_space<semaphore_mem>>)
    %dma_start3A_592 = arith.constant 1 : i32
    %dma_start3A_593 = arith.constant 0 : i32
    %dma_start3A_594 = tpu.memref_slice %arg6[%dma_start3A_592, %dma_start3A_593] : memref<8x512xf32, #tpu.memory_space<vmem>> -> memref<1x512xf32, #tpu.memory_space<vmem>>
    %dma_start3A_595 = tpu.memref_squeeze %dma_start3A_594 : memref<1x512xf32, #tpu.memory_space<vmem>> -> memref<512xf32, #tpu.memory_space<vmem>>
    %dma_start3A_596 = arith.constant 0 : i32
    %dma_start3A_597 = tpu.memref_slice %arg4[%add3A_578, %dma_start3A_596] : memref<60x512xf32, #tpu.memory_space<hbm>> -> memref<1x512xf32, #tpu.memory_space<hbm>>
    %dma_start3A_598 = tpu.memref_squeeze %dma_start3A_597 : memref<1x512xf32, #tpu.memory_space<hbm>> -> memref<512xf32, #tpu.memory_space<hbm>>
    %dma_start3A_599 = arith.constant 0 : i32
    %dma_start3A_600 = tpu.memref_slice %arg6[%dma_start3A_592, %dma_start3A_599] : memref<8x512xf32, #tpu.memory_space<vmem>> -> memref<1x512xf32, #tpu.memory_space<vmem>>
    %dma_start3A_601 = tpu.memref_squeeze %dma_start3A_600 : memref<1x512xf32, #tpu.memory_space<vmem>> -> memref<512xf32, #tpu.memory_space<vmem>>
    %dma_start3A_602 = arith.constant 0 : i32
    %dma_start3A_603 = tpu.memref_slice %arg4[%add3A_578, %dma_start3A_602] : memref<60x512xf32, #tpu.memory_space<hbm>> -> memref<1x512xf32, #tpu.memory_space<hbm>>
    %dma_start3A_604 = tpu.memref_squeeze %dma_start3A_603 : memref<1x512xf32, #tpu.memory_space<hbm>> -> memref<512xf32, #tpu.memory_space<hbm>>
    tpu.enqueue_dma source(%dma_start3A_604 : memref<512xf32, #tpu.memory_space<hbm>>) target(%dma_start3A_601 : memref<512xf32, #tpu.memory_space<vmem>>) target_semaphore(%arg13 : memref<!tpu.dma_semaphore, #tpu.memory_space<semaphore_mem>>)
    %dma_start3A_605 = arith.constant 2 : i32
    %dma_start3A_606 = arith.constant 0 : i32
    %dma_start3A_607 = tpu.memref_slice %arg6[%dma_start3A_605, %dma_start3A_606] : memref<8x512xf32, #tpu.memory_space<vmem>> -> memref<1x512xf32, #tpu.memory_space<vmem>>
    %dma_start3A_608 = tpu.memref_squeeze %dma_start3A_607 : memref<1x512xf32, #tpu.memory_space<vmem>> -> memref<512xf32, #tpu.memory_space<vmem>>
    %dma_start3A_609 = arith.constant 0 : i32
    %dma_start3A_610 = tpu.memref_slice %arg4[%add3A_578, %dma_start3A_609] : memref<60x512xf32, #tpu.memory_space<hbm>> -> memref<1x512xf32, #tpu.memory_space<hbm>>
    %dma_start3A_611 = tpu.memref_squeeze %dma_start3A_610 : memref<1x512xf32, #tpu.memory_space<hbm>> -> memref<512xf32, #tpu.memory_space<hbm>>
    %dma_start3A_612 = arith.constant 0 : i32
    %dma_start3A_613 = tpu.memref_slice %arg6[%dma_start3A_605, %dma_start3A_612] : memref<8x512xf32, #tpu.memory_space<vmem>> -> memref<1x512xf32, #tpu.memory_space<vmem>>
    %dma_start3A_614 = tpu.memref_squeeze %dma_start3A_613 : memref<1x512xf32, #tpu.memory_space<vmem>> -> memref<512xf32, #tpu.memory_space<vmem>>
    %dma_start3A_615 = arith.constant 0 : i32
    %dma_start3A_616 = tpu.memref_slice %arg4[%add3A_578, %dma_start3A_615] : memref<60x512xf32, #tpu.memory_space<hbm>> -> memref<1x512xf32, #tpu.memory_space<hbm>>
    %dma_start3A_617 = tpu.memref_squeeze %dma_start3A_616 : memref<1x512xf32, #tpu.memory_space<hbm>> -> memref<512xf32, #tpu.memory_space<hbm>>
    tpu.enqueue_dma source(%dma_start3A_617 : memref<512xf32, #tpu.memory_space<hbm>>) target(%dma_start3A_614 : memref<512xf32, #tpu.memory_space<vmem>>) target_semaphore(%arg13 : memref<!tpu.dma_semaphore, #tpu.memory_space<semaphore_mem>>)
    %dma_start3A_618 = arith.constant 3 : i32
    %dma_start3A_619 = arith.constant 0 : i32
    %dma_start3A_620 = tpu.memref_slice %arg6[%dma_start3A_618, %dma_start3A_619] : memref<8x512xf32, #tpu.memory_space<vmem>> -> memref<1x512xf32, #tpu.memory_space<vmem>>
    %dma_start3A_621 = tpu.memref_squeeze %dma_start3A_620 : memref<1x512xf32, #tpu.memory_space<vmem>> -> memref<512xf32, #tpu.memory_space<vmem>>
    %dma_start3A_622 = arith.constant 0 : i32
    %dma_start3A_623 = tpu.memref_slice %arg4[%add3A_578, %dma_start3A_622] : memref<60x512xf32, #tpu.memory_space<hbm>> -> memref<1x512xf32, #tpu.memory_space<hbm>>
    %dma_start3A_624 = tpu.memref_squeeze %dma_start3A_623 : memref<1x512xf32, #tpu.memory_space<hbm>> -> memref<512xf32, #tpu.memory_space<hbm>>
    %dma_start3A_625 = arith.constant 0 : i32
    %dma_start3A_626 = tpu.memref_slice %arg6[%dma_start3A_618, %dma_start3A_625] : memref<8x512xf32, #tpu.memory_space<vmem>> -> memref<1x512xf32, #tpu.memory_space<vmem>>
    %dma_start3A_627 = tpu.memref_squeeze %dma_start3A_626 : memref<1x512xf32, #tpu.memory_space<vmem>> -> memref<512xf32, #tpu.memory_space<vmem>>
    %dma_start3A_628 = arith.constant 0 : i32
    %dma_start3A_629 = tpu.memref_slice %arg4[%add3A_578, %dma_start3A_628] : memref<60x512xf32, #tpu.memory_space<hbm>> -> memref<1x512xf32, #tpu.memory_space<hbm>>
    %dma_start3A_630 = tpu.memref_squeeze %dma_start3A_629 : memref<1x512xf32, #tpu.memory_space<hbm>> -> memref<512xf32, #tpu.memory_space<hbm>>
    tpu.enqueue_dma source(%dma_start3A_630 : memref<512xf32, #tpu.memory_space<hbm>>) target(%dma_start3A_627 : memref<512xf32, #tpu.memory_space<vmem>>) target_semaphore(%arg13 : memref<!tpu.dma_semaphore, #tpu.memory_space<semaphore_mem>>)
    %dma_start3A_631 = arith.constant 4 : i32
    %dma_start3A_632 = arith.constant 0 : i32
    %dma_start3A_633 = tpu.memref_slice %arg6[%dma_start3A_631, %dma_start3A_632] : memref<8x512xf32, #tpu.memory_space<vmem>> -> memref<1x512xf32, #tpu.memory_space<vmem>>
    %dma_start3A_634 = tpu.memref_squeeze %dma_start3A_633 : memref<1x512xf32, #tpu.memory_space<vmem>> -> memref<512xf32, #tpu.memory_space<vmem>>
    %dma_start3A_635 = arith.constant 0 : i32
    %dma_start3A_636 = tpu.memref_slice %arg4[%add3A_578, %dma_start3A_635] : memref<60x512xf32, #tpu.memory_space<hbm>> -> memref<1x512xf32, #tpu.memory_space<hbm>>
    %dma_start3A_637 = tpu.memref_squeeze %dma_start3A_636 : memref<1x512xf32, #tpu.memory_space<hbm>> -> memref<512xf32, #tpu.memory_space<hbm>>
    %dma_start3A_638 = arith.constant 0 : i32
    %dma_start3A_639 = tpu.memref_slice %arg6[%dma_start3A_631, %dma_start3A_638] : memref<8x512xf32, #tpu.memory_space<vmem>> -> memref<1x512xf32, #tpu.memory_space<vmem>>
    %dma_start3A_640 = tpu.memref_squeeze %dma_start3A_639 : memref<1x512xf32, #tpu.memory_space<vmem>> -> memref<512xf32, #tpu.memory_space<vmem>>
    %dma_start3A_641 = arith.constant 0 : i32
    %dma_start3A_642 = tpu.memref_slice %arg4[%add3A_578, %dma_start3A_641] : memref<60x512xf32, #tpu.memory_space<hbm>> -> memref<1x512xf32, #tpu.memory_space<hbm>>
    %dma_start3A_643 = tpu.memref_squeeze %dma_start3A_642 : memref<1x512xf32, #tpu.memory_space<hbm>> -> memref<512xf32, #tpu.memory_space<hbm>>
    tpu.enqueue_dma source(%dma_start3A_643 : memref<512xf32, #tpu.memory_space<hbm>>) target(%dma_start3A_640 : memref<512xf32, #tpu.memory_space<vmem>>) target_semaphore(%arg13 : memref<!tpu.dma_semaphore, #tpu.memory_space<semaphore_mem>>)
    %dma_start3A_644 = arith.constant 5 : i32
    %dma_start3A_645 = arith.constant 0 : i32
    %dma_start3A_646 = tpu.memref_slice %arg6[%dma_start3A_644, %dma_start3A_645] : memref<8x512xf32, #tpu.memory_space<vmem>> -> memref<1x512xf32, #tpu.memory_space<vmem>>
    %dma_start3A_647 = tpu.memref_squeeze %dma_start3A_646 : memref<1x512xf32, #tpu.memory_space<vmem>> -> memref<512xf32, #tpu.memory_space<vmem>>
    %dma_start3A_648 = arith.constant 0 : i32
    %dma_start3A_649 = tpu.memref_slice %arg4[%add3A_578, %dma_start3A_648] : memref<60x512xf32, #tpu.memory_space<hbm>> -> memref<1x512xf32, #tpu.memory_space<hbm>>
    %dma_start3A_650 = tpu.memref_squeeze %dma_start3A_649 : memref<1x512xf32, #tpu.memory_space<hbm>> -> memref<512xf32, #tpu.memory_space<hbm>>
    %dma_start3A_651 = arith.constant 0 : i32
    %dma_start3A_652 = tpu.memref_slice %arg6[%dma_start3A_644, %dma_start3A_651] : memref<8x512xf32, #tpu.memory_space<vmem>> -> memref<1x512xf32, #tpu.memory_space<vmem>>
    %dma_start3A_653 = tpu.memref_squeeze %dma_start3A_652 : memref<1x512xf32, #tpu.memory_space<vmem>> -> memref<512xf32, #tpu.memory_space<vmem>>
    %dma_start3A_654 = arith.constant 0 : i32
    %dma_start3A_655 = tpu.memref_slice %arg4[%add3A_578, %dma_start3A_654] : memref<60x512xf32, #tpu.memory_space<hbm>> -> memref<1x512xf32, #tpu.memory_space<hbm>>
    %dma_start3A_656 = tpu.memref_squeeze %dma_start3A_655 : memref<1x512xf32, #tpu.memory_space<hbm>> -> memref<512xf32, #tpu.memory_space<hbm>>
    tpu.enqueue_dma source(%dma_start3A_656 : memref<512xf32, #tpu.memory_space<hbm>>) target(%dma_start3A_653 : memref<512xf32, #tpu.memory_space<vmem>>) target_semaphore(%arg13 : memref<!tpu.dma_semaphore, #tpu.memory_space<semaphore_mem>>)
    %dma_start3A_657 = arith.constant 6 : i32
    %dma_start3A_658 = arith.constant 0 : i32
    %dma_start3A_659 = tpu.memref_slice %arg6[%dma_start3A_657, %dma_start3A_658] : memref<8x512xf32, #tpu.memory_space<vmem>> -> memref<1x512xf32, #tpu.memory_space<vmem>>
    %dma_start3A_660 = tpu.memref_squeeze %dma_start3A_659 : memref<1x512xf32, #tpu.memory_space<vmem>> -> memref<512xf32, #tpu.memory_space<vmem>>
    %dma_start3A_661 = arith.constant 0 : i32
    %dma_start3A_662 = tpu.memref_slice %arg4[%add3A_578, %dma_start3A_661] : memref<60x512xf32, #tpu.memory_space<hbm>> -> memref<1x512xf32, #tpu.memory_space<hbm>>
    %dma_start3A_663 = tpu.memref_squeeze %dma_start3A_662 : memref<1x512xf32, #tpu.memory_space<hbm>> -> memref<512xf32, #tpu.memory_space<hbm>>
    %dma_start3A_664 = arith.constant 0 : i32
    %dma_start3A_665 = tpu.memref_slice %arg6[%dma_start3A_657, %dma_start3A_664] : memref<8x512xf32, #tpu.memory_space<vmem>> -> memref<1x512xf32, #tpu.memory_space<vmem>>
    %dma_start3A_666 = tpu.memref_squeeze %dma_start3A_665 : memref<1x512xf32, #tpu.memory_space<vmem>> -> memref<512xf32, #tpu.memory_space<vmem>>
    %dma_start3A_667 = arith.constant 0 : i32
    %dma_start3A_668 = tpu.memref_slice %arg4[%add3A_578, %dma_start3A_667] : memref<60x512xf32, #tpu.memory_space<hbm>> -> memref<1x512xf32, #tpu.memory_space<hbm>>
    %dma_start3A_669 = tpu.memref_squeeze %dma_start3A_668 : memref<1x512xf32, #tpu.memory_space<hbm>> -> memref<512xf32, #tpu.memory_space<hbm>>
    tpu.enqueue_dma source(%dma_start3A_669 : memref<512xf32, #tpu.memory_space<hbm>>) target(%dma_start3A_666 : memref<512xf32, #tpu.memory_space<vmem>>) target_semaphore(%arg13 : memref<!tpu.dma_semaphore, #tpu.memory_space<semaphore_mem>>)
    %dma_start3A_670 = arith.constant 7 : i32
    %dma_start3A_671 = arith.constant 0 : i32
    %dma_start3A_672 = tpu.memref_slice %arg6[%dma_start3A_670, %dma_start3A_671] : memref<8x512xf32, #tpu.memory_space<vmem>> -> memref<1x512xf32, #tpu.memory_space<vmem>>
    %dma_start3A_673 = tpu.memref_squeeze %dma_start3A_672 : memref<1x512xf32, #tpu.memory_space<vmem>> -> memref<512xf32, #tpu.memory_space<vmem>>
    %dma_start3A_674 = arith.constant 0 : i32
    %dma_start3A_675 = tpu.memref_slice %arg4[%add3A_578, %dma_start3A_674] : memref<60x512xf32, #tpu.memory_space<hbm>> -> memref<1x512xf32, #tpu.memory_space<hbm>>
    %dma_start3A_676 = tpu.memref_squeeze %dma_start3A_675 : memref<1x512xf32, #tpu.memory_space<hbm>> -> memref<512xf32, #tpu.memory_space<hbm>>
    %dma_start3A_677 = arith.constant 0 : i32
    %dma_start3A_678 = tpu.memref_slice %arg6[%dma_start3A_670, %dma_start3A_677] : memref<8x512xf32, #tpu.memory_space<vmem>> -> memref<1x512xf32, #tpu.memory_space<vmem>>
    %dma_start3A_679 = tpu.memref_squeeze %dma_start3A_678 : memref<1x512xf32, #tpu.memory_space<vmem>> -> memref<512xf32, #tpu.memory_space<vmem>>
    %dma_start3A_680 = arith.constant 0 : i32
    %dma_start3A_681 = tpu.memref_slice %arg4[%add3A_578, %dma_start3A_680] : memref<60x512xf32, #tpu.memory_space<hbm>> -> memref<1x512xf32, #tpu.memory_space<hbm>>
    %dma_start3A_682 = tpu.memref_squeeze %dma_start3A_681 : memref<1x512xf32, #tpu.memory_space<hbm>> -> memref<512xf32, #tpu.memory_space<hbm>>
    tpu.enqueue_dma source(%dma_start3A_682 : memref<512xf32, #tpu.memory_space<hbm>>) target(%dma_start3A_679 : memref<512xf32, #tpu.memory_space<vmem>>) target_semaphore(%arg13 : memref<!tpu.dma_semaphore, #tpu.memory_space<semaphore_mem>>)
    %dma_wait3A_683 = arith.constant 0 : i32
    %dma_wait3A_684 = arith.constant 0 : i32
    %dma_wait3A_685 = tpu.memref_slice %arg6[%dma_wait3A_683, %dma_wait3A_684] : memref<8x512xf32, #tpu.memory_space<vmem>> -> memref<1x512xf32, #tpu.memory_space<vmem>>
    %dma_wait3A_686 = tpu.memref_squeeze %dma_wait3A_685 : memref<1x512xf32, #tpu.memory_space<vmem>> -> memref<512xf32, #tpu.memory_space<vmem>>
    %dma_wait3A_687 = arith.constant 0 : i32
    %dma_wait3A_688 = tpu.memref_slice %arg4[%add3A_578, %dma_wait3A_687] : memref<60x512xf32, #tpu.memory_space<hbm>> -> memref<1x512xf32, #tpu.memory_space<hbm>>
    %dma_wait3A_689 = tpu.memref_squeeze %dma_wait3A_688 : memref<1x512xf32, #tpu.memory_space<hbm>> -> memref<512xf32, #tpu.memory_space<hbm>>
    %dma_wait3A_690 = arith.constant 0 : i32
    %dma_wait3A_691 = tpu.memref_slice %arg6[%dma_wait3A_683, %dma_wait3A_690] : memref<8x512xf32, #tpu.memory_space<vmem>> -> memref<1x512xf32, #tpu.memory_space<vmem>>
    %dma_wait3A_692 = tpu.memref_squeeze %dma_wait3A_691 : memref<1x512xf32, #tpu.memory_space<vmem>> -> memref<512xf32, #tpu.memory_space<vmem>>
    %dma_wait3A_693 = arith.constant 0 : i32
    %dma_wait3A_694 = tpu.memref_slice %arg4[%add3A_578, %dma_wait3A_693] : memref<60x512xf32, #tpu.memory_space<hbm>> -> memref<1x512xf32, #tpu.memory_space<hbm>>
    %dma_wait3A_695 = tpu.memref_squeeze %dma_wait3A_694 : memref<1x512xf32, #tpu.memory_space<hbm>> -> memref<512xf32, #tpu.memory_space<hbm>>
    tpu.wait_dma2 semaphore(%arg13 : memref<!tpu.dma_semaphore, #tpu.memory_space<semaphore_mem>>) src(%dma_wait3A_695 : memref<512xf32, #tpu.memory_space<hbm>>) dst(%dma_wait3A_692 : memref<512xf32, #tpu.memory_space<vmem>>)
    %dma_wait3A_696 = arith.constant 1 : i32
    %dma_wait3A_697 = arith.constant 0 : i32
    %dma_wait3A_698 = tpu.memref_slice %arg6[%dma_wait3A_696, %dma_wait3A_697] : memref<8x512xf32, #tpu.memory_space<vmem>> -> memref<1x512xf32, #tpu.memory_space<vmem>>
    %dma_wait3A_699 = tpu.memref_squeeze %dma_wait3A_698 : memref<1x512xf32, #tpu.memory_space<vmem>> -> memref<512xf32, #tpu.memory_space<vmem>>
    %dma_wait3A_700 = arith.constant 0 : i32
    %dma_wait3A_701 = tpu.memref_slice %arg4[%add3A_578, %dma_wait3A_700] : memref<60x512xf32, #tpu.memory_space<hbm>> -> memref<1x512xf32, #tpu.memory_space<hbm>>
    %dma_wait3A_702 = tpu.memref_squeeze %dma_wait3A_701 : memref<1x512xf32, #tpu.memory_space<hbm>> -> memref<512xf32, #tpu.memory_space<hbm>>
    %dma_wait3A_703 = arith.constant 0 : i32
    %dma_wait3A_704 = tpu.memref_slice %arg6[%dma_wait3A_696, %dma_wait3A_703] : memref<8x512xf32, #tpu.memory_space<vmem>> -> memref<1x512xf32, #tpu.memory_space<vmem>>
    %dma_wait3A_705 = tpu.memref_squeeze %dma_wait3A_704 : memref<1x512xf32, #tpu.memory_space<vmem>> -> memref<512xf32, #tpu.memory_space<vmem>>
    %dma_wait3A_706 = arith.constant 0 : i32
    %dma_wait3A_707 = tpu.memref_slice %arg4[%add3A_578, %dma_wait3A_706] : memref<60x512xf32, #tpu.memory_space<hbm>> -> memref<1x512xf32, #tpu.memory_space<hbm>>
    %dma_wait3A_708 = tpu.memref_squeeze %dma_wait3A_707 : memref<1x512xf32, #tpu.memory_space<hbm>> -> memref<512xf32, #tpu.memory_space<hbm>>
    tpu.wait_dma2 semaphore(%arg13 : memref<!tpu.dma_semaphore, #tpu.memory_space<semaphore_mem>>) src(%dma_wait3A_708 : memref<512xf32, #tpu.memory_space<hbm>>) dst(%dma_wait3A_705 : memref<512xf32, #tpu.memory_space<vmem>>)
    %dma_wait3A_709 = arith.constant 2 : i32
    %dma_wait3A_710 = arith.constant 0 : i32
    %dma_wait3A_711 = tpu.memref_slice %arg6[%dma_wait3A_709, %dma_wait3A_710] : memref<8x512xf32, #tpu.memory_space<vmem>> -> memref<1x512xf32, #tpu.memory_space<vmem>>
    %dma_wait3A_712 = tpu.memref_squeeze %dma_wait3A_711 : memref<1x512xf32, #tpu.memory_space<vmem>> -> memref<512xf32, #tpu.memory_space<vmem>>
    %dma_wait3A_713 = arith.constant 0 : i32
    %dma_wait3A_714 = tpu.memref_slice %arg4[%add3A_578, %dma_wait3A_713] : memref<60x512xf32, #tpu.memory_space<hbm>> -> memref<1x512xf32, #tpu.memory_space<hbm>>
    %dma_wait3A_715 = tpu.memref_squeeze %dma_wait3A_714 : memref<1x512xf32, #tpu.memory_space<hbm>> -> memref<512xf32, #tpu.memory_space<hbm>>
    %dma_wait3A_716 = arith.constant 0 : i32
    %dma_wait3A_717 = tpu.memref_slice %arg6[%dma_wait3A_709, %dma_wait3A_716] : memref<8x512xf32, #tpu.memory_space<vmem>> -> memref<1x512xf32, #tpu.memory_space<vmem>>
    %dma_wait3A_718 = tpu.memref_squeeze %dma_wait3A_717 : memref<1x512xf32, #tpu.memory_space<vmem>> -> memref<512xf32, #tpu.memory_space<vmem>>
    %dma_wait3A_719 = arith.constant 0 : i32
    %dma_wait3A_720 = tpu.memref_slice %arg4[%add3A_578, %dma_wait3A_719] : memref<60x512xf32, #tpu.memory_space<hbm>> -> memref<1x512xf32, #tpu.memory_space<hbm>>
    %dma_wait3A_721 = tpu.memref_squeeze %dma_wait3A_720 : memref<1x512xf32, #tpu.memory_space<hbm>> -> memref<512xf32, #tpu.memory_space<hbm>>
    tpu.wait_dma2 semaphore(%arg13 : memref<!tpu.dma_semaphore, #tpu.memory_space<semaphore_mem>>) src(%dma_wait3A_721 : memref<512xf32, #tpu.memory_space<hbm>>) dst(%dma_wait3A_718 : memref<512xf32, #tpu.memory_space<vmem>>)
    %dma_wait3A_722 = arith.constant 3 : i32
    %dma_wait3A_723 = arith.constant 0 : i32
    %dma_wait3A_724 = tpu.memref_slice %arg6[%dma_wait3A_722, %dma_wait3A_723] : memref<8x512xf32, #tpu.memory_space<vmem>> -> memref<1x512xf32, #tpu.memory_space<vmem>>
    %dma_wait3A_725 = tpu.memref_squeeze %dma_wait3A_724 : memref<1x512xf32, #tpu.memory_space<vmem>> -> memref<512xf32, #tpu.memory_space<vmem>>
    %dma_wait3A_726 = arith.constant 0 : i32
    %dma_wait3A_727 = tpu.memref_slice %arg4[%add3A_578, %dma_wait3A_726] : memref<60x512xf32, #tpu.memory_space<hbm>> -> memref<1x512xf32, #tpu.memory_space<hbm>>
    %dma_wait3A_728 = tpu.memref_squeeze %dma_wait3A_727 : memref<1x512xf32, #tpu.memory_space<hbm>> -> memref<512xf32, #tpu.memory_space<hbm>>
    %dma_wait3A_729 = arith.constant 0 : i32
    %dma_wait3A_730 = tpu.memref_slice %arg6[%dma_wait3A_722, %dma_wait3A_729] : memref<8x512xf32, #tpu.memory_space<vmem>> -> memref<1x512xf32, #tpu.memory_space<vmem>>
    %dma_wait3A_731 = tpu.memref_squeeze %dma_wait3A_730 : memref<1x512xf32, #tpu.memory_space<vmem>> -> memref<512xf32, #tpu.memory_space<vmem>>
    %dma_wait3A_732 = arith.constant 0 : i32
    %dma_wait3A_733 = tpu.memref_slice %arg4[%add3A_578, %dma_wait3A_732] : memref<60x512xf32, #tpu.memory_space<hbm>> -> memref<1x512xf32, #tpu.memory_space<hbm>>
    %dma_wait3A_734 = tpu.memref_squeeze %dma_wait3A_733 : memref<1x512xf32, #tpu.memory_space<hbm>> -> memref<512xf32, #tpu.memory_space<hbm>>
    tpu.wait_dma2 semaphore(%arg13 : memref<!tpu.dma_semaphore, #tpu.memory_space<semaphore_mem>>) src(%dma_wait3A_734 : memref<512xf32, #tpu.memory_space<hbm>>) dst(%dma_wait3A_731 : memref<512xf32, #tpu.memory_space<vmem>>)
    %dma_wait3A_735 = arith.constant 4 : i32
    %dma_wait3A_736 = arith.constant 0 : i32
    %dma_wait3A_737 = tpu.memref_slice %arg6[%dma_wait3A_735, %dma_wait3A_736] : memref<8x512xf32, #tpu.memory_space<vmem>> -> memref<1x512xf32, #tpu.memory_space<vmem>>
    %dma_wait3A_738 = tpu.memref_squeeze %dma_wait3A_737 : memref<1x512xf32, #tpu.memory_space<vmem>> -> memref<512xf32, #tpu.memory_space<vmem>>
    %dma_wait3A_739 = arith.constant 0 : i32
    %dma_wait3A_740 = tpu.memref_slice %arg4[%add3A_578, %dma_wait3A_739] : memref<60x512xf32, #tpu.memory_space<hbm>> -> memref<1x512xf32, #tpu.memory_space<hbm>>
    %dma_wait3A_741 = tpu.memref_squeeze %dma_wait3A_740 : memref<1x512xf32, #tpu.memory_space<hbm>> -> memref<512xf32, #tpu.memory_space<hbm>>
    %dma_wait3A_742 = arith.constant 0 : i32
    %dma_wait3A_743 = tpu.memref_slice %arg6[%dma_wait3A_735, %dma_wait3A_742] : memref<8x512xf32, #tpu.memory_space<vmem>> -> memref<1x512xf32, #tpu.memory_space<vmem>>
    %dma_wait3A_744 = tpu.memref_squeeze %dma_wait3A_743 : memref<1x512xf32, #tpu.memory_space<vmem>> -> memref<512xf32, #tpu.memory_space<vmem>>
    %dma_wait3A_745 = arith.constant 0 : i32
    %dma_wait3A_746 = tpu.memref_slice %arg4[%add3A_578, %dma_wait3A_745] : memref<60x512xf32, #tpu.memory_space<hbm>> -> memref<1x512xf32, #tpu.memory_space<hbm>>
    %dma_wait3A_747 = tpu.memref_squeeze %dma_wait3A_746 : memref<1x512xf32, #tpu.memory_space<hbm>> -> memref<512xf32, #tpu.memory_space<hbm>>
    tpu.wait_dma2 semaphore(%arg13 : memref<!tpu.dma_semaphore, #tpu.memory_space<semaphore_mem>>) src(%dma_wait3A_747 : memref<512xf32, #tpu.memory_space<hbm>>) dst(%dma_wait3A_744 : memref<512xf32, #tpu.memory_space<vmem>>)
    %dma_wait3A_748 = arith.constant 5 : i32
    %dma_wait3A_749 = arith.constant 0 : i32
    %dma_wait3A_750 = tpu.memref_slice %arg6[%dma_wait3A_748, %dma_wait3A_749] : memref<8x512xf32, #tpu.memory_space<vmem>> -> memref<1x512xf32, #tpu.memory_space<vmem>>
    %dma_wait3A_751 = tpu.memref_squeeze %dma_wait3A_750 : memref<1x512xf32, #tpu.memory_space<vmem>> -> memref<512xf32, #tpu.memory_space<vmem>>
    %dma_wait3A_752 = arith.constant 0 : i32
    %dma_wait3A_753 = tpu.memref_slice %arg4[%add3A_578, %dma_wait3A_752] : memref<60x512xf32, #tpu.memory_space<hbm>> -> memref<1x512xf32, #tpu.memory_space<hbm>>
    %dma_wait3A_754 = tpu.memref_squeeze %dma_wait3A_753 : memref<1x512xf32, #tpu.memory_space<hbm>> -> memref<512xf32, #tpu.memory_space<hbm>>
    %dma_wait3A_755 = arith.constant 0 : i32
    %dma_wait3A_756 = tpu.memref_slice %arg6[%dma_wait3A_748, %dma_wait3A_755] : memref<8x512xf32, #tpu.memory_space<vmem>> -> memref<1x512xf32, #tpu.memory_space<vmem>>
    %dma_wait3A_757 = tpu.memref_squeeze %dma_wait3A_756 : memref<1x512xf32, #tpu.memory_space<vmem>> -> memref<512xf32, #tpu.memory_space<vmem>>
    %dma_wait3A_758 = arith.constant 0 : i32
    %dma_wait3A_759 = tpu.memref_slice %arg4[%add3A_578, %dma_wait3A_758] : memref<60x512xf32, #tpu.memory_space<hbm>> -> memref<1x512xf32, #tpu.memory_space<hbm>>
    %dma_wait3A_760 = tpu.memref_squeeze %dma_wait3A_759 : memref<1x512xf32, #tpu.memory_space<hbm>> -> memref<512xf32, #tpu.memory_space<hbm>>
    tpu.wait_dma2 semaphore(%arg13 : memref<!tpu.dma_semaphore, #tpu.memory_space<semaphore_mem>>) src(%dma_wait3A_760 : memref<512xf32, #tpu.memory_space<hbm>>) dst(%dma_wait3A_757 : memref<512xf32, #tpu.memory_space<vmem>>)
    %dma_wait3A_761 = arith.constant 6 : i32
    %dma_wait3A_762 = arith.constant 0 : i32
    %dma_wait3A_763 = tpu.memref_slice %arg6[%dma_wait3A_761, %dma_wait3A_762] : memref<8x512xf32, #tpu.memory_space<vmem>> -> memref<1x512xf32, #tpu.memory_space<vmem>>
    %dma_wait3A_764 = tpu.memref_squeeze %dma_wait3A_763 : memref<1x512xf32, #tpu.memory_space<vmem>> -> memref<512xf32, #tpu.memory_space<vmem>>
    %dma_wait3A_765 = arith.constant 0 : i32
    %dma_wait3A_766 = tpu.memref_slice %arg4[%add3A_578, %dma_wait3A_765] : memref<60x512xf32, #tpu.memory_space<hbm>> -> memref<1x512xf32, #tpu.memory_space<hbm>>
    %dma_wait3A_767 = tpu.memref_squeeze %dma_wait3A_766 : memref<1x512xf32, #tpu.memory_space<hbm>> -> memref<512xf32, #tpu.memory_space<hbm>>
    %dma_wait3A_768 = arith.constant 0 : i32
    %dma_wait3A_769 = tpu.memref_slice %arg6[%dma_wait3A_761, %dma_wait3A_768] : memref<8x512xf32, #tpu.memory_space<vmem>> -> memref<1x512xf32, #tpu.memory_space<vmem>>
    %dma_wait3A_770 = tpu.memref_squeeze %dma_wait3A_769 : memref<1x512xf32, #tpu.memory_space<vmem>> -> memref<512xf32, #tpu.memory_space<vmem>>
    %dma_wait3A_771 = arith.constant 0 : i32
    %dma_wait3A_772 = tpu.memref_slice %arg4[%add3A_578, %dma_wait3A_771] : memref<60x512xf32, #tpu.memory_space<hbm>> -> memref<1x512xf32, #tpu.memory_space<hbm>>
    %dma_wait3A_773 = tpu.memref_squeeze %dma_wait3A_772 : memref<1x512xf32, #tpu.memory_space<hbm>> -> memref<512xf32, #tpu.memory_space<hbm>>
    tpu.wait_dma2 semaphore(%arg13 : memref<!tpu.dma_semaphore, #tpu.memory_space<semaphore_mem>>) src(%dma_wait3A_773 : memref<512xf32, #tpu.memory_space<hbm>>) dst(%dma_wait3A_770 : memref<512xf32, #tpu.memory_space<vmem>>)
    %dma_wait3A_774 = arith.constant 7 : i32
    %dma_wait3A_775 = arith.constant 0 : i32
    %dma_wait3A_776 = tpu.memref_slice %arg6[%dma_wait3A_774, %dma_wait3A_775] : memref<8x512xf32, #tpu.memory_space<vmem>> -> memref<1x512xf32, #tpu.memory_space<vmem>>
    %dma_wait3A_777 = tpu.memref_squeeze %dma_wait3A_776 : memref<1x512xf32, #tpu.memory_space<vmem>> -> memref<512xf32, #tpu.memory_space<vmem>>
    %dma_wait3A_778 = arith.constant 0 : i32
    %dma_wait3A_779 = tpu.memref_slice %arg4[%add3A_578, %dma_wait3A_778] : memref<60x512xf32, #tpu.memory_space<hbm>> -> memref<1x512xf32, #tpu.memory_space<hbm>>
    %dma_wait3A_780 = tpu.memref_squeeze %dma_wait3A_779 : memref<1x512xf32, #tpu.memory_space<hbm>> -> memref<512xf32, #tpu.memory_space<hbm>>
    %dma_wait3A_781 = arith.constant 0 : i32
    %dma_wait3A_782 = tpu.memref_slice %arg6[%dma_wait3A_774, %dma_wait3A_781] : memref<8x512xf32, #tpu.memory_space<vmem>> -> memref<1x512xf32, #tpu.memory_space<vmem>>
    %dma_wait3A_783 = tpu.memref_squeeze %dma_wait3A_782 : memref<1x512xf32, #tpu.memory_space<vmem>> -> memref<512xf32, #tpu.memory_space<vmem>>
    %dma_wait3A_784 = arith.constant 0 : i32
    %dma_wait3A_785 = tpu.memref_slice %arg4[%add3A_578, %dma_wait3A_784] : memref<60x512xf32, #tpu.memory_space<hbm>> -> memref<1x512xf32, #tpu.memory_space<hbm>>
    %dma_wait3A_786 = tpu.memref_squeeze %dma_wait3A_785 : memref<1x512xf32, #tpu.memory_space<hbm>> -> memref<512xf32, #tpu.memory_space<hbm>>
    tpu.wait_dma2 semaphore(%arg13 : memref<!tpu.dma_semaphore, #tpu.memory_space<semaphore_mem>>) src(%dma_wait3A_786 : memref<512xf32, #tpu.memory_space<hbm>>) dst(%dma_wait3A_783 : memref<512xf32, #tpu.memory_space<vmem>>)
    %mul3A_787 = arith.constant 16 : i32
    %mul3A_788 = arith.muli %add3A_578, %mul3A_787 : i32
    %add3A_789 = arith.constant 0 : i32
    %add3A_790 = arith.addi %mul3A_788, %add3A_789 : i32
    %dma_start3A_791 = arith.constant 0 : i32
    %dma_start3A_792 = arith.constant 0 : i32
    %dma_start3A_793 = tpu.memref_slice %arg6[%dma_start3A_791, %dma_start3A_792] : memref<8x512xf32, #tpu.memory_space<vmem>> -> memref<8x512xf32, #tpu.memory_space<vmem>>
    %dma_start3A_794 = arith.constant 0 : i32
    %dma_start3A_795 = tpu.memref_slice %arg11[%add3A_790, %dma_start3A_794] : memref<960x512xf32, #tpu.memory_space<vmem_shared>> -> memref<8x512xf32, #tpu.memory_space<vmem_shared>>
    %dma_start3A_796 = arith.constant 0 : i32
    %dma_start3A_797 = tpu.memref_slice %arg11[%add3A_790, %dma_start3A_796] : memref<960x512xf32, #tpu.memory_space<vmem_shared>> -> memref<8x512xf32, #tpu.memory_space<vmem_shared>>
    %dma_start3A_798 = arith.constant 0 : i32
    %dma_start3A_799 = arith.constant 0 : i32
    %dma_start3A_800 = tpu.memref_slice %arg6[%dma_start3A_798, %dma_start3A_799] : memref<8x512xf32, #tpu.memory_space<vmem>> -> memref<8x512xf32, #tpu.memory_space<vmem>>
    tpu.enqueue_dma source(%dma_start3A_800 : memref<8x512xf32, #tpu.memory_space<vmem>>) target(%dma_start3A_797 : memref<8x512xf32, #tpu.memory_space<vmem_shared>>) target_semaphore(%arg13 : memref<!tpu.dma_semaphore, #tpu.memory_space<semaphore_mem>>)
    %mul3A_801 = arith.constant 16 : i32
    %mul3A_802 = arith.muli %add3A_578, %mul3A_801 : i32
    %add3A_803 = arith.constant 8 : i32
    %add3A_804 = arith.addi %mul3A_802, %add3A_803 : i32
    %dma_start3A_805 = arith.constant 0 : i32
    %dma_start3A_806 = arith.constant 0 : i32
    %dma_start3A_807 = tpu.memref_slice %arg6[%dma_start3A_805, %dma_start3A_806] : memref<8x512xf32, #tpu.memory_space<vmem>> -> memref<8x512xf32, #tpu.memory_space<vmem>>
    %dma_start3A_808 = arith.constant 0 : i32
    %dma_start3A_809 = tpu.memref_slice %arg11[%add3A_804, %dma_start3A_808] : memref<960x512xf32, #tpu.memory_space<vmem_shared>> -> memref<8x512xf32, #tpu.memory_space<vmem_shared>>
    %dma_start3A_810 = arith.constant 0 : i32
    %dma_start3A_811 = tpu.memref_slice %arg11[%add3A_804, %dma_start3A_810] : memref<960x512xf32, #tpu.memory_space<vmem_shared>> -> memref<8x512xf32, #tpu.memory_space<vmem_shared>>
    %dma_start3A_812 = arith.constant 0 : i32
    %dma_start3A_813 = arith.constant 0 : i32
    %dma_start3A_814 = tpu.memref_slice %arg6[%dma_start3A_812, %dma_start3A_813] : memref<8x512xf32, #tpu.memory_space<vmem>> -> memref<8x512xf32, #tpu.memory_space<vmem>>
    tpu.enqueue_dma source(%dma_start3A_814 : memref<8x512xf32, #tpu.memory_space<vmem>>) target(%dma_start3A_811 : memref<8x512xf32, #tpu.memory_space<vmem_shared>>) target_semaphore(%arg13 : memref<!tpu.dma_semaphore, #tpu.memory_space<semaphore_mem>>)
    %mul3A_815 = arith.constant 16 : i32
    %mul3A_816 = arith.muli %add3A_578, %mul3A_815 : i32
    %add3A_817 = arith.constant 0 : i32
    %add3A_818 = arith.addi %mul3A_816, %add3A_817 : i32
    %dma_wait3A_819 = arith.constant 0 : i32
    %dma_wait3A_820 = arith.constant 0 : i32
    %dma_wait3A_821 = tpu.memref_slice %arg6[%dma_wait3A_819, %dma_wait3A_820] : memref<8x512xf32, #tpu.memory_space<vmem>> -> memref<8x512xf32, #tpu.memory_space<vmem>>
    %dma_wait3A_822 = arith.constant 0 : i32
    %dma_wait3A_823 = tpu.memref_slice %arg11[%add3A_818, %dma_wait3A_822] : memref<960x512xf32, #tpu.memory_space<vmem_shared>> -> memref<8x512xf32, #tpu.memory_space<vmem_shared>>
    %dma_wait3A_824 = arith.constant 0 : i32
    %dma_wait3A_825 = tpu.memref_slice %arg11[%add3A_818, %dma_wait3A_824] : memref<960x512xf32, #tpu.memory_space<vmem_shared>> -> memref<8x512xf32, #tpu.memory_space<vmem_shared>>
    %dma_wait3A_826 = arith.constant 0 : i32
    %dma_wait3A_827 = arith.constant 0 : i32
    %dma_wait3A_828 = tpu.memref_slice %arg6[%dma_wait3A_826, %dma_wait3A_827] : memref<8x512xf32, #tpu.memory_space<vmem>> -> memref<8x512xf32, #tpu.memory_space<vmem>>
    tpu.wait_dma2 semaphore(%arg13 : memref<!tpu.dma_semaphore, #tpu.memory_space<semaphore_mem>>) src(%dma_wait3A_828 : memref<8x512xf32, #tpu.memory_space<vmem>>) dst(%dma_wait3A_825 : memref<8x512xf32, #tpu.memory_space<vmem_shared>>)
    %mul3A_829 = arith.constant 16 : i32
    %mul3A_830 = arith.muli %add3A_578, %mul3A_829 : i32
    %add3A_831 = arith.constant 8 : i32
    %add3A_832 = arith.addi %mul3A_830, %add3A_831 : i32
    %dma_wait3A_833 = arith.constant 0 : i32
    %dma_wait3A_834 = arith.constant 0 : i32
    %dma_wait3A_835 = tpu.memref_slice %arg6[%dma_wait3A_833, %dma_wait3A_834] : memref<8x512xf32, #tpu.memory_space<vmem>> -> memref<8x512xf32, #tpu.memory_space<vmem>>
    %dma_wait3A_836 = arith.constant 0 : i32
    %dma_wait3A_837 = tpu.memref_slice %arg11[%add3A_832, %dma_wait3A_836] : memref<960x512xf32, #tpu.memory_space<vmem_shared>> -> memref<8x512xf32, #tpu.memory_space<vmem_shared>>
    %dma_wait3A_838 = arith.constant 0 : i32
    %dma_wait3A_839 = tpu.memref_slice %arg11[%add3A_832, %dma_wait3A_838] : memref<960x512xf32, #tpu.memory_space<vmem_shared>> -> memref<8x512xf32, #tpu.memory_space<vmem_shared>>
    %dma_wait3A_840 = arith.constant 0 : i32
    %dma_wait3A_841 = arith.constant 0 : i32
    %dma_wait3A_842 = tpu.memref_slice %arg6[%dma_wait3A_840, %dma_wait3A_841] : memref<8x512xf32, #tpu.memory_space<vmem>> -> memref<8x512xf32, #tpu.memory_space<vmem>>
    tpu.wait_dma2 semaphore(%arg13 : memref<!tpu.dma_semaphore, #tpu.memory_space<semaphore_mem>>) src(%dma_wait3A_842 : memref<8x512xf32, #tpu.memory_space<vmem>>) dst(%dma_wait3A_839 : memref<8x512xf32, #tpu.memory_space<vmem_shared>>)
    %add3A_843 = arith.constant 48 : i32
    %add3A_844 = arith.addi %arg1, %add3A_843 : i32
    %lt3A = arith.constant 60 : i32
    %lt3A_845 = arith.cmpi slt, %add3A_844, %lt3A : i32
    %convert_element_type3A = arith.extui %lt3A_845 : i1 to i32
    %cond3A = arith.constant 0 : i32
    %cond3A_846 = arith.cmpi ne, %convert_element_type3A, %cond3A : i32
    scf.if %cond3A_846 {
      %dma_start3A_878 = arith.constant 0 : i32
      %dma_start3A_879 = arith.constant 0 : i32
      %dma_start3A_880 = tpu.memref_slice %arg6[%dma_start3A_878, %dma_start3A_879] : memref<8x512xf32, #tpu.memory_space<vmem>> -> memref<1x512xf32, #tpu.memory_space<vmem>>
      %dma_start3A_881 = tpu.memref_squeeze %dma_start3A_880 : memref<1x512xf32, #tpu.memory_space<vmem>> -> memref<512xf32, #tpu.memory_space<vmem>>
      %dma_start3A_882 = arith.constant 0 : i32
      %dma_start3A_883 = tpu.memref_slice %arg4[%add3A_844, %dma_start3A_882] : memref<60x512xf32, #tpu.memory_space<hbm>> -> memref<1x512xf32, #tpu.memory_space<hbm>>
      %dma_start3A_884 = tpu.memref_squeeze %dma_start3A_883 : memref<1x512xf32, #tpu.memory_space<hbm>> -> memref<512xf32, #tpu.memory_space<hbm>>
      %dma_start3A_885 = arith.constant 0 : i32
      %dma_start3A_886 = tpu.memref_slice %arg6[%dma_start3A_878, %dma_start3A_885] : memref<8x512xf32, #tpu.memory_space<vmem>> -> memref<1x512xf32, #tpu.memory_space<vmem>>
      %dma_start3A_887 = tpu.memref_squeeze %dma_start3A_886 : memref<1x512xf32, #tpu.memory_space<vmem>> -> memref<512xf32, #tpu.memory_space<vmem>>
      %dma_start3A_888 = arith.constant 0 : i32
      %dma_start3A_889 = tpu.memref_slice %arg4[%add3A_844, %dma_start3A_888] : memref<60x512xf32, #tpu.memory_space<hbm>> -> memref<1x512xf32, #tpu.memory_space<hbm>>
      %dma_start3A_890 = tpu.memref_squeeze %dma_start3A_889 : memref<1x512xf32, #tpu.memory_space<hbm>> -> memref<512xf32, #tpu.memory_space<hbm>>
      tpu.enqueue_dma source(%dma_start3A_890 : memref<512xf32, #tpu.memory_space<hbm>>) target(%dma_start3A_887 : memref<512xf32, #tpu.memory_space<vmem>>) target_semaphore(%arg13 : memref<!tpu.dma_semaphore, #tpu.memory_space<semaphore_mem>>)
      %dma_start3A_891 = arith.constant 1 : i32
      %dma_start3A_892 = arith.constant 0 : i32
      %dma_start3A_893 = tpu.memref_slice %arg6[%dma_start3A_891, %dma_start3A_892] : memref<8x512xf32, #tpu.memory_space<vmem>> -> memref<1x512xf32, #tpu.memory_space<vmem>>
      %dma_start3A_894 = tpu.memref_squeeze %dma_start3A_893 : memref<1x512xf32, #tpu.memory_space<vmem>> -> memref<512xf32, #tpu.memory_space<vmem>>
      %dma_start3A_895 = arith.constant 0 : i32
      %dma_start3A_896 = tpu.memref_slice %arg4[%add3A_844, %dma_start3A_895] : memref<60x512xf32, #tpu.memory_space<hbm>> -> memref<1x512xf32, #tpu.memory_space<hbm>>
      %dma_start3A_897 = tpu.memref_squeeze %dma_start3A_896 : memref<1x512xf32, #tpu.memory_space<hbm>> -> memref<512xf32, #tpu.memory_space<hbm>>
      %dma_start3A_898 = arith.constant 0 : i32
      %dma_start3A_899 = tpu.memref_slice %arg6[%dma_start3A_891, %dma_start3A_898] : memref<8x512xf32, #tpu.memory_space<vmem>> -> memref<1x512xf32, #tpu.memory_space<vmem>>
      %dma_start3A_900 = tpu.memref_squeeze %dma_start3A_899 : memref<1x512xf32, #tpu.memory_space<vmem>> -> memref<512xf32, #tpu.memory_space<vmem>>
      %dma_start3A_901 = arith.constant 0 : i32
      %dma_start3A_902 = tpu.memref_slice %arg4[%add3A_844, %dma_start3A_901] : memref<60x512xf32, #tpu.memory_space<hbm>> -> memref<1x512xf32, #tpu.memory_space<hbm>>
      %dma_start3A_903 = tpu.memref_squeeze %dma_start3A_902 : memref<1x512xf32, #tpu.memory_space<hbm>> -> memref<512xf32, #tpu.memory_space<hbm>>
      tpu.enqueue_dma source(%dma_start3A_903 : memref<512xf32, #tpu.memory_space<hbm>>) target(%dma_start3A_900 : memref<512xf32, #tpu.memory_space<vmem>>) target_semaphore(%arg13 : memref<!tpu.dma_semaphore, #tpu.memory_space<semaphore_mem>>)
      %dma_start3A_904 = arith.constant 2 : i32
      %dma_start3A_905 = arith.constant 0 : i32
      %dma_start3A_906 = tpu.memref_slice %arg6[%dma_start3A_904, %dma_start3A_905] : memref<8x512xf32, #tpu.memory_space<vmem>> -> memref<1x512xf32, #tpu.memory_space<vmem>>
      %dma_start3A_907 = tpu.memref_squeeze %dma_start3A_906 : memref<1x512xf32, #tpu.memory_space<vmem>> -> memref<512xf32, #tpu.memory_space<vmem>>
      %dma_start3A_908 = arith.constant 0 : i32
      %dma_start3A_909 = tpu.memref_slice %arg4[%add3A_844, %dma_start3A_908] : memref<60x512xf32, #tpu.memory_space<hbm>> -> memref<1x512xf32, #tpu.memory_space<hbm>>
      %dma_start3A_910 = tpu.memref_squeeze %dma_start3A_909 : memref<1x512xf32, #tpu.memory_space<hbm>> -> memref<512xf32, #tpu.memory_space<hbm>>
      %dma_start3A_911 = arith.constant 0 : i32
      %dma_start3A_912 = tpu.memref_slice %arg6[%dma_start3A_904, %dma_start3A_911] : memref<8x512xf32, #tpu.memory_space<vmem>> -> memref<1x512xf32, #tpu.memory_space<vmem>>
      %dma_start3A_913 = tpu.memref_squeeze %dma_start3A_912 : memref<1x512xf32, #tpu.memory_space<vmem>> -> memref<512xf32, #tpu.memory_space<vmem>>
      %dma_start3A_914 = arith.constant 0 : i32
      %dma_start3A_915 = tpu.memref_slice %arg4[%add3A_844, %dma_start3A_914] : memref<60x512xf32, #tpu.memory_space<hbm>> -> memref<1x512xf32, #tpu.memory_space<hbm>>
      %dma_start3A_916 = tpu.memref_squeeze %dma_start3A_915 : memref<1x512xf32, #tpu.memory_space<hbm>> -> memref<512xf32, #tpu.memory_space<hbm>>
      tpu.enqueue_dma source(%dma_start3A_916 : memref<512xf32, #tpu.memory_space<hbm>>) target(%dma_start3A_913 : memref<512xf32, #tpu.memory_space<vmem>>) target_semaphore(%arg13 : memref<!tpu.dma_semaphore, #tpu.memory_space<semaphore_mem>>)
      %dma_start3A_917 = arith.constant 3 : i32
      %dma_start3A_918 = arith.constant 0 : i32
      %dma_start3A_919 = tpu.memref_slice %arg6[%dma_start3A_917, %dma_start3A_918] : memref<8x512xf32, #tpu.memory_space<vmem>> -> memref<1x512xf32, #tpu.memory_space<vmem>>
      %dma_start3A_920 = tpu.memref_squeeze %dma_start3A_919 : memref<1x512xf32, #tpu.memory_space<vmem>> -> memref<512xf32, #tpu.memory_space<vmem>>
      %dma_start3A_921 = arith.constant 0 : i32
      %dma_start3A_922 = tpu.memref_slice %arg4[%add3A_844, %dma_start3A_921] : memref<60x512xf32, #tpu.memory_space<hbm>> -> memref<1x512xf32, #tpu.memory_space<hbm>>
      %dma_start3A_923 = tpu.memref_squeeze %dma_start3A_922 : memref<1x512xf32, #tpu.memory_space<hbm>> -> memref<512xf32, #tpu.memory_space<hbm>>
      %dma_start3A_924 = arith.constant 0 : i32
      %dma_start3A_925 = tpu.memref_slice %arg6[%dma_start3A_917, %dma_start3A_924] : memref<8x512xf32, #tpu.memory_space<vmem>> -> memref<1x512xf32, #tpu.memory_space<vmem>>
      %dma_start3A_926 = tpu.memref_squeeze %dma_start3A_925 : memref<1x512xf32, #tpu.memory_space<vmem>> -> memref<512xf32, #tpu.memory_space<vmem>>
      %dma_start3A_927 = arith.constant 0 : i32
      %dma_start3A_928 = tpu.memref_slice %arg4[%add3A_844, %dma_start3A_927] : memref<60x512xf32, #tpu.memory_space<hbm>> -> memref<1x512xf32, #tpu.memory_space<hbm>>
      %dma_start3A_929 = tpu.memref_squeeze %dma_start3A_928 : memref<1x512xf32, #tpu.memory_space<hbm>> -> memref<512xf32, #tpu.memory_space<hbm>>
      tpu.enqueue_dma source(%dma_start3A_929 : memref<512xf32, #tpu.memory_space<hbm>>) target(%dma_start3A_926 : memref<512xf32, #tpu.memory_space<vmem>>) target_semaphore(%arg13 : memref<!tpu.dma_semaphore, #tpu.memory_space<semaphore_mem>>)
      %dma_start3A_930 = arith.constant 4 : i32
      %dma_start3A_931 = arith.constant 0 : i32
      %dma_start3A_932 = tpu.memref_slice %arg6[%dma_start3A_930, %dma_start3A_931] : memref<8x512xf32, #tpu.memory_space<vmem>> -> memref<1x512xf32, #tpu.memory_space<vmem>>
      %dma_start3A_933 = tpu.memref_squeeze %dma_start3A_932 : memref<1x512xf32, #tpu.memory_space<vmem>> -> memref<512xf32, #tpu.memory_space<vmem>>
      %dma_start3A_934 = arith.constant 0 : i32
      %dma_start3A_935 = tpu.memref_slice %arg4[%add3A_844, %dma_start3A_934] : memref<60x512xf32, #tpu.memory_space<hbm>> -> memref<1x512xf32, #tpu.memory_space<hbm>>
      %dma_start3A_936 = tpu.memref_squeeze %dma_start3A_935 : memref<1x512xf32, #tpu.memory_space<hbm>> -> memref<512xf32, #tpu.memory_space<hbm>>
      %dma_start3A_937 = arith.constant 0 : i32
      %dma_start3A_938 = tpu.memref_slice %arg6[%dma_start3A_930, %dma_start3A_937] : memref<8x512xf32, #tpu.memory_space<vmem>> -> memref<1x512xf32, #tpu.memory_space<vmem>>
      %dma_start3A_939 = tpu.memref_squeeze %dma_start3A_938 : memref<1x512xf32, #tpu.memory_space<vmem>> -> memref<512xf32, #tpu.memory_space<vmem>>
      %dma_start3A_940 = arith.constant 0 : i32
      %dma_start3A_941 = tpu.memref_slice %arg4[%add3A_844, %dma_start3A_940] : memref<60x512xf32, #tpu.memory_space<hbm>> -> memref<1x512xf32, #tpu.memory_space<hbm>>
      %dma_start3A_942 = tpu.memref_squeeze %dma_start3A_941 : memref<1x512xf32, #tpu.memory_space<hbm>> -> memref<512xf32, #tpu.memory_space<hbm>>
      tpu.enqueue_dma source(%dma_start3A_942 : memref<512xf32, #tpu.memory_space<hbm>>) target(%dma_start3A_939 : memref<512xf32, #tpu.memory_space<vmem>>) target_semaphore(%arg13 : memref<!tpu.dma_semaphore, #tpu.memory_space<semaphore_mem>>)
      %dma_start3A_943 = arith.constant 5 : i32
      %dma_start3A_944 = arith.constant 0 : i32
      %dma_start3A_945 = tpu.memref_slice %arg6[%dma_start3A_943, %dma_start3A_944] : memref<8x512xf32, #tpu.memory_space<vmem>> -> memref<1x512xf32, #tpu.memory_space<vmem>>
      %dma_start3A_946 = tpu.memref_squeeze %dma_start3A_945 : memref<1x512xf32, #tpu.memory_space<vmem>> -> memref<512xf32, #tpu.memory_space<vmem>>
      %dma_start3A_947 = arith.constant 0 : i32
      %dma_start3A_948 = tpu.memref_slice %arg4[%add3A_844, %dma_start3A_947] : memref<60x512xf32, #tpu.memory_space<hbm>> -> memref<1x512xf32, #tpu.memory_space<hbm>>
      %dma_start3A_949 = tpu.memref_squeeze %dma_start3A_948 : memref<1x512xf32, #tpu.memory_space<hbm>> -> memref<512xf32, #tpu.memory_space<hbm>>
      %dma_start3A_950 = arith.constant 0 : i32
      %dma_start3A_951 = tpu.memref_slice %arg6[%dma_start3A_943, %dma_start3A_950] : memref<8x512xf32, #tpu.memory_space<vmem>> -> memref<1x512xf32, #tpu.memory_space<vmem>>
      %dma_start3A_952 = tpu.memref_squeeze %dma_start3A_951 : memref<1x512xf32, #tpu.memory_space<vmem>> -> memref<512xf32, #tpu.memory_space<vmem>>
      %dma_start3A_953 = arith.constant 0 : i32
      %dma_start3A_954 = tpu.memref_slice %arg4[%add3A_844, %dma_start3A_953] : memref<60x512xf32, #tpu.memory_space<hbm>> -> memref<1x512xf32, #tpu.memory_space<hbm>>
      %dma_start3A_955 = tpu.memref_squeeze %dma_start3A_954 : memref<1x512xf32, #tpu.memory_space<hbm>> -> memref<512xf32, #tpu.memory_space<hbm>>
      tpu.enqueue_dma source(%dma_start3A_955 : memref<512xf32, #tpu.memory_space<hbm>>) target(%dma_start3A_952 : memref<512xf32, #tpu.memory_space<vmem>>) target_semaphore(%arg13 : memref<!tpu.dma_semaphore, #tpu.memory_space<semaphore_mem>>)
      %dma_start3A_956 = arith.constant 6 : i32
      %dma_start3A_957 = arith.constant 0 : i32
      %dma_start3A_958 = tpu.memref_slice %arg6[%dma_start3A_956, %dma_start3A_957] : memref<8x512xf32, #tpu.memory_space<vmem>> -> memref<1x512xf32, #tpu.memory_space<vmem>>
      %dma_start3A_959 = tpu.memref_squeeze %dma_start3A_958 : memref<1x512xf32, #tpu.memory_space<vmem>> -> memref<512xf32, #tpu.memory_space<vmem>>
      %dma_start3A_960 = arith.constant 0 : i32
      %dma_start3A_961 = tpu.memref_slice %arg4[%add3A_844, %dma_start3A_960] : memref<60x512xf32, #tpu.memory_space<hbm>> -> memref<1x512xf32, #tpu.memory_space<hbm>>
      %dma_start3A_962 = tpu.memref_squeeze %dma_start3A_961 : memref<1x512xf32, #tpu.memory_space<hbm>> -> memref<512xf32, #tpu.memory_space<hbm>>
      %dma_start3A_963 = arith.constant 0 : i32
      %dma_start3A_964 = tpu.memref_slice %arg6[%dma_start3A_956, %dma_start3A_963] : memref<8x512xf32, #tpu.memory_space<vmem>> -> memref<1x512xf32, #tpu.memory_space<vmem>>
      %dma_start3A_965 = tpu.memref_squeeze %dma_start3A_964 : memref<1x512xf32, #tpu.memory_space<vmem>> -> memref<512xf32, #tpu.memory_space<vmem>>
      %dma_start3A_966 = arith.constant 0 : i32
      %dma_start3A_967 = tpu.memref_slice %arg4[%add3A_844, %dma_start3A_966] : memref<60x512xf32, #tpu.memory_space<hbm>> -> memref<1x512xf32, #tpu.memory_space<hbm>>
      %dma_start3A_968 = tpu.memref_squeeze %dma_start3A_967 : memref<1x512xf32, #tpu.memory_space<hbm>> -> memref<512xf32, #tpu.memory_space<hbm>>
      tpu.enqueue_dma source(%dma_start3A_968 : memref<512xf32, #tpu.memory_space<hbm>>) target(%dma_start3A_965 : memref<512xf32, #tpu.memory_space<vmem>>) target_semaphore(%arg13 : memref<!tpu.dma_semaphore, #tpu.memory_space<semaphore_mem>>)
      %dma_start3A_969 = arith.constant 7 : i32
      %dma_start3A_970 = arith.constant 0 : i32
      %dma_start3A_971 = tpu.memref_slice %arg6[%dma_start3A_969, %dma_start3A_970] : memref<8x512xf32, #tpu.memory_space<vmem>> -> memref<1x512xf32, #tpu.memory_space<vmem>>
      %dma_start3A_972 = tpu.memref_squeeze %dma_start3A_971 : memref<1x512xf32, #tpu.memory_space<vmem>> -> memref<512xf32, #tpu.memory_space<vmem>>
      %dma_start3A_973 = arith.constant 0 : i32
      %dma_start3A_974 = tpu.memref_slice %arg4[%add3A_844, %dma_start3A_973] : memref<60x512xf32, #tpu.memory_space<hbm>> -> memref<1x512xf32, #tpu.memory_space<hbm>>
      %dma_start3A_975 = tpu.memref_squeeze %dma_start3A_974 : memref<1x512xf32, #tpu.memory_space<hbm>> -> memref<512xf32, #tpu.memory_space<hbm>>
      %dma_start3A_976 = arith.constant 0 : i32
      %dma_start3A_977 = tpu.memref_slice %arg6[%dma_start3A_969, %dma_start3A_976] : memref<8x512xf32, #tpu.memory_space<vmem>> -> memref<1x512xf32, #tpu.memory_space<vmem>>
      %dma_start3A_978 = tpu.memref_squeeze %dma_start3A_977 : memref<1x512xf32, #tpu.memory_space<vmem>> -> memref<512xf32, #tpu.memory_space<vmem>>
      %dma_start3A_979 = arith.constant 0 : i32
      %dma_start3A_980 = tpu.memref_slice %arg4[%add3A_844, %dma_start3A_979] : memref<60x512xf32, #tpu.memory_space<hbm>> -> memref<1x512xf32, #tpu.memory_space<hbm>>
      %dma_start3A_981 = tpu.memref_squeeze %dma_start3A_980 : memref<1x512xf32, #tpu.memory_space<hbm>> -> memref<512xf32, #tpu.memory_space<hbm>>
      tpu.enqueue_dma source(%dma_start3A_981 : memref<512xf32, #tpu.memory_space<hbm>>) target(%dma_start3A_978 : memref<512xf32, #tpu.memory_space<vmem>>) target_semaphore(%arg13 : memref<!tpu.dma_semaphore, #tpu.memory_space<semaphore_mem>>)
      %dma_wait3A_982 = arith.constant 0 : i32
      %dma_wait3A_983 = arith.constant 0 : i32
      %dma_wait3A_984 = tpu.memref_slice %arg6[%dma_wait3A_982, %dma_wait3A_983] : memref<8x512xf32, #tpu.memory_space<vmem>> -> memref<1x512xf32, #tpu.memory_space<vmem>>
      %dma_wait3A_985 = tpu.memref_squeeze %dma_wait3A_984 : memref<1x512xf32, #tpu.memory_space<vmem>> -> memref<512xf32, #tpu.memory_space<vmem>>
      %dma_wait3A_986 = arith.constant 0 : i32
      %dma_wait3A_987 = tpu.memref_slice %arg4[%add3A_844, %dma_wait3A_986] : memref<60x512xf32, #tpu.memory_space<hbm>> -> memref<1x512xf32, #tpu.memory_space<hbm>>
      %dma_wait3A_988 = tpu.memref_squeeze %dma_wait3A_987 : memref<1x512xf32, #tpu.memory_space<hbm>> -> memref<512xf32, #tpu.memory_space<hbm>>
      %dma_wait3A_989 = arith.constant 0 : i32
      %dma_wait3A_990 = tpu.memref_slice %arg6[%dma_wait3A_982, %dma_wait3A_989] : memref<8x512xf32, #tpu.memory_space<vmem>> -> memref<1x512xf32, #tpu.memory_space<vmem>>
      %dma_wait3A_991 = tpu.memref_squeeze %dma_wait3A_990 : memref<1x512xf32, #tpu.memory_space<vmem>> -> memref<512xf32, #tpu.memory_space<vmem>>
      %dma_wait3A_992 = arith.constant 0 : i32
      %dma_wait3A_993 = tpu.memref_slice %arg4[%add3A_844, %dma_wait3A_992] : memref<60x512xf32, #tpu.memory_space<hbm>> -> memref<1x512xf32, #tpu.memory_space<hbm>>
      %dma_wait3A_994 = tpu.memref_squeeze %dma_wait3A_993 : memref<1x512xf32, #tpu.memory_space<hbm>> -> memref<512xf32, #tpu.memory_space<hbm>>
      tpu.wait_dma2 semaphore(%arg13 : memref<!tpu.dma_semaphore, #tpu.memory_space<semaphore_mem>>) src(%dma_wait3A_994 : memref<512xf32, #tpu.memory_space<hbm>>) dst(%dma_wait3A_991 : memref<512xf32, #tpu.memory_space<vmem>>)
      %dma_wait3A_995 = arith.constant 1 : i32
      %dma_wait3A_996 = arith.constant 0 : i32
      %dma_wait3A_997 = tpu.memref_slice %arg6[%dma_wait3A_995, %dma_wait3A_996] : memref<8x512xf32, #tpu.memory_space<vmem>> -> memref<1x512xf32, #tpu.memory_space<vmem>>
      %dma_wait3A_998 = tpu.memref_squeeze %dma_wait3A_997 : memref<1x512xf32, #tpu.memory_space<vmem>> -> memref<512xf32, #tpu.memory_space<vmem>>
      %dma_wait3A_999 = arith.constant 0 : i32
      %dma_wait3A_1000 = tpu.memref_slice %arg4[%add3A_844, %dma_wait3A_999] : memref<60x512xf32, #tpu.memory_space<hbm>> -> memref<1x512xf32, #tpu.memory_space<hbm>>
      %dma_wait3A_1001 = tpu.memref_squeeze %dma_wait3A_1000 : memref<1x512xf32, #tpu.memory_space<hbm>> -> memref<512xf32, #tpu.memory_space<hbm>>
      %dma_wait3A_1002 = arith.constant 0 : i32
      %dma_wait3A_1003 = tpu.memref_slice %arg6[%dma_wait3A_995, %dma_wait3A_1002] : memref<8x512xf32, #tpu.memory_space<vmem>> -> memref<1x512xf32, #tpu.memory_space<vmem>>
      %dma_wait3A_1004 = tpu.memref_squeeze %dma_wait3A_1003 : memref<1x512xf32, #tpu.memory_space<vmem>> -> memref<512xf32, #tpu.memory_space<vmem>>
      %dma_wait3A_1005 = arith.constant 0 : i32
      %dma_wait3A_1006 = tpu.memref_slice %arg4[%add3A_844, %dma_wait3A_1005] : memref<60x512xf32, #tpu.memory_space<hbm>> -> memref<1x512xf32, #tpu.memory_space<hbm>>
      %dma_wait3A_1007 = tpu.memref_squeeze %dma_wait3A_1006 : memref<1x512xf32, #tpu.memory_space<hbm>> -> memref<512xf32, #tpu.memory_space<hbm>>
      tpu.wait_dma2 semaphore(%arg13 : memref<!tpu.dma_semaphore, #tpu.memory_space<semaphore_mem>>) src(%dma_wait3A_1007 : memref<512xf32, #tpu.memory_space<hbm>>) dst(%dma_wait3A_1004 : memref<512xf32, #tpu.memory_space<vmem>>)
      %dma_wait3A_1008 = arith.constant 2 : i32
      %dma_wait3A_1009 = arith.constant 0 : i32
      %dma_wait3A_1010 = tpu.memref_slice %arg6[%dma_wait3A_1008, %dma_wait3A_1009] : memref<8x512xf32, #tpu.memory_space<vmem>> -> memref<1x512xf32, #tpu.memory_space<vmem>>
      %dma_wait3A_1011 = tpu.memref_squeeze %dma_wait3A_1010 : memref<1x512xf32, #tpu.memory_space<vmem>> -> memref<512xf32, #tpu.memory_space<vmem>>
      %dma_wait3A_1012 = arith.constant 0 : i32
      %dma_wait3A_1013 = tpu.memref_slice %arg4[%add3A_844, %dma_wait3A_1012] : memref<60x512xf32, #tpu.memory_space<hbm>> -> memref<1x512xf32, #tpu.memory_space<hbm>>
      %dma_wait3A_1014 = tpu.memref_squeeze %dma_wait3A_1013 : memref<1x512xf32, #tpu.memory_space<hbm>> -> memref<512xf32, #tpu.memory_space<hbm>>
      %dma_wait3A_1015 = arith.constant 0 : i32
      %dma_wait3A_1016 = tpu.memref_slice %arg6[%dma_wait3A_1008, %dma_wait3A_1015] : memref<8x512xf32, #tpu.memory_space<vmem>> -> memref<1x512xf32, #tpu.memory_space<vmem>>
      %dma_wait3A_1017 = tpu.memref_squeeze %dma_wait3A_1016 : memref<1x512xf32, #tpu.memory_space<vmem>> -> memref<512xf32, #tpu.memory_space<vmem>>
      %dma_wait3A_1018 = arith.constant 0 : i32
      %dma_wait3A_1019 = tpu.memref_slice %arg4[%add3A_844, %dma_wait3A_1018] : memref<60x512xf32, #tpu.memory_space<hbm>> -> memref<1x512xf32, #tpu.memory_space<hbm>>
      %dma_wait3A_1020 = tpu.memref_squeeze %dma_wait3A_1019 : memref<1x512xf32, #tpu.memory_space<hbm>> -> memref<512xf32, #tpu.memory_space<hbm>>
      tpu.wait_dma2 semaphore(%arg13 : memref<!tpu.dma_semaphore, #tpu.memory_space<semaphore_mem>>) src(%dma_wait3A_1020 : memref<512xf32, #tpu.memory_space<hbm>>) dst(%dma_wait3A_1017 : memref<512xf32, #tpu.memory_space<vmem>>)
      %dma_wait3A_1021 = arith.constant 3 : i32
      %dma_wait3A_1022 = arith.constant 0 : i32
      %dma_wait3A_1023 = tpu.memref_slice %arg6[%dma_wait3A_1021, %dma_wait3A_1022] : memref<8x512xf32, #tpu.memory_space<vmem>> -> memref<1x512xf32, #tpu.memory_space<vmem>>
      %dma_wait3A_1024 = tpu.memref_squeeze %dma_wait3A_1023 : memref<1x512xf32, #tpu.memory_space<vmem>> -> memref<512xf32, #tpu.memory_space<vmem>>
      %dma_wait3A_1025 = arith.constant 0 : i32
      %dma_wait3A_1026 = tpu.memref_slice %arg4[%add3A_844, %dma_wait3A_1025] : memref<60x512xf32, #tpu.memory_space<hbm>> -> memref<1x512xf32, #tpu.memory_space<hbm>>
      %dma_wait3A_1027 = tpu.memref_squeeze %dma_wait3A_1026 : memref<1x512xf32, #tpu.memory_space<hbm>> -> memref<512xf32, #tpu.memory_space<hbm>>
      %dma_wait3A_1028 = arith.constant 0 : i32
      %dma_wait3A_1029 = tpu.memref_slice %arg6[%dma_wait3A_1021, %dma_wait3A_1028] : memref<8x512xf32, #tpu.memory_space<vmem>> -> memref<1x512xf32, #tpu.memory_space<vmem>>
      %dma_wait3A_1030 = tpu.memref_squeeze %dma_wait3A_1029 : memref<1x512xf32, #tpu.memory_space<vmem>> -> memref<512xf32, #tpu.memory_space<vmem>>
      %dma_wait3A_1031 = arith.constant 0 : i32
      %dma_wait3A_1032 = tpu.memref_slice %arg4[%add3A_844, %dma_wait3A_1031] : memref<60x512xf32, #tpu.memory_space<hbm>> -> memref<1x512xf32, #tpu.memory_space<hbm>>
      %dma_wait3A_1033 = tpu.memref_squeeze %dma_wait3A_1032 : memref<1x512xf32, #tpu.memory_space<hbm>> -> memref<512xf32, #tpu.memory_space<hbm>>
      tpu.wait_dma2 semaphore(%arg13 : memref<!tpu.dma_semaphore, #tpu.memory_space<semaphore_mem>>) src(%dma_wait3A_1033 : memref<512xf32, #tpu.memory_space<hbm>>) dst(%dma_wait3A_1030 : memref<512xf32, #tpu.memory_space<vmem>>)
      %dma_wait3A_1034 = arith.constant 4 : i32
      %dma_wait3A_1035 = arith.constant 0 : i32
      %dma_wait3A_1036 = tpu.memref_slice %arg6[%dma_wait3A_1034, %dma_wait3A_1035] : memref<8x512xf32, #tpu.memory_space<vmem>> -> memref<1x512xf32, #tpu.memory_space<vmem>>
      %dma_wait3A_1037 = tpu.memref_squeeze %dma_wait3A_1036 : memref<1x512xf32, #tpu.memory_space<vmem>> -> memref<512xf32, #tpu.memory_space<vmem>>
      %dma_wait3A_1038 = arith.constant 0 : i32
      %dma_wait3A_1039 = tpu.memref_slice %arg4[%add3A_844, %dma_wait3A_1038] : memref<60x512xf32, #tpu.memory_space<hbm>> -> memref<1x512xf32, #tpu.memory_space<hbm>>
      %dma_wait3A_1040 = tpu.memref_squeeze %dma_wait3A_1039 : memref<1x512xf32, #tpu.memory_space<hbm>> -> memref<512xf32, #tpu.memory_space<hbm>>
      %dma_wait3A_1041 = arith.constant 0 : i32
      %dma_wait3A_1042 = tpu.memref_slice %arg6[%dma_wait3A_1034, %dma_wait3A_1041] : memref<8x512xf32, #tpu.memory_space<vmem>> -> memref<1x512xf32, #tpu.memory_space<vmem>>
      %dma_wait3A_1043 = tpu.memref_squeeze %dma_wait3A_1042 : memref<1x512xf32, #tpu.memory_space<vmem>> -> memref<512xf32, #tpu.memory_space<vmem>>
      %dma_wait3A_1044 = arith.constant 0 : i32
      %dma_wait3A_1045 = tpu.memref_slice %arg4[%add3A_844, %dma_wait3A_1044] : memref<60x512xf32, #tpu.memory_space<hbm>> -> memref<1x512xf32, #tpu.memory_space<hbm>>
      %dma_wait3A_1046 = tpu.memref_squeeze %dma_wait3A_1045 : memref<1x512xf32, #tpu.memory_space<hbm>> -> memref<512xf32, #tpu.memory_space<hbm>>
      tpu.wait_dma2 semaphore(%arg13 : memref<!tpu.dma_semaphore, #tpu.memory_space<semaphore_mem>>) src(%dma_wait3A_1046 : memref<512xf32, #tpu.memory_space<hbm>>) dst(%dma_wait3A_1043 : memref<512xf32, #tpu.memory_space<vmem>>)
      %dma_wait3A_1047 = arith.constant 5 : i32
      %dma_wait3A_1048 = arith.constant 0 : i32
      %dma_wait3A_1049 = tpu.memref_slice %arg6[%dma_wait3A_1047, %dma_wait3A_1048] : memref<8x512xf32, #tpu.memory_space<vmem>> -> memref<1x512xf32, #tpu.memory_space<vmem>>
      %dma_wait3A_1050 = tpu.memref_squeeze %dma_wait3A_1049 : memref<1x512xf32, #tpu.memory_space<vmem>> -> memref<512xf32, #tpu.memory_space<vmem>>
      %dma_wait3A_1051 = arith.constant 0 : i32
      %dma_wait3A_1052 = tpu.memref_slice %arg4[%add3A_844, %dma_wait3A_1051] : memref<60x512xf32, #tpu.memory_space<hbm>> -> memref<1x512xf32, #tpu.memory_space<hbm>>
      %dma_wait3A_1053 = tpu.memref_squeeze %dma_wait3A_1052 : memref<1x512xf32, #tpu.memory_space<hbm>> -> memref<512xf32, #tpu.memory_space<hbm>>
      %dma_wait3A_1054 = arith.constant 0 : i32
      %dma_wait3A_1055 = tpu.memref_slice %arg6[%dma_wait3A_1047, %dma_wait3A_1054] : memref<8x512xf32, #tpu.memory_space<vmem>> -> memref<1x512xf32, #tpu.memory_space<vmem>>
      %dma_wait3A_1056 = tpu.memref_squeeze %dma_wait3A_1055 : memref<1x512xf32, #tpu.memory_space<vmem>> -> memref<512xf32, #tpu.memory_space<vmem>>
      %dma_wait3A_1057 = arith.constant 0 : i32
      %dma_wait3A_1058 = tpu.memref_slice %arg4[%add3A_844, %dma_wait3A_1057] : memref<60x512xf32, #tpu.memory_space<hbm>> -> memref<1x512xf32, #tpu.memory_space<hbm>>
      %dma_wait3A_1059 = tpu.memref_squeeze %dma_wait3A_1058 : memref<1x512xf32, #tpu.memory_space<hbm>> -> memref<512xf32, #tpu.memory_space<hbm>>
      tpu.wait_dma2 semaphore(%arg13 : memref<!tpu.dma_semaphore, #tpu.memory_space<semaphore_mem>>) src(%dma_wait3A_1059 : memref<512xf32, #tpu.memory_space<hbm>>) dst(%dma_wait3A_1056 : memref<512xf32, #tpu.memory_space<vmem>>)
      %dma_wait3A_1060 = arith.constant 6 : i32
      %dma_wait3A_1061 = arith.constant 0 : i32
      %dma_wait3A_1062 = tpu.memref_slice %arg6[%dma_wait3A_1060, %dma_wait3A_1061] : memref<8x512xf32, #tpu.memory_space<vmem>> -> memref<1x512xf32, #tpu.memory_space<vmem>>
      %dma_wait3A_1063 = tpu.memref_squeeze %dma_wait3A_1062 : memref<1x512xf32, #tpu.memory_space<vmem>> -> memref<512xf32, #tpu.memory_space<vmem>>
      %dma_wait3A_1064 = arith.constant 0 : i32
      %dma_wait3A_1065 = tpu.memref_slice %arg4[%add3A_844, %dma_wait3A_1064] : memref<60x512xf32, #tpu.memory_space<hbm>> -> memref<1x512xf32, #tpu.memory_space<hbm>>
      %dma_wait3A_1066 = tpu.memref_squeeze %dma_wait3A_1065 : memref<1x512xf32, #tpu.memory_space<hbm>> -> memref<512xf32, #tpu.memory_space<hbm>>
      %dma_wait3A_1067 = arith.constant 0 : i32
      %dma_wait3A_1068 = tpu.memref_slice %arg6[%dma_wait3A_1060, %dma_wait3A_1067] : memref<8x512xf32, #tpu.memory_space<vmem>> -> memref<1x512xf32, #tpu.memory_space<vmem>>
      %dma_wait3A_1069 = tpu.memref_squeeze %dma_wait3A_1068 : memref<1x512xf32, #tpu.memory_space<vmem>> -> memref<512xf32, #tpu.memory_space<vmem>>
      %dma_wait3A_1070 = arith.constant 0 : i32
      %dma_wait3A_1071 = tpu.memref_slice %arg4[%add3A_844, %dma_wait3A_1070] : memref<60x512xf32, #tpu.memory_space<hbm>> -> memref<1x512xf32, #tpu.memory_space<hbm>>
      %dma_wait3A_1072 = tpu.memref_squeeze %dma_wait3A_1071 : memref<1x512xf32, #tpu.memory_space<hbm>> -> memref<512xf32, #tpu.memory_space<hbm>>
      tpu.wait_dma2 semaphore(%arg13 : memref<!tpu.dma_semaphore, #tpu.memory_space<semaphore_mem>>) src(%dma_wait3A_1072 : memref<512xf32, #tpu.memory_space<hbm>>) dst(%dma_wait3A_1069 : memref<512xf32, #tpu.memory_space<vmem>>)
      %dma_wait3A_1073 = arith.constant 7 : i32
      %dma_wait3A_1074 = arith.constant 0 : i32
      %dma_wait3A_1075 = tpu.memref_slice %arg6[%dma_wait3A_1073, %dma_wait3A_1074] : memref<8x512xf32, #tpu.memory_space<vmem>> -> memref<1x512xf32, #tpu.memory_space<vmem>>
      %dma_wait3A_1076 = tpu.memref_squeeze %dma_wait3A_1075 : memref<1x512xf32, #tpu.memory_space<vmem>> -> memref<512xf32, #tpu.memory_space<vmem>>
      %dma_wait3A_1077 = arith.constant 0 : i32
      %dma_wait3A_1078 = tpu.memref_slice %arg4[%add3A_844, %dma_wait3A_1077] : memref<60x512xf32, #tpu.memory_space<hbm>> -> memref<1x512xf32, #tpu.memory_space<hbm>>
      %dma_wait3A_1079 = tpu.memref_squeeze %dma_wait3A_1078 : memref<1x512xf32, #tpu.memory_space<hbm>> -> memref<512xf32, #tpu.memory_space<hbm>>
      %dma_wait3A_1080 = arith.constant 0 : i32
      %dma_wait3A_1081 = tpu.memref_slice %arg6[%dma_wait3A_1073, %dma_wait3A_1080] : memref<8x512xf32, #tpu.memory_space<vmem>> -> memref<1x512xf32, #tpu.memory_space<vmem>>
      %dma_wait3A_1082 = tpu.memref_squeeze %dma_wait3A_1081 : memref<1x512xf32, #tpu.memory_space<vmem>> -> memref<512xf32, #tpu.memory_space<vmem>>
      %dma_wait3A_1083 = arith.constant 0 : i32
      %dma_wait3A_1084 = tpu.memref_slice %arg4[%add3A_844, %dma_wait3A_1083] : memref<60x512xf32, #tpu.memory_space<hbm>> -> memref<1x512xf32, #tpu.memory_space<hbm>>
      %dma_wait3A_1085 = tpu.memref_squeeze %dma_wait3A_1084 : memref<1x512xf32, #tpu.memory_space<hbm>> -> memref<512xf32, #tpu.memory_space<hbm>>
      tpu.wait_dma2 semaphore(%arg13 : memref<!tpu.dma_semaphore, #tpu.memory_space<semaphore_mem>>) src(%dma_wait3A_1085 : memref<512xf32, #tpu.memory_space<hbm>>) dst(%dma_wait3A_1082 : memref<512xf32, #tpu.memory_space<vmem>>)
      %mul3A_1086 = arith.constant 16 : i32
      %mul3A_1087 = arith.muli %add3A_844, %mul3A_1086 : i32
      %add3A_1088 = arith.constant 0 : i32
      %add3A_1089 = arith.addi %mul3A_1087, %add3A_1088 : i32
      %dma_start3A_1090 = arith.constant 0 : i32
      %dma_start3A_1091 = arith.constant 0 : i32
      %dma_start3A_1092 = tpu.memref_slice %arg6[%dma_start3A_1090, %dma_start3A_1091] : memref<8x512xf32, #tpu.memory_space<vmem>> -> memref<8x512xf32, #tpu.memory_space<vmem>>
      %dma_start3A_1093 = arith.constant 0 : i32
      %dma_start3A_1094 = tpu.memref_slice %arg11[%add3A_1089, %dma_start3A_1093] : memref<960x512xf32, #tpu.memory_space<vmem_shared>> -> memref<8x512xf32, #tpu.memory_space<vmem_shared>>
      %dma_start3A_1095 = arith.constant 0 : i32
      %dma_start3A_1096 = tpu.memref_slice %arg11[%add3A_1089, %dma_start3A_1095] : memref<960x512xf32, #tpu.memory_space<vmem_shared>> -> memref<8x512xf32, #tpu.memory_space<vmem_shared>>
      %dma_start3A_1097 = arith.constant 0 : i32
      %dma_start3A_1098 = arith.constant 0 : i32
      %dma_start3A_1099 = tpu.memref_slice %arg6[%dma_start3A_1097, %dma_start3A_1098] : memref<8x512xf32, #tpu.memory_space<vmem>> -> memref<8x512xf32, #tpu.memory_space<vmem>>
      tpu.enqueue_dma source(%dma_start3A_1099 : memref<8x512xf32, #tpu.memory_space<vmem>>) target(%dma_start3A_1096 : memref<8x512xf32, #tpu.memory_space<vmem_shared>>) target_semaphore(%arg13 : memref<!tpu.dma_semaphore, #tpu.memory_space<semaphore_mem>>)
      %mul3A_1100 = arith.constant 16 : i32
      %mul3A_1101 = arith.muli %add3A_844, %mul3A_1100 : i32
      %add3A_1102 = arith.constant 8 : i32
      %add3A_1103 = arith.addi %mul3A_1101, %add3A_1102 : i32
      %dma_start3A_1104 = arith.constant 0 : i32
      %dma_start3A_1105 = arith.constant 0 : i32
      %dma_start3A_1106 = tpu.memref_slice %arg6[%dma_start3A_1104, %dma_start3A_1105] : memref<8x512xf32, #tpu.memory_space<vmem>> -> memref<8x512xf32, #tpu.memory_space<vmem>>
      %dma_start3A_1107 = arith.constant 0 : i32
      %dma_start3A_1108 = tpu.memref_slice %arg11[%add3A_1103, %dma_start3A_1107] : memref<960x512xf32, #tpu.memory_space<vmem_shared>> -> memref<8x512xf32, #tpu.memory_space<vmem_shared>>
      %dma_start3A_1109 = arith.constant 0 : i32
      %dma_start3A_1110 = tpu.memref_slice %arg11[%add3A_1103, %dma_start3A_1109] : memref<960x512xf32, #tpu.memory_space<vmem_shared>> -> memref<8x512xf32, #tpu.memory_space<vmem_shared>>
      %dma_start3A_1111 = arith.constant 0 : i32
      %dma_start3A_1112 = arith.constant 0 : i32
      %dma_start3A_1113 = tpu.memref_slice %arg6[%dma_start3A_1111, %dma_start3A_1112] : memref<8x512xf32, #tpu.memory_space<vmem>> -> memref<8x512xf32, #tpu.memory_space<vmem>>
      tpu.enqueue_dma source(%dma_start3A_1113 : memref<8x512xf32, #tpu.memory_space<vmem>>) target(%dma_start3A_1110 : memref<8x512xf32, #tpu.memory_space<vmem_shared>>) target_semaphore(%arg13 : memref<!tpu.dma_semaphore, #tpu.memory_space<semaphore_mem>>)
      %mul3A_1114 = arith.constant 16 : i32
      %mul3A_1115 = arith.muli %add3A_844, %mul3A_1114 : i32
      %add3A_1116 = arith.constant 0 : i32
      %add3A_1117 = arith.addi %mul3A_1115, %add3A_1116 : i32
      %dma_wait3A_1118 = arith.constant 0 : i32
      %dma_wait3A_1119 = arith.constant 0 : i32
      %dma_wait3A_1120 = tpu.memref_slice %arg6[%dma_wait3A_1118, %dma_wait3A_1119] : memref<8x512xf32, #tpu.memory_space<vmem>> -> memref<8x512xf32, #tpu.memory_space<vmem>>
      %dma_wait3A_1121 = arith.constant 0 : i32
      %dma_wait3A_1122 = tpu.memref_slice %arg11[%add3A_1117, %dma_wait3A_1121] : memref<960x512xf32, #tpu.memory_space<vmem_shared>> -> memref<8x512xf32, #tpu.memory_space<vmem_shared>>
      %dma_wait3A_1123 = arith.constant 0 : i32
      %dma_wait3A_1124 = tpu.memref_slice %arg11[%add3A_1117, %dma_wait3A_1123] : memref<960x512xf32, #tpu.memory_space<vmem_shared>> -> memref<8x512xf32, #tpu.memory_space<vmem_shared>>
      %dma_wait3A_1125 = arith.constant 0 : i32
      %dma_wait3A_1126 = arith.constant 0 : i32
      %dma_wait3A_1127 = tpu.memref_slice %arg6[%dma_wait3A_1125, %dma_wait3A_1126] : memref<8x512xf32, #tpu.memory_space<vmem>> -> memref<8x512xf32, #tpu.memory_space<vmem>>
      tpu.wait_dma2 semaphore(%arg13 : memref<!tpu.dma_semaphore, #tpu.memory_space<semaphore_mem>>) src(%dma_wait3A_1127 : memref<8x512xf32, #tpu.memory_space<vmem>>) dst(%dma_wait3A_1124 : memref<8x512xf32, #tpu.memory_space<vmem_shared>>)
      %mul3A_1128 = arith.constant 16 : i32
      %mul3A_1129 = arith.muli %add3A_844, %mul3A_1128 : i32
      %add3A_1130 = arith.constant 8 : i32
      %add3A_1131 = arith.addi %mul3A_1129, %add3A_1130 : i32
      %dma_wait3A_1132 = arith.constant 0 : i32
      %dma_wait3A_1133 = arith.constant 0 : i32
      %dma_wait3A_1134 = tpu.memref_slice %arg6[%dma_wait3A_1132, %dma_wait3A_1133] : memref<8x512xf32, #tpu.memory_space<vmem>> -> memref<8x512xf32, #tpu.memory_space<vmem>>
      %dma_wait3A_1135 = arith.constant 0 : i32
      %dma_wait3A_1136 = tpu.memref_slice %arg11[%add3A_1131, %dma_wait3A_1135] : memref<960x512xf32, #tpu.memory_space<vmem_shared>> -> memref<8x512xf32, #tpu.memory_space<vmem_shared>>
      %dma_wait3A_1137 = arith.constant 0 : i32
      %dma_wait3A_1138 = tpu.memref_slice %arg11[%add3A_1131, %dma_wait3A_1137] : memref<960x512xf32, #tpu.memory_space<vmem_shared>> -> memref<8x512xf32, #tpu.memory_space<vmem_shared>>
      %dma_wait3A_1139 = arith.constant 0 : i32
      %dma_wait3A_1140 = arith.constant 0 : i32
      %dma_wait3A_1141 = tpu.memref_slice %arg6[%dma_wait3A_1139, %dma_wait3A_1140] : memref<8x512xf32, #tpu.memory_space<vmem>> -> memref<8x512xf32, #tpu.memory_space<vmem>>
      tpu.wait_dma2 semaphore(%arg13 : memref<!tpu.dma_semaphore, #tpu.memory_space<semaphore_mem>>) src(%dma_wait3A_1141 : memref<8x512xf32, #tpu.memory_space<vmem>>) dst(%dma_wait3A_1138 : memref<8x512xf32, #tpu.memory_space<vmem_shared>>)
    } else {
    }
    %barrier3A = arith.constant 0 : index
    tpu.barrier barrier_id(%barrier3A)
    %while3A = arith.constant 0 : i32
    %while3A_847 = arith.constant 0 : i32
    %while3A_848 = arith.subi %select_n3A_46, %select_n3A : i32
    %while3A_849 = arith.addi %select_n3A, %while3A_848 : i32
    %while3A_850 = arith.constant 1 : i32
    %while3A_851 = arith.divsi %while3A_848, %while3A_850 : i32
    %while3A_852 = arith.muli %while3A_851, %while3A_850 : i32
    %while3A_853 = arith.addi %select_n3A, %while3A_852 : i32
    %while3A_854 = arith.constant 1 : i32
    %while3A_855:2 = scf.for %while3A_878 = %select_n3A to %while3A_853 step %while3A_854 iter_args(%while3A_879 = %while3A, %while3A_880 = %while3A_847) -> (i32, i32)  : i32 {
      %jit3A_881 = arith.constant 4 : i32
      %div3A_882 = arith.divsi %while3A_878, %jit3A_881 : i32
      %sign3A_883 = arith.constant 0 : i32
      %sign3A_884 = arith.cmpi sgt, %while3A_878, %sign3A_883 : i32
      %sign3A_885 = arith.extui %sign3A_884 : i1 to i32
      %sign3A_886 = arith.constant 0 : i32
      %sign3A_887 = arith.cmpi slt, %while3A_878, %sign3A_886 : i32
      %sign3A_888 = arith.extui %sign3A_887 : i1 to i32
      %sign3A_889 = arith.subi %sign3A_885, %sign3A_888 : i32
      %sign3A_890 = arith.constant 0 : i32
      %sign3A_891 = arith.cmpi sgt, %jit3A_881, %sign3A_890 : i32
      %sign3A_892 = arith.extui %sign3A_891 : i1 to i32
      %sign3A_893 = arith.constant 0 : i32
      %sign3A_894 = arith.cmpi slt, %jit3A_881, %sign3A_893 : i32
      %sign3A_895 = arith.extui %sign3A_894 : i1 to i32
      %sign3A_896 = arith.subi %sign3A_892, %sign3A_895 : i32
      %ne3A_897 = arith.cmpi ne, %sign3A_889, %sign3A_896 : i32
      %rem3A_898 = arith.remsi %while3A_878, %jit3A_881 : i32
      %ne3A_899 = arith.constant 0 : i32
      %ne3A_900 = arith.cmpi ne, %rem3A_898, %ne3A_899 : i32
      %and3A_901 = arith.andi %ne3A_897, %ne3A_900 : i1
      %sub3A_902 = arith.constant 1 : i32
      %sub3A_903 = arith.subi %div3A_882, %sub3A_902 : i32
      %select_n3A_904 = arith.select %and3A_901, %sub3A_903, %div3A_882 : i32
      %jit3A_905 = arith.constant 4 : i32
      %eq3A = arith.constant 0 : i32
      %eq3A_906 = arith.cmpi eq, %jit3A_905, %eq3A : i32
      %jit3A_907 = arith.constant 1 : i32
      %select_n3A_908 = arith.select %eq3A_906, %jit3A_907, %jit3A_905 : i32
      %rem3A_909 = arith.remsi %while3A_878, %select_n3A_908 : i32
      %ne3A_910 = arith.constant 0 : i32
      %ne3A_911 = arith.cmpi ne, %rem3A_909, %ne3A_910 : i32
      %lt3A_912 = arith.constant 0 : i32
      %lt3A_913 = arith.cmpi slt, %rem3A_909, %lt3A_912 : i32
      %lt3A_914 = arith.constant 0 : i32
      %lt3A_915 = arith.cmpi slt, %select_n3A_908, %lt3A_914 : i32
      %ne3A_916 = arith.xori %lt3A_913, %lt3A_915 : i1
      %and3A_917 = arith.andi %ne3A_916, %ne3A_911 : i1
      %add3A_918 = arith.addi %rem3A_909, %select_n3A_908 : i32
      %select_n3A_919 = arith.select %and3A_917, %add3A_918, %rem3A_909 : i32
      %mul3A_920 = arith.constant 256 : i32
      %mul3A_921 = arith.muli %select_n3A_919, %mul3A_920 : i32
      %eq3A_922 = arith.constant 2 : i32
      %eq3A_923 = arith.cmpi eq, %select_n3A_904, %eq3A_922 : i32
      %convert_element_type3A_924 = arith.extui %eq3A_923 : i1 to i32
      %cond3A_925 = arith.constant 0 : i32
      %cond3A_926 = arith.cmpi ne, %convert_element_type3A_924, %cond3A_925 : i32
      %cond3A_927:2 = scf.if %cond3A_926 -> (i32, i32) {
        %add3A_928 = arith.constant 2048 : i32
        %add3A_929 = arith.addi %add3A_928, %mul3A_921 : i32
        %dma_start3A_930 = arith.constant 0 : i32
        %dma_start3A_931 = tpu.memref_slice %arg5[%add3A_929, %dma_start3A_930] : memref<78848x512xf32, #tpu.memory_space<hbm>> -> memref<256x512xf32, #tpu.memory_space<hbm>>
        %dma_start3A_932 = arith.constant 0 : i32
        %dma_start3A_933 = tpu.memref_slice %arg2[%mul3A_921, %dma_start3A_932] : memref<1024x512xf32, #tpu.memory_space<hbm>> -> memref<256x512xf32, #tpu.memory_space<hbm>>
        tpu.enqueue_dma source(%dma_start3A_933 : memref<256x512xf32, #tpu.memory_space<hbm>>) target(%dma_start3A_931 : memref<256x512xf32, #tpu.memory_space<hbm>>) target_semaphore(%arg16 : memref<!tpu.dma_semaphore, #tpu.memory_space<semaphore_mem>>)
        %add3A_934 = arith.constant 1 : i32
        %add3A_935 = arith.addi %while3A_880, %add3A_934 : i32
        scf.yield %while3A_879, %add3A_935 : i32, i32
      } else {
        %ge3A = arith.constant 5 : i32
        %ge3A_928 = arith.cmpi sge, %select_n3A_904, %ge3A : i32
        %lt3A_929 = arith.constant 21 : i32
        %lt3A_930 = arith.cmpi slt, %select_n3A_904, %lt3A_929 : i32
        %and3A_931 = arith.andi %ge3A_928, %lt3A_930 : i1
        %convert_element_type3A_932 = arith.extui %and3A_931 : i1 to i32
        %cond3A_933 = arith.constant 0 : i32
        %cond3A_934 = arith.cmpi ne, %convert_element_type3A_932, %cond3A_933 : i32
        %cond3A_935 = scf.if %cond3A_934 -> (i32) {
          %sub3A_936 = arith.constant 5 : i32
          %sub3A_937 = arith.subi %select_n3A_904, %sub3A_936 : i32
          %iota3A = tpu.iota {dimensions = array<i32: 0>} : vector<16xi32>
          %add3A_938 = arith.constant 0 : i32
          %add3A_939 = arith.addi %mul3A_921, %add3A_938 : i32
          %add3A_940 = arith.constant 0 : i32
          %add3A_941 = arith.addi %add3A_939, %add3A_940 : i32
          %add3A_942 = vector.broadcast %add3A_941 : i32 to vector<16xi32>
          %add3A_943 = arith.addi %iota3A, %add3A_942 : vector<16xi32>
          %mul3A_944 = arith.constant 16 : i32
          %mul3A_945 = vector.broadcast %mul3A_944 : i32 to vector<16xi32>
          %mul3A_946 = arith.muli %add3A_943, %mul3A_945 : vector<16xi32>
          %add3A_947 = vector.broadcast %sub3A_937 : i32 to vector<16xi32>
          %add3A_948 = arith.addi %mul3A_946, %add3A_947 : vector<16xi32>
          %swap3A = arith.constant 0 : index
          %swap3A_949 = tpu.vector_load %arg9[%swap3A] {strides = array<i32>} : memref<64xi32, #tpu.memory_space<vmem>>, vector<16xi32>,
          %swap3A_950 = vector.shape_cast %swap3A_949 : vector<16xi32> to vector<16xi32>
          %swap3A_951 = vector.shape_cast %add3A_948 : vector<16xi32> to vector<16xi32>
          tpu.vector_store %arg9[%swap3A], %swap3A_951 {strides = array<i32>} : memref<64xi32, #tpu.memory_space<vmem>>, vector<16xi32>,
          %add3A_952 = arith.constant 0 : i32
          %add3A_953 = arith.addi %mul3A_921, %add3A_952 : i32
          %add3A_954 = arith.constant 16 : i32
          %add3A_955 = arith.addi %add3A_953, %add3A_954 : i32
          %add3A_956 = vector.broadcast %add3A_955 : i32 to vector<16xi32>
          %add3A_957 = arith.addi %iota3A, %add3A_956 : vector<16xi32>
          %mul3A_958 = arith.constant 16 : i32
          %mul3A_959 = vector.broadcast %mul3A_958 : i32 to vector<16xi32>
          %mul3A_960 = arith.muli %add3A_957, %mul3A_959 : vector<16xi32>
          %add3A_961 = vector.broadcast %sub3A_937 : i32 to vector<16xi32>
          %add3A_962 = arith.addi %mul3A_960, %add3A_961 : vector<16xi32>
          %swap3A_963 = arith.constant 16 : index
          %swap3A_964 = tpu.vector_load %arg9[%swap3A_963] {strides = array<i32>} : memref<64xi32, #tpu.memory_space<vmem>>, vector<16xi32>,
          %swap3A_965 = vector.shape_cast %swap3A_964 : vector<16xi32> to vector<16xi32>
          %swap3A_966 = vector.shape_cast %add3A_962 : vector<16xi32> to vector<16xi32>
          tpu.vector_store %arg9[%swap3A_963], %swap3A_966 {strides = array<i32>} : memref<64xi32, #tpu.memory_space<vmem>>, vector<16xi32>,
          %add3A_967 = arith.constant 0 : i32
          %add3A_968 = arith.addi %mul3A_921, %add3A_967 : i32
          %add3A_969 = arith.constant 32 : i32
          %add3A_970 = arith.addi %add3A_968, %add3A_969 : i32
          %add3A_971 = vector.broadcast %add3A_970 : i32 to vector<16xi32>
          %add3A_972 = arith.addi %iota3A, %add3A_971 : vector<16xi32>
          %mul3A_973 = arith.constant 16 : i32
          %mul3A_974 = vector.broadcast %mul3A_973 : i32 to vector<16xi32>
          %mul3A_975 = arith.muli %add3A_972, %mul3A_974 : vector<16xi32>
          %add3A_976 = vector.broadcast %sub3A_937 : i32 to vector<16xi32>
          %add3A_977 = arith.addi %mul3A_975, %add3A_976 : vector<16xi32>
          %swap3A_978 = arith.constant 32 : index
          %swap3A_979 = tpu.vector_load %arg9[%swap3A_978] {strides = array<i32>} : memref<64xi32, #tpu.memory_space<vmem>>, vector<16xi32>,
          %swap3A_980 = vector.shape_cast %swap3A_979 : vector<16xi32> to vector<16xi32>
          %swap3A_981 = vector.shape_cast %add3A_977 : vector<16xi32> to vector<16xi32>
          tpu.vector_store %arg9[%swap3A_978], %swap3A_981 {strides = array<i32>} : memref<64xi32, #tpu.memory_space<vmem>>, vector<16xi32>,
          %add3A_982 = arith.constant 0 : i32
          %add3A_983 = arith.addi %mul3A_921, %add3A_982 : i32
          %add3A_984 = arith.constant 48 : i32
          %add3A_985 = arith.addi %add3A_983, %add3A_984 : i32
          %add3A_986 = vector.broadcast %add3A_985 : i32 to vector<16xi32>
          %add3A_987 = arith.addi %iota3A, %add3A_986 : vector<16xi32>
          %mul3A_988 = arith.constant 16 : i32
          %mul3A_989 = vector.broadcast %mul3A_988 : i32 to vector<16xi32>
          %mul3A_990 = arith.muli %add3A_987, %mul3A_989 : vector<16xi32>
          %add3A_991 = vector.broadcast %sub3A_937 : i32 to vector<16xi32>
          %add3A_992 = arith.addi %mul3A_990, %add3A_991 : vector<16xi32>
          %swap3A_993 = arith.constant 48 : index
          %swap3A_994 = tpu.vector_load %arg9[%swap3A_993] {strides = array<i32>} : memref<64xi32, #tpu.memory_space<vmem>>, vector<16xi32>,
          %swap3A_995 = vector.shape_cast %swap3A_994 : vector<16xi32> to vector<16xi32>
          %swap3A_996 = vector.shape_cast %add3A_992 : vector<16xi32> to vector<16xi32>
          tpu.vector_store %arg9[%swap3A_993], %swap3A_996 {strides = array<i32>} : memref<64xi32, #tpu.memory_space<vmem>>, vector<16xi32>,
          %dma_start3A_997 = arith.constant 0 : i32
          %dma_start3A_998 = arith.constant 0 : i32
          %dma_start3A_999 = tpu.memref_slice %arg3[%dma_start3A_997, %dma_start3A_998] : memref<16384x512xf32, #tpu.memory_space<hbm>> -> memref<16384x512xf32, #tpu.memory_space<hbm>>
          tpu.enqueue_indirect_dma source(%dma_start3A_999 : memref<16384x512xf32, #tpu.memory_space<hbm>>) target(%arg7 : memref<64x512xf32, #tpu.memory_space<vmem>>) offsets(%arg9 : memref<64xi32, #tpu.memory_space<vmem>>) semaphore(%arg14 : memref<!tpu.dma_semaphore, #tpu.memory_space<semaphore_mem>>)
          %add3A_1000 = arith.constant 64 : i32
          %add3A_1001 = arith.addi %mul3A_921, %add3A_1000 : i32
          %add3A_1002 = arith.constant 0 : i32
          %add3A_1003 = arith.addi %add3A_1001, %add3A_1002 : i32
          %add3A_1004 = vector.broadcast %add3A_1003 : i32 to vector<16xi32>
          %add3A_1005 = arith.addi %iota3A, %add3A_1004 : vector<16xi32>
          %mul3A_1006 = arith.constant 16 : i32
          %mul3A_1007 = vector.broadcast %mul3A_1006 : i32 to vector<16xi32>
          %mul3A_1008 = arith.muli %add3A_1005, %mul3A_1007 : vector<16xi32>
          %add3A_1009 = vector.broadcast %sub3A_937 : i32 to vector<16xi32>
          %add3A_1010 = arith.addi %mul3A_1008, %add3A_1009 : vector<16xi32>
          %swap3A_1011 = arith.constant 0 : index
          %swap3A_1012 = tpu.vector_load %arg10[%swap3A_1011] {strides = array<i32>} : memref<64xi32, #tpu.memory_space<vmem>>, vector<16xi32>,
          %swap3A_1013 = vector.shape_cast %swap3A_1012 : vector<16xi32> to vector<16xi32>
          %swap3A_1014 = vector.shape_cast %add3A_1010 : vector<16xi32> to vector<16xi32>
          tpu.vector_store %arg10[%swap3A_1011], %swap3A_1014 {strides = array<i32>} : memref<64xi32, #tpu.memory_space<vmem>>, vector<16xi32>,
          %add3A_1015 = arith.constant 64 : i32
          %add3A_1016 = arith.addi %mul3A_921, %add3A_1015 : i32
          %add3A_1017 = arith.constant 16 : i32
          %add3A_1018 = arith.addi %add3A_1016, %add3A_1017 : i32
          %add3A_1019 = vector.broadcast %add3A_1018 : i32 to vector<16xi32>
          %add3A_1020 = arith.addi %iota3A, %add3A_1019 : vector<16xi32>
          %mul3A_1021 = arith.constant 16 : i32
          %mul3A_1022 = vector.broadcast %mul3A_1021 : i32 to vector<16xi32>
          %mul3A_1023 = arith.muli %add3A_1020, %mul3A_1022 : vector<16xi32>
          %add3A_1024 = vector.broadcast %sub3A_937 : i32 to vector<16xi32>
          %add3A_1025 = arith.addi %mul3A_1023, %add3A_1024 : vector<16xi32>
          %swap3A_1026 = arith.constant 16 : index
          %swap3A_1027 = tpu.vector_load %arg10[%swap3A_1026] {strides = array<i32>} : memref<64xi32, #tpu.memory_space<vmem>>, vector<16xi32>,
          %swap3A_1028 = vector.shape_cast %swap3A_1027 : vector<16xi32> to vector<16xi32>
          %swap3A_1029 = vector.shape_cast %add3A_1025 : vector<16xi32> to vector<16xi32>
          tpu.vector_store %arg10[%swap3A_1026], %swap3A_1029 {strides = array<i32>} : memref<64xi32, #tpu.memory_space<vmem>>, vector<16xi32>,
          %add3A_1030 = arith.constant 64 : i32
          %add3A_1031 = arith.addi %mul3A_921, %add3A_1030 : i32
          %add3A_1032 = arith.constant 32 : i32
          %add3A_1033 = arith.addi %add3A_1031, %add3A_1032 : i32
          %add3A_1034 = vector.broadcast %add3A_1033 : i32 to vector<16xi32>
          %add3A_1035 = arith.addi %iota3A, %add3A_1034 : vector<16xi32>
          %mul3A_1036 = arith.constant 16 : i32
          %mul3A_1037 = vector.broadcast %mul3A_1036 : i32 to vector<16xi32>
          %mul3A_1038 = arith.muli %add3A_1035, %mul3A_1037 : vector<16xi32>
          %add3A_1039 = vector.broadcast %sub3A_937 : i32 to vector<16xi32>
          %add3A_1040 = arith.addi %mul3A_1038, %add3A_1039 : vector<16xi32>
          %swap3A_1041 = arith.constant 32 : index
          %swap3A_1042 = tpu.vector_load %arg10[%swap3A_1041] {strides = array<i32>} : memref<64xi32, #tpu.memory_space<vmem>>, vector<16xi32>,
          %swap3A_1043 = vector.shape_cast %swap3A_1042 : vector<16xi32> to vector<16xi32>
          %swap3A_1044 = vector.shape_cast %add3A_1040 : vector<16xi32> to vector<16xi32>
          tpu.vector_store %arg10[%swap3A_1041], %swap3A_1044 {strides = array<i32>} : memref<64xi32, #tpu.memory_space<vmem>>, vector<16xi32>,
          %add3A_1045 = arith.constant 64 : i32
          %add3A_1046 = arith.addi %mul3A_921, %add3A_1045 : i32
          %add3A_1047 = arith.constant 48 : i32
          %add3A_1048 = arith.addi %add3A_1046, %add3A_1047 : i32
          %add3A_1049 = vector.broadcast %add3A_1048 : i32 to vector<16xi32>
          %add3A_1050 = arith.addi %iota3A, %add3A_1049 : vector<16xi32>
          %mul3A_1051 = arith.constant 16 : i32
          %mul3A_1052 = vector.broadcast %mul3A_1051 : i32 to vector<16xi32>
          %mul3A_1053 = arith.muli %add3A_1050, %mul3A_1052 : vector<16xi32>
          %add3A_1054 = vector.broadcast %sub3A_937 : i32 to vector<16xi32>
          %add3A_1055 = arith.addi %mul3A_1053, %add3A_1054 : vector<16xi32>
          %swap3A_1056 = arith.constant 48 : index
          %swap3A_1057 = tpu.vector_load %arg10[%swap3A_1056] {strides = array<i32>} : memref<64xi32, #tpu.memory_space<vmem>>, vector<16xi32>,
          %swap3A_1058 = vector.shape_cast %swap3A_1057 : vector<16xi32> to vector<16xi32>
          %swap3A_1059 = vector.shape_cast %add3A_1055 : vector<16xi32> to vector<16xi32>
          tpu.vector_store %arg10[%swap3A_1056], %swap3A_1059 {strides = array<i32>} : memref<64xi32, #tpu.memory_space<vmem>>, vector<16xi32>,
          %dma_start3A_1060 = arith.constant 0 : i32
          %dma_start3A_1061 = arith.constant 0 : i32
          %dma_start3A_1062 = tpu.memref_slice %arg3[%dma_start3A_1060, %dma_start3A_1061] : memref<16384x512xf32, #tpu.memory_space<hbm>> -> memref<16384x512xf32, #tpu.memory_space<hbm>>
          tpu.enqueue_indirect_dma source(%dma_start3A_1062 : memref<16384x512xf32, #tpu.memory_space<hbm>>) target(%arg8 : memref<64x512xf32, #tpu.memory_space<vmem>>) offsets(%arg10 : memref<64xi32, #tpu.memory_space<vmem>>) semaphore(%arg15 : memref<!tpu.dma_semaphore, #tpu.memory_space<semaphore_mem>>)
          %dma_wait3A_1063 = arith.constant 0 : i32
          %dma_wait3A_1064 = arith.constant 0 : i32
          %dma_wait3A_1065 = tpu.memref_slice %arg3[%dma_wait3A_1063, %dma_wait3A_1064] : memref<16384x512xf32, #tpu.memory_space<hbm>> -> memref<16384x512xf32, #tpu.memory_space<hbm>>
          tpu.wait_indirect_dma semaphore(%arg14 : memref<!tpu.dma_semaphore, #tpu.memory_space<semaphore_mem>>) src(%dma_wait3A_1065 : memref<16384x512xf32, #tpu.memory_space<hbm>>) dst(%arg7 : memref<64x512xf32, #tpu.memory_space<vmem>>)
          %mul3A_1066 = arith.constant 1024 : i32
          %mul3A_1067 = arith.muli %select_n3A_904, %mul3A_1066 : i32
          %add3A_1068 = arith.addi %mul3A_1067, %mul3A_921 : i32
          %add3A_1069 = arith.constant 0 : i32
          %add3A_1070 = arith.addi %add3A_1068, %add3A_1069 : i32
          %dma_start3A_1071 = arith.constant 0 : i32
          %dma_start3A_1072 = tpu.memref_slice %arg5[%add3A_1070, %dma_start3A_1071] : memref<78848x512xf32, #tpu.memory_space<hbm>> -> memref<64x512xf32, #tpu.memory_space<hbm>>
          %dma_start3A_1073 = arith.constant 0 : i32
          %dma_start3A_1074 = tpu.memref_slice %arg5[%add3A_1070, %dma_start3A_1073] : memref<78848x512xf32, #tpu.memory_space<hbm>> -> memref<64x512xf32, #tpu.memory_space<hbm>>
          tpu.enqueue_dma source(%arg7 : memref<64x512xf32, #tpu.memory_space<vmem>>) target(%dma_start3A_1074 : memref<64x512xf32, #tpu.memory_space<hbm>>) target_semaphore(%arg17 : memref<!tpu.dma_semaphore, #tpu.memory_space<semaphore_mem>>)
          %dma_wait3A_1075 = arith.constant 0 : i32
          %dma_wait3A_1076 = arith.constant 0 : i32
          %dma_wait3A_1077 = tpu.memref_slice %arg3[%dma_wait3A_1075, %dma_wait3A_1076] : memref<16384x512xf32, #tpu.memory_space<hbm>> -> memref<16384x512xf32, #tpu.memory_space<hbm>>
          tpu.wait_indirect_dma semaphore(%arg15 : memref<!tpu.dma_semaphore, #tpu.memory_space<semaphore_mem>>) src(%dma_wait3A_1077 : memref<16384x512xf32, #tpu.memory_space<hbm>>) dst(%arg8 : memref<64x512xf32, #tpu.memory_space<vmem>>)
          %mul3A_1078 = arith.constant 1024 : i32
          %mul3A_1079 = arith.muli %select_n3A_904, %mul3A_1078 : i32
          %add3A_1080 = arith.addi %mul3A_1079, %mul3A_921 : i32
          %add3A_1081 = arith.constant 64 : i32
          %add3A_1082 = arith.addi %add3A_1080, %add3A_1081 : i32
          %dma_start3A_1083 = arith.constant 0 : i32
          %dma_start3A_1084 = tpu.memref_slice %arg5[%add3A_1082, %dma_start3A_1083] : memref<78848x512xf32, #tpu.memory_space<hbm>> -> memref<64x512xf32, #tpu.memory_space<hbm>>
          %dma_start3A_1085 = arith.constant 0 : i32
          %dma_start3A_1086 = tpu.memref_slice %arg5[%add3A_1082, %dma_start3A_1085] : memref<78848x512xf32, #tpu.memory_space<hbm>> -> memref<64x512xf32, #tpu.memory_space<hbm>>
          tpu.enqueue_dma source(%arg8 : memref<64x512xf32, #tpu.memory_space<vmem>>) target(%dma_start3A_1086 : memref<64x512xf32, #tpu.memory_space<hbm>>) target_semaphore(%arg18 : memref<!tpu.dma_semaphore, #tpu.memory_space<semaphore_mem>>)
          %mul3A_1087 = arith.constant 1024 : i32
          %mul3A_1088 = arith.muli %select_n3A_904, %mul3A_1087 : i32
          %add3A_1089 = arith.addi %mul3A_1088, %mul3A_921 : i32
          %add3A_1090 = arith.constant 0 : i32
          %add3A_1091 = arith.addi %add3A_1089, %add3A_1090 : i32
          %dma_wait3A_1092 = arith.constant 0 : i32
          %dma_wait3A_1093 = tpu.memref_slice %arg5[%add3A_1091, %dma_wait3A_1092] : memref<78848x512xf32, #tpu.memory_space<hbm>> -> memref<64x512xf32, #tpu.memory_space<hbm>>
          %dma_wait3A_1094 = arith.constant 0 : i32
          %dma_wait3A_1095 = tpu.memref_slice %arg5[%add3A_1091, %dma_wait3A_1094] : memref<78848x512xf32, #tpu.memory_space<hbm>> -> memref<64x512xf32, #tpu.memory_space<hbm>>
          tpu.wait_dma2 semaphore(%arg17 : memref<!tpu.dma_semaphore, #tpu.memory_space<semaphore_mem>>) src(%arg7 : memref<64x512xf32, #tpu.memory_space<vmem>>) dst(%dma_wait3A_1095 : memref<64x512xf32, #tpu.memory_space<hbm>>)
          %add3A_1096 = arith.constant 128 : i32
          %add3A_1097 = arith.addi %mul3A_921, %add3A_1096 : i32
          %add3A_1098 = arith.constant 0 : i32
          %add3A_1099 = arith.addi %add3A_1097, %add3A_1098 : i32
          %add3A_1100 = vector.broadcast %add3A_1099 : i32 to vector<16xi32>
          %add3A_1101 = arith.addi %iota3A, %add3A_1100 : vector<16xi32>
          %mul3A_1102 = arith.constant 16 : i32
          %mul3A_1103 = vector.broadcast %mul3A_1102 : i32 to vector<16xi32>
          %mul3A_1104 = arith.muli %add3A_1101, %mul3A_1103 : vector<16xi32>
          %add3A_1105 = vector.broadcast %sub3A_937 : i32 to vector<16xi32>
          %add3A_1106 = arith.addi %mul3A_1104, %add3A_1105 : vector<16xi32>
          %swap3A_1107 = arith.constant 0 : index
          %swap3A_1108 = tpu.vector_load %arg9[%swap3A_1107] {strides = array<i32>} : memref<64xi32, #tpu.memory_space<vmem>>, vector<16xi32>,
          %swap3A_1109 = vector.shape_cast %swap3A_1108 : vector<16xi32> to vector<16xi32>
          %swap3A_1110 = vector.shape_cast %add3A_1106 : vector<16xi32> to vector<16xi32>
          tpu.vector_store %arg9[%swap3A_1107], %swap3A_1110 {strides = array<i32>} : memref<64xi32, #tpu.memory_space<vmem>>, vector<16xi32>,
          %add3A_1111 = arith.constant 128 : i32
          %add3A_1112 = arith.addi %mul3A_921, %add3A_1111 : i32
          %add3A_1113 = arith.constant 16 : i32
          %add3A_1114 = arith.addi %add3A_1112, %add3A_1113 : i32
          %add3A_1115 = vector.broadcast %add3A_1114 : i32 to vector<16xi32>
          %add3A_1116 = arith.addi %iota3A, %add3A_1115 : vector<16xi32>
          %mul3A_1117 = arith.constant 16 : i32
          %mul3A_1118 = vector.broadcast %mul3A_1117 : i32 to vector<16xi32>
          %mul3A_1119 = arith.muli %add3A_1116, %mul3A_1118 : vector<16xi32>
          %add3A_1120 = vector.broadcast %sub3A_937 : i32 to vector<16xi32>
          %add3A_1121 = arith.addi %mul3A_1119, %add3A_1120 : vector<16xi32>
          %swap3A_1122 = arith.constant 16 : index
          %swap3A_1123 = tpu.vector_load %arg9[%swap3A_1122] {strides = array<i32>} : memref<64xi32, #tpu.memory_space<vmem>>, vector<16xi32>,
          %swap3A_1124 = vector.shape_cast %swap3A_1123 : vector<16xi32> to vector<16xi32>
          %swap3A_1125 = vector.shape_cast %add3A_1121 : vector<16xi32> to vector<16xi32>
          tpu.vector_store %arg9[%swap3A_1122], %swap3A_1125 {strides = array<i32>} : memref<64xi32, #tpu.memory_space<vmem>>, vector<16xi32>,
          %add3A_1126 = arith.constant 128 : i32
          %add3A_1127 = arith.addi %mul3A_921, %add3A_1126 : i32
          %add3A_1128 = arith.constant 32 : i32
          %add3A_1129 = arith.addi %add3A_1127, %add3A_1128 : i32
          %add3A_1130 = vector.broadcast %add3A_1129 : i32 to vector<16xi32>
          %add3A_1131 = arith.addi %iota3A, %add3A_1130 : vector<16xi32>
          %mul3A_1132 = arith.constant 16 : i32
          %mul3A_1133 = vector.broadcast %mul3A_1132 : i32 to vector<16xi32>
          %mul3A_1134 = arith.muli %add3A_1131, %mul3A_1133 : vector<16xi32>
          %add3A_1135 = vector.broadcast %sub3A_937 : i32 to vector<16xi32>
          %add3A_1136 = arith.addi %mul3A_1134, %add3A_1135 : vector<16xi32>
          %swap3A_1137 = arith.constant 32 : index
          %swap3A_1138 = tpu.vector_load %arg9[%swap3A_1137] {strides = array<i32>} : memref<64xi32, #tpu.memory_space<vmem>>, vector<16xi32>,
          %swap3A_1139 = vector.shape_cast %swap3A_1138 : vector<16xi32> to vector<16xi32>
          %swap3A_1140 = vector.shape_cast %add3A_1136 : vector<16xi32> to vector<16xi32>
          tpu.vector_store %arg9[%swap3A_1137], %swap3A_1140 {strides = array<i32>} : memref<64xi32, #tpu.memory_space<vmem>>, vector<16xi32>,
          %add3A_1141 = arith.constant 128 : i32
          %add3A_1142 = arith.addi %mul3A_921, %add3A_1141 : i32
          %add3A_1143 = arith.constant 48 : i32
          %add3A_1144 = arith.addi %add3A_1142, %add3A_1143 : i32
          %add3A_1145 = vector.broadcast %add3A_1144 : i32 to vector<16xi32>
          %add3A_1146 = arith.addi %iota3A, %add3A_1145 : vector<16xi32>
          %mul3A_1147 = arith.constant 16 : i32
          %mul3A_1148 = vector.broadcast %mul3A_1147 : i32 to vector<16xi32>
          %mul3A_1149 = arith.muli %add3A_1146, %mul3A_1148 : vector<16xi32>
          %add3A_1150 = vector.broadcast %sub3A_937 : i32 to vector<16xi32>
          %add3A_1151 = arith.addi %mul3A_1149, %add3A_1150 : vector<16xi32>
          %swap3A_1152 = arith.constant 48 : index
          %swap3A_1153 = tpu.vector_load %arg9[%swap3A_1152] {strides = array<i32>} : memref<64xi32, #tpu.memory_space<vmem>>, vector<16xi32>,
          %swap3A_1154 = vector.shape_cast %swap3A_1153 : vector<16xi32> to vector<16xi32>
          %swap3A_1155 = vector.shape_cast %add3A_1151 : vector<16xi32> to vector<16xi32>
          tpu.vector_store %arg9[%swap3A_1152], %swap3A_1155 {strides = array<i32>} : memref<64xi32, #tpu.memory_space<vmem>>, vector<16xi32>,
          %dma_start3A_1156 = arith.constant 0 : i32
          %dma_start3A_1157 = arith.constant 0 : i32
          %dma_start3A_1158 = tpu.memref_slice %arg3[%dma_start3A_1156, %dma_start3A_1157] : memref<16384x512xf32, #tpu.memory_space<hbm>> -> memref<16384x512xf32, #tpu.memory_space<hbm>>
          tpu.enqueue_indirect_dma source(%dma_start3A_1158 : memref<16384x512xf32, #tpu.memory_space<hbm>>) target(%arg7 : memref<64x512xf32, #tpu.memory_space<vmem>>) offsets(%arg9 : memref<64xi32, #tpu.memory_space<vmem>>) semaphore(%arg14 : memref<!tpu.dma_semaphore, #tpu.memory_space<semaphore_mem>>)
          %dma_wait3A_1159 = arith.constant 0 : i32
          %dma_wait3A_1160 = arith.constant 0 : i32
          %dma_wait3A_1161 = tpu.memref_slice %arg3[%dma_wait3A_1159, %dma_wait3A_1160] : memref<16384x512xf32, #tpu.memory_space<hbm>> -> memref<16384x512xf32, #tpu.memory_space<hbm>>
          tpu.wait_indirect_dma semaphore(%arg14 : memref<!tpu.dma_semaphore, #tpu.memory_space<semaphore_mem>>) src(%dma_wait3A_1161 : memref<16384x512xf32, #tpu.memory_space<hbm>>) dst(%arg7 : memref<64x512xf32, #tpu.memory_space<vmem>>)
          %mul3A_1162 = arith.constant 1024 : i32
          %mul3A_1163 = arith.muli %select_n3A_904, %mul3A_1162 : i32
          %add3A_1164 = arith.addi %mul3A_1163, %mul3A_921 : i32
          %add3A_1165 = arith.constant 128 : i32
          %add3A_1166 = arith.addi %add3A_1164, %add3A_1165 : i32
          %dma_start3A_1167 = arith.constant 0 : i32
          %dma_start3A_1168 = tpu.memref_slice %arg5[%add3A_1166, %dma_start3A_1167] : memref<78848x512xf32, #tpu.memory_space<hbm>> -> memref<64x512xf32, #tpu.memory_space<hbm>>
          %dma_start3A_1169 = arith.constant 0 : i32
          %dma_start3A_1170 = tpu.memref_slice %arg5[%add3A_1166, %dma_start3A_1169] : memref<78848x512xf32, #tpu.memory_space<hbm>> -> memref<64x512xf32, #tpu.memory_space<hbm>>
          tpu.enqueue_dma source(%arg7 : memref<64x512xf32, #tpu.memory_space<vmem>>) target(%dma_start3A_1170 : memref<64x512xf32, #tpu.memory_space<hbm>>) target_semaphore(%arg17 : memref<!tpu.dma_semaphore, #tpu.memory_space<semaphore_mem>>)
          %mul3A_1171 = arith.constant 1024 : i32
          %mul3A_1172 = arith.muli %select_n3A_904, %mul3A_1171 : i32
          %add3A_1173 = arith.addi %mul3A_1172, %mul3A_921 : i32
          %add3A_1174 = arith.constant 64 : i32
          %add3A_1175 = arith.addi %add3A_1173, %add3A_1174 : i32
          %dma_wait3A_1176 = arith.constant 0 : i32
          %dma_wait3A_1177 = tpu.memref_slice %arg5[%add3A_1175, %dma_wait3A_1176] : memref<78848x512xf32, #tpu.memory_space<hbm>> -> memref<64x512xf32, #tpu.memory_space<hbm>>
          %dma_wait3A_1178 = arith.constant 0 : i32
          %dma_wait3A_1179 = tpu.memref_slice %arg5[%add3A_1175, %dma_wait3A_1178] : memref<78848x512xf32, #tpu.memory_space<hbm>> -> memref<64x512xf32, #tpu.memory_space<hbm>>
          tpu.wait_dma2 semaphore(%arg18 : memref<!tpu.dma_semaphore, #tpu.memory_space<semaphore_mem>>) src(%arg8 : memref<64x512xf32, #tpu.memory_space<vmem>>) dst(%dma_wait3A_1179 : memref<64x512xf32, #tpu.memory_space<hbm>>)
          %add3A_1180 = arith.constant 192 : i32
          %add3A_1181 = arith.addi %mul3A_921, %add3A_1180 : i32
          %add3A_1182 = arith.constant 0 : i32
          %add3A_1183 = arith.addi %add3A_1181, %add3A_1182 : i32
          %add3A_1184 = vector.broadcast %add3A_1183 : i32 to vector<16xi32>
          %add3A_1185 = arith.addi %iota3A, %add3A_1184 : vector<16xi32>
          %mul3A_1186 = arith.constant 16 : i32
          %mul3A_1187 = vector.broadcast %mul3A_1186 : i32 to vector<16xi32>
          %mul3A_1188 = arith.muli %add3A_1185, %mul3A_1187 : vector<16xi32>
          %add3A_1189 = vector.broadcast %sub3A_937 : i32 to vector<16xi32>
          %add3A_1190 = arith.addi %mul3A_1188, %add3A_1189 : vector<16xi32>
          %swap3A_1191 = arith.constant 0 : index
          %swap3A_1192 = tpu.vector_load %arg10[%swap3A_1191] {strides = array<i32>} : memref<64xi32, #tpu.memory_space<vmem>>, vector<16xi32>,
          %swap3A_1193 = vector.shape_cast %swap3A_1192 : vector<16xi32> to vector<16xi32>
          %swap3A_1194 = vector.shape_cast %add3A_1190 : vector<16xi32> to vector<16xi32>
          tpu.vector_store %arg10[%swap3A_1191], %swap3A_1194 {strides = array<i32>} : memref<64xi32, #tpu.memory_space<vmem>>, vector<16xi32>,
          %add3A_1195 = arith.constant 192 : i32
          %add3A_1196 = arith.addi %mul3A_921, %add3A_1195 : i32
          %add3A_1197 = arith.constant 16 : i32
          %add3A_1198 = arith.addi %add3A_1196, %add3A_1197 : i32
          %add3A_1199 = vector.broadcast %add3A_1198 : i32 to vector<16xi32>
          %add3A_1200 = arith.addi %iota3A, %add3A_1199 : vector<16xi32>
          %mul3A_1201 = arith.constant 16 : i32
          %mul3A_1202 = vector.broadcast %mul3A_1201 : i32 to vector<16xi32>
          %mul3A_1203 = arith.muli %add3A_1200, %mul3A_1202 : vector<16xi32>
          %add3A_1204 = vector.broadcast %sub3A_937 : i32 to vector<16xi32>
          %add3A_1205 = arith.addi %mul3A_1203, %add3A_1204 : vector<16xi32>
          %swap3A_1206 = arith.constant 16 : index
          %swap3A_1207 = tpu.vector_load %arg10[%swap3A_1206] {strides = array<i32>} : memref<64xi32, #tpu.memory_space<vmem>>, vector<16xi32>,
          %swap3A_1208 = vector.shape_cast %swap3A_1207 : vector<16xi32> to vector<16xi32>
          %swap3A_1209 = vector.shape_cast %add3A_1205 : vector<16xi32> to vector<16xi32>
          tpu.vector_store %arg10[%swap3A_1206], %swap3A_1209 {strides = array<i32>} : memref<64xi32, #tpu.memory_space<vmem>>, vector<16xi32>,
          %add3A_1210 = arith.constant 192 : i32
          %add3A_1211 = arith.addi %mul3A_921, %add3A_1210 : i32
          %add3A_1212 = arith.constant 32 : i32
          %add3A_1213 = arith.addi %add3A_1211, %add3A_1212 : i32
          %add3A_1214 = vector.broadcast %add3A_1213 : i32 to vector<16xi32>
          %add3A_1215 = arith.addi %iota3A, %add3A_1214 : vector<16xi32>
          %mul3A_1216 = arith.constant 16 : i32
          %mul3A_1217 = vector.broadcast %mul3A_1216 : i32 to vector<16xi32>
          %mul3A_1218 = arith.muli %add3A_1215, %mul3A_1217 : vector<16xi32>
          %add3A_1219 = vector.broadcast %sub3A_937 : i32 to vector<16xi32>
          %add3A_1220 = arith.addi %mul3A_1218, %add3A_1219 : vector<16xi32>
          %swap3A_1221 = arith.constant 32 : index
          %swap3A_1222 = tpu.vector_load %arg10[%swap3A_1221] {strides = array<i32>} : memref<64xi32, #tpu.memory_space<vmem>>, vector<16xi32>,
          %swap3A_1223 = vector.shape_cast %swap3A_1222 : vector<16xi32> to vector<16xi32>
          %swap3A_1224 = vector.shape_cast %add3A_1220 : vector<16xi32> to vector<16xi32>
          tpu.vector_store %arg10[%swap3A_1221], %swap3A_1224 {strides = array<i32>} : memref<64xi32, #tpu.memory_space<vmem>>, vector<16xi32>,
          %add3A_1225 = arith.constant 192 : i32
          %add3A_1226 = arith.addi %mul3A_921, %add3A_1225 : i32
          %add3A_1227 = arith.constant 48 : i32
          %add3A_1228 = arith.addi %add3A_1226, %add3A_1227 : i32
          %add3A_1229 = vector.broadcast %add3A_1228 : i32 to vector<16xi32>
          %add3A_1230 = arith.addi %iota3A, %add3A_1229 : vector<16xi32>
          %mul3A_1231 = arith.constant 16 : i32
          %mul3A_1232 = vector.broadcast %mul3A_1231 : i32 to vector<16xi32>
          %mul3A_1233 = arith.muli %add3A_1230, %mul3A_1232 : vector<16xi32>
          %add3A_1234 = vector.broadcast %sub3A_937 : i32 to vector<16xi32>
          %add3A_1235 = arith.addi %mul3A_1233, %add3A_1234 : vector<16xi32>
          %swap3A_1236 = arith.constant 48 : index
          %swap3A_1237 = tpu.vector_load %arg10[%swap3A_1236] {strides = array<i32>} : memref<64xi32, #tpu.memory_space<vmem>>, vector<16xi32>,
          %swap3A_1238 = vector.shape_cast %swap3A_1237 : vector<16xi32> to vector<16xi32>
          %swap3A_1239 = vector.shape_cast %add3A_1235 : vector<16xi32> to vector<16xi32>
          tpu.vector_store %arg10[%swap3A_1236], %swap3A_1239 {strides = array<i32>} : memref<64xi32, #tpu.memory_space<vmem>>, vector<16xi32>,
          %dma_start3A_1240 = arith.constant 0 : i32
          %dma_start3A_1241 = arith.constant 0 : i32
          %dma_start3A_1242 = tpu.memref_slice %arg3[%dma_start3A_1240, %dma_start3A_1241] : memref<16384x512xf32, #tpu.memory_space<hbm>> -> memref<16384x512xf32, #tpu.memory_space<hbm>>
          tpu.enqueue_indirect_dma source(%dma_start3A_1242 : memref<16384x512xf32, #tpu.memory_space<hbm>>) target(%arg8 : memref<64x512xf32, #tpu.memory_space<vmem>>) offsets(%arg10 : memref<64xi32, #tpu.memory_space<vmem>>) semaphore(%arg15 : memref<!tpu.dma_semaphore, #tpu.memory_space<semaphore_mem>>)
          %dma_wait3A_1243 = arith.constant 0 : i32
          %dma_wait3A_1244 = arith.constant 0 : i32
          %dma_wait3A_1245 = tpu.memref_slice %arg3[%dma_wait3A_1243, %dma_wait3A_1244] : memref<16384x512xf32, #tpu.memory_space<hbm>> -> memref<16384x512xf32, #tpu.memory_space<hbm>>
          tpu.wait_indirect_dma semaphore(%arg15 : memref<!tpu.dma_semaphore, #tpu.memory_space<semaphore_mem>>) src(%dma_wait3A_1245 : memref<16384x512xf32, #tpu.memory_space<hbm>>) dst(%arg8 : memref<64x512xf32, #tpu.memory_space<vmem>>)
          %mul3A_1246 = arith.constant 1024 : i32
          %mul3A_1247 = arith.muli %select_n3A_904, %mul3A_1246 : i32
          %add3A_1248 = arith.addi %mul3A_1247, %mul3A_921 : i32
          %add3A_1249 = arith.constant 192 : i32
          %add3A_1250 = arith.addi %add3A_1248, %add3A_1249 : i32
          %dma_start3A_1251 = arith.constant 0 : i32
          %dma_start3A_1252 = tpu.memref_slice %arg5[%add3A_1250, %dma_start3A_1251] : memref<78848x512xf32, #tpu.memory_space<hbm>> -> memref<64x512xf32, #tpu.memory_space<hbm>>
          %dma_start3A_1253 = arith.constant 0 : i32
          %dma_start3A_1254 = tpu.memref_slice %arg5[%add3A_1250, %dma_start3A_1253] : memref<78848x512xf32, #tpu.memory_space<hbm>> -> memref<64x512xf32, #tpu.memory_space<hbm>>
          tpu.enqueue_dma source(%arg8 : memref<64x512xf32, #tpu.memory_space<vmem>>) target(%dma_start3A_1254 : memref<64x512xf32, #tpu.memory_space<hbm>>) target_semaphore(%arg18 : memref<!tpu.dma_semaphore, #tpu.memory_space<semaphore_mem>>)
          %mul3A_1255 = arith.constant 1024 : i32
          %mul3A_1256 = arith.muli %select_n3A_904, %mul3A_1255 : i32
          %add3A_1257 = arith.addi %mul3A_1256, %mul3A_921 : i32
          %add3A_1258 = arith.constant 128 : i32
          %add3A_1259 = arith.addi %add3A_1257, %add3A_1258 : i32
          %dma_wait3A_1260 = arith.constant 0 : i32
          %dma_wait3A_1261 = tpu.memref_slice %arg5[%add3A_1259, %dma_wait3A_1260] : memref<78848x512xf32, #tpu.memory_space<hbm>> -> memref<64x512xf32, #tpu.memory_space<hbm>>
          %dma_wait3A_1262 = arith.constant 0 : i32
          %dma_wait3A_1263 = tpu.memref_slice %arg5[%add3A_1259, %dma_wait3A_1262] : memref<78848x512xf32, #tpu.memory_space<hbm>> -> memref<64x512xf32, #tpu.memory_space<hbm>>
          tpu.wait_dma2 semaphore(%arg17 : memref<!tpu.dma_semaphore, #tpu.memory_space<semaphore_mem>>) src(%arg7 : memref<64x512xf32, #tpu.memory_space<vmem>>) dst(%dma_wait3A_1263 : memref<64x512xf32, #tpu.memory_space<hbm>>)
          %mul3A_1264 = arith.constant 1024 : i32
          %mul3A_1265 = arith.muli %select_n3A_904, %mul3A_1264 : i32
          %add3A_1266 = arith.addi %mul3A_1265, %mul3A_921 : i32
          %add3A_1267 = arith.constant 192 : i32
          %add3A_1268 = arith.addi %add3A_1266, %add3A_1267 : i32
          %dma_wait3A_1269 = arith.constant 0 : i32
          %dma_wait3A_1270 = tpu.memref_slice %arg5[%add3A_1268, %dma_wait3A_1269] : memref<78848x512xf32, #tpu.memory_space<hbm>> -> memref<64x512xf32, #tpu.memory_space<hbm>>
          %dma_wait3A_1271 = arith.constant 0 : i32
          %dma_wait3A_1272 = tpu.memref_slice %arg5[%add3A_1268, %dma_wait3A_1271] : memref<78848x512xf32, #tpu.memory_space<hbm>> -> memref<64x512xf32, #tpu.memory_space<hbm>>
          tpu.wait_dma2 semaphore(%arg18 : memref<!tpu.dma_semaphore, #tpu.memory_space<semaphore_mem>>) src(%arg8 : memref<64x512xf32, #tpu.memory_space<vmem>>) dst(%dma_wait3A_1272 : memref<64x512xf32, #tpu.memory_space<hbm>>)
          scf.yield %while3A_879 : i32
        } else {
          %lt3A_936 = arith.constant 2 : i32
          %lt3A_937 = arith.cmpi slt, %select_n3A_904, %lt3A_936 : i32
          %lt3A_938 = arith.constant 5 : i32
          %lt3A_939 = arith.cmpi slt, %select_n3A_904, %lt3A_938 : i32
          %sub3A_940 = arith.constant 1 : i32
          %sub3A_941 = arith.subi %select_n3A_904, %sub3A_940 : i32
          %sub3A_942 = arith.constant 21 : i32
          %sub3A_943 = arith.subi %select_n3A_904, %sub3A_942 : i32
          %add3A_944 = arith.constant 2 : i32
          %add3A_945 = arith.addi %sub3A_943, %add3A_944 : i32
          %add3A_946 = arith.constant 2 : i32
          %add3A_947 = arith.addi %add3A_945, %add3A_946 : i32
          %select_n3A_948 = arith.select %lt3A_939, %sub3A_941, %add3A_947 : i32
          %select_n3A_949 = arith.select %lt3A_937, %select_n3A_904, %select_n3A_948 : i32
          %mul3A_950 = arith.constant 1024 : i32
          %mul3A_951 = arith.muli %select_n3A_904, %mul3A_950 : i32
          %add3A_952 = arith.addi %mul3A_951, %mul3A_921 : i32
          %mul3A_953 = arith.constant 16 : i32
          %mul3A_954 = arith.muli %select_n3A_949, %mul3A_953 : i32
          %add3A_955 = arith.constant 0 : i32
          %add3A_956 = arith.addi %add3A_952, %add3A_955 : i32
          %dma_start3A_957 = arith.constant 0 : i32
          %dma_start3A_958 = tpu.memref_slice %arg5[%add3A_956, %dma_start3A_957] : memref<78848x512xf32, #tpu.memory_space<hbm>> -> memref<16x512xf32, #tpu.memory_space<hbm>>
          %dma_start3A_959 = arith.constant 0 : i32
          %dma_start3A_960 = tpu.memref_slice %arg11[%mul3A_954, %dma_start3A_959] : memref<960x512xf32, #tpu.memory_space<vmem_shared>> -> memref<16x512xf32, #tpu.memory_space<vmem_shared>>
          tpu.enqueue_dma source(%dma_start3A_960 : memref<16x512xf32, #tpu.memory_space<vmem_shared>>) target(%dma_start3A_958 : memref<16x512xf32, #tpu.memory_space<hbm>>) target_semaphore(%arg12 : memref<!tpu.dma_semaphore, #tpu.memory_space<semaphore_mem>>)
          %mul3A_961 = arith.constant 16 : i32
          %mul3A_962 = arith.muli %select_n3A_949, %mul3A_961 : i32
          %add3A_963 = arith.constant 16 : i32
          %add3A_964 = arith.addi %add3A_952, %add3A_963 : i32
          %dma_start3A_965 = arith.constant 0 : i32
          %dma_start3A_966 = tpu.memref_slice %arg5[%add3A_964, %dma_start3A_965] : memref<78848x512xf32, #tpu.memory_space<hbm>> -> memref<16x512xf32, #tpu.memory_space<hbm>>
          %dma_start3A_967 = arith.constant 0 : i32
          %dma_start3A_968 = tpu.memref_slice %arg11[%mul3A_962, %dma_start3A_967] : memref<960x512xf32, #tpu.memory_space<vmem_shared>> -> memref<16x512xf32, #tpu.memory_space<vmem_shared>>
          tpu.enqueue_dma source(%dma_start3A_968 : memref<16x512xf32, #tpu.memory_space<vmem_shared>>) target(%dma_start3A_966 : memref<16x512xf32, #tpu.memory_space<hbm>>) target_semaphore(%arg12 : memref<!tpu.dma_semaphore, #tpu.memory_space<semaphore_mem>>)
          %mul3A_969 = arith.constant 16 : i32
          %mul3A_970 = arith.muli %select_n3A_949, %mul3A_969 : i32
          %add3A_971 = arith.constant 32 : i32
          %add3A_972 = arith.addi %add3A_952, %add3A_971 : i32
          %dma_start3A_973 = arith.constant 0 : i32
          %dma_start3A_974 = tpu.memref_slice %arg5[%add3A_972, %dma_start3A_973] : memref<78848x512xf32, #tpu.memory_space<hbm>> -> memref<16x512xf32, #tpu.memory_space<hbm>>
          %dma_start3A_975 = arith.constant 0 : i32
          %dma_start3A_976 = tpu.memref_slice %arg11[%mul3A_970, %dma_start3A_975] : memref<960x512xf32, #tpu.memory_space<vmem_shared>> -> memref<16x512xf32, #tpu.memory_space<vmem_shared>>
          tpu.enqueue_dma source(%dma_start3A_976 : memref<16x512xf32, #tpu.memory_space<vmem_shared>>) target(%dma_start3A_974 : memref<16x512xf32, #tpu.memory_space<hbm>>) target_semaphore(%arg12 : memref<!tpu.dma_semaphore, #tpu.memory_space<semaphore_mem>>)
          %mul3A_977 = arith.constant 16 : i32
          %mul3A_978 = arith.muli %select_n3A_949, %mul3A_977 : i32
          %add3A_979 = arith.constant 48 : i32
          %add3A_980 = arith.addi %add3A_952, %add3A_979 : i32
          %dma_start3A_981 = arith.constant 0 : i32
          %dma_start3A_982 = tpu.memref_slice %arg5[%add3A_980, %dma_start3A_981] : memref<78848x512xf32, #tpu.memory_space<hbm>> -> memref<16x512xf32, #tpu.memory_space<hbm>>
          %dma_start3A_983 = arith.constant 0 : i32
          %dma_start3A_984 = tpu.memref_slice %arg11[%mul3A_978, %dma_start3A_983] : memref<960x512xf32, #tpu.memory_space<vmem_shared>> -> memref<16x512xf32, #tpu.memory_space<vmem_shared>>
          tpu.enqueue_dma source(%dma_start3A_984 : memref<16x512xf32, #tpu.memory_space<vmem_shared>>) target(%dma_start3A_982 : memref<16x512xf32, #tpu.memory_space<hbm>>) target_semaphore(%arg12 : memref<!tpu.dma_semaphore, #tpu.memory_space<semaphore_mem>>)
          %mul3A_985 = arith.constant 16 : i32
          %mul3A_986 = arith.muli %select_n3A_949, %mul3A_985 : i32
          %add3A_987 = arith.constant 64 : i32
          %add3A_988 = arith.addi %add3A_952, %add3A_987 : i32
          %dma_start3A_989 = arith.constant 0 : i32
          %dma_start3A_990 = tpu.memref_slice %arg5[%add3A_988, %dma_start3A_989] : memref<78848x512xf32, #tpu.memory_space<hbm>> -> memref<16x512xf32, #tpu.memory_space<hbm>>
          %dma_start3A_991 = arith.constant 0 : i32
          %dma_start3A_992 = tpu.memref_slice %arg11[%mul3A_986, %dma_start3A_991] : memref<960x512xf32, #tpu.memory_space<vmem_shared>> -> memref<16x512xf32, #tpu.memory_space<vmem_shared>>
          tpu.enqueue_dma source(%dma_start3A_992 : memref<16x512xf32, #tpu.memory_space<vmem_shared>>) target(%dma_start3A_990 : memref<16x512xf32, #tpu.memory_space<hbm>>) target_semaphore(%arg12 : memref<!tpu.dma_semaphore, #tpu.memory_space<semaphore_mem>>)
          %mul3A_993 = arith.constant 16 : i32
          %mul3A_994 = arith.muli %select_n3A_949, %mul3A_993 : i32
          %add3A_995 = arith.constant 80 : i32
          %add3A_996 = arith.addi %add3A_952, %add3A_995 : i32
          %dma_start3A_997 = arith.constant 0 : i32
          %dma_start3A_998 = tpu.memref_slice %arg5[%add3A_996, %dma_start3A_997] : memref<78848x512xf32, #tpu.memory_space<hbm>> -> memref<16x512xf32, #tpu.memory_space<hbm>>
          %dma_start3A_999 = arith.constant 0 : i32
          %dma_start3A_1000 = tpu.memref_slice %arg11[%mul3A_994, %dma_start3A_999] : memref<960x512xf32, #tpu.memory_space<vmem_shared>> -> memref<16x512xf32, #tpu.memory_space<vmem_shared>>
          tpu.enqueue_dma source(%dma_start3A_1000 : memref<16x512xf32, #tpu.memory_space<vmem_shared>>) target(%dma_start3A_998 : memref<16x512xf32, #tpu.memory_space<hbm>>) target_semaphore(%arg12 : memref<!tpu.dma_semaphore, #tpu.memory_space<semaphore_mem>>)
          %mul3A_1001 = arith.constant 16 : i32
          %mul3A_1002 = arith.muli %select_n3A_949, %mul3A_1001 : i32
          %add3A_1003 = arith.constant 96 : i32
          %add3A_1004 = arith.addi %add3A_952, %add3A_1003 : i32
          %dma_start3A_1005 = arith.constant 0 : i32
          %dma_start3A_1006 = tpu.memref_slice %arg5[%add3A_1004, %dma_start3A_1005] : memref<78848x512xf32, #tpu.memory_space<hbm>> -> memref<16x512xf32, #tpu.memory_space<hbm>>
          %dma_start3A_1007 = arith.constant 0 : i32
          %dma_start3A_1008 = tpu.memref_slice %arg11[%mul3A_1002, %dma_start3A_1007] : memref<960x512xf32, #tpu.memory_space<vmem_shared>> -> memref<16x512xf32, #tpu.memory_space<vmem_shared>>
          tpu.enqueue_dma source(%dma_start3A_1008 : memref<16x512xf32, #tpu.memory_space<vmem_shared>>) target(%dma_start3A_1006 : memref<16x512xf32, #tpu.memory_space<hbm>>) target_semaphore(%arg12 : memref<!tpu.dma_semaphore, #tpu.memory_space<semaphore_mem>>)
          %mul3A_1009 = arith.constant 16 : i32
          %mul3A_1010 = arith.muli %select_n3A_949, %mul3A_1009 : i32
          %add3A_1011 = arith.constant 112 : i32
          %add3A_1012 = arith.addi %add3A_952, %add3A_1011 : i32
          %dma_start3A_1013 = arith.constant 0 : i32
          %dma_start3A_1014 = tpu.memref_slice %arg5[%add3A_1012, %dma_start3A_1013] : memref<78848x512xf32, #tpu.memory_space<hbm>> -> memref<16x512xf32, #tpu.memory_space<hbm>>
          %dma_start3A_1015 = arith.constant 0 : i32
          %dma_start3A_1016 = tpu.memref_slice %arg11[%mul3A_1010, %dma_start3A_1015] : memref<960x512xf32, #tpu.memory_space<vmem_shared>> -> memref<16x512xf32, #tpu.memory_space<vmem_shared>>
          tpu.enqueue_dma source(%dma_start3A_1016 : memref<16x512xf32, #tpu.memory_space<vmem_shared>>) target(%dma_start3A_1014 : memref<16x512xf32, #tpu.memory_space<hbm>>) target_semaphore(%arg12 : memref<!tpu.dma_semaphore, #tpu.memory_space<semaphore_mem>>)
          %mul3A_1017 = arith.constant 16 : i32
          %mul3A_1018 = arith.muli %select_n3A_949, %mul3A_1017 : i32
          %add3A_1019 = arith.constant 128 : i32
          %add3A_1020 = arith.addi %add3A_952, %add3A_1019 : i32
          %dma_start3A_1021 = arith.constant 0 : i32
          %dma_start3A_1022 = tpu.memref_slice %arg5[%add3A_1020, %dma_start3A_1021] : memref<78848x512xf32, #tpu.memory_space<hbm>> -> memref<16x512xf32, #tpu.memory_space<hbm>>
          %dma_start3A_1023 = arith.constant 0 : i32
          %dma_start3A_1024 = tpu.memref_slice %arg11[%mul3A_1018, %dma_start3A_1023] : memref<960x512xf32, #tpu.memory_space<vmem_shared>> -> memref<16x512xf32, #tpu.memory_space<vmem_shared>>
          tpu.enqueue_dma source(%dma_start3A_1024 : memref<16x512xf32, #tpu.memory_space<vmem_shared>>) target(%dma_start3A_1022 : memref<16x512xf32, #tpu.memory_space<hbm>>) target_semaphore(%arg12 : memref<!tpu.dma_semaphore, #tpu.memory_space<semaphore_mem>>)
          %mul3A_1025 = arith.constant 16 : i32
          %mul3A_1026 = arith.muli %select_n3A_949, %mul3A_1025 : i32
          %add3A_1027 = arith.constant 144 : i32
          %add3A_1028 = arith.addi %add3A_952, %add3A_1027 : i32
          %dma_start3A_1029 = arith.constant 0 : i32
          %dma_start3A_1030 = tpu.memref_slice %arg5[%add3A_1028, %dma_start3A_1029] : memref<78848x512xf32, #tpu.memory_space<hbm>> -> memref<16x512xf32, #tpu.memory_space<hbm>>
          %dma_start3A_1031 = arith.constant 0 : i32
          %dma_start3A_1032 = tpu.memref_slice %arg11[%mul3A_1026, %dma_start3A_1031] : memref<960x512xf32, #tpu.memory_space<vmem_shared>> -> memref<16x512xf32, #tpu.memory_space<vmem_shared>>
          tpu.enqueue_dma source(%dma_start3A_1032 : memref<16x512xf32, #tpu.memory_space<vmem_shared>>) target(%dma_start3A_1030 : memref<16x512xf32, #tpu.memory_space<hbm>>) target_semaphore(%arg12 : memref<!tpu.dma_semaphore, #tpu.memory_space<semaphore_mem>>)
          %mul3A_1033 = arith.constant 16 : i32
          %mul3A_1034 = arith.muli %select_n3A_949, %mul3A_1033 : i32
          %add3A_1035 = arith.constant 160 : i32
          %add3A_1036 = arith.addi %add3A_952, %add3A_1035 : i32
          %dma_start3A_1037 = arith.constant 0 : i32
          %dma_start3A_1038 = tpu.memref_slice %arg5[%add3A_1036, %dma_start3A_1037] : memref<78848x512xf32, #tpu.memory_space<hbm>> -> memref<16x512xf32, #tpu.memory_space<hbm>>
          %dma_start3A_1039 = arith.constant 0 : i32
          %dma_start3A_1040 = tpu.memref_slice %arg11[%mul3A_1034, %dma_start3A_1039] : memref<960x512xf32, #tpu.memory_space<vmem_shared>> -> memref<16x512xf32, #tpu.memory_space<vmem_shared>>
          tpu.enqueue_dma source(%dma_start3A_1040 : memref<16x512xf32, #tpu.memory_space<vmem_shared>>) target(%dma_start3A_1038 : memref<16x512xf32, #tpu.memory_space<hbm>>) target_semaphore(%arg12 : memref<!tpu.dma_semaphore, #tpu.memory_space<semaphore_mem>>)
          %mul3A_1041 = arith.constant 16 : i32
          %mul3A_1042 = arith.muli %select_n3A_949, %mul3A_1041 : i32
          %add3A_1043 = arith.constant 176 : i32
          %add3A_1044 = arith.addi %add3A_952, %add3A_1043 : i32
          %dma_start3A_1045 = arith.constant 0 : i32
          %dma_start3A_1046 = tpu.memref_slice %arg5[%add3A_1044, %dma_start3A_1045] : memref<78848x512xf32, #tpu.memory_space<hbm>> -> memref<16x512xf32, #tpu.memory_space<hbm>>
          %dma_start3A_1047 = arith.constant 0 : i32
          %dma_start3A_1048 = tpu.memref_slice %arg11[%mul3A_1042, %dma_start3A_1047] : memref<960x512xf32, #tpu.memory_space<vmem_shared>> -> memref<16x512xf32, #tpu.memory_space<vmem_shared>>
          tpu.enqueue_dma source(%dma_start3A_1048 : memref<16x512xf32, #tpu.memory_space<vmem_shared>>) target(%dma_start3A_1046 : memref<16x512xf32, #tpu.memory_space<hbm>>) target_semaphore(%arg12 : memref<!tpu.dma_semaphore, #tpu.memory_space<semaphore_mem>>)
          %mul3A_1049 = arith.constant 16 : i32
          %mul3A_1050 = arith.muli %select_n3A_949, %mul3A_1049 : i32
          %add3A_1051 = arith.constant 192 : i32
          %add3A_1052 = arith.addi %add3A_952, %add3A_1051 : i32
          %dma_start3A_1053 = arith.constant 0 : i32
          %dma_start3A_1054 = tpu.memref_slice %arg5[%add3A_1052, %dma_start3A_1053] : memref<78848x512xf32, #tpu.memory_space<hbm>> -> memref<16x512xf32, #tpu.memory_space<hbm>>
          %dma_start3A_1055 = arith.constant 0 : i32
          %dma_start3A_1056 = tpu.memref_slice %arg11[%mul3A_1050, %dma_start3A_1055] : memref<960x512xf32, #tpu.memory_space<vmem_shared>> -> memref<16x512xf32, #tpu.memory_space<vmem_shared>>
          tpu.enqueue_dma source(%dma_start3A_1056 : memref<16x512xf32, #tpu.memory_space<vmem_shared>>) target(%dma_start3A_1054 : memref<16x512xf32, #tpu.memory_space<hbm>>) target_semaphore(%arg12 : memref<!tpu.dma_semaphore, #tpu.memory_space<semaphore_mem>>)
          %mul3A_1057 = arith.constant 16 : i32
          %mul3A_1058 = arith.muli %select_n3A_949, %mul3A_1057 : i32
          %add3A_1059 = arith.constant 208 : i32
          %add3A_1060 = arith.addi %add3A_952, %add3A_1059 : i32
          %dma_start3A_1061 = arith.constant 0 : i32
          %dma_start3A_1062 = tpu.memref_slice %arg5[%add3A_1060, %dma_start3A_1061] : memref<78848x512xf32, #tpu.memory_space<hbm>> -> memref<16x512xf32, #tpu.memory_space<hbm>>
          %dma_start3A_1063 = arith.constant 0 : i32
          %dma_start3A_1064 = tpu.memref_slice %arg11[%mul3A_1058, %dma_start3A_1063] : memref<960x512xf32, #tpu.memory_space<vmem_shared>> -> memref<16x512xf32, #tpu.memory_space<vmem_shared>>
          tpu.enqueue_dma source(%dma_start3A_1064 : memref<16x512xf32, #tpu.memory_space<vmem_shared>>) target(%dma_start3A_1062 : memref<16x512xf32, #tpu.memory_space<hbm>>) target_semaphore(%arg12 : memref<!tpu.dma_semaphore, #tpu.memory_space<semaphore_mem>>)
          %mul3A_1065 = arith.constant 16 : i32
          %mul3A_1066 = arith.muli %select_n3A_949, %mul3A_1065 : i32
          %add3A_1067 = arith.constant 224 : i32
          %add3A_1068 = arith.addi %add3A_952, %add3A_1067 : i32
          %dma_start3A_1069 = arith.constant 0 : i32
          %dma_start3A_1070 = tpu.memref_slice %arg5[%add3A_1068, %dma_start3A_1069] : memref<78848x512xf32, #tpu.memory_space<hbm>> -> memref<16x512xf32, #tpu.memory_space<hbm>>
          %dma_start3A_1071 = arith.constant 0 : i32
          %dma_start3A_1072 = tpu.memref_slice %arg11[%mul3A_1066, %dma_start3A_1071] : memref<960x512xf32, #tpu.memory_space<vmem_shared>> -> memref<16x512xf32, #tpu.memory_space<vmem_shared>>
          tpu.enqueue_dma source(%dma_start3A_1072 : memref<16x512xf32, #tpu.memory_space<vmem_shared>>) target(%dma_start3A_1070 : memref<16x512xf32, #tpu.memory_space<hbm>>) target_semaphore(%arg12 : memref<!tpu.dma_semaphore, #tpu.memory_space<semaphore_mem>>)
          %mul3A_1073 = arith.constant 16 : i32
          %mul3A_1074 = arith.muli %select_n3A_949, %mul3A_1073 : i32
          %add3A_1075 = arith.constant 240 : i32
          %add3A_1076 = arith.addi %add3A_952, %add3A_1075 : i32
          %dma_start3A_1077 = arith.constant 0 : i32
          %dma_start3A_1078 = tpu.memref_slice %arg5[%add3A_1076, %dma_start3A_1077] : memref<78848x512xf32, #tpu.memory_space<hbm>> -> memref<16x512xf32, #tpu.memory_space<hbm>>
          %dma_start3A_1079 = arith.constant 0 : i32
          %dma_start3A_1080 = tpu.memref_slice %arg11[%mul3A_1074, %dma_start3A_1079] : memref<960x512xf32, #tpu.memory_space<vmem_shared>> -> memref<16x512xf32, #tpu.memory_space<vmem_shared>>
          tpu.enqueue_dma source(%dma_start3A_1080 : memref<16x512xf32, #tpu.memory_space<vmem_shared>>) target(%dma_start3A_1078 : memref<16x512xf32, #tpu.memory_space<hbm>>) target_semaphore(%arg12 : memref<!tpu.dma_semaphore, #tpu.memory_space<semaphore_mem>>)
          %add3A_1081 = arith.constant 16 : i32
          %add3A_1082 = arith.addi %while3A_879, %add3A_1081 : i32
          scf.yield %add3A_1082 : i32
        }
        scf.yield %cond3A_935, %while3A_880 : i32, i32
      }
      scf.yield %cond3A_927#0, %cond3A_927#1 : i32, i32
    }
    %while3A_856 = arith.constant 1 : i32
    %while3A_857:2 = scf.for %while3A_878 = %while3A_853 to %while3A_849 step %while3A_856 iter_args(%while3A_879 = %while3A_855#0, %while3A_880 = %while3A_855#1) -> (i32, i32)  : i32 {
      %jit3A_881 = arith.constant 4 : i32
      %div3A_882 = arith.divsi %while3A_878, %jit3A_881 : i32
      %sign3A_883 = arith.constant 0 : i32
      %sign3A_884 = arith.cmpi sgt, %while3A_878, %sign3A_883 : i32
      %sign3A_885 = arith.extui %sign3A_884 : i1 to i32
      %sign3A_886 = arith.constant 0 : i32
      %sign3A_887 = arith.cmpi slt, %while3A_878, %sign3A_886 : i32
      %sign3A_888 = arith.extui %sign3A_887 : i1 to i32
      %sign3A_889 = arith.subi %sign3A_885, %sign3A_888 : i32
      %sign3A_890 = arith.constant 0 : i32
      %sign3A_891 = arith.cmpi sgt, %jit3A_881, %sign3A_890 : i32
      %sign3A_892 = arith.extui %sign3A_891 : i1 to i32
      %sign3A_893 = arith.constant 0 : i32
      %sign3A_894 = arith.cmpi slt, %jit3A_881, %sign3A_893 : i32
      %sign3A_895 = arith.extui %sign3A_894 : i1 to i32
      %sign3A_896 = arith.subi %sign3A_892, %sign3A_895 : i32
      %ne3A_897 = arith.cmpi ne, %sign3A_889, %sign3A_896 : i32
      %rem3A_898 = arith.remsi %while3A_878, %jit3A_881 : i32
      %ne3A_899 = arith.constant 0 : i32
      %ne3A_900 = arith.cmpi ne, %rem3A_898, %ne3A_899 : i32
      %and3A_901 = arith.andi %ne3A_897, %ne3A_900 : i1
      %sub3A_902 = arith.constant 1 : i32
      %sub3A_903 = arith.subi %div3A_882, %sub3A_902 : i32
      %select_n3A_904 = arith.select %and3A_901, %sub3A_903, %div3A_882 : i32
      %jit3A_905 = arith.constant 4 : i32
      %eq3A = arith.constant 0 : i32
      %eq3A_906 = arith.cmpi eq, %jit3A_905, %eq3A : i32
      %jit3A_907 = arith.constant 1 : i32
      %select_n3A_908 = arith.select %eq3A_906, %jit3A_907, %jit3A_905 : i32
      %rem3A_909 = arith.remsi %while3A_878, %select_n3A_908 : i32
      %ne3A_910 = arith.constant 0 : i32
      %ne3A_911 = arith.cmpi ne, %rem3A_909, %ne3A_910 : i32
      %lt3A_912 = arith.constant 0 : i32
      %lt3A_913 = arith.cmpi slt, %rem3A_909, %lt3A_912 : i32
      %lt3A_914 = arith.constant 0 : i32
      %lt3A_915 = arith.cmpi slt, %select_n3A_908, %lt3A_914 : i32
      %ne3A_916 = arith.xori %lt3A_913, %lt3A_915 : i1
      %and3A_917 = arith.andi %ne3A_916, %ne3A_911 : i1
      %add3A_918 = arith.addi %rem3A_909, %select_n3A_908 : i32
      %select_n3A_919 = arith.select %and3A_917, %add3A_918, %rem3A_909 : i32
      %mul3A_920 = arith.constant 256 : i32
      %mul3A_921 = arith.muli %select_n3A_919, %mul3A_920 : i32
      %eq3A_922 = arith.constant 2 : i32
      %eq3A_923 = arith.cmpi eq, %select_n3A_904, %eq3A_922 : i32
      %convert_element_type3A_924 = arith.extui %eq3A_923 : i1 to i32
      %cond3A_925 = arith.constant 0 : i32
      %cond3A_926 = arith.cmpi ne, %convert_element_type3A_924, %cond3A_925 : i32
      %cond3A_927:2 = scf.if %cond3A_926 -> (i32, i32) {
        %add3A_928 = arith.constant 2048 : i32
        %add3A_929 = arith.addi %add3A_928, %mul3A_921 : i32
        %dma_start3A_930 = arith.constant 0 : i32
        %dma_start3A_931 = tpu.memref_slice %arg5[%add3A_929, %dma_start3A_930] : memref<78848x512xf32, #tpu.memory_space<hbm>> -> memref<256x512xf32, #tpu.memory_space<hbm>>
        %dma_start3A_932 = arith.constant 0 : i32
        %dma_start3A_933 = tpu.memref_slice %arg2[%mul3A_921, %dma_start3A_932] : memref<1024x512xf32, #tpu.memory_space<hbm>> -> memref<256x512xf32, #tpu.memory_space<hbm>>
        tpu.enqueue_dma source(%dma_start3A_933 : memref<256x512xf32, #tpu.memory_space<hbm>>) target(%dma_start3A_931 : memref<256x512xf32, #tpu.memory_space<hbm>>) target_semaphore(%arg16 : memref<!tpu.dma_semaphore, #tpu.memory_space<semaphore_mem>>)
        %add3A_934 = arith.constant 1 : i32
        %add3A_935 = arith.addi %while3A_880, %add3A_934 : i32
        scf.yield %while3A_879, %add3A_935 : i32, i32
      } else {
        %ge3A = arith.constant 5 : i32
        %ge3A_928 = arith.cmpi sge, %select_n3A_904, %ge3A : i32
        %lt3A_929 = arith.constant 21 : i32
        %lt3A_930 = arith.cmpi slt, %select_n3A_904, %lt3A_929 : i32
        %and3A_931 = arith.andi %ge3A_928, %lt3A_930 : i1
        %convert_element_type3A_932 = arith.extui %and3A_931 : i1 to i32
        %cond3A_933 = arith.constant 0 : i32
        %cond3A_934 = arith.cmpi ne, %convert_element_type3A_932, %cond3A_933 : i32
        %cond3A_935 = scf.if %cond3A_934 -> (i32) {
          %sub3A_936 = arith.constant 5 : i32
          %sub3A_937 = arith.subi %select_n3A_904, %sub3A_936 : i32
          %iota3A = tpu.iota {dimensions = array<i32: 0>} : vector<16xi32>
          %add3A_938 = arith.constant 0 : i32
          %add3A_939 = arith.addi %mul3A_921, %add3A_938 : i32
          %add3A_940 = arith.constant 0 : i32
          %add3A_941 = arith.addi %add3A_939, %add3A_940 : i32
          %add3A_942 = vector.broadcast %add3A_941 : i32 to vector<16xi32>
          %add3A_943 = arith.addi %iota3A, %add3A_942 : vector<16xi32>
          %mul3A_944 = arith.constant 16 : i32
          %mul3A_945 = vector.broadcast %mul3A_944 : i32 to vector<16xi32>
          %mul3A_946 = arith.muli %add3A_943, %mul3A_945 : vector<16xi32>
          %add3A_947 = vector.broadcast %sub3A_937 : i32 to vector<16xi32>
          %add3A_948 = arith.addi %mul3A_946, %add3A_947 : vector<16xi32>
          %swap3A = arith.constant 0 : index
          %swap3A_949 = tpu.vector_load %arg9[%swap3A] {strides = array<i32>} : memref<64xi32, #tpu.memory_space<vmem>>, vector<16xi32>,
          %swap3A_950 = vector.shape_cast %swap3A_949 : vector<16xi32> to vector<16xi32>
          %swap3A_951 = vector.shape_cast %add3A_948 : vector<16xi32> to vector<16xi32>
          tpu.vector_store %arg9[%swap3A], %swap3A_951 {strides = array<i32>} : memref<64xi32, #tpu.memory_space<vmem>>, vector<16xi32>,
          %add3A_952 = arith.constant 0 : i32
          %add3A_953 = arith.addi %mul3A_921, %add3A_952 : i32
          %add3A_954 = arith.constant 16 : i32
          %add3A_955 = arith.addi %add3A_953, %add3A_954 : i32
          %add3A_956 = vector.broadcast %add3A_955 : i32 to vector<16xi32>
          %add3A_957 = arith.addi %iota3A, %add3A_956 : vector<16xi32>
          %mul3A_958 = arith.constant 16 : i32
          %mul3A_959 = vector.broadcast %mul3A_958 : i32 to vector<16xi32>
          %mul3A_960 = arith.muli %add3A_957, %mul3A_959 : vector<16xi32>
          %add3A_961 = vector.broadcast %sub3A_937 : i32 to vector<16xi32>
          %add3A_962 = arith.addi %mul3A_960, %add3A_961 : vector<16xi32>
          %swap3A_963 = arith.constant 16 : index
          %swap3A_964 = tpu.vector_load %arg9[%swap3A_963] {strides = array<i32>} : memref<64xi32, #tpu.memory_space<vmem>>, vector<16xi32>,
          %swap3A_965 = vector.shape_cast %swap3A_964 : vector<16xi32> to vector<16xi32>
          %swap3A_966 = vector.shape_cast %add3A_962 : vector<16xi32> to vector<16xi32>
          tpu.vector_store %arg9[%swap3A_963], %swap3A_966 {strides = array<i32>} : memref<64xi32, #tpu.memory_space<vmem>>, vector<16xi32>,
          %add3A_967 = arith.constant 0 : i32
          %add3A_968 = arith.addi %mul3A_921, %add3A_967 : i32
          %add3A_969 = arith.constant 32 : i32
          %add3A_970 = arith.addi %add3A_968, %add3A_969 : i32
          %add3A_971 = vector.broadcast %add3A_970 : i32 to vector<16xi32>
          %add3A_972 = arith.addi %iota3A, %add3A_971 : vector<16xi32>
          %mul3A_973 = arith.constant 16 : i32
          %mul3A_974 = vector.broadcast %mul3A_973 : i32 to vector<16xi32>
          %mul3A_975 = arith.muli %add3A_972, %mul3A_974 : vector<16xi32>
          %add3A_976 = vector.broadcast %sub3A_937 : i32 to vector<16xi32>
          %add3A_977 = arith.addi %mul3A_975, %add3A_976 : vector<16xi32>
          %swap3A_978 = arith.constant 32 : index
          %swap3A_979 = tpu.vector_load %arg9[%swap3A_978] {strides = array<i32>} : memref<64xi32, #tpu.memory_space<vmem>>, vector<16xi32>,
          %swap3A_980 = vector.shape_cast %swap3A_979 : vector<16xi32> to vector<16xi32>
          %swap3A_981 = vector.shape_cast %add3A_977 : vector<16xi32> to vector<16xi32>
          tpu.vector_store %arg9[%swap3A_978], %swap3A_981 {strides = array<i32>} : memref<64xi32, #tpu.memory_space<vmem>>, vector<16xi32>,
          %add3A_982 = arith.constant 0 : i32
          %add3A_983 = arith.addi %mul3A_921, %add3A_982 : i32
          %add3A_984 = arith.constant 48 : i32
          %add3A_985 = arith.addi %add3A_983, %add3A_984 : i32
          %add3A_986 = vector.broadcast %add3A_985 : i32 to vector<16xi32>
          %add3A_987 = arith.addi %iota3A, %add3A_986 : vector<16xi32>
          %mul3A_988 = arith.constant 16 : i32
          %mul3A_989 = vector.broadcast %mul3A_988 : i32 to vector<16xi32>
          %mul3A_990 = arith.muli %add3A_987, %mul3A_989 : vector<16xi32>
          %add3A_991 = vector.broadcast %sub3A_937 : i32 to vector<16xi32>
          %add3A_992 = arith.addi %mul3A_990, %add3A_991 : vector<16xi32>
          %swap3A_993 = arith.constant 48 : index
          %swap3A_994 = tpu.vector_load %arg9[%swap3A_993] {strides = array<i32>} : memref<64xi32, #tpu.memory_space<vmem>>, vector<16xi32>,
          %swap3A_995 = vector.shape_cast %swap3A_994 : vector<16xi32> to vector<16xi32>
          %swap3A_996 = vector.shape_cast %add3A_992 : vector<16xi32> to vector<16xi32>
          tpu.vector_store %arg9[%swap3A_993], %swap3A_996 {strides = array<i32>} : memref<64xi32, #tpu.memory_space<vmem>>, vector<16xi32>,
          %dma_start3A_997 = arith.constant 0 : i32
          %dma_start3A_998 = arith.constant 0 : i32
          %dma_start3A_999 = tpu.memref_slice %arg3[%dma_start3A_997, %dma_start3A_998] : memref<16384x512xf32, #tpu.memory_space<hbm>> -> memref<16384x512xf32, #tpu.memory_space<hbm>>
          tpu.enqueue_indirect_dma source(%dma_start3A_999 : memref<16384x512xf32, #tpu.memory_space<hbm>>) target(%arg7 : memref<64x512xf32, #tpu.memory_space<vmem>>) offsets(%arg9 : memref<64xi32, #tpu.memory_space<vmem>>) semaphore(%arg14 : memref<!tpu.dma_semaphore, #tpu.memory_space<semaphore_mem>>)
          %add3A_1000 = arith.constant 64 : i32
          %add3A_1001 = arith.addi %mul3A_921, %add3A_1000 : i32
          %add3A_1002 = arith.constant 0 : i32
          %add3A_1003 = arith.addi %add3A_1001, %add3A_1002 : i32
          %add3A_1004 = vector.broadcast %add3A_1003 : i32 to vector<16xi32>
          %add3A_1005 = arith.addi %iota3A, %add3A_1004 : vector<16xi32>
          %mul3A_1006 = arith.constant 16 : i32
          %mul3A_1007 = vector.broadcast %mul3A_1006 : i32 to vector<16xi32>
          %mul3A_1008 = arith.muli %add3A_1005, %mul3A_1007 : vector<16xi32>
          %add3A_1009 = vector.broadcast %sub3A_937 : i32 to vector<16xi32>
          %add3A_1010 = arith.addi %mul3A_1008, %add3A_1009 : vector<16xi32>
          %swap3A_1011 = arith.constant 0 : index
          %swap3A_1012 = tpu.vector_load %arg10[%swap3A_1011] {strides = array<i32>} : memref<64xi32, #tpu.memory_space<vmem>>, vector<16xi32>,
          %swap3A_1013 = vector.shape_cast %swap3A_1012 : vector<16xi32> to vector<16xi32>
          %swap3A_1014 = vector.shape_cast %add3A_1010 : vector<16xi32> to vector<16xi32>
          tpu.vector_store %arg10[%swap3A_1011], %swap3A_1014 {strides = array<i32>} : memref<64xi32, #tpu.memory_space<vmem>>, vector<16xi32>,
          %add3A_1015 = arith.constant 64 : i32
          %add3A_1016 = arith.addi %mul3A_921, %add3A_1015 : i32
          %add3A_1017 = arith.constant 16 : i32
          %add3A_1018 = arith.addi %add3A_1016, %add3A_1017 : i32
          %add3A_1019 = vector.broadcast %add3A_1018 : i32 to vector<16xi32>
          %add3A_1020 = arith.addi %iota3A, %add3A_1019 : vector<16xi32>
          %mul3A_1021 = arith.constant 16 : i32
          %mul3A_1022 = vector.broadcast %mul3A_1021 : i32 to vector<16xi32>
          %mul3A_1023 = arith.muli %add3A_1020, %mul3A_1022 : vector<16xi32>
          %add3A_1024 = vector.broadcast %sub3A_937 : i32 to vector<16xi32>
          %add3A_1025 = arith.addi %mul3A_1023, %add3A_1024 : vector<16xi32>
          %swap3A_1026 = arith.constant 16 : index
          %swap3A_1027 = tpu.vector_load %arg10[%swap3A_1026] {strides = array<i32>} : memref<64xi32, #tpu.memory_space<vmem>>, vector<16xi32>,
          %swap3A_1028 = vector.shape_cast %swap3A_1027 : vector<16xi32> to vector<16xi32>
          %swap3A_1029 = vector.shape_cast %add3A_1025 : vector<16xi32> to vector<16xi32>
          tpu.vector_store %arg10[%swap3A_1026], %swap3A_1029 {strides = array<i32>} : memref<64xi32, #tpu.memory_space<vmem>>, vector<16xi32>,
          %add3A_1030 = arith.constant 64 : i32
          %add3A_1031 = arith.addi %mul3A_921, %add3A_1030 : i32
          %add3A_1032 = arith.constant 32 : i32
          %add3A_1033 = arith.addi %add3A_1031, %add3A_1032 : i32
          %add3A_1034 = vector.broadcast %add3A_1033 : i32 to vector<16xi32>
          %add3A_1035 = arith.addi %iota3A, %add3A_1034 : vector<16xi32>
          %mul3A_1036 = arith.constant 16 : i32
          %mul3A_1037 = vector.broadcast %mul3A_1036 : i32 to vector<16xi32>
          %mul3A_1038 = arith.muli %add3A_1035, %mul3A_1037 : vector<16xi32>
          %add3A_1039 = vector.broadcast %sub3A_937 : i32 to vector<16xi32>
          %add3A_1040 = arith.addi %mul3A_1038, %add3A_1039 : vector<16xi32>
          %swap3A_1041 = arith.constant 32 : index
          %swap3A_1042 = tpu.vector_load %arg10[%swap3A_1041] {strides = array<i32>} : memref<64xi32, #tpu.memory_space<vmem>>, vector<16xi32>,
          %swap3A_1043 = vector.shape_cast %swap3A_1042 : vector<16xi32> to vector<16xi32>
          %swap3A_1044 = vector.shape_cast %add3A_1040 : vector<16xi32> to vector<16xi32>
          tpu.vector_store %arg10[%swap3A_1041], %swap3A_1044 {strides = array<i32>} : memref<64xi32, #tpu.memory_space<vmem>>, vector<16xi32>,
          %add3A_1045 = arith.constant 64 : i32
          %add3A_1046 = arith.addi %mul3A_921, %add3A_1045 : i32
          %add3A_1047 = arith.constant 48 : i32
          %add3A_1048 = arith.addi %add3A_1046, %add3A_1047 : i32
          %add3A_1049 = vector.broadcast %add3A_1048 : i32 to vector<16xi32>
          %add3A_1050 = arith.addi %iota3A, %add3A_1049 : vector<16xi32>
          %mul3A_1051 = arith.constant 16 : i32
          %mul3A_1052 = vector.broadcast %mul3A_1051 : i32 to vector<16xi32>
          %mul3A_1053 = arith.muli %add3A_1050, %mul3A_1052 : vector<16xi32>
          %add3A_1054 = vector.broadcast %sub3A_937 : i32 to vector<16xi32>
          %add3A_1055 = arith.addi %mul3A_1053, %add3A_1054 : vector<16xi32>
          %swap3A_1056 = arith.constant 48 : index
          %swap3A_1057 = tpu.vector_load %arg10[%swap3A_1056] {strides = array<i32>} : memref<64xi32, #tpu.memory_space<vmem>>, vector<16xi32>,
          %swap3A_1058 = vector.shape_cast %swap3A_1057 : vector<16xi32> to vector<16xi32>
          %swap3A_1059 = vector.shape_cast %add3A_1055 : vector<16xi32> to vector<16xi32>
          tpu.vector_store %arg10[%swap3A_1056], %swap3A_1059 {strides = array<i32>} : memref<64xi32, #tpu.memory_space<vmem>>, vector<16xi32>,
          %dma_start3A_1060 = arith.constant 0 : i32
          %dma_start3A_1061 = arith.constant 0 : i32
          %dma_start3A_1062 = tpu.memref_slice %arg3[%dma_start3A_1060, %dma_start3A_1061] : memref<16384x512xf32, #tpu.memory_space<hbm>> -> memref<16384x512xf32, #tpu.memory_space<hbm>>
          tpu.enqueue_indirect_dma source(%dma_start3A_1062 : memref<16384x512xf32, #tpu.memory_space<hbm>>) target(%arg8 : memref<64x512xf32, #tpu.memory_space<vmem>>) offsets(%arg10 : memref<64xi32, #tpu.memory_space<vmem>>) semaphore(%arg15 : memref<!tpu.dma_semaphore, #tpu.memory_space<semaphore_mem>>)
          %dma_wait3A_1063 = arith.constant 0 : i32
          %dma_wait3A_1064 = arith.constant 0 : i32
          %dma_wait3A_1065 = tpu.memref_slice %arg3[%dma_wait3A_1063, %dma_wait3A_1064] : memref<16384x512xf32, #tpu.memory_space<hbm>> -> memref<16384x512xf32, #tpu.memory_space<hbm>>
          tpu.wait_indirect_dma semaphore(%arg14 : memref<!tpu.dma_semaphore, #tpu.memory_space<semaphore_mem>>) src(%dma_wait3A_1065 : memref<16384x512xf32, #tpu.memory_space<hbm>>) dst(%arg7 : memref<64x512xf32, #tpu.memory_space<vmem>>)
          %mul3A_1066 = arith.constant 1024 : i32
          %mul3A_1067 = arith.muli %select_n3A_904, %mul3A_1066 : i32
          %add3A_1068 = arith.addi %mul3A_1067, %mul3A_921 : i32
          %add3A_1069 = arith.constant 0 : i32
          %add3A_1070 = arith.addi %add3A_1068, %add3A_1069 : i32
          %dma_start3A_1071 = arith.constant 0 : i32
          %dma_start3A_1072 = tpu.memref_slice %arg5[%add3A_1070, %dma_start3A_1071] : memref<78848x512xf32, #tpu.memory_space<hbm>> -> memref<64x512xf32, #tpu.memory_space<hbm>>
          %dma_start3A_1073 = arith.constant 0 : i32
          %dma_start3A_1074 = tpu.memref_slice %arg5[%add3A_1070, %dma_start3A_1073] : memref<78848x512xf32, #tpu.memory_space<hbm>> -> memref<64x512xf32, #tpu.memory_space<hbm>>
          tpu.enqueue_dma source(%arg7 : memref<64x512xf32, #tpu.memory_space<vmem>>) target(%dma_start3A_1074 : memref<64x512xf32, #tpu.memory_space<hbm>>) target_semaphore(%arg17 : memref<!tpu.dma_semaphore, #tpu.memory_space<semaphore_mem>>)
          %dma_wait3A_1075 = arith.constant 0 : i32
          %dma_wait3A_1076 = arith.constant 0 : i32
          %dma_wait3A_1077 = tpu.memref_slice %arg3[%dma_wait3A_1075, %dma_wait3A_1076] : memref<16384x512xf32, #tpu.memory_space<hbm>> -> memref<16384x512xf32, #tpu.memory_space<hbm>>
          tpu.wait_indirect_dma semaphore(%arg15 : memref<!tpu.dma_semaphore, #tpu.memory_space<semaphore_mem>>) src(%dma_wait3A_1077 : memref<16384x512xf32, #tpu.memory_space<hbm>>) dst(%arg8 : memref<64x512xf32, #tpu.memory_space<vmem>>)
          %mul3A_1078 = arith.constant 1024 : i32
          %mul3A_1079 = arith.muli %select_n3A_904, %mul3A_1078 : i32
          %add3A_1080 = arith.addi %mul3A_1079, %mul3A_921 : i32
          %add3A_1081 = arith.constant 64 : i32
          %add3A_1082 = arith.addi %add3A_1080, %add3A_1081 : i32
          %dma_start3A_1083 = arith.constant 0 : i32
          %dma_start3A_1084 = tpu.memref_slice %arg5[%add3A_1082, %dma_start3A_1083] : memref<78848x512xf32, #tpu.memory_space<hbm>> -> memref<64x512xf32, #tpu.memory_space<hbm>>
          %dma_start3A_1085 = arith.constant 0 : i32
          %dma_start3A_1086 = tpu.memref_slice %arg5[%add3A_1082, %dma_start3A_1085] : memref<78848x512xf32, #tpu.memory_space<hbm>> -> memref<64x512xf32, #tpu.memory_space<hbm>>
          tpu.enqueue_dma source(%arg8 : memref<64x512xf32, #tpu.memory_space<vmem>>) target(%dma_start3A_1086 : memref<64x512xf32, #tpu.memory_space<hbm>>) target_semaphore(%arg18 : memref<!tpu.dma_semaphore, #tpu.memory_space<semaphore_mem>>)
          %mul3A_1087 = arith.constant 1024 : i32
          %mul3A_1088 = arith.muli %select_n3A_904, %mul3A_1087 : i32
          %add3A_1089 = arith.addi %mul3A_1088, %mul3A_921 : i32
          %add3A_1090 = arith.constant 0 : i32
          %add3A_1091 = arith.addi %add3A_1089, %add3A_1090 : i32
          %dma_wait3A_1092 = arith.constant 0 : i32
          %dma_wait3A_1093 = tpu.memref_slice %arg5[%add3A_1091, %dma_wait3A_1092] : memref<78848x512xf32, #tpu.memory_space<hbm>> -> memref<64x512xf32, #tpu.memory_space<hbm>>
          %dma_wait3A_1094 = arith.constant 0 : i32
          %dma_wait3A_1095 = tpu.memref_slice %arg5[%add3A_1091, %dma_wait3A_1094] : memref<78848x512xf32, #tpu.memory_space<hbm>> -> memref<64x512xf32, #tpu.memory_space<hbm>>
          tpu.wait_dma2 semaphore(%arg17 : memref<!tpu.dma_semaphore, #tpu.memory_space<semaphore_mem>>) src(%arg7 : memref<64x512xf32, #tpu.memory_space<vmem>>) dst(%dma_wait3A_1095 : memref<64x512xf32, #tpu.memory_space<hbm>>)
          %add3A_1096 = arith.constant 128 : i32
          %add3A_1097 = arith.addi %mul3A_921, %add3A_1096 : i32
          %add3A_1098 = arith.constant 0 : i32
          %add3A_1099 = arith.addi %add3A_1097, %add3A_1098 : i32
          %add3A_1100 = vector.broadcast %add3A_1099 : i32 to vector<16xi32>
          %add3A_1101 = arith.addi %iota3A, %add3A_1100 : vector<16xi32>
          %mul3A_1102 = arith.constant 16 : i32
          %mul3A_1103 = vector.broadcast %mul3A_1102 : i32 to vector<16xi32>
          %mul3A_1104 = arith.muli %add3A_1101, %mul3A_1103 : vector<16xi32>
          %add3A_1105 = vector.broadcast %sub3A_937 : i32 to vector<16xi32>
          %add3A_1106 = arith.addi %mul3A_1104, %add3A_1105 : vector<16xi32>
          %swap3A_1107 = arith.constant 0 : index
          %swap3A_1108 = tpu.vector_load %arg9[%swap3A_1107] {strides = array<i32>} : memref<64xi32, #tpu.memory_space<vmem>>, vector<16xi32>,
          %swap3A_1109 = vector.shape_cast %swap3A_1108 : vector<16xi32> to vector<16xi32>
          %swap3A_1110 = vector.shape_cast %add3A_1106 : vector<16xi32> to vector<16xi32>
          tpu.vector_store %arg9[%swap3A_1107], %swap3A_1110 {strides = array<i32>} : memref<64xi32, #tpu.memory_space<vmem>>, vector<16xi32>,
          %add3A_1111 = arith.constant 128 : i32
          %add3A_1112 = arith.addi %mul3A_921, %add3A_1111 : i32
          %add3A_1113 = arith.constant 16 : i32
          %add3A_1114 = arith.addi %add3A_1112, %add3A_1113 : i32
          %add3A_1115 = vector.broadcast %add3A_1114 : i32 to vector<16xi32>
          %add3A_1116 = arith.addi %iota3A, %add3A_1115 : vector<16xi32>
          %mul3A_1117 = arith.constant 16 : i32
          %mul3A_1118 = vector.broadcast %mul3A_1117 : i32 to vector<16xi32>
          %mul3A_1119 = arith.muli %add3A_1116, %mul3A_1118 : vector<16xi32>
          %add3A_1120 = vector.broadcast %sub3A_937 : i32 to vector<16xi32>
          %add3A_1121 = arith.addi %mul3A_1119, %add3A_1120 : vector<16xi32>
          %swap3A_1122 = arith.constant 16 : index
          %swap3A_1123 = tpu.vector_load %arg9[%swap3A_1122] {strides = array<i32>} : memref<64xi32, #tpu.memory_space<vmem>>, vector<16xi32>,
          %swap3A_1124 = vector.shape_cast %swap3A_1123 : vector<16xi32> to vector<16xi32>
          %swap3A_1125 = vector.shape_cast %add3A_1121 : vector<16xi32> to vector<16xi32>
          tpu.vector_store %arg9[%swap3A_1122], %swap3A_1125 {strides = array<i32>} : memref<64xi32, #tpu.memory_space<vmem>>, vector<16xi32>,
          %add3A_1126 = arith.constant 128 : i32
          %add3A_1127 = arith.addi %mul3A_921, %add3A_1126 : i32
          %add3A_1128 = arith.constant 32 : i32
          %add3A_1129 = arith.addi %add3A_1127, %add3A_1128 : i32
          %add3A_1130 = vector.broadcast %add3A_1129 : i32 to vector<16xi32>
          %add3A_1131 = arith.addi %iota3A, %add3A_1130 : vector<16xi32>
          %mul3A_1132 = arith.constant 16 : i32
          %mul3A_1133 = vector.broadcast %mul3A_1132 : i32 to vector<16xi32>
          %mul3A_1134 = arith.muli %add3A_1131, %mul3A_1133 : vector<16xi32>
          %add3A_1135 = vector.broadcast %sub3A_937 : i32 to vector<16xi32>
          %add3A_1136 = arith.addi %mul3A_1134, %add3A_1135 : vector<16xi32>
          %swap3A_1137 = arith.constant 32 : index
          %swap3A_1138 = tpu.vector_load %arg9[%swap3A_1137] {strides = array<i32>} : memref<64xi32, #tpu.memory_space<vmem>>, vector<16xi32>,
          %swap3A_1139 = vector.shape_cast %swap3A_1138 : vector<16xi32> to vector<16xi32>
          %swap3A_1140 = vector.shape_cast %add3A_1136 : vector<16xi32> to vector<16xi32>
          tpu.vector_store %arg9[%swap3A_1137], %swap3A_1140 {strides = array<i32>} : memref<64xi32, #tpu.memory_space<vmem>>, vector<16xi32>,
          %add3A_1141 = arith.constant 128 : i32
          %add3A_1142 = arith.addi %mul3A_921, %add3A_1141 : i32
          %add3A_1143 = arith.constant 48 : i32
          %add3A_1144 = arith.addi %add3A_1142, %add3A_1143 : i32
          %add3A_1145 = vector.broadcast %add3A_1144 : i32 to vector<16xi32>
          %add3A_1146 = arith.addi %iota3A, %add3A_1145 : vector<16xi32>
          %mul3A_1147 = arith.constant 16 : i32
          %mul3A_1148 = vector.broadcast %mul3A_1147 : i32 to vector<16xi32>
          %mul3A_1149 = arith.muli %add3A_1146, %mul3A_1148 : vector<16xi32>
          %add3A_1150 = vector.broadcast %sub3A_937 : i32 to vector<16xi32>
          %add3A_1151 = arith.addi %mul3A_1149, %add3A_1150 : vector<16xi32>
          %swap3A_1152 = arith.constant 48 : index
          %swap3A_1153 = tpu.vector_load %arg9[%swap3A_1152] {strides = array<i32>} : memref<64xi32, #tpu.memory_space<vmem>>, vector<16xi32>,
          %swap3A_1154 = vector.shape_cast %swap3A_1153 : vector<16xi32> to vector<16xi32>
          %swap3A_1155 = vector.shape_cast %add3A_1151 : vector<16xi32> to vector<16xi32>
          tpu.vector_store %arg9[%swap3A_1152], %swap3A_1155 {strides = array<i32>} : memref<64xi32, #tpu.memory_space<vmem>>, vector<16xi32>,
          %dma_start3A_1156 = arith.constant 0 : i32
          %dma_start3A_1157 = arith.constant 0 : i32
          %dma_start3A_1158 = tpu.memref_slice %arg3[%dma_start3A_1156, %dma_start3A_1157] : memref<16384x512xf32, #tpu.memory_space<hbm>> -> memref<16384x512xf32, #tpu.memory_space<hbm>>
          tpu.enqueue_indirect_dma source(%dma_start3A_1158 : memref<16384x512xf32, #tpu.memory_space<hbm>>) target(%arg7 : memref<64x512xf32, #tpu.memory_space<vmem>>) offsets(%arg9 : memref<64xi32, #tpu.memory_space<vmem>>) semaphore(%arg14 : memref<!tpu.dma_semaphore, #tpu.memory_space<semaphore_mem>>)
          %dma_wait3A_1159 = arith.constant 0 : i32
          %dma_wait3A_1160 = arith.constant 0 : i32
          %dma_wait3A_1161 = tpu.memref_slice %arg3[%dma_wait3A_1159, %dma_wait3A_1160] : memref<16384x512xf32, #tpu.memory_space<hbm>> -> memref<16384x512xf32, #tpu.memory_space<hbm>>
          tpu.wait_indirect_dma semaphore(%arg14 : memref<!tpu.dma_semaphore, #tpu.memory_space<semaphore_mem>>) src(%dma_wait3A_1161 : memref<16384x512xf32, #tpu.memory_space<hbm>>) dst(%arg7 : memref<64x512xf32, #tpu.memory_space<vmem>>)
          %mul3A_1162 = arith.constant 1024 : i32
          %mul3A_1163 = arith.muli %select_n3A_904, %mul3A_1162 : i32
          %add3A_1164 = arith.addi %mul3A_1163, %mul3A_921 : i32
          %add3A_1165 = arith.constant 128 : i32
          %add3A_1166 = arith.addi %add3A_1164, %add3A_1165 : i32
          %dma_start3A_1167 = arith.constant 0 : i32
          %dma_start3A_1168 = tpu.memref_slice %arg5[%add3A_1166, %dma_start3A_1167] : memref<78848x512xf32, #tpu.memory_space<hbm>> -> memref<64x512xf32, #tpu.memory_space<hbm>>
          %dma_start3A_1169 = arith.constant 0 : i32
          %dma_start3A_1170 = tpu.memref_slice %arg5[%add3A_1166, %dma_start3A_1169] : memref<78848x512xf32, #tpu.memory_space<hbm>> -> memref<64x512xf32, #tpu.memory_space<hbm>>
          tpu.enqueue_dma source(%arg7 : memref<64x512xf32, #tpu.memory_space<vmem>>) target(%dma_start3A_1170 : memref<64x512xf32, #tpu.memory_space<hbm>>) target_semaphore(%arg17 : memref<!tpu.dma_semaphore, #tpu.memory_space<semaphore_mem>>)
          %mul3A_1171 = arith.constant 1024 : i32
          %mul3A_1172 = arith.muli %select_n3A_904, %mul3A_1171 : i32
          %add3A_1173 = arith.addi %mul3A_1172, %mul3A_921 : i32
          %add3A_1174 = arith.constant 64 : i32
          %add3A_1175 = arith.addi %add3A_1173, %add3A_1174 : i32
          %dma_wait3A_1176 = arith.constant 0 : i32
          %dma_wait3A_1177 = tpu.memref_slice %arg5[%add3A_1175, %dma_wait3A_1176] : memref<78848x512xf32, #tpu.memory_space<hbm>> -> memref<64x512xf32, #tpu.memory_space<hbm>>
          %dma_wait3A_1178 = arith.constant 0 : i32
          %dma_wait3A_1179 = tpu.memref_slice %arg5[%add3A_1175, %dma_wait3A_1178] : memref<78848x512xf32, #tpu.memory_space<hbm>> -> memref<64x512xf32, #tpu.memory_space<hbm>>
          tpu.wait_dma2 semaphore(%arg18 : memref<!tpu.dma_semaphore, #tpu.memory_space<semaphore_mem>>) src(%arg8 : memref<64x512xf32, #tpu.memory_space<vmem>>) dst(%dma_wait3A_1179 : memref<64x512xf32, #tpu.memory_space<hbm>>)
          %add3A_1180 = arith.constant 192 : i32
          %add3A_1181 = arith.addi %mul3A_921, %add3A_1180 : i32
          %add3A_1182 = arith.constant 0 : i32
          %add3A_1183 = arith.addi %add3A_1181, %add3A_1182 : i32
          %add3A_1184 = vector.broadcast %add3A_1183 : i32 to vector<16xi32>
          %add3A_1185 = arith.addi %iota3A, %add3A_1184 : vector<16xi32>
          %mul3A_1186 = arith.constant 16 : i32
          %mul3A_1187 = vector.broadcast %mul3A_1186 : i32 to vector<16xi32>
          %mul3A_1188 = arith.muli %add3A_1185, %mul3A_1187 : vector<16xi32>
          %add3A_1189 = vector.broadcast %sub3A_937 : i32 to vector<16xi32>
          %add3A_1190 = arith.addi %mul3A_1188, %add3A_1189 : vector<16xi32>
          %swap3A_1191 = arith.constant 0 : index
          %swap3A_1192 = tpu.vector_load %arg10[%swap3A_1191] {strides = array<i32>} : memref<64xi32, #tpu.memory_space<vmem>>, vector<16xi32>,
          %swap3A_1193 = vector.shape_cast %swap3A_1192 : vector<16xi32> to vector<16xi32>
          %swap3A_1194 = vector.shape_cast %add3A_1190 : vector<16xi32> to vector<16xi32>
          tpu.vector_store %arg10[%swap3A_1191], %swap3A_1194 {strides = array<i32>} : memref<64xi32, #tpu.memory_space<vmem>>, vector<16xi32>,
          %add3A_1195 = arith.constant 192 : i32
          %add3A_1196 = arith.addi %mul3A_921, %add3A_1195 : i32
          %add3A_1197 = arith.constant 16 : i32
          %add3A_1198 = arith.addi %add3A_1196, %add3A_1197 : i32
          %add3A_1199 = vector.broadcast %add3A_1198 : i32 to vector<16xi32>
          %add3A_1200 = arith.addi %iota3A, %add3A_1199 : vector<16xi32>
          %mul3A_1201 = arith.constant 16 : i32
          %mul3A_1202 = vector.broadcast %mul3A_1201 : i32 to vector<16xi32>
          %mul3A_1203 = arith.muli %add3A_1200, %mul3A_1202 : vector<16xi32>
          %add3A_1204 = vector.broadcast %sub3A_937 : i32 to vector<16xi32>
          %add3A_1205 = arith.addi %mul3A_1203, %add3A_1204 : vector<16xi32>
          %swap3A_1206 = arith.constant 16 : index
          %swap3A_1207 = tpu.vector_load %arg10[%swap3A_1206] {strides = array<i32>} : memref<64xi32, #tpu.memory_space<vmem>>, vector<16xi32>,
          %swap3A_1208 = vector.shape_cast %swap3A_1207 : vector<16xi32> to vector<16xi32>
          %swap3A_1209 = vector.shape_cast %add3A_1205 : vector<16xi32> to vector<16xi32>
          tpu.vector_store %arg10[%swap3A_1206], %swap3A_1209 {strides = array<i32>} : memref<64xi32, #tpu.memory_space<vmem>>, vector<16xi32>,
          %add3A_1210 = arith.constant 192 : i32
          %add3A_1211 = arith.addi %mul3A_921, %add3A_1210 : i32
          %add3A_1212 = arith.constant 32 : i32
          %add3A_1213 = arith.addi %add3A_1211, %add3A_1212 : i32
          %add3A_1214 = vector.broadcast %add3A_1213 : i32 to vector<16xi32>
          %add3A_1215 = arith.addi %iota3A, %add3A_1214 : vector<16xi32>
          %mul3A_1216 = arith.constant 16 : i32
          %mul3A_1217 = vector.broadcast %mul3A_1216 : i32 to vector<16xi32>
          %mul3A_1218 = arith.muli %add3A_1215, %mul3A_1217 : vector<16xi32>
          %add3A_1219 = vector.broadcast %sub3A_937 : i32 to vector<16xi32>
          %add3A_1220 = arith.addi %mul3A_1218, %add3A_1219 : vector<16xi32>
          %swap3A_1221 = arith.constant 32 : index
          %swap3A_1222 = tpu.vector_load %arg10[%swap3A_1221] {strides = array<i32>} : memref<64xi32, #tpu.memory_space<vmem>>, vector<16xi32>,
          %swap3A_1223 = vector.shape_cast %swap3A_1222 : vector<16xi32> to vector<16xi32>
          %swap3A_1224 = vector.shape_cast %add3A_1220 : vector<16xi32> to vector<16xi32>
          tpu.vector_store %arg10[%swap3A_1221], %swap3A_1224 {strides = array<i32>} : memref<64xi32, #tpu.memory_space<vmem>>, vector<16xi32>,
          %add3A_1225 = arith.constant 192 : i32
          %add3A_1226 = arith.addi %mul3A_921, %add3A_1225 : i32
          %add3A_1227 = arith.constant 48 : i32
          %add3A_1228 = arith.addi %add3A_1226, %add3A_1227 : i32
          %add3A_1229 = vector.broadcast %add3A_1228 : i32 to vector<16xi32>
          %add3A_1230 = arith.addi %iota3A, %add3A_1229 : vector<16xi32>
          %mul3A_1231 = arith.constant 16 : i32
          %mul3A_1232 = vector.broadcast %mul3A_1231 : i32 to vector<16xi32>
          %mul3A_1233 = arith.muli %add3A_1230, %mul3A_1232 : vector<16xi32>
          %add3A_1234 = vector.broadcast %sub3A_937 : i32 to vector<16xi32>
          %add3A_1235 = arith.addi %mul3A_1233, %add3A_1234 : vector<16xi32>
          %swap3A_1236 = arith.constant 48 : index
          %swap3A_1237 = tpu.vector_load %arg10[%swap3A_1236] {strides = array<i32>} : memref<64xi32, #tpu.memory_space<vmem>>, vector<16xi32>,
          %swap3A_1238 = vector.shape_cast %swap3A_1237 : vector<16xi32> to vector<16xi32>
          %swap3A_1239 = vector.shape_cast %add3A_1235 : vector<16xi32> to vector<16xi32>
          tpu.vector_store %arg10[%swap3A_1236], %swap3A_1239 {strides = array<i32>} : memref<64xi32, #tpu.memory_space<vmem>>, vector<16xi32>,
          %dma_start3A_1240 = arith.constant 0 : i32
          %dma_start3A_1241 = arith.constant 0 : i32
          %dma_start3A_1242 = tpu.memref_slice %arg3[%dma_start3A_1240, %dma_start3A_1241] : memref<16384x512xf32, #tpu.memory_space<hbm>> -> memref<16384x512xf32, #tpu.memory_space<hbm>>
          tpu.enqueue_indirect_dma source(%dma_start3A_1242 : memref<16384x512xf32, #tpu.memory_space<hbm>>) target(%arg8 : memref<64x512xf32, #tpu.memory_space<vmem>>) offsets(%arg10 : memref<64xi32, #tpu.memory_space<vmem>>) semaphore(%arg15 : memref<!tpu.dma_semaphore, #tpu.memory_space<semaphore_mem>>)
          %dma_wait3A_1243 = arith.constant 0 : i32
          %dma_wait3A_1244 = arith.constant 0 : i32
          %dma_wait3A_1245 = tpu.memref_slice %arg3[%dma_wait3A_1243, %dma_wait3A_1244] : memref<16384x512xf32, #tpu.memory_space<hbm>> -> memref<16384x512xf32, #tpu.memory_space<hbm>>
          tpu.wait_indirect_dma semaphore(%arg15 : memref<!tpu.dma_semaphore, #tpu.memory_space<semaphore_mem>>) src(%dma_wait3A_1245 : memref<16384x512xf32, #tpu.memory_space<hbm>>) dst(%arg8 : memref<64x512xf32, #tpu.memory_space<vmem>>)
          %mul3A_1246 = arith.constant 1024 : i32
          %mul3A_1247 = arith.muli %select_n3A_904, %mul3A_1246 : i32
          %add3A_1248 = arith.addi %mul3A_1247, %mul3A_921 : i32
          %add3A_1249 = arith.constant 192 : i32
          %add3A_1250 = arith.addi %add3A_1248, %add3A_1249 : i32
          %dma_start3A_1251 = arith.constant 0 : i32
          %dma_start3A_1252 = tpu.memref_slice %arg5[%add3A_1250, %dma_start3A_1251] : memref<78848x512xf32, #tpu.memory_space<hbm>> -> memref<64x512xf32, #tpu.memory_space<hbm>>
          %dma_start3A_1253 = arith.constant 0 : i32
          %dma_start3A_1254 = tpu.memref_slice %arg5[%add3A_1250, %dma_start3A_1253] : memref<78848x512xf32, #tpu.memory_space<hbm>> -> memref<64x512xf32, #tpu.memory_space<hbm>>
          tpu.enqueue_dma source(%arg8 : memref<64x512xf32, #tpu.memory_space<vmem>>) target(%dma_start3A_1254 : memref<64x512xf32, #tpu.memory_space<hbm>>) target_semaphore(%arg18 : memref<!tpu.dma_semaphore, #tpu.memory_space<semaphore_mem>>)
          %mul3A_1255 = arith.constant 1024 : i32
          %mul3A_1256 = arith.muli %select_n3A_904, %mul3A_1255 : i32
          %add3A_1257 = arith.addi %mul3A_1256, %mul3A_921 : i32
          %add3A_1258 = arith.constant 128 : i32
          %add3A_1259 = arith.addi %add3A_1257, %add3A_1258 : i32
          %dma_wait3A_1260 = arith.constant 0 : i32
          %dma_wait3A_1261 = tpu.memref_slice %arg5[%add3A_1259, %dma_wait3A_1260] : memref<78848x512xf32, #tpu.memory_space<hbm>> -> memref<64x512xf32, #tpu.memory_space<hbm>>
          %dma_wait3A_1262 = arith.constant 0 : i32
          %dma_wait3A_1263 = tpu.memref_slice %arg5[%add3A_1259, %dma_wait3A_1262] : memref<78848x512xf32, #tpu.memory_space<hbm>> -> memref<64x512xf32, #tpu.memory_space<hbm>>
          tpu.wait_dma2 semaphore(%arg17 : memref<!tpu.dma_semaphore, #tpu.memory_space<semaphore_mem>>) src(%arg7 : memref<64x512xf32, #tpu.memory_space<vmem>>) dst(%dma_wait3A_1263 : memref<64x512xf32, #tpu.memory_space<hbm>>)
          %mul3A_1264 = arith.constant 1024 : i32
          %mul3A_1265 = arith.muli %select_n3A_904, %mul3A_1264 : i32
          %add3A_1266 = arith.addi %mul3A_1265, %mul3A_921 : i32
          %add3A_1267 = arith.constant 192 : i32
          %add3A_1268 = arith.addi %add3A_1266, %add3A_1267 : i32
          %dma_wait3A_1269 = arith.constant 0 : i32
          %dma_wait3A_1270 = tpu.memref_slice %arg5[%add3A_1268, %dma_wait3A_1269] : memref<78848x512xf32, #tpu.memory_space<hbm>> -> memref<64x512xf32, #tpu.memory_space<hbm>>
          %dma_wait3A_1271 = arith.constant 0 : i32
          %dma_wait3A_1272 = tpu.memref_slice %arg5[%add3A_1268, %dma_wait3A_1271] : memref<78848x512xf32, #tpu.memory_space<hbm>> -> memref<64x512xf32, #tpu.memory_space<hbm>>
          tpu.wait_dma2 semaphore(%arg18 : memref<!tpu.dma_semaphore, #tpu.memory_space<semaphore_mem>>) src(%arg8 : memref<64x512xf32, #tpu.memory_space<vmem>>) dst(%dma_wait3A_1272 : memref<64x512xf32, #tpu.memory_space<hbm>>)
          scf.yield %while3A_879 : i32
        } else {
          %lt3A_936 = arith.constant 2 : i32
          %lt3A_937 = arith.cmpi slt, %select_n3A_904, %lt3A_936 : i32
          %lt3A_938 = arith.constant 5 : i32
          %lt3A_939 = arith.cmpi slt, %select_n3A_904, %lt3A_938 : i32
          %sub3A_940 = arith.constant 1 : i32
          %sub3A_941 = arith.subi %select_n3A_904, %sub3A_940 : i32
          %sub3A_942 = arith.constant 21 : i32
          %sub3A_943 = arith.subi %select_n3A_904, %sub3A_942 : i32
          %add3A_944 = arith.constant 2 : i32
          %add3A_945 = arith.addi %sub3A_943, %add3A_944 : i32
          %add3A_946 = arith.constant 2 : i32
          %add3A_947 = arith.addi %add3A_945, %add3A_946 : i32
          %select_n3A_948 = arith.select %lt3A_939, %sub3A_941, %add3A_947 : i32
          %select_n3A_949 = arith.select %lt3A_937, %select_n3A_904, %select_n3A_948 : i32
          %mul3A_950 = arith.constant 1024 : i32
          %mul3A_951 = arith.muli %select_n3A_904, %mul3A_950 : i32
          %add3A_952 = arith.addi %mul3A_951, %mul3A_921 : i32
          %mul3A_953 = arith.constant 16 : i32
          %mul3A_954 = arith.muli %select_n3A_949, %mul3A_953 : i32
          %add3A_955 = arith.constant 0 : i32
          %add3A_956 = arith.addi %add3A_952, %add3A_955 : i32
          %dma_start3A_957 = arith.constant 0 : i32
          %dma_start3A_958 = tpu.memref_slice %arg5[%add3A_956, %dma_start3A_957] : memref<78848x512xf32, #tpu.memory_space<hbm>> -> memref<16x512xf32, #tpu.memory_space<hbm>>
          %dma_start3A_959 = arith.constant 0 : i32
          %dma_start3A_960 = tpu.memref_slice %arg11[%mul3A_954, %dma_start3A_959] : memref<960x512xf32, #tpu.memory_space<vmem_shared>> -> memref<16x512xf32, #tpu.memory_space<vmem_shared>>
          tpu.enqueue_dma source(%dma_start3A_960 : memref<16x512xf32, #tpu.memory_space<vmem_shared>>) target(%dma_start3A_958 : memref<16x512xf32, #tpu.memory_space<hbm>>) target_semaphore(%arg12 : memref<!tpu.dma_semaphore, #tpu.memory_space<semaphore_mem>>)
          %mul3A_961 = arith.constant 16 : i32
          %mul3A_962 = arith.muli %select_n3A_949, %mul3A_961 : i32
          %add3A_963 = arith.constant 16 : i32
          %add3A_964 = arith.addi %add3A_952, %add3A_963 : i32
          %dma_start3A_965 = arith.constant 0 : i32
          %dma_start3A_966 = tpu.memref_slice %arg5[%add3A_964, %dma_start3A_965] : memref<78848x512xf32, #tpu.memory_space<hbm>> -> memref<16x512xf32, #tpu.memory_space<hbm>>
          %dma_start3A_967 = arith.constant 0 : i32
          %dma_start3A_968 = tpu.memref_slice %arg11[%mul3A_962, %dma_start3A_967] : memref<960x512xf32, #tpu.memory_space<vmem_shared>> -> memref<16x512xf32, #tpu.memory_space<vmem_shared>>
          tpu.enqueue_dma source(%dma_start3A_968 : memref<16x512xf32, #tpu.memory_space<vmem_shared>>) target(%dma_start3A_966 : memref<16x512xf32, #tpu.memory_space<hbm>>) target_semaphore(%arg12 : memref<!tpu.dma_semaphore, #tpu.memory_space<semaphore_mem>>)
          %mul3A_969 = arith.constant 16 : i32
          %mul3A_970 = arith.muli %select_n3A_949, %mul3A_969 : i32
          %add3A_971 = arith.constant 32 : i32
          %add3A_972 = arith.addi %add3A_952, %add3A_971 : i32
          %dma_start3A_973 = arith.constant 0 : i32
          %dma_start3A_974 = tpu.memref_slice %arg5[%add3A_972, %dma_start3A_973] : memref<78848x512xf32, #tpu.memory_space<hbm>> -> memref<16x512xf32, #tpu.memory_space<hbm>>
          %dma_start3A_975 = arith.constant 0 : i32
          %dma_start3A_976 = tpu.memref_slice %arg11[%mul3A_970, %dma_start3A_975] : memref<960x512xf32, #tpu.memory_space<vmem_shared>> -> memref<16x512xf32, #tpu.memory_space<vmem_shared>>
          tpu.enqueue_dma source(%dma_start3A_976 : memref<16x512xf32, #tpu.memory_space<vmem_shared>>) target(%dma_start3A_974 : memref<16x512xf32, #tpu.memory_space<hbm>>) target_semaphore(%arg12 : memref<!tpu.dma_semaphore, #tpu.memory_space<semaphore_mem>>)
          %mul3A_977 = arith.constant 16 : i32
          %mul3A_978 = arith.muli %select_n3A_949, %mul3A_977 : i32
          %add3A_979 = arith.constant 48 : i32
          %add3A_980 = arith.addi %add3A_952, %add3A_979 : i32
          %dma_start3A_981 = arith.constant 0 : i32
          %dma_start3A_982 = tpu.memref_slice %arg5[%add3A_980, %dma_start3A_981] : memref<78848x512xf32, #tpu.memory_space<hbm>> -> memref<16x512xf32, #tpu.memory_space<hbm>>
          %dma_start3A_983 = arith.constant 0 : i32
          %dma_start3A_984 = tpu.memref_slice %arg11[%mul3A_978, %dma_start3A_983] : memref<960x512xf32, #tpu.memory_space<vmem_shared>> -> memref<16x512xf32, #tpu.memory_space<vmem_shared>>
          tpu.enqueue_dma source(%dma_start3A_984 : memref<16x512xf32, #tpu.memory_space<vmem_shared>>) target(%dma_start3A_982 : memref<16x512xf32, #tpu.memory_space<hbm>>) target_semaphore(%arg12 : memref<!tpu.dma_semaphore, #tpu.memory_space<semaphore_mem>>)
          %mul3A_985 = arith.constant 16 : i32
          %mul3A_986 = arith.muli %select_n3A_949, %mul3A_985 : i32
          %add3A_987 = arith.constant 64 : i32
          %add3A_988 = arith.addi %add3A_952, %add3A_987 : i32
          %dma_start3A_989 = arith.constant 0 : i32
          %dma_start3A_990 = tpu.memref_slice %arg5[%add3A_988, %dma_start3A_989] : memref<78848x512xf32, #tpu.memory_space<hbm>> -> memref<16x512xf32, #tpu.memory_space<hbm>>
          %dma_start3A_991 = arith.constant 0 : i32
          %dma_start3A_992 = tpu.memref_slice %arg11[%mul3A_986, %dma_start3A_991] : memref<960x512xf32, #tpu.memory_space<vmem_shared>> -> memref<16x512xf32, #tpu.memory_space<vmem_shared>>
          tpu.enqueue_dma source(%dma_start3A_992 : memref<16x512xf32, #tpu.memory_space<vmem_shared>>) target(%dma_start3A_990 : memref<16x512xf32, #tpu.memory_space<hbm>>) target_semaphore(%arg12 : memref<!tpu.dma_semaphore, #tpu.memory_space<semaphore_mem>>)
          %mul3A_993 = arith.constant 16 : i32
          %mul3A_994 = arith.muli %select_n3A_949, %mul3A_993 : i32
          %add3A_995 = arith.constant 80 : i32
          %add3A_996 = arith.addi %add3A_952, %add3A_995 : i32
          %dma_start3A_997 = arith.constant 0 : i32
          %dma_start3A_998 = tpu.memref_slice %arg5[%add3A_996, %dma_start3A_997] : memref<78848x512xf32, #tpu.memory_space<hbm>> -> memref<16x512xf32, #tpu.memory_space<hbm>>
          %dma_start3A_999 = arith.constant 0 : i32
          %dma_start3A_1000 = tpu.memref_slice %arg11[%mul3A_994, %dma_start3A_999] : memref<960x512xf32, #tpu.memory_space<vmem_shared>> -> memref<16x512xf32, #tpu.memory_space<vmem_shared>>
          tpu.enqueue_dma source(%dma_start3A_1000 : memref<16x512xf32, #tpu.memory_space<vmem_shared>>) target(%dma_start3A_998 : memref<16x512xf32, #tpu.memory_space<hbm>>) target_semaphore(%arg12 : memref<!tpu.dma_semaphore, #tpu.memory_space<semaphore_mem>>)
          %mul3A_1001 = arith.constant 16 : i32
          %mul3A_1002 = arith.muli %select_n3A_949, %mul3A_1001 : i32
          %add3A_1003 = arith.constant 96 : i32
          %add3A_1004 = arith.addi %add3A_952, %add3A_1003 : i32
          %dma_start3A_1005 = arith.constant 0 : i32
          %dma_start3A_1006 = tpu.memref_slice %arg5[%add3A_1004, %dma_start3A_1005] : memref<78848x512xf32, #tpu.memory_space<hbm>> -> memref<16x512xf32, #tpu.memory_space<hbm>>
          %dma_start3A_1007 = arith.constant 0 : i32
          %dma_start3A_1008 = tpu.memref_slice %arg11[%mul3A_1002, %dma_start3A_1007] : memref<960x512xf32, #tpu.memory_space<vmem_shared>> -> memref<16x512xf32, #tpu.memory_space<vmem_shared>>
          tpu.enqueue_dma source(%dma_start3A_1008 : memref<16x512xf32, #tpu.memory_space<vmem_shared>>) target(%dma_start3A_1006 : memref<16x512xf32, #tpu.memory_space<hbm>>) target_semaphore(%arg12 : memref<!tpu.dma_semaphore, #tpu.memory_space<semaphore_mem>>)
          %mul3A_1009 = arith.constant 16 : i32
          %mul3A_1010 = arith.muli %select_n3A_949, %mul3A_1009 : i32
          %add3A_1011 = arith.constant 112 : i32
          %add3A_1012 = arith.addi %add3A_952, %add3A_1011 : i32
          %dma_start3A_1013 = arith.constant 0 : i32
          %dma_start3A_1014 = tpu.memref_slice %arg5[%add3A_1012, %dma_start3A_1013] : memref<78848x512xf32, #tpu.memory_space<hbm>> -> memref<16x512xf32, #tpu.memory_space<hbm>>
          %dma_start3A_1015 = arith.constant 0 : i32
          %dma_start3A_1016 = tpu.memref_slice %arg11[%mul3A_1010, %dma_start3A_1015] : memref<960x512xf32, #tpu.memory_space<vmem_shared>> -> memref<16x512xf32, #tpu.memory_space<vmem_shared>>
          tpu.enqueue_dma source(%dma_start3A_1016 : memref<16x512xf32, #tpu.memory_space<vmem_shared>>) target(%dma_start3A_1014 : memref<16x512xf32, #tpu.memory_space<hbm>>) target_semaphore(%arg12 : memref<!tpu.dma_semaphore, #tpu.memory_space<semaphore_mem>>)
          %mul3A_1017 = arith.constant 16 : i32
          %mul3A_1018 = arith.muli %select_n3A_949, %mul3A_1017 : i32
          %add3A_1019 = arith.constant 128 : i32
          %add3A_1020 = arith.addi %add3A_952, %add3A_1019 : i32
          %dma_start3A_1021 = arith.constant 0 : i32
          %dma_start3A_1022 = tpu.memref_slice %arg5[%add3A_1020, %dma_start3A_1021] : memref<78848x512xf32, #tpu.memory_space<hbm>> -> memref<16x512xf32, #tpu.memory_space<hbm>>
          %dma_start3A_1023 = arith.constant 0 : i32
          %dma_start3A_1024 = tpu.memref_slice %arg11[%mul3A_1018, %dma_start3A_1023] : memref<960x512xf32, #tpu.memory_space<vmem_shared>> -> memref<16x512xf32, #tpu.memory_space<vmem_shared>>
          tpu.enqueue_dma source(%dma_start3A_1024 : memref<16x512xf32, #tpu.memory_space<vmem_shared>>) target(%dma_start3A_1022 : memref<16x512xf32, #tpu.memory_space<hbm>>) target_semaphore(%arg12 : memref<!tpu.dma_semaphore, #tpu.memory_space<semaphore_mem>>)
          %mul3A_1025 = arith.constant 16 : i32
          %mul3A_1026 = arith.muli %select_n3A_949, %mul3A_1025 : i32
          %add3A_1027 = arith.constant 144 : i32
          %add3A_1028 = arith.addi %add3A_952, %add3A_1027 : i32
          %dma_start3A_1029 = arith.constant 0 : i32
          %dma_start3A_1030 = tpu.memref_slice %arg5[%add3A_1028, %dma_start3A_1029] : memref<78848x512xf32, #tpu.memory_space<hbm>> -> memref<16x512xf32, #tpu.memory_space<hbm>>
          %dma_start3A_1031 = arith.constant 0 : i32
          %dma_start3A_1032 = tpu.memref_slice %arg11[%mul3A_1026, %dma_start3A_1031] : memref<960x512xf32, #tpu.memory_space<vmem_shared>> -> memref<16x512xf32, #tpu.memory_space<vmem_shared>>
          tpu.enqueue_dma source(%dma_start3A_1032 : memref<16x512xf32, #tpu.memory_space<vmem_shared>>) target(%dma_start3A_1030 : memref<16x512xf32, #tpu.memory_space<hbm>>) target_semaphore(%arg12 : memref<!tpu.dma_semaphore, #tpu.memory_space<semaphore_mem>>)
          %mul3A_1033 = arith.constant 16 : i32
          %mul3A_1034 = arith.muli %select_n3A_949, %mul3A_1033 : i32
          %add3A_1035 = arith.constant 160 : i32
          %add3A_1036 = arith.addi %add3A_952, %add3A_1035 : i32
          %dma_start3A_1037 = arith.constant 0 : i32
          %dma_start3A_1038 = tpu.memref_slice %arg5[%add3A_1036, %dma_start3A_1037] : memref<78848x512xf32, #tpu.memory_space<hbm>> -> memref<16x512xf32, #tpu.memory_space<hbm>>
          %dma_start3A_1039 = arith.constant 0 : i32
          %dma_start3A_1040 = tpu.memref_slice %arg11[%mul3A_1034, %dma_start3A_1039] : memref<960x512xf32, #tpu.memory_space<vmem_shared>> -> memref<16x512xf32, #tpu.memory_space<vmem_shared>>
          tpu.enqueue_dma source(%dma_start3A_1040 : memref<16x512xf32, #tpu.memory_space<vmem_shared>>) target(%dma_start3A_1038 : memref<16x512xf32, #tpu.memory_space<hbm>>) target_semaphore(%arg12 : memref<!tpu.dma_semaphore, #tpu.memory_space<semaphore_mem>>)
          %mul3A_1041 = arith.constant 16 : i32
          %mul3A_1042 = arith.muli %select_n3A_949, %mul3A_1041 : i32
          %add3A_1043 = arith.constant 176 : i32
          %add3A_1044 = arith.addi %add3A_952, %add3A_1043 : i32
          %dma_start3A_1045 = arith.constant 0 : i32
          %dma_start3A_1046 = tpu.memref_slice %arg5[%add3A_1044, %dma_start3A_1045] : memref<78848x512xf32, #tpu.memory_space<hbm>> -> memref<16x512xf32, #tpu.memory_space<hbm>>
          %dma_start3A_1047 = arith.constant 0 : i32
          %dma_start3A_1048 = tpu.memref_slice %arg11[%mul3A_1042, %dma_start3A_1047] : memref<960x512xf32, #tpu.memory_space<vmem_shared>> -> memref<16x512xf32, #tpu.memory_space<vmem_shared>>
          tpu.enqueue_dma source(%dma_start3A_1048 : memref<16x512xf32, #tpu.memory_space<vmem_shared>>) target(%dma_start3A_1046 : memref<16x512xf32, #tpu.memory_space<hbm>>) target_semaphore(%arg12 : memref<!tpu.dma_semaphore, #tpu.memory_space<semaphore_mem>>)
          %mul3A_1049 = arith.constant 16 : i32
          %mul3A_1050 = arith.muli %select_n3A_949, %mul3A_1049 : i32
          %add3A_1051 = arith.constant 192 : i32
          %add3A_1052 = arith.addi %add3A_952, %add3A_1051 : i32
          %dma_start3A_1053 = arith.constant 0 : i32
          %dma_start3A_1054 = tpu.memref_slice %arg5[%add3A_1052, %dma_start3A_1053] : memref<78848x512xf32, #tpu.memory_space<hbm>> -> memref<16x512xf32, #tpu.memory_space<hbm>>
          %dma_start3A_1055 = arith.constant 0 : i32
          %dma_start3A_1056 = tpu.memref_slice %arg11[%mul3A_1050, %dma_start3A_1055] : memref<960x512xf32, #tpu.memory_space<vmem_shared>> -> memref<16x512xf32, #tpu.memory_space<vmem_shared>>
          tpu.enqueue_dma source(%dma_start3A_1056 : memref<16x512xf32, #tpu.memory_space<vmem_shared>>) target(%dma_start3A_1054 : memref<16x512xf32, #tpu.memory_space<hbm>>) target_semaphore(%arg12 : memref<!tpu.dma_semaphore, #tpu.memory_space<semaphore_mem>>)
          %mul3A_1057 = arith.constant 16 : i32
          %mul3A_1058 = arith.muli %select_n3A_949, %mul3A_1057 : i32
          %add3A_1059 = arith.constant 208 : i32
          %add3A_1060 = arith.addi %add3A_952, %add3A_1059 : i32
          %dma_start3A_1061 = arith.constant 0 : i32
          %dma_start3A_1062 = tpu.memref_slice %arg5[%add3A_1060, %dma_start3A_1061] : memref<78848x512xf32, #tpu.memory_space<hbm>> -> memref<16x512xf32, #tpu.memory_space<hbm>>
          %dma_start3A_1063 = arith.constant 0 : i32
          %dma_start3A_1064 = tpu.memref_slice %arg11[%mul3A_1058, %dma_start3A_1063] : memref<960x512xf32, #tpu.memory_space<vmem_shared>> -> memref<16x512xf32, #tpu.memory_space<vmem_shared>>
          tpu.enqueue_dma source(%dma_start3A_1064 : memref<16x512xf32, #tpu.memory_space<vmem_shared>>) target(%dma_start3A_1062 : memref<16x512xf32, #tpu.memory_space<hbm>>) target_semaphore(%arg12 : memref<!tpu.dma_semaphore, #tpu.memory_space<semaphore_mem>>)
          %mul3A_1065 = arith.constant 16 : i32
          %mul3A_1066 = arith.muli %select_n3A_949, %mul3A_1065 : i32
          %add3A_1067 = arith.constant 224 : i32
          %add3A_1068 = arith.addi %add3A_952, %add3A_1067 : i32
          %dma_start3A_1069 = arith.constant 0 : i32
          %dma_start3A_1070 = tpu.memref_slice %arg5[%add3A_1068, %dma_start3A_1069] : memref<78848x512xf32, #tpu.memory_space<hbm>> -> memref<16x512xf32, #tpu.memory_space<hbm>>
          %dma_start3A_1071 = arith.constant 0 : i32
          %dma_start3A_1072 = tpu.memref_slice %arg11[%mul3A_1066, %dma_start3A_1071] : memref<960x512xf32, #tpu.memory_space<vmem_shared>> -> memref<16x512xf32, #tpu.memory_space<vmem_shared>>
          tpu.enqueue_dma source(%dma_start3A_1072 : memref<16x512xf32, #tpu.memory_space<vmem_shared>>) target(%dma_start3A_1070 : memref<16x512xf32, #tpu.memory_space<hbm>>) target_semaphore(%arg12 : memref<!tpu.dma_semaphore, #tpu.memory_space<semaphore_mem>>)
          %mul3A_1073 = arith.constant 16 : i32
          %mul3A_1074 = arith.muli %select_n3A_949, %mul3A_1073 : i32
          %add3A_1075 = arith.constant 240 : i32
          %add3A_1076 = arith.addi %add3A_952, %add3A_1075 : i32
          %dma_start3A_1077 = arith.constant 0 : i32
          %dma_start3A_1078 = tpu.memref_slice %arg5[%add3A_1076, %dma_start3A_1077] : memref<78848x512xf32, #tpu.memory_space<hbm>> -> memref<16x512xf32, #tpu.memory_space<hbm>>
          %dma_start3A_1079 = arith.constant 0 : i32
          %dma_start3A_1080 = tpu.memref_slice %arg11[%mul3A_1074, %dma_start3A_1079] : memref<960x512xf32, #tpu.memory_space<vmem_shared>> -> memref<16x512xf32, #tpu.memory_space<vmem_shared>>
          tpu.enqueue_dma source(%dma_start3A_1080 : memref<16x512xf32, #tpu.memory_space<vmem_shared>>) target(%dma_start3A_1078 : memref<16x512xf32, #tpu.memory_space<hbm>>) target_semaphore(%arg12 : memref<!tpu.dma_semaphore, #tpu.memory_space<semaphore_mem>>)
          %add3A_1081 = arith.constant 16 : i32
          %add3A_1082 = arith.addi %while3A_879, %add3A_1081 : i32
          scf.yield %add3A_1082 : i32
        }
        scf.yield %cond3A_935, %while3A_880 : i32, i32
      }
      scf.yield %cond3A_927#0, %cond3A_927#1 : i32, i32
    }
    %while3A_858 = arith.constant 0 : i32
    %while3A_859 = arith.constant 0 : i32
    %while3A_860 = arith.subi %while3A_857#0, %while3A_859 : i32
    %while3A_861 = arith.addi %while3A_859, %while3A_860 : i32
    %while3A_862 = arith.constant 1 : i32
    %while3A_863 = arith.divsi %while3A_860, %while3A_862 : i32
    %while3A_864 = arith.muli %while3A_863, %while3A_862 : i32
    %while3A_865 = arith.addi %while3A_859, %while3A_864 : i32
    %while3A_866 = arith.constant 1 : i32
    scf.for %while3A_878 = %while3A_859 to %while3A_865 step %while3A_866  : i32 {
      %dma_wait3A_879 = arith.constant 0 : i32
      %dma_wait3A_880 = arith.constant 0 : i32
      %dma_wait3A_881 = tpu.memref_slice %arg5[%dma_wait3A_879, %dma_wait3A_880] : memref<78848x512xf32, #tpu.memory_space<hbm>> -> memref<16x512xf32, #tpu.memory_space<hbm>>
      %dma_wait3A_882 = arith.constant 0 : i32
      %dma_wait3A_883 = arith.constant 0 : i32
      %dma_wait3A_884 = tpu.memref_slice %arg11[%dma_wait3A_882, %dma_wait3A_883] : memref<960x512xf32, #tpu.memory_space<vmem_shared>> -> memref<16x512xf32, #tpu.memory_space<vmem_shared>>
      tpu.wait_dma2 semaphore(%arg12 : memref<!tpu.dma_semaphore, #tpu.memory_space<semaphore_mem>>) src(%dma_wait3A_884 : memref<16x512xf32, #tpu.memory_space<vmem_shared>>) dst(%dma_wait3A_881 : memref<16x512xf32, #tpu.memory_space<hbm>>)
    }
    %while3A_867 = arith.constant 1 : i32
    scf.for %while3A_878 = %while3A_865 to %while3A_861 step %while3A_867  : i32 {
      %dma_wait3A_879 = arith.constant 0 : i32
      %dma_wait3A_880 = arith.constant 0 : i32
      %dma_wait3A_881 = tpu.memref_slice %arg5[%dma_wait3A_879, %dma_wait3A_880] : memref<78848x512xf32, #tpu.memory_space<hbm>> -> memref<16x512xf32, #tpu.memory_space<hbm>>
      %dma_wait3A_882 = arith.constant 0 : i32
      %dma_wait3A_883 = arith.constant 0 : i32
      %dma_wait3A_884 = tpu.memref_slice %arg11[%dma_wait3A_882, %dma_wait3A_883] : memref<960x512xf32, #tpu.memory_space<vmem_shared>> -> memref<16x512xf32, #tpu.memory_space<vmem_shared>>
      tpu.wait_dma2 semaphore(%arg12 : memref<!tpu.dma_semaphore, #tpu.memory_space<semaphore_mem>>) src(%dma_wait3A_884 : memref<16x512xf32, #tpu.memory_space<vmem_shared>>) dst(%dma_wait3A_881 : memref<16x512xf32, #tpu.memory_space<hbm>>)
    }
    %while3A_868 = arith.constant 0 : i32
    %while3A_869 = arith.constant 0 : i32
    %while3A_870 = arith.subi %while3A_857#1, %while3A_869 : i32
    %while3A_871 = arith.addi %while3A_869, %while3A_870 : i32
    %while3A_872 = arith.constant 1 : i32
    %while3A_873 = arith.divsi %while3A_870, %while3A_872 : i32
    %while3A_874 = arith.muli %while3A_873, %while3A_872 : i32
    %while3A_875 = arith.addi %while3A_869, %while3A_874 : i32
    %while3A_876 = arith.constant 1 : i32
    scf.for %while3A_878 = %while3A_869 to %while3A_875 step %while3A_876  : i32 {
      %dma_wait3A_879 = arith.constant 0 : i32
      %dma_wait3A_880 = arith.constant 0 : i32
      %dma_wait3A_881 = tpu.memref_slice %arg5[%dma_wait3A_879, %dma_wait3A_880] : memref<78848x512xf32, #tpu.memory_space<hbm>> -> memref<256x512xf32, #tpu.memory_space<hbm>>
      %dma_wait3A_882 = arith.constant 0 : i32
      %dma_wait3A_883 = arith.constant 0 : i32
      %dma_wait3A_884 = tpu.memref_slice %arg2[%dma_wait3A_882, %dma_wait3A_883] : memref<1024x512xf32, #tpu.memory_space<hbm>> -> memref<256x512xf32, #tpu.memory_space<hbm>>
      tpu.wait_dma2 semaphore(%arg16 : memref<!tpu.dma_semaphore, #tpu.memory_space<semaphore_mem>>) src(%dma_wait3A_884 : memref<256x512xf32, #tpu.memory_space<hbm>>) dst(%dma_wait3A_881 : memref<256x512xf32, #tpu.memory_space<hbm>>)
    }
    %while3A_877 = arith.constant 1 : i32
    scf.for %while3A_878 = %while3A_875 to %while3A_871 step %while3A_877  : i32 {
      %dma_wait3A_879 = arith.constant 0 : i32
      %dma_wait3A_880 = arith.constant 0 : i32
      %dma_wait3A_881 = tpu.memref_slice %arg5[%dma_wait3A_879, %dma_wait3A_880] : memref<78848x512xf32, #tpu.memory_space<hbm>> -> memref<256x512xf32, #tpu.memory_space<hbm>>
      %dma_wait3A_882 = arith.constant 0 : i32
      %dma_wait3A_883 = arith.constant 0 : i32
      %dma_wait3A_884 = tpu.memref_slice %arg2[%dma_wait3A_882, %dma_wait3A_883] : memref<1024x512xf32, #tpu.memory_space<hbm>> -> memref<256x512xf32, #tpu.memory_space<hbm>>
      tpu.wait_dma2 semaphore(%arg16 : memref<!tpu.dma_semaphore, #tpu.memory_space<semaphore_mem>>) src(%dma_wait3A_884 : memref<256x512xf32, #tpu.memory_space<hbm>>) dst(%dma_wait3A_881 : memref<256x512xf32, #tpu.memory_space<hbm>>)
    }
    return
  }
}

</mosaic_0001>

<sc_bundles>
// kernel: kernel.3.cloned.1.call-start
scs
__scs_entry_jumppad:
0x0: {  	(pc) =	sbr.rel $0x88, $3  }
0x1: {  	(tag) =	ssettag $0x0;
	lr =	simm.s32 $0x1  }
0x2: {  	[smem:$0x3F9C] =	sst lr;
	_ =	strace $0xD0000000  }
0x3: {  	_ = 	snop  }
0x4: {  	_ = 	snop  }
0x5: {  	_ = 	snop  }
0x6: {  	_ = 	snop  }
0x7: {  	_ = 	snop  }
__scs_overlays_trampoline_lowered:
0x8: {  	[smem:$0x3FAB] =	sst s0  }
0x9: {  	[smem:$0x3FAC] =	sst s1  }
0xa: {  	[smem:$0x3FAD] =	sst s2  }
0xb: {  	[smem:$0x3FAE] =	sst s3  }
0xc: {  	[smem:$0x3FAF] =	sst s4  }
0xd: {  	[smem:$0x3FB0] =	sst s5  }
0xe: {  	[smem:$0x3FB1] =	sst s6  }
0xf: {  	[smem:$0x3FB2] =	sst s7  }
0x10: {  	[smem:$0x3FB3] =	sst s8  }
0x11: {  	[smem:$0x3FB4] =	sst s9;
	s0 =	simm.s32 @!p0 $0x0  }
0x12: {  	s1 =	sld [smem:$0x3F9A];
	s0 =	simm.s32 @p0 $0x1  }
0x13: {  	[smem:$0x3FB5] =	sst s0;
	s0 =	simm.s32 @!p1 $0x0  }
0x14: {  	s2 =	sld [smem:$0x3F99];
	s0 =	simm.s32 @p1 $0x1  }
0x15: {  	[smem:$0x3FB6] =	sst s0;
	s0 =	simm.s32 @!p2 $0x0  }
0x16: {  	s3 =	sld [smem:$0x3FDB];
	s0 =	simm.s32 @p2 $0x1  }
0x17: {  	s4 =	simm.s32 $0x1BF5;
	[smem:$0x3FB8] =	sst s0  }
0x18: {  	s0 =	sld [smem:$0x3F9B];
	_ =	swait.ge [sflag:s4], $0x0  }
0x19: {  	s7 =	sld [smem:$0x3F9C]  }
0x1a: {  	s8 =	sadd.s32 $0xFFFFE003, lr  }
0x1b: {  	s9 =	sadd.s32 $0xFFFFFEF7, lr;
	s5 =	simm.s32 $0xFFFFFFFF;
	p2 =	slt.u32 s8, $0xFFFFF086  }
0x1c: {  	p1 =	slt.u32 s9, $0xF7A;
	s5 =	simm.s32 @!p2 $0x0  }
0x1d: {  	s5 =	simm.s32 @p1 $0x1;
	p0 =	seq.s32 s7, s2  }
0x1e: {  	s7 =	smul.u32 @!p0 $0xF7A, s2;
	p2 =	seq.s32 @!p0 s5, $0x0  }
0x1f: {  	s9 =	smul.u32 $0xF7A, s1;
	s8 =	simm.s32 @!p0 $0x1BF5;
	p2 =	por !p2, p0  }
0x20: {  	[sflag:s8] =	ssyncset.s32 @!p0 $0xFFFFF086;
	s6 =	sadd.s32 @!p0 s3, s7;
	s7 =	simm.s32 @!p0 $0x108  }
0x21: {  	s3 =	sadd.s32 s3, s9;
	s6 =	sadd.s32 @!p0 $0x88, s6;
	s7 =	simm.s32 @p2 $0x1082  }
0x22: {  	[simem:s7], [sflag:s8] =	dma.local @!p0 [hbm:s6], $0xF7A  }
0x23: {  	s9 =	sor.u32 $0xD0000000, s2;
	s6 =	simm.s32 $0x108;
	_ =	swait.ge @!p0 [sflag:s8], $0x0  }
0x24: {  	s3 =	sadd.s32 $0x88, s3;
	s6 =	simm.s32 @!p1 $0x1082;
	[sflag:s4] =	ssyncset.s32 $0xFFFFF086  }
0x25: {  	[simem:s6], [sflag:s4] =	dma.local [hbm:s3], $0xF7A  }
0x26: {  	[smem:$0x3F9C] =	sst s1;
	(tag) =	ssettag s2;
	_ =	strace s9  }
0x27: {  	s1 =	sld [smem:$0x3FAC]  }
0x28: {  	s2 =	sld [smem:$0x3FAD]  }
0x29: {  	s4 =	sld [smem:$0x3FAF]  }
0x2a: {  	p0 =	seq.s32 s5, $0x0;
	s5 =	sld [smem:$0x3FB0]  }
0x2b: {  	s6 =	sld [smem:$0x3FB1]  }
0x2c: {  	s7 =	sld [smem:$0x3FB2]  }
0x2d: {  	s3 =	simm.s32 $0x108;
	s8 =	sld [smem:$0x3FB3]  }
0x2e: {  	s3 =	simm.s32 @!p0 $0x1082;
	s9 =	sld [smem:$0x3FB4]  }
0x2f: {  	lr =	sadd.s32 s0, s3;
	s0 =	sld [smem:$0x3FAB]  }
0x30: {  	s3 =	sld [smem:$0x3FAE]  }
0x31: {  	[smem:$0x3FB7] =	sst s10  }
0x32: {  	s10 =	sld [smem:$0x3FB5];
	_ =	sdelay $0x3  }
0x33: {  	p0 =	seq.s32 s10, $0x1;
	s10 =	sld [smem:$0x3FB7];
	_ =	sdelay $0x3  }
0x34: {  	[smem:$0x3FB7] =	sst s10  }
0x35: {  	s10 =	sld [smem:$0x3FB6];
	_ =	sdelay $0x3  }
0x36: {  	p1 =	seq.s32 s10, $0x1;
	s10 =	sld [smem:$0x3FB7];
	_ =	sdelay $0x3  }
0x37: {  	[smem:$0x3FB7] =	sst s10  }
0x38: {  	s10 =	sld [smem:$0x3FB8]  }
0x39: {  	_ = 	snop;
	(pc) =	sbr.ind lr, $3  }
0x3a: {  	_ = 	snop  }
0x3b: {  	_ = 	snop  }
0x3c: {  	p2 =	seq.s32 s10, $0x1;
	s10 =	sld [smem:$0x3FB7]  }
0x3d: {  	_ =	shalt  }
0x3e: {  	_ =	shalt  }
0x3f: {  	_ =	shalt  }
0x40: {  	_ =	shalt  }
0x41: {  	_ =	shalt  }
0x42: {  	_ =	shalt  }
0x43: {  	_ =	shalt  }
0x44: {  	_ =	shalt  }
0x45: {  	_ =	shalt  }
0x46: {  	_ =	shalt  }
0x47: {  	_ =	shalt  }
0x48: {  	_ =	shalt  }
0x49: {  	_ =	shalt  }
0x4a: {  	_ =	shalt  }
0x4b: {  	_ =	shalt  }
0x4c: {  	_ =	shalt  }
0x4d: {  	_ =	shalt  }
0x4e: {  	_ =	shalt  }
0x4f: {  	_ =	shalt  }
0x50: {  	_ =	shalt  }
0x51: {  	_ =	shalt  }
0x52: {  	_ =	shalt  }
0x53: {  	_ =	shalt  }
0x54: {  	_ =	shalt  }
0x55: {  	_ =	shalt  }
0x56: {  	_ =	shalt  }
0x57: {  	_ =	shalt  }
0x58: {  	_ =	shalt  }
0x59: {  	_ =	shalt  }
0x5a: {  	_ =	shalt  }
0x5b: {  	_ =	shalt  }
0x5c: {  	_ =	shalt  }
0x5d: {  	_ =	shalt  }
0x5e: {  	_ =	shalt  }
0x5f: {  	_ =	shalt  }
0x60: {  	_ =	shalt  }
0x61: {  	_ =	shalt  }
0x62: {  	_ =	shalt  }
0x63: {  	_ =	shalt  }
0x64: {  	_ =	shalt  }
0x65: {  	_ =	shalt  }
0x66: {  	_ =	shalt  }
0x67: {  	_ =	shalt  }
0x68: {  	_ =	shalt  }
0x69: {  	_ =	shalt  }
0x6a: {  	_ =	shalt  }
0x6b: {  	_ =	shalt  }
0x6c: {  	_ =	shalt  }
0x6d: {  	_ =	shalt  }
0x6e: {  	_ =	shalt  }
0x6f: {  	_ =	shalt  }
0x70: {  	_ =	shalt  }
0x71: {  	_ =	shalt  }
0x72: {  	_ =	shalt  }
0x73: {  	_ =	shalt  }
0x74: {  	_ =	shalt  }
0x75: {  	_ =	shalt  }
0x76: {  	_ =	shalt  }
0x77: {  	_ =	shalt  }
0x78: {  	_ =	shalt  }
0x79: {  	_ =	shalt  }
0x7a: {  	_ =	shalt  }
0x7b: {  	_ =	shalt  }
0x7c: {  	_ =	shalt  }
0x7d: {  	_ =	shalt  }
0x7e: {  	_ =	shalt  }
0x7f: {  	_ =	shalt  }
0x80: {  	_ =	shalt  }
0x81: {  	_ =	shalt  }
0x82: {  	_ =	shalt  }
0x83: {  	_ =	shalt  }
0x84: {  	_ =	shalt  }
0x85: {  	_ =	shalt  }
0x86: {  	_ =	shalt  }
0x87: {  	_ =	shalt  }
.Lfunc_end0:
.L_simem_size_0:
called_computation_lowered:
.L_overlay_start_0:
0x88: {  	s2 =	sld [smem:$0x3FD9]  }
0x89: {  	s3 =	sld [smem:$0x3FFE];
	_ =	sdelay $0x1  }
0x8a: {  	s1 =	srdreg.scid  }
0x8b: {  	s0 =	sand.u32 $0x1, s1  }
0x8c: {  	s17 =	sshll.u32 s0, $0xA;
	s2 =	sadd.s32 s3, s2  }
0x8d: {  	s2 =	sadd.s32 s2, s17  }
0x8e: {  	[smem:$0x3FC3] =	sst s2  }
0x8f: {  	_ = 	snop  }
0x90: {  	s2 =	sld [smem:$0x3FC9]  }
0x91: {  	s18 =	sld [smem:$0x3FC8]  }
0x92: {  	s4 =	sld [smem:$0x3FD0];
	(tm) =	ssettm $0x1  }
0x93: {  	s5 =	sld [smem:$0x3FFB];
	_ =	sdelay $0x3  }
0x94: {  	_ =	strace s5  }
0x95: {  	s5 =	sld [smem:$0x3FFC];
	_ =	sdelay $0x3  }
0x96: {  	_ =	strace s5  }
0x97: {  	s5 =	sld [smem:$0x3FFD];
	_ =	sdelay $0x3  }
0x98: {  	_ =	strace s5  }
0x99: {  	_ =	strace $0x8FFFFFFF  }
0x9a: {  	s19 =	sld [smem:$0x3FDB];
	_ =	sdelay $0x1  }
0x9b: {  	s6 =	simm.s32 $_scs_section_size  }
0x9c: {  	s7 =	simm.s32 $_size__tile_overlayer_lowered;
	s8 =	simm.s32 $_tile_overlayer_lowered  }
0x9d: {  	s22 =	simm.s32 $0x1BFF;
	s21 =	sshll.u32 s8, $0x1;
	s5 =	sadd.s32 s6, s19  }
0x9e: {  	s9 =	simm.s32 $0x0;
	s20 =	sshll.u32 s7, $0x1;
	s7 =	sadd.s32 s21, s5  }
0x9f: {  	[timem:s9], [sflag:s22] =	dma.local [hbm:s7], s20  }
0xa0: {  	_ =	swait.ge [sflag:s22], s20  }
0xa1: {  	s6 =	ssub.s32 $0x0, s20;
	[sflag:s22] =	ssyncset.done $0x0  }
0xa2: {  	[sflag:s22] =	ssyncadd.s32 s6;
	_ =	sdelay $0x1  }
0xa3: {  	s23 =	simm.s32 $0x1B8B  }
0xa4: {  	_ =	swait.ge [sflag:s23], $0x1  }
0xa5: {  	[sflag:s23] =	ssyncset.done $0x0  }
0xa6: {  	s25 =	simm.s32 $0x1B8E;
	s24 =	sld [smem:$0x3FFE];
	[sflag:s23] =	ssyncadd.s32 $0xFFFFFFFF  }
0xa7: {  	s26 =	simm.s32 $execute0_lowered;
	[smem:$0x3FD2] =	sst s25  }
0xa8: {  	s7 =	sshll.u32 s26, $0x1;
	_ =	strace $0x80000046;
	[dreg:$0x1] =	wrdreg $0xFFFFFFFF  }
0xa9: {  	s28 =	simm.s32 $_size_execute0_lowered;
	s5 =	sadd.s32 s5, s7;
	[dreg:$0x0] =	wrdreg $0x0  }
0xaa: {  	s7 =	sshll.u32 s28, $0x1;
	[dreg:$0x2] =	wrdreg s5  }
0xab: {  	[dreg:$0x3] =	wrdreg s7  }
0xac: {  	[dreg:$0x4] =	wrdreg $0xC0  }
0xad: {  	_ =	task [dreg:s9], $0x5FFFF  }
0xae: {  	[dreg:$0x1] =	wrdreg $0xFFFFFFFF  }
0xaf: {  	[dreg:$0x0] =	wrdreg $0x60  }
0xb0: {  	[dreg:$0x2] =	wrdreg s2  }
0xb1: {  	[dreg:$0x3] =	wrdreg s18  }
0xb2: {  	[dreg:$0x4] =	wrdreg s24  }
0xb3: {  	[dreg:$0x5] =	wrdreg s4  }
0xb4: {  	[dreg:$0x6] =	wrdreg $0x111000  }
0xb5: {  	[dreg:$0x7] =	wrdreg $0x9  }
0xb6: {  	_ =	task.clear_ibuf [dreg:s9], $0x8FFFF;
	_ =	strace $0x90000046  }
0xb7: {  	s29 =	simm.s32 $0x9;
	_ =	strace $0x80000048  }
0xb8: {  	_ =	swait.ge [sflag:s29], $0x1  }
0xb9: {  	[sflag:s29] =	ssyncadd.s32 $0xFFFFFFFF  }
0xba: {  	_ =	strace $0x90000048  }
0xbb: {  	_ =	sfence  }
0xbc: {  	s30 =	sld [smem:$0x0];
	_ =	sdelay $0x2  }
0xbd: {  	s31 =	sshll.u32 s1, $0xD;
	s1 =	sshrl.u32 s1, $0x2  }
0xbe: {  	s3 =	sand.u32 $0x4000, s31;
	s1 =	sadd.s32 s1, s30  }
0xbf: {  	s0 =	sor.u32 s3, s0;
	s1 =	sshll.u32 s1, $0x11  }
0xc0: {  	s0 =	sor.u32 s1, s0  }
0xc1: {  	s0 =	sadd.s32 $0x8F2B, s0  }
0xc2: {  	[sflag:s0] =	ssyncadd.remote.s32 $0x1  }
0xc3: {  	_ =	sfence.sel $0xFFFF  }
0xc4: {  	[dreg:$0x0] =	wrdreg $0xFFFFFFFF;
	(pc) =	sbr.abs _section_cstart, $3  }
0xc5: {  	[dreg:$0x1] =	wrdreg $0xFFFFFFFF  }
0xc6: {  	_ =	task.clear_ibuf [dreg:s9], $0x2FFFF;
	_ =	strace $0x9FFFFFFF  }
0xc7: {  	(tm) =	ssettm $0x7FFFFFFF  }
tec
execute0_lowered:
.L_overlay_start_1:
0x0: {  	(tag) =	ssettag $0x1  }
0x1: {  	s2 =	rddreg [dreg:$0x1]  }
0x2: {  	s0 =	rddreg [dreg:$0x2]  }
0x3: {  	s9 =	rddreg [dreg:$0x3]  }
0x4: {  	s13 =	rddreg [dreg:$0x4];
	s1 =	srdreg.scid  }
0x5: {  	s6 =	simm.s32 $0x0;
	s15 =	stileid.u32;
	s1 =	sand.u32 $0x1, s1  }
0x6: {  	[smem:$0x7FF] =	sst s6;
	s5 =	sshll.u32 s15, $0x1;
	s7 =	sshll.u32 s15, $0x9  }
0x7: {  	s8 =	sshll.u32 s15, $0x7;
	s18 =	sor.u32 $0x10, s15;
	s19 =	sshll.u32 s15, $0xD  }
0x8: {  	s11 =	sor.u32 $0x20, s15;
	s25 =	sor.u32 $0x30, s15;
	s29 =	smul.u32 $0x268, s15  }
0x9: {  	p0 =	sgt.u32 s15, $0xB;
	s15 =	sadd.s32 $0x1000, s9;
	s3 =	ssub.s32 $0x2, s1  }
0xa: {  	_ =	strace $0x80000047;
	s7 =	sand.u32 $0x1000, s7;
	s10 =	sand.u32 $0x380, s8  }
0xb: {  	s20 =	sshll.u32 s18, $0x9;
	s12 =	sadd.s32 s19, s13;
	s22 =	sshll.u32 s11, $0x9  }
0xc: {  	s26 =	sshll.u32 s11, $0xD;
	s28 =	sshll.u32 s25, $0x9;
	[dreg:$0x17] =	wrdreg s15  }
0xd: {  	s11 =	sadd.s32 $0x400, s9;
	s19 =	sadd.s32 $0x1C00, s9;
	[dreg:$0x8] =	wrdreg s12  }
0xe: {  	s4 =	sshrl.u32 s3, $0x1;
	s17 =	sor.u32 s10, s7;
	[dreg:$0x11] =	wrdreg s11  }
0xf: {  	s21 =	sand.u32 $0x3000, s20;
	s12 =	sadd.s32 $0x1000, s12;
	[dreg:$0x1a] =	wrdreg s19  }
0x10: {  	s7 =	sand.u32 $0x5000, s22;
	s22 =	sadd.s32 $0x2800, s9;
	[dreg:$0x9] =	wrdreg s12  }
0x11: {  	s30 =	sand.u32 $0x7000, s28;
	s28 =	sadd.s32 $0x3C00, s9;
	[dreg:$0x1c] =	wrdreg s22  }
0x12: {  	s20 =	sadd.s32 $0x2000, s9;
	s3 =	ssub.s32 s3, s4;
	[smem:$0x7F8] =	sst s28  }
0x13: {  	s4 =	sshrl.u32 s17, $0x3;
	s17 =	sadd.s32 s26, s13;
	[smem:$0x7FC] =	sst s20  }
0x14: {  	s12 =	sadd.s32 $0x800, s9;
	[dreg:$0xc] =	wrdreg s17  }
0x15: {  	s5 =	sor.u32 s1, s5;
	s26 =	sadd.s32 $0x3800, s9;
	[dreg:$0x12] =	wrdreg s12  }
0x16: {  	s5 =	smul.u32 $0x134, s5;
	s31 =	sadd.s32 $0x1000, s17;
	[dreg:$0x1f] =	wrdreg s26  }
0x17: {  	s0 =	sadd.s32 $0x400, s0;
	s3 =	smax.u32 s3, $0x1;
	[dreg:$0xd] =	wrdreg s31  }
0x18: {  	s1 =	smul.u32 $0x134, s1;
	s14 =	sshrl.u32 s5, $0x5;
	[dreg:$0x13] =	wrdreg s3  }
0x19: {  	s16 =	sadd.s32 s0, s4;
	s17 =	sadd.s32 $0x1400, s9;
	[dreg:$0x6] =	wrdreg s14  }
0x1a: {  	s4 =	sshll.u32 s18, $0xD;
	s18 =	sadd.s32 $0x1800, s9;
	[dreg:$0x18] =	wrdreg s17  }
0x1b: {  	s7 =	sor.u32 s10, s7;
	s5 =	sadd.s32 $0x134, s5;
	[dreg:$0x19] =	wrdreg s18  }
0x1c: {  	s24 =	sshrl.u32 s7, $0x3;
	s23 =	sadd.s32 s4, s13;
	[dreg:$0x7] =	wrdreg s16  }
0x1d: {  	s8 =	sshrl.u32 s5, $0x5;
	s4 =	sadd.s32 s0, s24;
	[dreg:$0xa] =	wrdreg s23  }
0x1e: {  	s5 =	sor.u32 s10, s21;
	s21 =	sadd.s32 $0x2400, s9;
	[smem:$0x7F7] =	sst s4  }
0x1f: {  	s1 =	sadd.s32 s1, s29;
	s29 =	sadd.s32 $0x80, s16;
	[dreg:$0x1b] =	wrdreg s21  }
0x20: {  	s31 =	sadd.s32 $0x180, s16;
	[smem:$0x7F9] =	sst s29  }
0x21: {  	s24 =	sadd.s32 $0x3000, s9;
	s5 =	sshrl.u32 s5, $0x3;
	[smem:$0x7FB] =	sst s31  }
0x22: {  	p1 =	slt.u32 s14, s8;
	s14 =	sadd.s32 $0xC00, s9;
	[smem:$0x7FD] =	sst s24  }
0x23: {  	s4 =	sshll.u32 s25, $0xD;
	s25 =	sadd.s32 $0x3400, s9;
	[dreg:$0x16] =	wrdreg s14  }
0x24: {  	s5 =	sadd.s32 s0, s5;
	[dreg:$0x1e] =	wrdreg s25  }
0x25: {  	s4 =	sadd.s32 s4, s13;
	[smem:$0x7F6] =	sst s5  }
0x26: {  	s5 =	sadd.s32 $0x1000, s23;
	[dreg:$0xe] =	wrdreg s4  }
0x27: {  	s7 =	sadd.s32 $0x1000, s4;
	[dreg:$0xb] =	wrdreg s5  }
0x28: {  	s23 =	sadd.s32 $0x2C00, s9;
	s4 =	simm.s32 $0x1;
	[dreg:$0x10] =	wrdreg s7  }
0x29: {  	s5 =	sor.u32 s10, s30;
	s10 =	sshrl.u32 s1, $0x5;
	[dreg:$0x1d] =	wrdreg s23  }
.Ltmp0:
0x2a: {  	s30 =	sadd.s32 $0x100, s16;
	s5 =	sshrl.u32 s5, $0x3;
	(pc) =	sbr.rel .LBB2_1-.Ltmp0, $4  }
0x2b: {  	s13 =	sshll.u32 s10, $0xE;
	[smem:$0x7FA] =	sst s30;
	s0 =	sadd.s32 s0, s5  }
0x2c: {  	v3 =	vlaneseq.u32;
	s23 =	sadd.s32 $0x100, s2;
	s1 =	sadd.s32 s13, s9;
	[dreg:$0xf] =	wrdreg s0  }
0x2d: {  	vm0 =	vmmov $0xffff;
	v0 =	vmul.u32 $0x10, v3;
	v2 =	vshrl.u32 v3, $0x3;
	s16 =	simm.s32 $0x2;
	[dreg:$0x14] =	wrdreg s1;
	s0 =	sshll.u32 s10, $0x8  }
0x2e: {  	v1 =	vand.u32 $0x7, v3;
	v3 =	vor.u32 $0x8, v3;
	v2 =	vmul.u32 $0x8, v2;
	s1 =	simm.s32 $0x5;
	[dreg:$0x15] =	wrdreg s0;
	s0 =	simm.s32 $0x0  }
.LBB2_14:
0x2f: {  	[sflag:s1] =	ssyncadd.s32 $0xFFFFC000  }
.LBB2_15:
0x30: {  	s0 =	sld [smem:$0x7F5];
	_ =	sdelay $0x2  }
0x31: {  	s5 =	rddreg [dreg:$0x13];
	s0 =	sadd.s32 $0x1, s0  }
0x32: {  	p2 =	sne.s32 s0, s5  }
.Ltmp1:
0x33: {  	_ = 	snop;
	(pc) =	sbr.rel @!p2 .LBB2_16-.Ltmp1, $1  }
0x34: {  	_ =	sdelay $0x3  }
.LBB2_1:
0x35: {  	s5 =	rddreg [dreg:$0x7]  }
0x36: {  	s18 =	sld [smem:$0x7F9]  }
0x37: {  	[tilespmem:s6], [sflag:$0x2] =	stream.linear.gather [hbm4b:s5+s6], $0x80, $0x38;
	[tilespmem:$0x18900] =	vst v63  }
0x38: {  	s9 =	simm.s32 $0x400;
	s19 =	sld [smem:$0x7FA]  }
0x39: {  	[tilespmem:s9], [sflag:$0x2] =	stream.linear.gather [hbm4b:s18+s6], $0x80, $0x38;
	[tilespmem:$0x18900] =	vst v63  }
0x3a: {  	s22 =	simm.s32 $0x800;
	s3 =	sld [smem:$0x7FB]  }
0x3b: {  	[tilespmem:s22], [sflag:$0x2] =	stream.linear.gather [hbm4b:s19+s6], $0x80, $0x38;
	[tilespmem:$0x18900] =	vst v63  }
0x3c: {  	s30 =	simm.s32 $0xC00  }
0x3d: {  	[tilespmem:s30], [sflag:$0x2] =	stream.linear.gather [hbm4b:s3+s6], $0x80, $0x38;
	[tilespmem:$0x18900] =	vst v63  }
0x3e: {  	s31 =	simm.s32 $0x80  }
0x3f: {  	[tilespmem:s31], [sflag:$0x2] =	stream.linear.gather [hbm4b:s5+s6], $0x80, $0x38;
	[tilespmem:$0x18900] =	vst v63  }
0x40: {  	s15 =	simm.s32 $0x480  }
0x41: {  	[tilespmem:s15], [sflag:$0x2] =	stream.linear.gather [hbm4b:s18+s6], $0x80, $0x38;
	[tilespmem:$0x18900] =	vst v63  }
0x42: {  	s26 =	simm.s32 $0x880  }
0x43: {  	[tilespmem:s26], [sflag:$0x2] =	stream.linear.gather [hbm4b:s19+s6], $0x80, $0x38;
	[tilespmem:$0x18900] =	vst v63  }
0x44: {  	s17 =	simm.s32 $0xC80  }
0x45: {  	[tilespmem:s17], [sflag:$0x2] =	stream.linear.gather [hbm4b:s3+s6], $0x80, $0x38;
	[tilespmem:$0x18900] =	vst v63  }
0x46: {  	s14 =	simm.s32 $0x100  }
0x47: {  	[tilespmem:s14], [sflag:$0x2] =	stream.linear.gather [hbm4b:s5+s6], $0x80, $0x38;
	[tilespmem:$0x18900] =	vst v63  }
0x48: {  	s13 =	simm.s32 $0x500  }
0x49: {  	[tilespmem:s13], [sflag:$0x2] =	stream.linear.gather [hbm4b:s18+s6], $0x80, $0x38;
	[tilespmem:$0x18900] =	vst v63  }
0x4a: {  	s24 =	simm.s32 $0x900  }
0x4b: {  	[tilespmem:s24], [sflag:$0x2] =	stream.linear.gather [hbm4b:s19+s6], $0x80, $0x38;
	[tilespmem:$0x18900] =	vst v63  }
0x4c: {  	s25 =	simm.s32 $0xD00  }
0x4d: {  	[tilespmem:s25], [sflag:$0x2] =	stream.linear.gather [hbm4b:s3+s6], $0x80, $0x38;
	[tilespmem:$0x18900] =	vst v63  }
0x4e: {  	s29 =	simm.s32 $0x180  }
0x4f: {  	[tilespmem:s29], [sflag:$0x2] =	stream.linear.gather [hbm4b:s5+s6], $0x80, $0x38;
	[tilespmem:$0x18900] =	vst v63  }
0x50: {  	s20 =	simm.s32 $0x580  }
0x51: {  	[tilespmem:s20], [sflag:$0x2] =	stream.linear.gather [hbm4b:s18+s6], $0x80, $0x38;
	[tilespmem:$0x18900] =	vst v63  }
0x52: {  	s21 =	simm.s32 $0x980  }
0x53: {  	[tilespmem:s21], [sflag:$0x2] =	stream.linear.gather [hbm4b:s19+s6], $0x80, $0x38;
	[tilespmem:$0x18900] =	vst v63  }
0x54: {  	s28 =	simm.s32 $0xD80  }
0x55: {  	[tilespmem:s28], [sflag:$0x2] =	stream.linear.gather [hbm4b:s3+s6], $0x80, $0x38;
	[tilespmem:$0x18900] =	vst v63  }
0x56: {  	s12 =	simm.s32 $0x200  }
0x57: {  	[tilespmem:s12], [sflag:$0x2] =	stream.linear.gather [hbm4b:s5+s6], $0x80, $0x38;
	[tilespmem:$0x18900] =	vst v63  }
0x58: {  	s15 =	simm.s32 $0x600  }
0x59: {  	[tilespmem:s15], [sflag:$0x2] =	stream.linear.gather [hbm4b:s18+s6], $0x80, $0x38;
	[tilespmem:$0x18900] =	vst v63  }
0x5a: {  	s28 =	simm.s32 $0xA00  }
0x5b: {  	[tilespmem:s28], [sflag:$0x2] =	stream.linear.gather [hbm4b:s19+s6], $0x80, $0x38;
	[tilespmem:$0x18900] =	vst v63  }
0x5c: {  	s20 =	simm.s32 $0xE00  }
0x5d: {  	[tilespmem:s20], [sflag:$0x2] =	stream.linear.gather [hbm4b:s3+s6], $0x80, $0x38;
	[tilespmem:$0x18900] =	vst v63  }
0x5e: {  	s12 =	simm.s32 $0x280  }
0x5f: {  	[tilespmem:s12], [sflag:$0x2] =	stream.linear.gather [hbm4b:s5+s6], $0x80, $0x38;
	[tilespmem:$0x18900] =	vst v63  }
0x60: {  	s15 =	simm.s32 $0x680  }
0x61: {  	[tilespmem:s15], [sflag:$0x2] =	stream.linear.gather [hbm4b:s18+s6], $0x80, $0x38;
	[tilespmem:$0x18900] =	vst v63  }
0x62: {  	s20 =	simm.s32 $0xA80  }
0x63: {  	[tilespmem:s20], [sflag:$0x2] =	stream.linear.gather [hbm4b:s19+s6], $0x80, $0x38;
	[tilespmem:$0x18900] =	vst v63  }
0x64: {  	s12 =	simm.s32 $0xE80  }
0x65: {  	[tilespmem:s12], [sflag:$0x2] =	stream.linear.gather [hbm4b:s3+s6], $0x80, $0x38;
	[tilespmem:$0x18900] =	vst v63  }
0x66: {  	s15 =	simm.s32 $0x300  }
0x67: {  	[tilespmem:s15], [sflag:$0x2] =	stream.linear.gather [hbm4b:s5+s6], $0x80, $0x38;
	[tilespmem:$0x18900] =	vst v63  }
0x68: {  	s20 =	simm.s32 $0x700  }
0x69: {  	[tilespmem:s20], [sflag:$0x2] =	stream.linear.gather [hbm4b:s18+s6], $0x80, $0x38;
	[tilespmem:$0x18900] =	vst v63  }
0x6a: {  	s12 =	simm.s32 $0xB00  }
0x6b: {  	[tilespmem:s12], [sflag:$0x2] =	stream.linear.gather [hbm4b:s19+s6], $0x80, $0x38;
	[tilespmem:$0x18900] =	vst v63  }
0x6c: {  	s15 =	simm.s32 $0xF00  }
0x6d: {  	[tilespmem:s15], [sflag:$0x2] =	stream.linear.gather [hbm4b:s3+s6], $0x80, $0x38;
	[tilespmem:$0x18900] =	vst v63  }
0x6e: {  	[smem:$0x7F5] =	sst s0;
	s0 =	simm.s32 $0x380  }
0x6f: {  	[tilespmem:s0], [sflag:$0x2] =	stream.linear.gather [hbm4b:s5+s6], $0x80, $0x38;
	[tilespmem:$0x18900] =	vst v63  }
0x70: {  	s12 =	simm.s32 $0x780  }
0x71: {  	[tilespmem:s12], [sflag:$0x2] =	stream.linear.gather [hbm4b:s18+s6], $0x80, $0x38;
	[tilespmem:$0x18900] =	vst v63  }
0x72: {  	s15 =	simm.s32 $0xB80  }
0x73: {  	[tilespmem:s15], [sflag:$0x2] =	stream.linear.gather [hbm4b:s19+s6], $0x80, $0x38;
	[tilespmem:$0x18900] =	vst v63  }
0x74: {  	s20 =	simm.s32 $0xF80  }
0x75: {  	[tilespmem:s20], [sflag:$0x2] =	stream.linear.gather [hbm4b:s3+s6], $0x80, $0x38;
	[tilespmem:$0x18900] =	vst v63  }
0x76: {  	_ =	swait.ge [sflag:s16], $0x200  }
0x77: {  	[sflag:s16] =	ssyncset.done $0x0  }
0x78: {  	[sflag:s16] =	ssyncadd.s32 $0xFFFFFE00  }
0x79: {  	_ =	swait.ge [sflag:s16], $0x200  }
0x7a: {  	[sflag:s16] =	ssyncset.done $0x0  }
0x7b: {  	[sflag:s16] =	ssyncadd.s32 $0xFFFFFE00  }
0x7c: {  	_ =	swait.ge [sflag:s16], $0x200  }
0x7d: {  	[sflag:s16] =	ssyncset.done $0x0  }
0x7e: {  	[sflag:s16] =	ssyncadd.s32 $0xFFFFFE00  }
0x7f: {  	_ =	swait.ge [sflag:s16], $0x200  }
0x80: {  	[sflag:s16] =	ssyncset.done $0x0  }
0x81: {  	[sflag:s16] =	ssyncadd.s32 $0xFFFFFE00  }
0x82: {  	_ =	swait.ge [sflag:s16], $0x200  }
0x83: {  	[sflag:s16] =	ssyncset.done $0x0  }
0x84: {  	[sflag:s16] =	ssyncadd.s32 $0xFFFFFE00  }
0x85: {  	_ =	swait.ge [sflag:s16], $0x200  }
0x86: {  	[sflag:s16] =	ssyncset.done $0x0  }
0x87: {  	[sflag:s16] =	ssyncadd.s32 $0xFFFFFE00  }
0x88: {  	_ =	swait.ge [sflag:s16], $0x200  }
0x89: {  	[sflag:s16] =	ssyncset.done $0x0  }
0x8a: {  	[sflag:s16] =	ssyncadd.s32 $0xFFFFFE00  }
0x8b: {  	_ =	swait.ge [sflag:s16], $0x200  }
0x8c: {  	[sflag:s16] =	ssyncset.done $0x0  }
0x8d: {  	s19 =	rddreg [dreg:$0x8];
	[sflag:s16] =	ssyncadd.s32 $0xFFFFFE00  }
0x8e: {  	[spmem:s19] =	stream.linear.scatter [tilespmem:s6], [sflag:$0x2], $0x1000, $0x38;
	[tilespmem:$0x18900] =	vst v63  }
0x8f: {  	s3 =	rddreg [dreg:$0x9]  }
0x90: {  	[spmem:s3] =	stream.linear.scatter [tilespmem:s6], [sflag:$0x2], $0x1000, $0x38;
	[tilespmem:$0x18900] =	vst v63  }
0x91: {  	_ =	swait.ge [sflag:s16], $0x1000  }
0x92: {  	[sflag:s16] =	ssyncset.done $0x0  }
0x93: {  	[sflag:s16] =	ssyncadd.s32 $0xFFFFF000  }
0x94: {  	_ =	swait.ge [sflag:s16], $0x1000  }
0x95: {  	s3 =	sld [smem:$0x7F6]  }
0x96: {  	[sflag:s16] =	ssyncset.done $0x0  }
0x97: {  	[sflag:s16] =	ssyncadd.s32 $0xFFFFF000  }
0x98: {  	[tilespmem:s6], [sflag:$0x2] =	stream.linear.gather [hbm4b:s3+s6], $0x80, $0x38;
	[tilespmem:$0x18900] =	vst v63  }
0x99: {  	s5 =	sadd.s32 $0x80, s3  }
0x9a: {  	[tilespmem:s9], [sflag:$0x2] =	stream.linear.gather [hbm4b:s5+s6], $0x80, $0x38;
	[tilespmem:$0x18900] =	vst v63  }
0x9b: {  	s18 =	sadd.s32 $0x100, s3  }
0x9c: {  	[tilespmem:s22], [sflag:$0x2] =	stream.linear.gather [hbm4b:s18+s6], $0x80, $0x38;
	[tilespmem:$0x18900] =	vst v63  }
0x9d: {  	s19 =	sadd.s32 $0x180, s3  }
0x9e: {  	[tilespmem:s30], [sflag:$0x2] =	stream.linear.gather [hbm4b:s19+s6], $0x80, $0x38;
	[tilespmem:$0x18900] =	vst v63  }
0x9f: {  	_ = 	snop  }
0xa0: {  	[tilespmem:s31], [sflag:$0x2] =	stream.linear.gather [hbm4b:s3+s6], $0x80, $0x38;
	[tilespmem:$0x18900] =	vst v63  }
0xa1: {  	s7 =	simm.s32 $0x480  }
0xa2: {  	[tilespmem:s7], [sflag:$0x2] =	stream.linear.gather [hbm4b:s5+s6], $0x80, $0x38;
	[tilespmem:$0x18900] =	vst v63  }
0xa3: {  	_ = 	snop  }
0xa4: {  	[tilespmem:s26], [sflag:$0x2] =	stream.linear.gather [hbm4b:s18+s6], $0x80, $0x38;
	[tilespmem:$0x18900] =	vst v63  }
0xa5: {  	s10 =	simm.s32 $0xC80  }
0xa6: {  	[tilespmem:s10], [sflag:$0x2] =	stream.linear.gather [hbm4b:s19+s6], $0x80, $0x38;
	[tilespmem:$0x18900] =	vst v63  }
0xa7: {  	_ = 	snop  }
0xa8: {  	[tilespmem:s14], [sflag:$0x2] =	stream.linear.gather [hbm4b:s3+s6], $0x80, $0x38;
	[tilespmem:$0x18900] =	vst v63  }
0xa9: {  	_ = 	snop  }
0xaa: {  	[tilespmem:s13], [sflag:$0x2] =	stream.linear.gather [hbm4b:s5+s6], $0x80, $0x38;
	[tilespmem:$0x18900] =	vst v63  }
0xab: {  	_ = 	snop  }
0xac: {  	[tilespmem:s24], [sflag:$0x2] =	stream.linear.gather [hbm4b:s18+s6], $0x80, $0x38;
	[tilespmem:$0x18900] =	vst v63  }
0xad: {  	_ = 	snop  }
0xae: {  	[tilespmem:s25], [sflag:$0x2] =	stream.linear.gather [hbm4b:s19+s6], $0x80, $0x38;
	[tilespmem:$0x18900] =	vst v63  }
0xaf: {  	_ = 	snop  }
0xb0: {  	[tilespmem:s29], [sflag:$0x2] =	stream.linear.gather [hbm4b:s3+s6], $0x80, $0x38;
	[tilespmem:$0x18900] =	vst v63  }
0xb1: {  	s11 =	simm.s32 $0x580  }
0xb2: {  	[tilespmem:s11], [sflag:$0x2] =	stream.linear.gather [hbm4b:s5+s6], $0x80, $0x38;
	[tilespmem:$0x18900] =	vst v63  }
0xb3: {  	s17 =	simm.s32 $0x980  }
0xb4: {  	[tilespmem:s17], [sflag:$0x2] =	stream.linear.gather [hbm4b:s18+s6], $0x80, $0x38;
	[tilespmem:$0x18900] =	vst v63  }
0xb5: {  	s21 =	simm.s32 $0xD80  }
0xb6: {  	[tilespmem:s21], [sflag:$0x2] =	stream.linear.gather [hbm4b:s19+s6], $0x80, $0x38;
	[tilespmem:$0x18900] =	vst v63  }
0xb7: {  	s17 =	simm.s32 $0x200  }
0xb8: {  	[tilespmem:s17], [sflag:$0x2] =	stream.linear.gather [hbm4b:s3+s6], $0x80, $0x38;
	[tilespmem:$0x18900] =	vst v63  }
0xb9: {  	s21 =	simm.s32 $0x600  }
0xba: {  	[tilespmem:s21], [sflag:$0x2] =	stream.linear.gather [hbm4b:s5+s6], $0x80, $0x38;
	[tilespmem:$0x18900] =	vst v63  }
0xbb: {  	_ = 	snop  }
0xbc: {  	[tilespmem:s28], [sflag:$0x2] =	stream.linear.gather [hbm4b:s18+s6], $0x80, $0x38;
	[tilespmem:$0x18900] =	vst v63  }
0xbd: {  	s10 =	simm.s32 $0xE00  }
0xbe: {  	[tilespmem:s10], [sflag:$0x2] =	stream.linear.gather [hbm4b:s19+s6], $0x80, $0x38;
	[tilespmem:$0x18900] =	vst v63  }
0xbf: {  	s7 =	simm.s32 $0x280  }
0xc0: {  	[tilespmem:s7], [sflag:$0x2] =	stream.linear.gather [hbm4b:s3+s6], $0x80, $0x38;
	[tilespmem:$0x18900] =	vst v63  }
0xc1: {  	s11 =	simm.s32 $0x680  }
0xc2: {  	[tilespmem:s11], [sflag:$0x2] =	stream.linear.gather [hbm4b:s5+s6], $0x80, $0x38;
	[tilespmem:$0x18900] =	vst v63  }
0xc3: {  	s10 =	simm.s32 $0xA80  }
0xc4: {  	[tilespmem:s10], [sflag:$0x2] =	stream.linear.gather [hbm4b:s18+s6], $0x80, $0x38;
	[tilespmem:$0x18900] =	vst v63  }
0xc5: {  	s17 =	simm.s32 $0xE80  }
0xc6: {  	[tilespmem:s17], [sflag:$0x2] =	stream.linear.gather [hbm4b:s19+s6], $0x80, $0x38;
	[tilespmem:$0x18900] =	vst v63  }
0xc7: {  	s11 =	simm.s32 $0x300  }
0xc8: {  	[tilespmem:s11], [sflag:$0x2] =	stream.linear.gather [hbm4b:s3+s6], $0x80, $0x38;
	[tilespmem:$0x18900] =	vst v63  }
0xc9: {  	s21 =	simm.s32 $0x700  }
0xca: {  	[tilespmem:s21], [sflag:$0x2] =	stream.linear.gather [hbm4b:s5+s6], $0x80, $0x38;
	[tilespmem:$0x18900] =	vst v63  }
0xcb: {  	s17 =	simm.s32 $0xB00  }
0xcc: {  	[tilespmem:s17], [sflag:$0x2] =	stream.linear.gather [hbm4b:s18+s6], $0x80, $0x38;
	[tilespmem:$0x18900] =	vst v63  }
0xcd: {  	s21 =	simm.s32 $0xF00  }
0xce: {  	[tilespmem:s21], [sflag:$0x2] =	stream.linear.gather [hbm4b:s19+s6], $0x80, $0x38;
	[tilespmem:$0x18900] =	vst v63  }
0xcf: {  	_ = 	snop  }
0xd0: {  	[tilespmem:s0], [sflag:$0x2] =	stream.linear.gather [hbm4b:s3+s6], $0x80, $0x38;
	[tilespmem:$0x18900] =	vst v63  }
0xd1: {  	_ = 	snop  }
0xd2: {  	[tilespmem:s12], [sflag:$0x2] =	stream.linear.gather [hbm4b:s5+s6], $0x80, $0x38;
	[tilespmem:$0x18900] =	vst v63  }
0xd3: {  	_ = 	snop  }
0xd4: {  	[tilespmem:s15], [sflag:$0x2] =	stream.linear.gather [hbm4b:s18+s6], $0x80, $0x38;
	[tilespmem:$0x18900] =	vst v63  }
0xd5: {  	_ = 	snop  }
0xd6: {  	[tilespmem:s20], [sflag:$0x2] =	stream.linear.gather [hbm4b:s19+s6], $0x80, $0x38;
	[tilespmem:$0x18900] =	vst v63  }
0xd7: {  	_ =	swait.ge [sflag:s16], $0x200  }
0xd8: {  	[sflag:s16] =	ssyncset.done $0x0  }
0xd9: {  	[sflag:s16] =	ssyncadd.s32 $0xFFFFFE00  }
0xda: {  	_ =	swait.ge [sflag:s16], $0x200  }
0xdb: {  	[sflag:s16] =	ssyncset.done $0x0  }
0xdc: {  	[sflag:s16] =	ssyncadd.s32 $0xFFFFFE00  }
0xdd: {  	_ =	swait.ge [sflag:s16], $0x200  }
0xde: {  	[sflag:s16] =	ssyncset.done $0x0  }
0xdf: {  	[sflag:s16] =	ssyncadd.s32 $0xFFFFFE00  }
0xe0: {  	_ =	swait.ge [sflag:s16], $0x200  }
0xe1: {  	[sflag:s16] =	ssyncset.done $0x0  }
0xe2: {  	[sflag:s16] =	ssyncadd.s32 $0xFFFFFE00  }
0xe3: {  	_ =	swait.ge [sflag:s16], $0x200  }
0xe4: {  	[sflag:s16] =	ssyncset.done $0x0  }
0xe5: {  	[sflag:s16] =	ssyncadd.s32 $0xFFFFFE00  }
0xe6: {  	_ =	swait.ge [sflag:s16], $0x200  }
0xe7: {  	[sflag:s16] =	ssyncset.done $0x0  }
0xe8: {  	[sflag:s16] =	ssyncadd.s32 $0xFFFFFE00  }
0xe9: {  	_ =	swait.ge [sflag:s16], $0x200  }
0xea: {  	[sflag:s16] =	ssyncset.done $0x0  }
0xeb: {  	[sflag:s16] =	ssyncadd.s32 $0xFFFFFE00  }
0xec: {  	_ =	swait.ge [sflag:s16], $0x200  }
0xed: {  	[sflag:s16] =	ssyncset.done $0x0  }
0xee: {  	s18 =	rddreg [dreg:$0xa];
	[sflag:s16] =	ssyncadd.s32 $0xFFFFFE00  }
0xef: {  	[spmem:s18] =	stream.linear.scatter [tilespmem:s6], [sflag:$0x2], $0x1000, $0x38;
	[tilespmem:$0x18900] =	vst v63  }
0xf0: {  	s19 =	rddreg [dreg:$0xb]  }
0xf1: {  	[spmem:s19] =	stream.linear.scatter [tilespmem:s6], [sflag:$0x2], $0x1000, $0x38;
	[tilespmem:$0x18900] =	vst v63  }
0xf2: {  	_ =	swait.ge [sflag:s16], $0x1000  }
0xf3: {  	[sflag:s16] =	ssyncset.done $0x0  }
0xf4: {  	[sflag:s16] =	ssyncadd.s32 $0xFFFFF000  }
0xf5: {  	_ =	swait.ge [sflag:s16], $0x1000  }
0xf6: {  	s3 =	sld [smem:$0x7F7]  }
0xf7: {  	[sflag:s16] =	ssyncset.done $0x0  }
0xf8: {  	[sflag:s16] =	ssyncadd.s32 $0xFFFFF000  }
0xf9: {  	[tilespmem:s6], [sflag:$0x2] =	stream.linear.gather [hbm4b:s3+s6], $0x80, $0x38;
	[tilespmem:$0x18900] =	vst v63  }
0xfa: {  	s5 =	sadd.s32 $0x80, s3  }
0xfb: {  	[tilespmem:s9], [sflag:$0x2] =	stream.linear.gather [hbm4b:s5+s6], $0x80, $0x38;
	[tilespmem:$0x18900] =	vst v63  }
0xfc: {  	s18 =	sadd.s32 $0x100, s3  }
0xfd: {  	[tilespmem:s22], [sflag:$0x2] =	stream.linear.gather [hbm4b:s18+s6], $0x80, $0x38;
	[tilespmem:$0x18900] =	vst v63  }
0xfe: {  	s19 =	sadd.s32 $0x180, s3  }
0xff: {  	[tilespmem:s30], [sflag:$0x2] =	stream.linear.gather [hbm4b:s19+s6], $0x80, $0x38;
	[tilespmem:$0x18900] =	vst v63  }
0x100: {  	_ = 	snop  }
0x101: {  	[tilespmem:s31], [sflag:$0x2] =	stream.linear.gather [hbm4b:s3+s6], $0x80, $0x38;
	[tilespmem:$0x18900] =	vst v63  }
0x102: {  	s9 =	simm.s32 $0x480  }
0x103: {  	[tilespmem:s9], [sflag:$0x2] =	stream.linear.gather [hbm4b:s5+s6], $0x80, $0x38;
	[tilespmem:$0x18900] =	vst v63  }
0x104: {  	_ = 	snop  }
0x105: {  	[tilespmem:s26], [sflag:$0x2] =	stream.linear.gather [hbm4b:s18+s6], $0x80, $0x38;
	[tilespmem:$0x18900] =	vst v63  }
0x106: {  	s9 =	simm.s32 $0xC80  }
0x107: {  	[tilespmem:s9], [sflag:$0x2] =	stream.linear.gather [hbm4b:s19+s6], $0x80, $0x38;
	[tilespmem:$0x18900] =	vst v63  }
0x108: {  	_ = 	snop  }
0x109: {  	[tilespmem:s14], [sflag:$0x2] =	stream.linear.gather [hbm4b:s3+s6], $0x80, $0x38;
	[tilespmem:$0x18900] =	vst v63  }
0x10a: {  	_ = 	snop  }
0x10b: {  	[tilespmem:s13], [sflag:$0x2] =	stream.linear.gather [hbm4b:s5+s6], $0x80, $0x38;
	[tilespmem:$0x18900] =	vst v63  }
0x10c: {  	_ = 	snop  }
0x10d: {  	[tilespmem:s24], [sflag:$0x2] =	stream.linear.gather [hbm4b:s18+s6], $0x80, $0x38;
	[tilespmem:$0x18900] =	vst v63  }
0x10e: {  	_ = 	snop  }
0x10f: {  	[tilespmem:s25], [sflag:$0x2] =	stream.linear.gather [hbm4b:s19+s6], $0x80, $0x38;
	[tilespmem:$0x18900] =	vst v63  }
0x110: {  	_ = 	snop  }
0x111: {  	[tilespmem:s29], [sflag:$0x2] =	stream.linear.gather [hbm4b:s3+s6], $0x80, $0x38;
	[tilespmem:$0x18900] =	vst v63  }
0x112: {  	s9 =	simm.s32 $0x580  }
0x113: {  	[tilespmem:s9], [sflag:$0x2] =	stream.linear.gather [hbm4b:s5+s6], $0x80, $0x38;
	[tilespmem:$0x18900] =	vst v63  }
0x114: {  	s9 =	simm.s32 $0x980  }
0x115: {  	[tilespmem:s9], [sflag:$0x2] =	stream.linear.gather [hbm4b:s18+s6], $0x80, $0x38;
	[tilespmem:$0x18900] =	vst v63  }
0x116: {  	s9 =	simm.s32 $0xD80  }
0x117: {  	[tilespmem:s9], [sflag:$0x2] =	stream.linear.gather [hbm4b:s19+s6], $0x80, $0x38;
	[tilespmem:$0x18900] =	vst v63  }
0x118: {  	s9 =	simm.s32 $0x200  }
0x119: {  	[tilespmem:s9], [sflag:$0x2] =	stream.linear.gather [hbm4b:s3+s6], $0x80, $0x38;
	[tilespmem:$0x18900] =	vst v63  }
0x11a: {  	s9 =	simm.s32 $0x600  }
0x11b: {  	[tilespmem:s9], [sflag:$0x2] =	stream.linear.gather [hbm4b:s5+s6], $0x80, $0x38;
	[tilespmem:$0x18900] =	vst v63  }
0x11c: {  	_ = 	snop  }
0x11d: {  	[tilespmem:s28], [sflag:$0x2] =	stream.linear.gather [hbm4b:s18+s6], $0x80, $0x38;
	[tilespmem:$0x18900] =	vst v63  }
0x11e: {  	s28 =	simm.s32 $0xE00  }
0x11f: {  	[tilespmem:s28], [sflag:$0x2] =	stream.linear.gather [hbm4b:s19+s6], $0x80, $0x38;
	[tilespmem:$0x18900] =	vst v63  }
0x120: {  	_ = 	snop  }
0x121: {  	[tilespmem:s7], [sflag:$0x2] =	stream.linear.gather [hbm4b:s3+s6], $0x80, $0x38;
	[tilespmem:$0x18900] =	vst v63  }
0x122: {  	s9 =	simm.s32 $0x680  }
0x123: {  	[tilespmem:s9], [sflag:$0x2] =	stream.linear.gather [hbm4b:s5+s6], $0x80, $0x38;
	[tilespmem:$0x18900] =	vst v63  }
0x124: {  	_ = 	snop  }
0x125: {  	[tilespmem:s10], [sflag:$0x2] =	stream.linear.gather [hbm4b:s18+s6], $0x80, $0x38;
	[tilespmem:$0x18900] =	vst v63  }
0x126: {  	s10 =	simm.s32 $0xE80  }
0x127: {  	[tilespmem:s10], [sflag:$0x2] =	stream.linear.gather [hbm4b:s19+s6], $0x80, $0x38;
	[tilespmem:$0x18900] =	vst v63  }
0x128: {  	_ = 	snop  }
0x129: {  	[tilespmem:s11], [sflag:$0x2] =	stream.linear.gather [hbm4b:s3+s6], $0x80, $0x38;
	[tilespmem:$0x18900] =	vst v63  }
0x12a: {  	s11 =	simm.s32 $0x700  }
0x12b: {  	[tilespmem:s11], [sflag:$0x2] =	stream.linear.gather [hbm4b:s5+s6], $0x80, $0x38;
	[tilespmem:$0x18900] =	vst v63  }
0x12c: {  	_ = 	snop  }
0x12d: {  	[tilespmem:s17], [sflag:$0x2] =	stream.linear.gather [hbm4b:s18+s6], $0x80, $0x38;
	[tilespmem:$0x18900] =	vst v63  }
0x12e: {  	s21 =	simm.s32 $0xF00  }
0x12f: {  	[tilespmem:s21], [sflag:$0x2] =	stream.linear.gather [hbm4b:s19+s6], $0x80, $0x38;
	[tilespmem:$0x18900] =	vst v63  }
0x130: {  	_ = 	snop  }
0x131: {  	[tilespmem:s0], [sflag:$0x2] =	stream.linear.gather [hbm4b:s3+s6], $0x80, $0x38;
	[tilespmem:$0x18900] =	vst v63  }
0x132: {  	_ = 	snop  }
0x133: {  	[tilespmem:s12], [sflag:$0x2] =	stream.linear.gather [hbm4b:s5+s6], $0x80, $0x38;
	[tilespmem:$0x18900] =	vst v63  }
0x134: {  	_ = 	snop  }
0x135: {  	[tilespmem:s15], [sflag:$0x2] =	stream.linear.gather [hbm4b:s18+s6], $0x80, $0x38;
	[tilespmem:$0x18900] =	vst v63  }
0x136: {  	_ = 	snop  }
0x137: {  	[tilespmem:s20], [sflag:$0x2] =	stream.linear.gather [hbm4b:s19+s6], $0x80, $0x38;
	[tilespmem:$0x18900] =	vst v63  }
0x138: {  	_ =	swait.ge [sflag:s16], $0x200  }
0x139: {  	[sflag:s16] =	ssyncset.done $0x0  }
0x13a: {  	[sflag:s16] =	ssyncadd.s32 $0xFFFFFE00  }
0x13b: {  	_ =	swait.ge [sflag:s16], $0x200  }
0x13c: {  	[sflag:s16] =	ssyncset.done $0x0  }
0x13d: {  	[sflag:s16] =	ssyncadd.s32 $0xFFFFFE00  }
0x13e: {  	_ =	swait.ge [sflag:s16], $0x200  }
0x13f: {  	[sflag:s16] =	ssyncset.done $0x0  }
0x140: {  	[sflag:s16] =	ssyncadd.s32 $0xFFFFFE00  }
0x141: {  	_ =	swait.ge [sflag:s16], $0x200  }
0x142: {  	[sflag:s16] =	ssyncset.done $0x0  }
0x143: {  	[sflag:s16] =	ssyncadd.s32 $0xFFFFFE00  }
0x144: {  	_ =	swait.ge [sflag:s16], $0x200  }
0x145: {  	[sflag:s16] =	ssyncset.done $0x0  }
0x146: {  	[sflag:s16] =	ssyncadd.s32 $0xFFFFFE00  }
0x147: {  	_ =	swait.ge [sflag:s16], $0x200  }
0x148: {  	[sflag:s16] =	ssyncset.done $0x0  }
0x149: {  	[sflag:s16] =	ssyncadd.s32 $0xFFFFFE00  }
0x14a: {  	_ =	swait.ge [sflag:s16], $0x200  }
0x14b: {  	[sflag:s16] =	ssyncset.done $0x0  }
0x14c: {  	[sflag:s16] =	ssyncadd.s32 $0xFFFFFE00  }
0x14d: {  	_ =	swait.ge [sflag:s16], $0x200  }
0x14e: {  	[sflag:s16] =	ssyncset.done $0x0  }
0x14f: {  	s21 =	rddreg [dreg:$0xc];
	[sflag:s16] =	ssyncadd.s32 $0xFFFFFE00  }
0x150: {  	[spmem:s21] =	stream.linear.scatter [tilespmem:s6], [sflag:$0x2], $0x1000, $0x38;
	[tilespmem:$0x18900] =	vst v63  }
0x151: {  	s22 =	simm.s32 $0xC00;
	s28 =	rddreg [dreg:$0xd]  }
0x152: {  	[spmem:s28] =	stream.linear.scatter [tilespmem:s6], [sflag:$0x2], $0x1000, $0x38;
	[tilespmem:$0x18900] =	vst v63  }
0x153: {  	s30 =	simm.s32 $0x80;
	s31 =	simm.s32 $0x480;
	_ =	swait.ge [sflag:s16], $0x1000  }
.Ltmp2:
0x154: {  	s26 =	simm.s32 $0xC80;
	[sflag:s16] =	ssyncset.done $0x0;
	(pc) =	sbr.rel @p0 .LBB2_3-.Ltmp2, $4  }
0x155: {  	s14 =	simm.s32 $0x500;
	s13 =	simm.s32 $0x900;
	[sflag:s16] =	ssyncadd.s32 $0xFFFFF000  }
0x156: {  	s24 =	simm.s32 $0xD00;
	s25 =	simm.s32 $0x580;
	_ =	swait.ge [sflag:s16], $0x1000  }
0x157: {  	s29 =	simm.s32 $0x200;
	s3 =	simm.s32 $0x780;
	[sflag:s16] =	ssyncset.done $0x0  }
0x158: {  	s12 =	simm.s32 $0xB80;
	s15 =	simm.s32 $0xF80;
	[sflag:s16] =	ssyncadd.s32 $0xFFFFF000  }
0x159: {  	s9 =	rddreg [dreg:$0xf]  }
0x15a: {  	[tilespmem:s6], [sflag:$0x2] =	stream.linear.gather [hbm4b:s9+s6], $0x80, $0x38;
	[tilespmem:$0x18900] =	vst v63  }
0x15b: {  	s18 =	simm.s32 $0x400;
	s5 =	sadd.s32 $0x80, s9  }
0x15c: {  	[tilespmem:s18], [sflag:$0x2] =	stream.linear.gather [hbm4b:s5+s6], $0x80, $0x38;
	[tilespmem:$0x18900] =	vst v63  }
0x15d: {  	s19 =	simm.s32 $0x800;
	s18 =	sadd.s32 $0x100, s9  }
0x15e: {  	[tilespmem:s19], [sflag:$0x2] =	stream.linear.gather [hbm4b:s18+s6], $0x80, $0x38;
	[tilespmem:$0x18900] =	vst v63  }
0x15f: {  	s19 =	sadd.s32 $0x180, s9  }
0x160: {  	[tilespmem:s22], [sflag:$0x2] =	stream.linear.gather [hbm4b:s19+s6], $0x80, $0x38;
	[tilespmem:$0x18900] =	vst v63  }
0x161: {  	_ = 	snop  }
0x162: {  	[tilespmem:s30], [sflag:$0x2] =	stream.linear.gather [hbm4b:s9+s6], $0x80, $0x38;
	[tilespmem:$0x18900] =	vst v63  }
0x163: {  	_ = 	snop  }
0x164: {  	[tilespmem:s31], [sflag:$0x2] =	stream.linear.gather [hbm4b:s5+s6], $0x80, $0x38;
	[tilespmem:$0x18900] =	vst v63  }
0x165: {  	s0 =	simm.s32 $0x880  }
0x166: {  	[tilespmem:s0], [sflag:$0x2] =	stream.linear.gather [hbm4b:s18+s6], $0x80, $0x38;
	[tilespmem:$0x18900] =	vst v63  }
0x167: {  	_ = 	snop  }
0x168: {  	[tilespmem:s26], [sflag:$0x2] =	stream.linear.gather [hbm4b:s19+s6], $0x80, $0x38;
	[tilespmem:$0x18900] =	vst v63  }
0x169: {  	s30 =	simm.s32 $0x100  }
0x16a: {  	[tilespmem:s30], [sflag:$0x2] =	stream.linear.gather [hbm4b:s9+s6], $0x80, $0x38;
	[tilespmem:$0x18900] =	vst v63  }
0x16b: {  	_ = 	snop  }
0x16c: {  	[tilespmem:s14], [sflag:$0x2] =	stream.linear.gather [hbm4b:s5+s6], $0x80, $0x38;
	[tilespmem:$0x18900] =	vst v63  }
0x16d: {  	_ = 	snop  }
0x16e: {  	[tilespmem:s13], [sflag:$0x2] =	stream.linear.gather [hbm4b:s18+s6], $0x80, $0x38;
	[tilespmem:$0x18900] =	vst v63  }
0x16f: {  	_ = 	snop  }
0x170: {  	[tilespmem:s24], [sflag:$0x2] =	stream.linear.gather [hbm4b:s19+s6], $0x80, $0x38;
	[tilespmem:$0x18900] =	vst v63  }
0x171: {  	s31 =	simm.s32 $0x180  }
0x172: {  	[tilespmem:s31], [sflag:$0x2] =	stream.linear.gather [hbm4b:s9+s6], $0x80, $0x38;
	[tilespmem:$0x18900] =	vst v63  }
0x173: {  	_ = 	snop  }
0x174: {  	[tilespmem:s25], [sflag:$0x2] =	stream.linear.gather [hbm4b:s5+s6], $0x80, $0x38;
	[tilespmem:$0x18900] =	vst v63  }
0x175: {  	s7 =	simm.s32 $0x980  }
0x176: {  	[tilespmem:s7], [sflag:$0x2] =	stream.linear.gather [hbm4b:s18+s6], $0x80, $0x38;
	[tilespmem:$0x18900] =	vst v63  }
0x177: {  	s10 =	simm.s32 $0xD80  }
0x178: {  	[tilespmem:s10], [sflag:$0x2] =	stream.linear.gather [hbm4b:s19+s6], $0x80, $0x38;
	[tilespmem:$0x18900] =	vst v63  }
0x179: {  	_ = 	snop  }
0x17a: {  	[tilespmem:s29], [sflag:$0x2] =	stream.linear.gather [hbm4b:s9+s6], $0x80, $0x38;
	[tilespmem:$0x18900] =	vst v63  }
0x17b: {  	s11 =	simm.s32 $0x600  }
0x17c: {  	[tilespmem:s11], [sflag:$0x2] =	stream.linear.gather [hbm4b:s5+s6], $0x80, $0x38;
	[tilespmem:$0x18900] =	vst v63  }
0x17d: {  	s13 =	simm.s32 $0xA00  }
0x17e: {  	[tilespmem:s13], [sflag:$0x2] =	stream.linear.gather [hbm4b:s18+s6], $0x80, $0x38;
	[tilespmem:$0x18900] =	vst v63  }
0x17f: {  	s14 =	simm.s32 $0xE00  }
0x180: {  	[tilespmem:s14], [sflag:$0x2] =	stream.linear.gather [hbm4b:s19+s6], $0x80, $0x38;
	[tilespmem:$0x18900] =	vst v63  }
0x181: {  	s17 =	simm.s32 $0x280  }
0x182: {  	[tilespmem:s17], [sflag:$0x2] =	stream.linear.gather [hbm4b:s9+s6], $0x80, $0x38;
	[tilespmem:$0x18900] =	vst v63  }
0x183: {  	s20 =	simm.s32 $0x680  }
0x184: {  	[tilespmem:s20], [sflag:$0x2] =	stream.linear.gather [hbm4b:s5+s6], $0x80, $0x38;
	[tilespmem:$0x18900] =	vst v63  }
0x185: {  	s21 =	simm.s32 $0xA80  }
0x186: {  	[tilespmem:s21], [sflag:$0x2] =	stream.linear.gather [hbm4b:s18+s6], $0x80, $0x38;
	[tilespmem:$0x18900] =	vst v63  }
0x187: {  	s22 =	simm.s32 $0xE80  }
0x188: {  	[tilespmem:s22], [sflag:$0x2] =	stream.linear.gather [hbm4b:s19+s6], $0x80, $0x38;
	[tilespmem:$0x18900] =	vst v63  }
0x189: {  	s24 =	simm.s32 $0x300  }
0x18a: {  	[tilespmem:s24], [sflag:$0x2] =	stream.linear.gather [hbm4b:s9+s6], $0x80, $0x38;
	[tilespmem:$0x18900] =	vst v63  }
0x18b: {  	s25 =	simm.s32 $0x700  }
0x18c: {  	[tilespmem:s25], [sflag:$0x2] =	stream.linear.gather [hbm4b:s5+s6], $0x80, $0x38;
	[tilespmem:$0x18900] =	vst v63  }
0x18d: {  	s26 =	simm.s32 $0xB00  }
0x18e: {  	[tilespmem:s26], [sflag:$0x2] =	stream.linear.gather [hbm4b:s18+s6], $0x80, $0x38;
	[tilespmem:$0x18900] =	vst v63  }
0x18f: {  	s28 =	simm.s32 $0xF00  }
0x190: {  	[tilespmem:s28], [sflag:$0x2] =	stream.linear.gather [hbm4b:s19+s6], $0x80, $0x38;
	[tilespmem:$0x18900] =	vst v63  }
0x191: {  	s29 =	simm.s32 $0x380  }
0x192: {  	[tilespmem:s29], [sflag:$0x2] =	stream.linear.gather [hbm4b:s9+s6], $0x80, $0x38;
	[tilespmem:$0x18900] =	vst v63  }
0x193: {  	_ = 	snop  }
0x194: {  	[tilespmem:s3], [sflag:$0x2] =	stream.linear.gather [hbm4b:s5+s6], $0x80, $0x38;
	[tilespmem:$0x18900] =	vst v63  }
0x195: {  	_ = 	snop  }
0x196: {  	[tilespmem:s12], [sflag:$0x2] =	stream.linear.gather [hbm4b:s18+s6], $0x80, $0x38;
	[tilespmem:$0x18900] =	vst v63  }
0x197: {  	_ = 	snop  }
0x198: {  	[tilespmem:s15], [sflag:$0x2] =	stream.linear.gather [hbm4b:s19+s6], $0x80, $0x38;
	[tilespmem:$0x18900] =	vst v63  }
0x199: {  	_ =	swait.ge [sflag:s16], $0x200  }
0x19a: {  	[sflag:s16] =	ssyncset.done $0x0  }
0x19b: {  	[sflag:s16] =	ssyncadd.s32 $0xFFFFFE00  }
0x19c: {  	_ =	swait.ge [sflag:s16], $0x200  }
0x19d: {  	[sflag:s16] =	ssyncset.done $0x0  }
0x19e: {  	[sflag:s16] =	ssyncadd.s32 $0xFFFFFE00  }
0x19f: {  	_ =	swait.ge [sflag:s16], $0x200  }
0x1a0: {  	[sflag:s16] =	ssyncset.done $0x0  }
0x1a1: {  	[sflag:s16] =	ssyncadd.s32 $0xFFFFFE00  }
0x1a2: {  	_ =	swait.ge [sflag:s16], $0x200  }
0x1a3: {  	[sflag:s16] =	ssyncset.done $0x0  }
0x1a4: {  	[sflag:s16] =	ssyncadd.s32 $0xFFFFFE00  }
0x1a5: {  	_ =	swait.ge [sflag:s16], $0x200  }
0x1a6: {  	[sflag:s16] =	ssyncset.done $0x0  }
0x1a7: {  	[sflag:s16] =	ssyncadd.s32 $0xFFFFFE00  }
0x1a8: {  	_ =	swait.ge [sflag:s16], $0x200  }
0x1a9: {  	[sflag:s16] =	ssyncset.done $0x0  }
0x1aa: {  	[sflag:s16] =	ssyncadd.s32 $0xFFFFFE00  }
0x1ab: {  	_ =	swait.ge [sflag:s16], $0x200  }
0x1ac: {  	[sflag:s16] =	ssyncset.done $0x0  }
0x1ad: {  	[sflag:s16] =	ssyncadd.s32 $0xFFFFFE00  }
0x1ae: {  	_ =	swait.ge [sflag:s16], $0x200  }
0x1af: {  	[sflag:s16] =	ssyncset.done $0x0  }
0x1b0: {  	s30 =	rddreg [dreg:$0xe];
	[sflag:s16] =	ssyncadd.s32 $0xFFFFFE00  }
0x1b1: {  	[spmem:s30] =	stream.linear.scatter [tilespmem:s6], [sflag:$0x2], $0x1000, $0x38;
	[tilespmem:$0x18900] =	vst v63  }
0x1b2: {  	s31 =	rddreg [dreg:$0x10]  }
0x1b3: {  	[spmem:s31] =	stream.linear.scatter [tilespmem:s6], [sflag:$0x2], $0x1000, $0x38;
	[tilespmem:$0x18900] =	vst v63  }
0x1b4: {  	_ =	swait.ge [sflag:s16], $0x1000  }
0x1b5: {  	[sflag:s16] =	ssyncset.done $0x0  }
0x1b6: {  	[sflag:s16] =	ssyncadd.s32 $0xFFFFF000  }
0x1b7: {  	_ =	swait.ge [sflag:s16], $0x1000  }
0x1b8: {  	[sflag:s16] =	ssyncset.done $0x0  }
0x1b9: {  	[sflag:s16] =	ssyncadd.s32 $0xFFFFF000  }
.LBB2_3:
0x1ba: {  	[bflag:$0x0] =	sbarrier.arrive $0xFFFF  }
.Ltmp3:
0x1bb: {  	s30 =	rddreg [dreg:$0x15];
	(pc) =	sbr.rel @!p1 .LBB2_15-.Ltmp3, $4  }
.Ltmp4:
0x1bc: {  	s31 =	rddreg [dreg:$0x14];
	(pc) =	sbr.rel @p1 .LBB2_4-.Ltmp4, $4  }
0x1bd: {  	s20 =	rddreg [dreg:$0x6]  }
0x1be: {  	s10 =	sld [smem:$0x7FC]  }
0x1bf: {  	s14 =	simm.s32 $0x0;
	s12 =	simm.s32 $0x0;
	s11 =	sld [smem:$0x7FD]  }
0x1c0: {  	_ = 	snop  }
.LBB2_5:
0x1c1: {  	s0 =	stileid.u32  }
0x1c2: {  	s5 =	sshll.u32 s19, $0x6;
	s29 =	rddreg [dreg:$0x0];
	s18 =	sshll.u32 s0, $0x6  }
0x1c3: {  	s14 =	sadd.s32 $0x1, s14;
	s5 =	sadd.s32 s29, s5;
	s18 =	sor.u32 $0x1C05, s18  }
0x1c4: {  	[hbm:s31], [sflag:s18] =	dma.local [hbm:s5], $0x4000  }
.LBB2_9:
0x1c5: {  	s20 =	sadd.s32 $0x1, s20  }
0x1c6: {  	p2 =	slt.u32 s20, s8  }
.Ltmp5:
0x1c7: {  	_ = 	snop;
	(pc) =	sbr.rel @!p2 .LBB2_10-.Ltmp5, $2  }
0x1c8: {  	_ =	sdelay $0x2  }
0x1c9: {  	s31 =	sadd.s32 $0x4000, s31;
	s30 =	sadd.s32 $0x100, s30  }
.LBB2_4:
0x1ca: {  	s5 =	sshrl.u32 s20, $0x2  }
0x1cb: {  	p2 =	sne.s32 s5, $0x2  }
.Ltmp6:
0x1cc: {  	_ = 	snop;
	(pc) =	sbr.rel @!p2 .LBB2_5-.Ltmp6, $2  }
0x1cd: {  	_ =	sdelay $0x2  }
0x1ce: {  	s19 =	sand.u32 $0x300, s30  }
0x1cf: {  	s18 =	sadd.s32 $0xFFFFFFFB, s5  }
0x1d0: {  	p2 =	sgt.u32 s18, $0xF  }
.Ltmp7:
0x1d1: {  	_ = 	snop;
	(pc) =	sbr.rel @p2 .LBB2_8-.Ltmp7, $1  }
0x1d2: {  	_ =	sdelay $0x3  }
0x1d3: {  	v4 =	vmov s19  }
0x1d4: {  	v4 =	vshll.u32 v4, $0x4  }
0x1d5: {  	v4 =	vor.u32 v0, v4  }
0x1d6: {  	v5 =	vor.u32 s18, v4  }
0x1d7: {  	v4 =	vmov s18;
	v6 =	vshll.u32 v5, $0x2  }
0x1d8: {  	v4 =	vand.u32 $0x7, v4;
	v6 =	vand.u32 $0x7FFFFFE0, v6  }
0x1d9: {  	s9 =	sor.u32 $0x10, s19;
	v6 =	vor.u32 v4, v6  }
0x1da: {  	s13 =	sor.u32 $0x20, s19;
	s15 =	sor.u32 $0x30, s19;
	v7 =	vmov s9;
	v8 =	vperm.xlane v6, v1  }
0x1db: {  	v9 =	vmov s13;
	v10 =	vmov s15;
	v7 =	vshll.u32 v7, $0x4  }
0x1dc: {  	v9 =	vshll.u32 v9, $0x4;
	v7 =	vor.u32 v0, v7;
	v8 =	vadd.s32 v2, v8  }
0x1dd: {  	v27 =	vshll.u32 v10, $0x4;
	v26 =	vor.u32 v0, v9;
	[tilespmem:$0x11000] =	vst v5;
	v5 =	vor.u32 s18, v7  }
0x1de: {  	v28 =	vor.u32 v0, v27;
	[tilespmem:$0x11010] =	vst v5;
	v5 =	vor.u32 s18, v26;
	v6 =	vperm.xlane v6, v3  }
0x1df: {  	[tilespmem:$0x11020] =	vst v5;
	v5 =	vor.u32 s18, v28  }
0x1e0: {  	s3 =	simm.s32 $0x1000;
	[tilespmem:$0x11030] =	vst v5;
	v5 =	vadd.s32 v2, v6  }
0x1e1: {  	[tilespmem:s3], [sflag:$0x3] =	stream.indirect_vreg.gather [hbm4b:s2+s6], $0x80, v8, vm0, $0xb8;
	[tilespmem:$0x18900] =	vst v63  }
0x1e2: {  	s0 =	simm.s32 $0x1800  }
0x1e3: {  	[tilespmem:s0], [sflag:$0x3] =	stream.indirect_vreg.gather [hbm4b:s23+s6], $0x80, v8, vm0, $0xb8;
	[tilespmem:$0x18900] =	vst v63  }
0x1e4: {  	s17 =	simm.s32 $0x2000  }
0x1e5: {  	[tilespmem:s17], [sflag:$0x3] =	stream.indirect_vreg.gather [hbm4b:s2+s6], $0x80, v5, vm0, $0xb8;
	[tilespmem:$0x18900] =	vst v63  }
0x1e6: {  	s21 =	simm.s32 $0x2800  }
0x1e7: {  	[tilespmem:s21], [sflag:$0x3] =	stream.indirect_vreg.gather [hbm4b:s23+s6], $0x80, v5, vm0, $0xb8;
	[tilespmem:$0x18900] =	vst v63  }
0x1e8: {  	v5 =	vld [tilespmem:$0x11010];
	_ =	sdelay $0x4  }
0x1e9: {  	v29 =	vshll.u32 v5, $0x2  }
0x1ea: {  	v5 =	vand.u32 $0x7, v5;
	v6 =	vand.u32 $0xFFFFFFE0, v29  }
0x1eb: {  	v5 =	vor.u32 v5, v6  }
0x1ec: {  	v6 =	vperm.xlane v5, v1;
	_ =	sdelay $0x1  }
0x1ed: {  	v6 =	vadd.s32 v2, v6;
	_ =	sdelay $0x1  }
0x1ee: {  	v5 =	vperm.xlane v5, v3;
	_ =	sdelay $0x1  }
0x1ef: {  	s22 =	simm.s32 $0x3000;
	v5 =	vadd.s32 v2, v5  }
0x1f0: {  	[tilespmem:s22], [sflag:$0x3] =	stream.indirect_vreg.gather [hbm4b:s2+s6], $0x80, v6, vm0, $0xb8;
	[tilespmem:$0x18900] =	vst v63  }
0x1f1: {  	s24 =	simm.s32 $0x3800  }
0x1f2: {  	[tilespmem:s24], [sflag:$0x3] =	stream.indirect_vreg.gather [hbm4b:s23+s6], $0x80, v6, vm0, $0xb8;
	[tilespmem:$0x18900] =	vst v63  }
0x1f3: {  	s25 =	simm.s32 $0x4000  }
0x1f4: {  	[tilespmem:s25], [sflag:$0x3] =	stream.indirect_vreg.gather [hbm4b:s2+s6], $0x80, v5, vm0, $0xb8;
	[tilespmem:$0x18900] =	vst v63  }
0x1f5: {  	s26 =	simm.s32 $0x4800  }
0x1f6: {  	[tilespmem:s26], [sflag:$0x3] =	stream.indirect_vreg.gather [hbm4b:s23+s6], $0x80, v5, vm0, $0xb8;
	[tilespmem:$0x18900] =	vst v63  }
0x1f7: {  	v5 =	vld [tilespmem:$0x11020];
	_ =	sdelay $0x4  }
0x1f8: {  	v30 =	vshll.u32 v5, $0x2  }
0x1f9: {  	v5 =	vand.u32 $0x7, v5;
	v6 =	vand.u32 $0xFFFFFFE0, v30  }
0x1fa: {  	v5 =	vor.u32 v5, v6  }
0x1fb: {  	v6 =	vperm.xlane v5, v1;
	_ =	sdelay $0x1  }
0x1fc: {  	v6 =	vadd.s32 v2, v6;
	_ =	sdelay $0x1  }
0x1fd: {  	v5 =	vperm.xlane v5, v3;
	_ =	sdelay $0x1  }
0x1fe: {  	s26 =	simm.s32 $0x5000;
	v5 =	vadd.s32 v2, v5  }
0x1ff: {  	[tilespmem:s26], [sflag:$0x3] =	stream.indirect_vreg.gather [hbm4b:s2+s6], $0x80, v6, vm0, $0xb8;
	[tilespmem:$0x18900] =	vst v63  }
0x200: {  	s24 =	simm.s32 $0x5800  }
0x201: {  	[tilespmem:s24], [sflag:$0x3] =	stream.indirect_vreg.gather [hbm4b:s23+s6], $0x80, v6, vm0, $0xb8;
	[tilespmem:$0x18900] =	vst v63  }
0x202: {  	s29 =	simm.s32 $0x6000  }
0x203: {  	[tilespmem:s29], [sflag:$0x3] =	stream.indirect_vreg.gather [hbm4b:s2+s6], $0x80, v5, vm0, $0xb8;
	[tilespmem:$0x18900] =	vst v63  }
0x204: {  	s15 =	simm.s32 $0x6800  }
0x205: {  	[tilespmem:s15], [sflag:$0x3] =	stream.indirect_vreg.gather [hbm4b:s23+s6], $0x80, v5, vm0, $0xb8;
	[tilespmem:$0x18900] =	vst v63  }
0x206: {  	v5 =	vld [tilespmem:$0x11030];
	_ =	sdelay $0x4  }
0x207: {  	v31 =	vshll.u32 v5, $0x2  }
0x208: {  	v5 =	vand.u32 $0x7, v5;
	v6 =	vand.u32 $0xFFFFFFE0, v31  }
0x209: {  	v5 =	vor.u32 v5, v6  }
0x20a: {  	v6 =	vperm.xlane v5, v1;
	_ =	sdelay $0x1  }
0x20b: {  	v6 =	vadd.s32 v2, v6  }
0x20c: {  	s28 =	sor.u32 $0x40, s19  }
0x20d: {  	v32 =	vmov s28;
	v5 =	vperm.xlane v5, v3  }
0x20e: {  	v7 =	vshll.u32 v32, $0x4  }
0x20f: {  	v7 =	vor.u32 v0, v7;
	s25 =	simm.s32 $0x7000;
	v5 =	vadd.s32 v2, v5  }
0x210: {  	v7 =	vor.u32 s18, v7;
	[tilespmem:s25], [sflag:$0x3] =	stream.indirect_vreg.gather [hbm4b:s2+s6], $0x80, v6, vm0, $0xb8;
	[tilespmem:$0x18900] =	vst v63  }
0x211: {  	s13 =	simm.s32 $0x7800;
	v33 =	vshll.u32 v7, $0x2;
	s0 =	sor.u32 $0x50, s19  }
0x212: {  	[tilespmem:s13], [sflag:$0x3] =	stream.indirect_vreg.gather [hbm4b:s23+s6], $0x80, v6, vm0, $0xb8;
	v6 =	vand.u32 $0x7FFFFFE0, v33;
	[tilespmem:$0x18900] =	vst v63  }
0x213: {  	s7 =	sor.u32 $0x60, s19;
	v34 =	vmov s0;
	s17 =	simm.s32 $0x8000;
	v6 =	vor.u32 v4, v6  }
0x214: {  	v8 =	vshll.u32 v34, $0x4;
	[tilespmem:s17], [sflag:$0x3] =	stream.indirect_vreg.gather [hbm4b:s2+s6], $0x80, v5, vm0, $0xb8;
	v35 =	vperm.xlane v6, v1;
	[tilespmem:$0x18900] =	vst v63  }
0x215: {  	v36 =	vmov s7;
	s28 =	simm.s32 $0x8800;
	v8 =	vor.u32 v0, v8;
	s21 =	sor.u32 $0x70, s19  }
0x216: {  	v37 =	vmov s21;
	[tilespmem:s28], [sflag:$0x3] =	stream.indirect_vreg.gather [hbm4b:s23+s6], $0x80, v5, vm0, $0xb8;
	v5 =	vshll.u32 v36, $0x4;
	v9 =	vadd.s32 v2, v35;
	[tilespmem:$0x18900] =	vst v63  }
0x217: {  	v38 =	vor.u32 s18, v8;
	v39 =	vshll.u32 v37, $0x4;
	[tilespmem:$0x11080] =	vst v7;
	v5 =	vor.u32 v0, v5  }
0x218: {  	v40 =	vor.u32 v0, v39;
	v6 =	vperm.xlane v6, v3;
	[tilespmem:$0x11090] =	vst v38;
	v5 =	vor.u32 s18, v5  }
0x219: {  	[tilespmem:$0x110A0] =	vst v5;
	v5 =	vor.u32 s18, v40  }
0x21a: {  	s7 =	simm.s32 $0x9000;
	[tilespmem:$0x110B0] =	vst v5;
	v5 =	vadd.s32 v2, v6  }
0x21b: {  	[tilespmem:s7], [sflag:$0x4] =	stream.indirect_vreg.gather [hbm4b:s2+s6], $0x80, v9, vm0, $0xb8;
	[tilespmem:$0x18900] =	vst v63  }
0x21c: {  	s22 =	simm.s32 $0x9800  }
0x21d: {  	[tilespmem:s22], [sflag:$0x4] =	stream.indirect_vreg.gather [hbm4b:s23+s6], $0x80, v9, vm0, $0xb8;
	[tilespmem:$0x18900] =	vst v63  }
0x21e: {  	s9 =	simm.s32 $0xA000  }
0x21f: {  	[tilespmem:s9], [sflag:$0x4] =	stream.indirect_vreg.gather [hbm4b:s2+s6], $0x80, v5, vm0, $0xb8;
	[tilespmem:$0x18900] =	vst v63  }
0x220: {  	s21 =	simm.s32 $0xA800  }
0x221: {  	[tilespmem:s21], [sflag:$0x4] =	stream.indirect_vreg.gather [hbm4b:s23+s6], $0x80, v5, vm0, $0xb8;
	[tilespmem:$0x18900] =	vst v63  }
0x222: {  	v5 =	vld [tilespmem:$0x11090];
	_ =	sdelay $0x4  }
0x223: {  	v41 =	vshll.u32 v5, $0x2  }
0x224: {  	v5 =	vand.u32 $0x7, v5;
	v6 =	vand.u32 $0xFFFFFFE0, v41  }
0x225: {  	v5 =	vor.u32 v5, v6  }
0x226: {  	v6 =	vperm.xlane v5, v1;
	_ =	sdelay $0x1  }
0x227: {  	v6 =	vadd.s32 v2, v6;
	_ =	sdelay $0x1  }
0x228: {  	v5 =	vperm.xlane v5, v3;
	_ =	sdelay $0x1  }
0x229: {  	s22 =	simm.s32 $0xB000;
	v5 =	vadd.s32 v2, v5  }
0x22a: {  	[tilespmem:s22], [sflag:$0x4] =	stream.indirect_vreg.gather [hbm4b:s2+s6], $0x80, v6, vm0, $0xb8;
	[tilespmem:$0x18900] =	vst v63  }
0x22b: {  	s9 =	simm.s32 $0xB800  }
0x22c: {  	[tilespmem:s9], [sflag:$0x4] =	stream.indirect_vreg.gather [hbm4b:s23+s6], $0x80, v6, vm0, $0xb8;
	[tilespmem:$0x18900] =	vst v63  }
0x22d: {  	s21 =	simm.s32 $0xC000  }
0x22e: {  	[tilespmem:s21], [sflag:$0x4] =	stream.indirect_vreg.gather [hbm4b:s2+s6], $0x80, v5, vm0, $0xb8;
	[tilespmem:$0x18900] =	vst v63  }
0x22f: {  	s22 =	simm.s32 $0xC800  }
0x230: {  	[tilespmem:s22], [sflag:$0x4] =	stream.indirect_vreg.gather [hbm4b:s23+s6], $0x80, v5, vm0, $0xb8;
	[tilespmem:$0x18900] =	vst v63  }
0x231: {  	v5 =	vld [tilespmem:$0x110A0];
	_ =	sdelay $0x4  }
0x232: {  	v42 =	vshll.u32 v5, $0x2  }
0x233: {  	v5 =	vand.u32 $0x7, v5;
	v6 =	vand.u32 $0xFFFFFFE0, v42  }
0x234: {  	v5 =	vor.u32 v5, v6  }
0x235: {  	v6 =	vperm.xlane v5, v1;
	_ =	sdelay $0x1  }
0x236: {  	v6 =	vadd.s32 v2, v6;
	_ =	sdelay $0x1  }
0x237: {  	v5 =	vperm.xlane v5, v3;
	_ =	sdelay $0x1  }
0x238: {  	s9 =	simm.s32 $0xD000;
	v5 =	vadd.s32 v2, v5  }
0x239: {  	[tilespmem:s9], [sflag:$0x4] =	stream.indirect_vreg.gather [hbm4b:s2+s6], $0x80, v6, vm0, $0xb8;
	[tilespmem:$0x18900] =	vst v63  }
0x23a: {  	s21 =	simm.s32 $0xD800  }
0x23b: {  	[tilespmem:s21], [sflag:$0x4] =	stream.indirect_vreg.gather [hbm4b:s23+s6], $0x80, v6, vm0, $0xb8;
	[tilespmem:$0x18900] =	vst v63  }
0x23c: {  	s22 =	simm.s32 $0xE000  }
0x23d: {  	[tilespmem:s22], [sflag:$0x4] =	stream.indirect_vreg.gather [hbm4b:s2+s6], $0x80, v5, vm0, $0xb8;
	[tilespmem:$0x18900] =	vst v63  }
0x23e: {  	s9 =	simm.s32 $0xE800  }
0x23f: {  	[tilespmem:s9], [sflag:$0x4] =	stream.indirect_vreg.gather [hbm4b:s23+s6], $0x80, v5, vm0, $0xb8;
	[tilespmem:$0x18900] =	vst v63  }
0x240: {  	v5 =	vld [tilespmem:$0x110B0];
	_ =	sdelay $0x4  }
0x241: {  	v43 =	vshll.u32 v5, $0x2  }
0x242: {  	v5 =	vand.u32 $0x7, v5;
	v6 =	vand.u32 $0xFFFFFFE0, v43  }
0x243: {  	v5 =	vor.u32 v5, v6  }
0x244: {  	v6 =	vperm.xlane v5, v1;
	_ =	sdelay $0x1  }
0x245: {  	v6 =	vadd.s32 v2, v6;
	_ =	sdelay $0x1  }
0x246: {  	v5 =	vperm.xlane v5, v3;
	_ =	sdelay $0x1  }
0x247: {  	s21 =	simm.s32 $0xF000;
	v5 =	vadd.s32 v2, v5  }
0x248: {  	[tilespmem:s21], [sflag:$0x4] =	stream.indirect_vreg.gather [hbm4b:s2+s6], $0x80, v6, vm0, $0xb8;
	[tilespmem:$0x18900] =	vst v63  }
0x249: {  	s22 =	simm.s32 $0xF800  }
0x24a: {  	[tilespmem:s22], [sflag:$0x4] =	stream.indirect_vreg.gather [hbm4b:s23+s6], $0x80, v6, vm0, $0xb8;
	[tilespmem:$0x18900] =	vst v63  }
0x24b: {  	s9 =	simm.s32 $0x10000  }
0x24c: {  	[tilespmem:s9], [sflag:$0x4] =	stream.indirect_vreg.gather [hbm4b:s2+s6], $0x80, v5, vm0, $0xb8;
	[tilespmem:$0x18900] =	vst v63  }
0x24d: {  	s0 =	simm.s32 $0x3;
	s21 =	simm.s32 $0x10800  }
0x24e: {  	[tilespmem:s21], [sflag:$0x4] =	stream.indirect_vreg.gather [hbm4b:s23+s6], $0x80, v5, vm0, $0xb8;
	[tilespmem:$0x18900] =	vst v63  }
0x24f: {  	_ =	swait.ge [sflag:s0], $0x8000  }
0x250: {  	s5 =	sshll.u32 s5, $0x10;
	[sflag:s0] =	ssyncset.done $0x0  }
0x251: {  	s22 =	sshll.u32 s19, $0x6;
	s21 =	sor.u32 $0x80, s19;
	[sflag:s0] =	ssyncadd.s32 $0xFFFF8000  }
0x252: {  	s5 =	sor.u32 s5, s22;
	v5 =	vmov s21;
	s22 =	rddreg [dreg:$0x3]  }
0x253: {  	v5 =	vshll.u32 v5, $0x4;
	s9 =	sadd.s32 s22, s5;
	s22 =	simm.s32 $0x4  }
0x254: {  	v5 =	vor.u32 v0, v5;
	[hbm4b:s9+s6] =	stream.linear.scatter [tilespmem:s3], [sflag:$0x6], $0x8000, $0x38;
	[tilespmem:$0x18900] =	vst v63  }
0x255: {  	v5 =	vor.u32 s18, v5;
	_ =	swait.ge [sflag:s22], $0x8000  }
0x256: {  	v44 =	vshll.u32 v5, $0x2;
	[sflag:s22] =	ssyncset.done $0x0;
	s21 =	rddreg [dreg:$0x17]  }
0x257: {  	v6 =	vand.u32 $0x7FFFFFE0, v44;
	[sflag:s22] =	ssyncadd.s32 $0xFFFF8000;
	s9 =	sadd.s32 s5, s21;
	s21 =	sor.u32 $0x90, s19  }
0x258: {  	v6 =	vor.u32 v4, v6;
	[hbm4b:s9+s6] =	stream.linear.scatter [tilespmem:s7], [sflag:$0x7], $0x8000, $0x38;
	[tilespmem:$0x18900] =	vst v63  }
0x259: {  	v46 =	vperm.xlane v6, v1;
	v45 =	vmov s21;
	s21 =	simm.s32 $0x6  }
0x25a: {  	s9 =	sor.u32 $0xA0, s19;
	_ =	swait.ge [sflag:s21], $0x8000  }
0x25b: {  	v8 =	vadd.s32 v2, v46;
	v7 =	vshll.u32 v45, $0x4;
	v47 =	vmov s9;
	s9 =	sor.u32 $0xB0, s19;
	[sflag:s21] =	ssyncset.done $0x0  }
0x25c: {  	v7 =	vor.u32 v0, v7;
	v9 =	vshll.u32 v47, $0x4;
	v48 =	vmov s9;
	[sflag:s21] =	ssyncadd.s32 $0xFFFF8000  }
0x25d: {  	v49 =	vor.u32 v0, v9;
	v50 =	vshll.u32 v48, $0x4;
	[tilespmem:$0x11000] =	vst v5;
	v5 =	vor.u32 s18, v7  }
0x25e: {  	v6 =	vperm.xlane v6, v3;
	v51 =	vor.u32 v0, v50;
	[tilespmem:$0x11010] =	vst v5;
	v5 =	vor.u32 s18, v49  }
0x25f: {  	[tilespmem:$0x11020] =	vst v5;
	v5 =	vor.u32 s18, v51  }
0x260: {  	[tilespmem:$0x11030] =	vst v5;
	v5 =	vadd.s32 v2, v6  }
0x261: {  	[tilespmem:s3], [sflag:$0x3] =	stream.indirect_vreg.gather [hbm4b:s2+s6], $0x80, v8, vm0, $0xb8;
	[tilespmem:$0x18900] =	vst v63  }
0x262: {  	s9 =	simm.s32 $0x1800  }
0x263: {  	[tilespmem:s9], [sflag:$0x3] =	stream.indirect_vreg.gather [hbm4b:s23+s6], $0x80, v8, vm0, $0xb8;
	[tilespmem:$0x18900] =	vst v63  }
0x264: {  	s9 =	simm.s32 $0x2000  }
0x265: {  	[tilespmem:s9], [sflag:$0x3] =	stream.indirect_vreg.gather [hbm4b:s2+s6], $0x80, v5, vm0, $0xb8;
	[tilespmem:$0x18900] =	vst v63  }
0x266: {  	s9 =	simm.s32 $0x2800  }
0x267: {  	[tilespmem:s9], [sflag:$0x3] =	stream.indirect_vreg.gather [hbm4b:s23+s6], $0x80, v5, vm0, $0xb8;
	[tilespmem:$0x18900] =	vst v63  }
0x268: {  	v5 =	vld [tilespmem:$0x11010];
	_ =	sdelay $0x4  }
0x269: {  	v52 =	vshll.u32 v5, $0x2  }
0x26a: {  	v5 =	vand.u32 $0x7, v5;
	v6 =	vand.u32 $0xFFFFFFE0, v52  }
0x26b: {  	v5 =	vor.u32 v5, v6  }
0x26c: {  	v6 =	vperm.xlane v5, v1;
	_ =	sdelay $0x1  }
0x26d: {  	v6 =	vadd.s32 v2, v6;
	_ =	sdelay $0x1  }
0x26e: {  	v5 =	vperm.xlane v5, v3;
	_ =	sdelay $0x1  }
0x26f: {  	s9 =	simm.s32 $0x3000;
	v5 =	vadd.s32 v2, v5  }
0x270: {  	[tilespmem:s9], [sflag:$0x3] =	stream.indirect_vreg.gather [hbm4b:s2+s6], $0x80, v6, vm0, $0xb8;
	[tilespmem:$0x18900] =	vst v63  }
0x271: {  	s9 =	simm.s32 $0x3800  }
0x272: {  	[tilespmem:s9], [sflag:$0x3] =	stream.indirect_vreg.gather [hbm4b:s23+s6], $0x80, v6, vm0, $0xb8;
	[tilespmem:$0x18900] =	vst v63  }
0x273: {  	s9 =	simm.s32 $0x4000  }
0x274: {  	[tilespmem:s9], [sflag:$0x3] =	stream.indirect_vreg.gather [hbm4b:s2+s6], $0x80, v5, vm0, $0xb8;
	[tilespmem:$0x18900] =	vst v63  }
0x275: {  	s9 =	simm.s32 $0x4800  }
0x276: {  	[tilespmem:s9], [sflag:$0x3] =	stream.indirect_vreg.gather [hbm4b:s23+s6], $0x80, v5, vm0, $0xb8;
	[tilespmem:$0x18900] =	vst v63  }
0x277: {  	v5 =	vld [tilespmem:$0x11020];
	_ =	sdelay $0x4  }
0x278: {  	v53 =	vshll.u32 v5, $0x2  }
0x279: {  	v5 =	vand.u32 $0x7, v5;
	v6 =	vand.u32 $0xFFFFFFE0, v53  }
0x27a: {  	v5 =	vor.u32 v5, v6  }
0x27b: {  	v6 =	vperm.xlane v5, v1;
	_ =	sdelay $0x1  }
0x27c: {  	v6 =	vadd.s32 v2, v6;
	_ =	sdelay $0x1  }
0x27d: {  	v5 =	vperm.xlane v5, v3;
	_ =	sdelay $0x1  }
0x27e: {  	v5 =	vadd.s32 v2, v5  }
0x27f: {  	[tilespmem:s26], [sflag:$0x3] =	stream.indirect_vreg.gather [hbm4b:s2+s6], $0x80, v6, vm0, $0xb8;
	[tilespmem:$0x18900] =	vst v63  }
0x280: {  	_ = 	snop  }
0x281: {  	[tilespmem:s24], [sflag:$0x3] =	stream.indirect_vreg.gather [hbm4b:s23+s6], $0x80, v6, vm0, $0xb8;
	[tilespmem:$0x18900] =	vst v63  }
0x282: {  	_ = 	snop  }
0x283: {  	[tilespmem:s29], [sflag:$0x3] =	stream.indirect_vreg.gather [hbm4b:s2+s6], $0x80, v5, vm0, $0xb8;
	[tilespmem:$0x18900] =	vst v63  }
0x284: {  	_ = 	snop  }
0x285: {  	[tilespmem:s15], [sflag:$0x3] =	stream.indirect_vreg.gather [hbm4b:s23+s6], $0x80, v5, vm0, $0xb8;
	[tilespmem:$0x18900] =	vst v63  }
0x286: {  	v5 =	vld [tilespmem:$0x11030];
	_ =	sdelay $0x4  }
0x287: {  	v54 =	vshll.u32 v5, $0x2  }
0x288: {  	v5 =	vand.u32 $0x7, v5;
	v6 =	vand.u32 $0xFFFFFFE0, v54  }
0x289: {  	v5 =	vor.u32 v5, v6  }
0x28a: {  	v6 =	vperm.xlane v5, v1;
	_ =	sdelay $0x1  }
0x28b: {  	v6 =	vadd.s32 v2, v6;
	_ =	sdelay $0x1  }
0x28c: {  	v5 =	vperm.xlane v5, v3;
	_ =	sdelay $0x1  }
0x28d: {  	v5 =	vadd.s32 v2, v5  }
0x28e: {  	[tilespmem:s25], [sflag:$0x3] =	stream.indirect_vreg.gather [hbm4b:s2+s6], $0x80, v6, vm0, $0xb8;
	[tilespmem:$0x18900] =	vst v63  }
0x28f: {  	_ = 	snop  }
0x290: {  	[tilespmem:s13], [sflag:$0x3] =	stream.indirect_vreg.gather [hbm4b:s23+s6], $0x80, v6, vm0, $0xb8;
	[tilespmem:$0x18900] =	vst v63  }
0x291: {  	s29 =	sor.u32 $0xC0, s19  }
0x292: {  	[tilespmem:s17], [sflag:$0x3] =	stream.indirect_vreg.gather [hbm4b:s2+s6], $0x80, v5, vm0, $0xb8;
	[tilespmem:$0x18900] =	vst v63  }
0x293: {  	v55 =	vmov s29  }
0x294: {  	[tilespmem:s28], [sflag:$0x3] =	stream.indirect_vreg.gather [hbm4b:s23+s6], $0x80, v5, vm0, $0xb8;
	v5 =	vshll.u32 v55, $0x4;
	[tilespmem:$0x18900] =	vst v63  }
0x295: {  	v5 =	vor.u32 v0, v5  }
0x296: {  	_ =	swait.ge [sflag:s0], $0x8000;
	v5 =	vor.u32 s18, v5  }
0x297: {  	s24 =	sor.u32 $0xF0, s19;
	s15 =	sor.u32 $0xD0, s19;
	[sflag:s0] =	ssyncset.done $0x0;
	v56 =	vshll.u32 v5, $0x2  }
0x298: {  	s13 =	sadd.s32 s5, s10;
	[sflag:s0] =	ssyncadd.s32 $0xFFFF8000;
	s0 =	simm.s32 $0x7;
	v6 =	vand.u32 $0x7FFFFFE0, v56  }
0x299: {  	[hbm4b:s13+s6] =	stream.linear.scatter [tilespmem:s3], [sflag:$0x6], $0x8000, $0x38;
	v4 =	vor.u32 v4, v6;
	[tilespmem:$0x18900] =	vst v63  }
0x29a: {  	v60 =	vmov s24;
	v57 =	vmov s15;
	_ =	swait.ge [sflag:s0], $0x8000;
	v58 =	vperm.xlane v4, v1  }
0x29b: {  	v62 =	vshll.u32 v60, $0x4;
	s17 =	sor.u32 $0xE0, s19;
	v6 =	vshll.u32 v57, $0x4;
	[sflag:s0] =	ssyncset.done $0x0  }
0x29c: {  	v59 =	vmov s17;
	v6 =	vor.u32 v0, v6;
	[sflag:s0] =	ssyncadd.s32 $0xFFFF8000;
	v7 =	vadd.s32 v2, v58  }
0x29d: {  	v63 =	vor.u32 v0, v62;
	v8 =	vshll.u32 v59, $0x4;
	[tilespmem:$0x11080] =	vst v5;
	v5 =	vor.u32 s18, v6  }
0x29e: {  	v61 =	vor.u32 v0, v8;
	v4 =	vperm.xlane v4, v3;
	v6 =	vor.u32 s18, v63;
	[tilespmem:$0x11090] =	vst v5  }
0x29f: {  	v5 =	vor.u32 s18, v61;
	[tilespmem:$0x110B0] =	vst v6  }
0x2a0: {  	v4 =	vadd.s32 v2, v4;
	[tilespmem:$0x110A0] =	vst v5  }
0x2a1: {  	[tilespmem:s7], [sflag:$0x4] =	stream.indirect_vreg.gather [hbm4b:s2+s6], $0x80, v7, vm0, $0xb8;
	[tilespmem:$0x18900] =	vst v63  }
0x2a2: {  	s25 =	simm.s32 $0x9800  }
0x2a3: {  	[tilespmem:s25], [sflag:$0x4] =	stream.indirect_vreg.gather [hbm4b:s23+s6], $0x80, v7, vm0, $0xb8;
	[tilespmem:$0x18900] =	vst v63  }
0x2a4: {  	s26 =	simm.s32 $0xA000  }
0x2a5: {  	[tilespmem:s26], [sflag:$0x4] =	stream.indirect_vreg.gather [hbm4b:s2+s6], $0x80, v4, vm0, $0xb8;
	[tilespmem:$0x18900] =	vst v63  }
0x2a6: {  	s28 =	simm.s32 $0xA800  }
0x2a7: {  	[tilespmem:s28], [sflag:$0x4] =	stream.indirect_vreg.gather [hbm4b:s23+s6], $0x80, v4, vm0, $0xb8;
	[tilespmem:$0x18900] =	vst v63  }
0x2a8: {  	v4 =	vld [tilespmem:$0x11090];
	_ =	sdelay $0x4  }
0x2a9: {  	v5 =	vshll.u32 v4, $0x2  }
0x2aa: {  	v4 =	vand.u32 $0x7, v4;
	v5 =	vand.u32 $0xFFFFFFE0, v5  }
0x2ab: {  	v4 =	vor.u32 v4, v5  }
0x2ac: {  	v5 =	vperm.xlane v4, v1;
	_ =	sdelay $0x1  }
0x2ad: {  	v5 =	vadd.s32 v2, v5;
	_ =	sdelay $0x1  }
0x2ae: {  	v4 =	vperm.xlane v4, v3;
	_ =	sdelay $0x1  }
0x2af: {  	s29 =	simm.s32 $0xB000;
	v4 =	vadd.s32 v2, v4  }
0x2b0: {  	[tilespmem:s29], [sflag:$0x4] =	stream.indirect_vreg.gather [hbm4b:s2+s6], $0x80, v5, vm0, $0xb8;
	[tilespmem:$0x18900] =	vst v63  }
0x2b1: {  	s9 =	simm.s32 $0xB800  }
0x2b2: {  	[tilespmem:s9], [sflag:$0x4] =	stream.indirect_vreg.gather [hbm4b:s23+s6], $0x80, v5, vm0, $0xb8;
	[tilespmem:$0x18900] =	vst v63  }
0x2b3: {  	s13 =	simm.s32 $0xC000  }
0x2b4: {  	[tilespmem:s13], [sflag:$0x4] =	stream.indirect_vreg.gather [hbm4b:s2+s6], $0x80, v4, vm0, $0xb8;
	[tilespmem:$0x18900] =	vst v63  }
0x2b5: {  	s15 =	simm.s32 $0xC800  }
0x2b6: {  	[tilespmem:s15], [sflag:$0x4] =	stream.indirect_vreg.gather [hbm4b:s23+s6], $0x80, v4, vm0, $0xb8;
	[tilespmem:$0x18900] =	vst v63  }
0x2b7: {  	v4 =	vld [tilespmem:$0x110A0];
	_ =	sdelay $0x4  }
0x2b8: {  	v5 =	vshll.u32 v4, $0x2  }
0x2b9: {  	v4 =	vand.u32 $0x7, v4;
	v5 =	vand.u32 $0xFFFFFFE0, v5  }
0x2ba: {  	v4 =	vor.u32 v4, v5  }
0x2bb: {  	v5 =	vperm.xlane v4, v1;
	_ =	sdelay $0x1  }
0x2bc: {  	v5 =	vadd.s32 v2, v5;
	_ =	sdelay $0x1  }
0x2bd: {  	v4 =	vperm.xlane v4, v3;
	_ =	sdelay $0x1  }
0x2be: {  	s17 =	simm.s32 $0xD000;
	v4 =	vadd.s32 v2, v4  }
0x2bf: {  	[tilespmem:s17], [sflag:$0x4] =	stream.indirect_vreg.gather [hbm4b:s2+s6], $0x80, v5, vm0, $0xb8;
	[tilespmem:$0x18900] =	vst v63  }
0x2c0: {  	s18 =	simm.s32 $0xD800  }
0x2c1: {  	[tilespmem:s18], [sflag:$0x4] =	stream.indirect_vreg.gather [hbm4b:s23+s6], $0x80, v5, vm0, $0xb8;
	[tilespmem:$0x18900] =	vst v63  }
0x2c2: {  	s19 =	simm.s32 $0xE000  }
0x2c3: {  	[tilespmem:s19], [sflag:$0x4] =	stream.indirect_vreg.gather [hbm4b:s2+s6], $0x80, v4, vm0, $0xb8;
	[tilespmem:$0x18900] =	vst v63  }
0x2c4: {  	s24 =	simm.s32 $0xE800  }
0x2c5: {  	[tilespmem:s24], [sflag:$0x4] =	stream.indirect_vreg.gather [hbm4b:s23+s6], $0x80, v4, vm0, $0xb8;
	[tilespmem:$0x18900] =	vst v63  }
0x2c6: {  	v4 =	vld [tilespmem:$0x110B0];
	_ =	sdelay $0x4  }
0x2c7: {  	v5 =	vshll.u32 v4, $0x2  }
0x2c8: {  	v4 =	vand.u32 $0x7, v4;
	v5 =	vand.u32 $0xFFFFFFE0, v5  }
0x2c9: {  	v4 =	vor.u32 v4, v5  }
0x2ca: {  	v5 =	vperm.xlane v4, v1;
	_ =	sdelay $0x1  }
0x2cb: {  	v5 =	vadd.s32 v2, v5;
	_ =	sdelay $0x1  }
0x2cc: {  	v4 =	vperm.xlane v4, v3;
	_ =	sdelay $0x1  }
0x2cd: {  	s25 =	simm.s32 $0xF000;
	v4 =	vadd.s32 v2, v4  }
0x2ce: {  	[tilespmem:s25], [sflag:$0x4] =	stream.indirect_vreg.gather [hbm4b:s2+s6], $0x80, v5, vm0, $0xb8;
	[tilespmem:$0x18900] =	vst v63  }
0x2cf: {  	s26 =	simm.s32 $0xF800  }
0x2d0: {  	[tilespmem:s26], [sflag:$0x4] =	stream.indirect_vreg.gather [hbm4b:s23+s6], $0x80, v5, vm0, $0xb8;
	[tilespmem:$0x18900] =	vst v63  }
0x2d1: {  	s28 =	simm.s32 $0x10000  }
0x2d2: {  	[tilespmem:s28], [sflag:$0x4] =	stream.indirect_vreg.gather [hbm4b:s2+s6], $0x80, v4, vm0, $0xb8;
	[tilespmem:$0x18900] =	vst v63  }
0x2d3: {  	s29 =	simm.s32 $0x10800  }
0x2d4: {  	[tilespmem:s29], [sflag:$0x4] =	stream.indirect_vreg.gather [hbm4b:s23+s6], $0x80, v4, vm0, $0xb8;
	[tilespmem:$0x18900] =	vst v63  }
0x2d5: {  	_ =	swait.ge [sflag:s22], $0x8000  }
0x2d6: {  	[sflag:s22] =	ssyncset.done $0x0  }
0x2d7: {  	s5 =	sadd.s32 s5, s11;
	[sflag:s22] =	ssyncadd.s32 $0xFFFF8000  }
0x2d8: {  	[hbm4b:s5+s6] =	stream.linear.scatter [tilespmem:s7], [sflag:$0x7], $0x8000, $0x38;
	[tilespmem:$0x18900] =	vst v63  }
0x2d9: {  	_ =	swait.ge [sflag:s21], $0x8000  }
.Ltmp8:
0x2da: {  	[sflag:s21] =	ssyncset.done $0x0;
	(pc) =	sbr.rel .LBB2_9-.Ltmp8, $4  }
0x2db: {  	[sflag:s21] =	ssyncadd.s32 $0xFFFF8000  }
0x2dc: {  	_ =	swait.ge [sflag:s0], $0x8000  }
0x2dd: {  	[sflag:s0] =	ssyncset.done $0x0  }
0x2de: {  	[sflag:s0] =	ssyncadd.s32 $0xFFFF8000  }
.LBB2_8:
0x2df: {  	p2 =	slt.u32 s20, $0x14;
	s9 =	simm.s32 $0x1FFFF  }
0x2e0: {  	p3 =	slt.u32 s20, $0x8;
	s9 =	simm.s32 @!p2 $0x1FFEF  }
0x2e1: {  	s9 =	simm.s32 @p3 $0x0  }
0x2e2: {  	s22 =	sshll.u32 s5, $0x10;
	s9 =	sadd.s32 s5, s9  }
0x2e3: {  	s18 =	sshll.u32 s19, $0x6;
	s24 =	rddreg [dreg:$0x4];
	s9 =	sshll.u32 s9, $0xF  }
0x2e4: {  	s0 =	stileid.u32;
	s26 =	rddreg [dreg:$0x3];
	s9 =	sshra.s32 s9, $0x2  }
0x2e5: {  	s25 =	sshll.u32 s0, $0x6;
	s5 =	sor.u32 s22, s18;
	s9 =	sadd.s32 s9, s24  }
0x2e6: {  	s18 =	sor.u32 $0x1C01, s25;
	s19 =	sadd.s32 s26, s5;
	s9 =	sshrl.u32 s9, $0x3  }
0x2e7: {  	[hbm:s19], [sflag:s18] =	dma.local [spmem:s9], $0x400  }
0x2e8: {  	s5 =	sand.u32 $0x1FFFC000, s5;
	s19 =	rddreg [dreg:$0x11]  }
0x2e9: {  	s19 =	sadd.s32 s5, s19  }
0x2ea: {  	[hbm:s19], [sflag:s18] =	dma.local [spmem:s9], $0x400  }
0x2eb: {  	s19 =	rddreg [dreg:$0x12]  }
0x2ec: {  	s19 =	sadd.s32 s5, s19  }
0x2ed: {  	[hbm:s19], [sflag:s18] =	dma.local [spmem:s9], $0x400  }
0x2ee: {  	s19 =	rddreg [dreg:$0x16]  }
0x2ef: {  	s19 =	sadd.s32 s5, s19  }
0x2f0: {  	[hbm:s19], [sflag:s18] =	dma.local [spmem:s9], $0x400  }
0x2f1: {  	s19 =	rddreg [dreg:$0x17]  }
0x2f2: {  	s19 =	sadd.s32 s5, s19  }
0x2f3: {  	[hbm:s19], [sflag:s18] =	dma.local [spmem:s9], $0x400  }
0x2f4: {  	s19 =	rddreg [dreg:$0x18]  }
0x2f5: {  	s19 =	sadd.s32 s5, s19  }
0x2f6: {  	[hbm:s19], [sflag:s18] =	dma.local [spmem:s9], $0x400  }
0x2f7: {  	s19 =	rddreg [dreg:$0x19]  }
0x2f8: {  	s19 =	sadd.s32 s5, s19  }
0x2f9: {  	[hbm:s19], [sflag:s18] =	dma.local [spmem:s9], $0x400  }
0x2fa: {  	s19 =	rddreg [dreg:$0x1a]  }
0x2fb: {  	s28 =	sadd.s32 s5, s10;
	s19 =	sadd.s32 s5, s19  }
0x2fc: {  	[hbm:s19], [sflag:s18] =	dma.local [spmem:s9], $0x400  }
0x2fd: {  	[hbm:s28], [sflag:s18] =	dma.local [spmem:s9], $0x400  }
0x2fe: {  	s19 =	rddreg [dreg:$0x1b]  }
0x2ff: {  	s19 =	sadd.s32 s5, s19  }
0x300: {  	[hbm:s19], [sflag:s18] =	dma.local [spmem:s9], $0x400  }
0x301: {  	s19 =	rddreg [dreg:$0x1c]  }
0x302: {  	s19 =	sadd.s32 s5, s19  }
0x303: {  	[hbm:s19], [sflag:s18] =	dma.local [spmem:s9], $0x400  }
0x304: {  	s19 =	rddreg [dreg:$0x1d]  }
0x305: {  	s29 =	sadd.s32 s5, s11;
	s19 =	sadd.s32 s5, s19  }
0x306: {  	[hbm:s19], [sflag:s18] =	dma.local [spmem:s9], $0x400  }
0x307: {  	[hbm:s29], [sflag:s18] =	dma.local [spmem:s9], $0x400  }
0x308: {  	s19 =	rddreg [dreg:$0x1e]  }
0x309: {  	s19 =	sadd.s32 s5, s19  }
0x30a: {  	[hbm:s19], [sflag:s18] =	dma.local [spmem:s9], $0x400  }
0x30b: {  	s19 =	rddreg [dreg:$0x1f]  }
0x30c: {  	s19 =	sadd.s32 s5, s19  }
0x30d: {  	[hbm:s19], [sflag:s18] =	dma.local [spmem:s9], $0x400  }
.Ltmp9:
0x30e: {  	s19 =	sld [smem:$0x7F8];
	(pc) =	sbr.rel .LBB2_9-.Ltmp9, $3  }
0x30f: {  	_ =	sdelay $0x1  }
0x310: {  	s12 =	sadd.s32 $0x10, s12;
	s5 =	sadd.s32 s5, s19  }
0x311: {  	[hbm:s5], [sflag:s18] =	dma.local [spmem:s9], $0x400  }
.LBB2_10:
0x312: {  	p2 =	sgt.s32 s12, $0x0  }
.Ltmp10:
0x313: {  	_ = 	snop;
	(pc) =	sbr.rel @!p2 .LBB2_11-.Ltmp10, $1  }
0x314: {  	_ =	sdelay $0x3  }
0x315: {  	p2 =	seq.s32 s12, $0x1  }
.Ltmp11:
0x316: {  	_ = 	snop;
	(pc) =	sbr.rel @p2 .LBB2_19-.Ltmp11, $3  }
0x317: {  	_ =	sdelay $0x1  }
0x318: {  	_ =	swait.ge [sflag:s4], $0x400  }
0x319: {  	s5 =	sadd.s32 $0xFFFFFFFF, s12;
	[sflag:s4] =	ssyncset.done $0x0  }
.LBB2_18:
0x31a: {  	p2 =	seq.s32 s5, $0x1;
	s5 =	sadd.s32 $0xFFFFFFFF, s5;
	[sflag:s4] =	ssyncadd.s32 $0xFFFFFC00  }
.Ltmp12:
0x31b: {  	(pc) =	sbr.rel @!p2 .LBB2_18-.Ltmp12, $3  }
0x31c: {  	_ =	sdelay $0x1  }
0x31d: {  	_ =	swait.ge [sflag:s4], $0x400  }
0x31e: {  	[sflag:s4] =	ssyncset.done $0x0  }
.LBB2_19:
0x31f: {  	[sflag:s4] =	ssyncadd.s32 $0xFFFFFC00  }
.LBB2_11:
0x320: {  	p2 =	sgt.s32 s14, $0x0  }
.Ltmp13:
0x321: {  	_ = 	snop;
	(pc) =	sbr.rel @!p2 .LBB2_15-.Ltmp13, $1  }
0x322: {  	_ =	sdelay $0x3  }
0x323: {  	p2 =	sne.s32 s14, $0x1  }
.Ltmp14:
0x324: {  	_ = 	snop;
	(pc) =	sbr.rel @!p2 .LBB2_14-.Ltmp14, $3  }
0x325: {  	_ =	sdelay $0x1  }
0x326: {  	_ =	swait.ge [sflag:s1], $0x4000  }
0x327: {  	s5 =	sadd.s32 $0xFFFFFFFF, s14;
	[sflag:s1] =	ssyncset.done $0x0  }
.LBB2_13:
0x328: {  	p2 =	sne.s32 s5, $0x1;
	s5 =	sadd.s32 $0xFFFFFFFF, s5;
	[sflag:s1] =	ssyncadd.s32 $0xFFFFC000  }
.Ltmp15:
0x329: {  	(pc) =	sbr.rel @p2 .LBB2_13-.Ltmp15, $3  }
0x32a: {  	_ =	sdelay $0x1  }
0x32b: {  	_ =	swait.ge [sflag:s1], $0x4000  }
0x32c: {  	[sflag:s1] =	ssyncset.done $0x0  }
.Ltmp16:
0x32d: {  	_ = 	snop;
	(pc) =	sbr.rel .LBB2_14-.Ltmp16, $1  }
0x32e: {  	_ =	sdelay $0x3  }
.LBB2_16:
0x32f: {  	_ =	sfence.sel $0x180000  }
0x330: {  	[bflag:$0x0] =	sbarrier.arrive $0xFFFF  }
0x331: {  	_ =	strace $0x90000047  }
0x332: {  	s0 =	stileid.u32;
	[bflag:$0x2] =	sbarrier.arrive $0xFFFF  }
0x333: {  	p0 =	sne.s32 s0, $0x0;
	s0 =	rddreg [dreg:$0x5]  }
0x334: {  	s0 =	sadd.s32 @!p0 $0x100000, s0  }
0x335: {  	[sflag:s0] =	ssyncadd.tile.s32 @!p0 $0x1;
	_ =	shalt  }
.Lfunc_end2:
_tile_overlayer_lowered:
.L_overlay_start_2:
0x336: {  	(tag) =	ssettag $0x2  }
0x337: {  	s0 =	rddreg [dreg:$0x0];
	s2 =	stileid.u32  }
0x338: {  	s1 =	rddreg [dreg:$0x1];
	p0 =	sne.s32 s2, $0x0  }
0x339: {  	s3 =	rddreg [dreg:$0x2];
	[bflag:$0x3] =	sbarrier.arrive $0xFFFF;
	s2 =	simm.s32 @!p0 $0x1C08  }
0x33a: {  	[timem:s3], [sflag:s2] =	dma.local @!p0 [hbm:s0], s1  }
0x33b: {  	s0 =	simm.s32 @!p0 $0x8  }
0x33c: {  	_ =	swait.ge @!p0 [sflag:s0], s1  }
0x33d: {  	s1 =	ssub.s32 @!p0 $0x0, s1;
	[sflag:s0] =	ssyncset.done @!p0 $0x0  }
0x33e: {  	[sflag:s0] =	ssyncadd.s32 @!p0 s1  }
0x33f: {  	[bflag:$0x3] =	sbarrier.arrive $0xFFFF  }
0x340: {  	_ =	shalt  }

</sc_bundles>
